<compile_context>
chip_gen: v7x
topology: tpu7x:2x2x1
jax: 0.10.2.dev20260603
libtpu: 0.0.44.dev20260713+nightly
codegen_flags: <defaults>
</compile_context>

<pallas_src>
import functools

import jax
import jax.numpy as jnp
from jax import lax
from jax.experimental import pallas as pl
from jax.experimental.pallas import tpu as pltpu
from jax.experimental.pallas import tpu_sc as plsc

N_ROWS = 100000
D = 128
N_SEG = 256
LANES = 16
CHUNK = 160
N_CHUNKS = N_ROWS // CHUNK
N_CORES = 2
N_SUBCORES = 16
N_WORKERS = N_CORES * N_SUBCORES
MAX_CHUNKS_PER_W = -(-N_CHUNKS // N_WORKERS)
IDX_ROWS = CHUNK // LANES


def _sc_partial_sums(node_features, batch2d):
    mesh = plsc.VectorSubcoreMesh(core_axis_name="c", subcore_axis_name="s")

    @functools.partial(
        pl.kernel,
        out_type=jax.ShapeDtypeStruct((N_CORES, N_SEG, D), jnp.float32),
        mesh=mesh,
        scratch_types=[
            pltpu.VMEM((CHUNK, D), jnp.float32),
            pltpu.VMEM((CHUNK, D), jnp.float32),
            pltpu.VMEM((CHUNK,), jnp.int32),
            pltpu.VMEM((CHUNK,), jnp.int32),
            pltpu.VMEM((N_SEG, D), jnp.float32),
            pltpu.VMEM_SHARED((N_SEG, D), jnp.float32),
            pltpu.VMEM((N_SEG // 2,), jnp.int32),
            pltpu.VMEM((N_SEG // 2,), jnp.int32),
            pltpu.SemaphoreType.DMA,
            pltpu.SemaphoreType.DMA,
            pltpu.SemaphoreType.DMA,
            pltpu.SemaphoreType.DMA,
        ],
    )
    def body(
        x_hbm, b_hbm, out_hbm, xb0, xb1, ib0, ib1, acc, shared, idx_lo,
        idx_hi, sx0, si0, sx1, si1,
    ):
        cid = lax.axis_index("c")
        sid = lax.axis_index("s")
        wid = sid * N_CORES + cid
        xbuf = (xb0, xb1)
        ibuf = (ib0, ib1)
        semx = (sx0, sx1)
        semi = (si0, si1)

        def copies(j, slot):
            chunk_id = j * N_WORKERS + wid
            base = chunk_id * CHUNK
            xc = pltpu.make_async_copy(
                x_hbm.at[pl.ds(base, CHUNK)], xbuf[slot], semx[slot]
            )
            ic = pltpu.make_async_copy(
                b_hbm.at[pl.ds(base, CHUNK)], ibuf[slot], semi[slot]
            )
            return chunk_id, xc, ic

        def start(j, slot):
            chunk_id, xc, ic = copies(j, slot)

            @pl.when(chunk_id < N_CHUNKS)
            def _():
                xc.start()
                ic.start()

        start(0, 0)

        zero = jnp.zeros((LANES,), jnp.float32)

        def zero_row(r, carry):
            for k in range(D // LANES):
                acc[r, pl.ds(k * LANES, LANES)] = zero
            return carry

        lax.fori_loop(0, N_SEG, zero_row, 0)

        iota16 = jnp.arange(LANES, dtype=jnp.int32)

        def fill_idx(b, carry):
            idx_lo[pl.ds(b * LANES, LANES)] = iota16 + b * LANES
            idx_hi[pl.ds(b * LANES, LANES)] = iota16 + (b * LANES + N_SEG // 2)
            return carry

        lax.fori_loop(0, N_SEG // 2 // LANES, fill_idx, 0)

        @pl.when(sid == 0)
        def _():
            pltpu.sync_copy(acc, shared)

        plsc.subcore_barrier()

        def wait_and_compute(j, slot):
            chunk_id, xc, ic = copies(j, slot)

            @pl.when(chunk_id < N_CHUNKS)
            def _():
                xc.wait()
                ic.wait()

                def do_group(g, c2):
                    segs = ibuf[slot][pl.ds(g * LANES, LANES)]
                    s0 = segs[0]
                    row0 = g * LANES

                    def fast():
                        nblk = 4
                        for k in range(0, D // LANES, nblk):
                            sls = [
                                pl.ds((k + b) * LANES, LANES)
                                for b in range(nblk)
                            ]
                            vals = [[] for _ in range(nblk)]
                            for l in range(0, LANES, 2):
                                for b in range(nblk):
                                    x0 = xbuf[slot][row0 + l, sls[b]]
                                    x1 = xbuf[slot][row0 + l + 1, sls[b]]
                                    vals[b].append(x0 + x1)
                            while len(vals[0]) > 1:
                                vals = [
                                    [
                                        v[i] + v[i + 1]
                                        for i in range(0, len(v), 2)
                                    ]
                                    for v in vals
                                ]
                            for b in range(nblk):
                                plsc.addupdate(acc.at[s0, sls[b]], vals[b][0])

                    def slow():
                        for l in range(LANES):
                            s = segs[l]
                            row = [
                                xbuf[slot][row0 + l, pl.ds(k * LANES, LANES)]
                                for k in range(D // LANES)
                            ]
                            for k in range(D // LANES):
                                plsc.addupdate(
                                    acc.at[s, pl.ds(k * LANES, LANES)], row[k]
                                )

                    lax.cond(s0 == segs[LANES - 1], fast, slow)
                    return c2

                lax.fori_loop(0, CHUNK // LANES, do_group, 0)

        def pair(j2, carry):
            j0 = 2 * j2
            start(j0 + 1, 1)
            wait_and_compute(j0, 0)
            start(j0 + 2, 0)
            wait_and_compute(j0 + 1, 1)
            return carry

        lax.fori_loop(0, MAX_CHUNKS_PER_W // 2, pair, 0)

        half = N_SEG // 2
        pltpu.sync_copy(acc.at[pl.ds(0, half)], shared.at[idx_lo], add=True)
        pltpu.sync_copy(acc.at[pl.ds(half, half)], shared.at[idx_hi], add=True)
        plsc.subcore_barrier()

        rows_per_tile = N_SEG // N_SUBCORES
        r0 = sid * rows_per_tile
        pltpu.sync_copy(
            shared.at[pl.ds(r0, rows_per_tile)],
            out_hbm.at[cid, pl.ds(r0, rows_per_tile)],
        )

    return body(node_features, batch2d)


def _combine_body(p_ref, o_ref):
    o_ref[...] = jnp.sum(p_ref[...], axis=0)


def _combine(partials):
    return pl.pallas_call(
        _combine_body,
        out_shape=jax.ShapeDtypeStruct((N_SEG, D), jnp.float32),
    )(partials)


def kernel(node_features, batch):
    partials = _sc_partial_sums(node_features, batch.astype(jnp.int32))
    return _combine(partials)

# --- scband reference (transcript-rebuilt; emitter-appended) ---
"""Pipeline reference for scband-atomwise-reduce-15307263443064 (READ-ONLY COPY).

The authoritative reference and input builder live on the scoring server;
editing this copy changes nothing except your own understanding.
"""

import jax, jax.numpy as jnp
import numpy as np

NUM_SEGMENTS = 256

def setup_inputs(seed: int = 0) -> dict:
    key = jax.random.key(seed)
    k1, k2 = jax.random.split(key)
    node_features = jax.random.normal(k1, (100000, 128), dtype=jnp.float32)
    batch = jnp.sort(jax.random.randint(k2, (100000,), 0, NUM_SEGMENTS, dtype=jnp.int64))
    return {"node_features": node_features, "batch": batch}

def reference(node_features, batch):
    # AtomwiseReduce with reduce='sum': scatter-sum node features by batch index
    # data[out_field] = scatter(data[field], data[BATCH_KEY], dim=0, reduce='sum')
    out = jax.ops.segment_sum(node_features, batch, num_segments=NUM_SEGMENTS)
    return out

if __name__ == "__main__":
    import jax
    _d = setup_inputs()
    print(jax.jit(kernel)(*tuple(_d.values())))

</pallas_src>

<mosaic_0001>
#map = affine_map<(d0, d1) -> (0, 0)>
#map1 = affine_map<(d0, d1) -> (0)>
#map2 = affine_map<(d0, d1) -> (0, 0, 0)>
module attributes {stable_mosaic.version = 14 : i64} {
  func.func @body(%arg0: i32, %arg1: i32, %arg2: memref<100000x128xf32, #tpu.memory_space<hbm>>, %arg3: memref<100000xi32, #tpu.memory_space<hbm>>, %arg4: memref<2x256x128xf32, #tpu.memory_space<hbm>>, %arg5: memref<160x128xf32, #tpu.memory_space<vmem>>, %arg6: memref<160x128xf32, #tpu.memory_space<vmem>>, %arg7: memref<160xi32, #tpu.memory_space<vmem>>, %arg8: memref<160xi32, #tpu.memory_space<vmem>>, %arg9: memref<256x128xf32, #tpu.memory_space<vmem>>, %arg10: memref<256x128xf32, #tpu.memory_space<vmem_shared>>, %arg11: memref<128xi32, #tpu.memory_space<vmem>>, %arg12: memref<128xi32, #tpu.memory_space<vmem>>, %arg13: memref<!tpu.dma_semaphore, #tpu.memory_space<semaphore_mem>>, %arg14: memref<!tpu.dma_semaphore, #tpu.memory_space<semaphore_mem>>, %arg15: memref<!tpu.dma_semaphore, #tpu.memory_space<semaphore_mem>>, %arg16: memref<!tpu.dma_semaphore, #tpu.memory_space<semaphore_mem>>) attributes {dimension_semantics = [#tpu.dimension_semantics<core_parallel>, #tpu.dimension_semantics<subcore_parallel>], iteration_bounds = array<i64: 2, 16>, scalar_prefetch = 0 : i64, scratch_operands = 12 : i64, tpu.core_type = #tpu.core_type<sc_vector_subcore>, window_params = [{transform_indices = #map}, {transform_indices = #map1}, {transform_indices = #map2}]} {
    %mul3A = arith.constant 2 : i32
    %mul3A_0 = arith.muli %arg1, %mul3A : i32
    %add3A = arith.addi %mul3A_0, %arg0 : i32
    %add3A_1 = arith.constant 0 : i32
    %add3A_2 = arith.addi %add3A_1, %add3A : i32
    %mul3A_3 = arith.constant 160 : i32
    %mul3A_4 = arith.muli %add3A_2, %mul3A_3 : i32
    %lt3A = arith.constant 625 : i32
    %lt3A_5 = arith.cmpi slt, %add3A_2, %lt3A : i32
    %convert_element_type3A = arith.extui %lt3A_5 : i1 to i32
    %cond3A = arith.constant 0 : i32
    %cond3A_6 = arith.cmpi ne, %convert_element_type3A, %cond3A : i32
    scf.if %cond3A_6 {
      %dma_start3A = arith.constant 0 : i32
      %dma_start3A_32 = tpu.memref_slice %arg2[%mul3A_4, %dma_start3A] : memref<100000x128xf32, #tpu.memory_space<hbm>> -> memref<160x128xf32, #tpu.memory_space<hbm>>
      %dma_start3A_33 = arith.constant 0 : i32
      %dma_start3A_34 = tpu.memref_slice %arg2[%mul3A_4, %dma_start3A_33] : memref<100000x128xf32, #tpu.memory_space<hbm>> -> memref<160x128xf32, #tpu.memory_space<hbm>>
      tpu.enqueue_dma source(%dma_start3A_34 : memref<160x128xf32, #tpu.memory_space<hbm>>) target(%arg5 : memref<160x128xf32, #tpu.memory_space<vmem>>) target_semaphore(%arg13 : memref<!tpu.dma_semaphore, #tpu.memory_space<semaphore_mem>>)
      %dma_start3A_35 = tpu.memref_slice %arg3[%mul3A_4] : memref<100000xi32, #tpu.memory_space<hbm>> -> memref<160xi32, #tpu.memory_space<hbm>>
      %dma_start3A_36 = tpu.memref_slice %arg3[%mul3A_4] : memref<100000xi32, #tpu.memory_space<hbm>> -> memref<160xi32, #tpu.memory_space<hbm>>
      tpu.enqueue_dma source(%dma_start3A_36 : memref<160xi32, #tpu.memory_space<hbm>>) target(%arg7 : memref<160xi32, #tpu.memory_space<vmem>>) target_semaphore(%arg14 : memref<!tpu.dma_semaphore, #tpu.memory_space<semaphore_mem>>)
    } else {
    }
    %broadcast_in_dim3A = arith.constant 0.000000e+00 : f32
    %broadcast_in_dim3A_7 = vector.broadcast %broadcast_in_dim3A : f32 to vector<16xf32>
    %scan3A = arith.constant 0 : i32
    %scan3A_8 = arith.constant 0 : i32
    %scan3A_9 = arith.constant 256 : i32
    %scan3A_10 = arith.addi %scan3A_8, %scan3A_9 : i32
    %scan3A_11 = arith.constant 1 : i32
    scf.for %scan3A_32 = %scan3A_8 to %scan3A_10 step %scan3A_11  : i32 {
      %swap3A = arith.index_cast %scan3A_32 : i32 to index
      %swap3A_33 = arith.constant 0 : index
      %swap3A_34 = tpu.vector_load %arg9[%swap3A, %swap3A_33] {strides = array<i32>} : memref<256x128xf32, #tpu.memory_space<vmem>>, vector<1x16xf32>,
      %swap3A_35 = vector.shape_cast %swap3A_34 : vector<1x16xf32> to vector<16xf32>
      %swap3A_36 = vector.shape_cast %broadcast_in_dim3A_7 : vector<16xf32> to vector<1x16xf32>
      tpu.vector_store %arg9[%swap3A, %swap3A_33], %swap3A_36 {strides = array<i32>} : memref<256x128xf32, #tpu.memory_space<vmem>>, vector<1x16xf32>,
      %swap3A_37 = arith.index_cast %scan3A_32 : i32 to index
      %swap3A_38 = arith.constant 16 : index
      %swap3A_39 = tpu.vector_load %arg9[%swap3A_37, %swap3A_38] {strides = array<i32>} : memref<256x128xf32, #tpu.memory_space<vmem>>, vector<1x16xf32>,
      %swap3A_40 = vector.shape_cast %swap3A_39 : vector<1x16xf32> to vector<16xf32>
      %swap3A_41 = vector.shape_cast %broadcast_in_dim3A_7 : vector<16xf32> to vector<1x16xf32>
      tpu.vector_store %arg9[%swap3A_37, %swap3A_38], %swap3A_41 {strides = array<i32>} : memref<256x128xf32, #tpu.memory_space<vmem>>, vector<1x16xf32>,
      %swap3A_42 = arith.index_cast %scan3A_32 : i32 to index
      %swap3A_43 = arith.constant 32 : index
      %swap3A_44 = tpu.vector_load %arg9[%swap3A_42, %swap3A_43] {strides = array<i32>} : memref<256x128xf32, #tpu.memory_space<vmem>>, vector<1x16xf32>,
      %swap3A_45 = vector.shape_cast %swap3A_44 : vector<1x16xf32> to vector<16xf32>
      %swap3A_46 = vector.shape_cast %broadcast_in_dim3A_7 : vector<16xf32> to vector<1x16xf32>
      tpu.vector_store %arg9[%swap3A_42, %swap3A_43], %swap3A_46 {strides = array<i32>} : memref<256x128xf32, #tpu.memory_space<vmem>>, vector<1x16xf32>,
      %swap3A_47 = arith.index_cast %scan3A_32 : i32 to index
      %swap3A_48 = arith.constant 48 : index
      %swap3A_49 = tpu.vector_load %arg9[%swap3A_47, %swap3A_48] {strides = array<i32>} : memref<256x128xf32, #tpu.memory_space<vmem>>, vector<1x16xf32>,
      %swap3A_50 = vector.shape_cast %swap3A_49 : vector<1x16xf32> to vector<16xf32>
      %swap3A_51 = vector.shape_cast %broadcast_in_dim3A_7 : vector<16xf32> to vector<1x16xf32>
      tpu.vector_store %arg9[%swap3A_47, %swap3A_48], %swap3A_51 {strides = array<i32>} : memref<256x128xf32, #tpu.memory_space<vmem>>, vector<1x16xf32>,
      %swap3A_52 = arith.index_cast %scan3A_32 : i32 to index
      %swap3A_53 = arith.constant 64 : index
      %swap3A_54 = tpu.vector_load %arg9[%swap3A_52, %swap3A_53] {strides = array<i32>} : memref<256x128xf32, #tpu.memory_space<vmem>>, vector<1x16xf32>,
      %swap3A_55 = vector.shape_cast %swap3A_54 : vector<1x16xf32> to vector<16xf32>
      %swap3A_56 = vector.shape_cast %broadcast_in_dim3A_7 : vector<16xf32> to vector<1x16xf32>
      tpu.vector_store %arg9[%swap3A_52, %swap3A_53], %swap3A_56 {strides = array<i32>} : memref<256x128xf32, #tpu.memory_space<vmem>>, vector<1x16xf32>,
      %swap3A_57 = arith.index_cast %scan3A_32 : i32 to index
      %swap3A_58 = arith.constant 80 : index
      %swap3A_59 = tpu.vector_load %arg9[%swap3A_57, %swap3A_58] {strides = array<i32>} : memref<256x128xf32, #tpu.memory_space<vmem>>, vector<1x16xf32>,
      %swap3A_60 = vector.shape_cast %swap3A_59 : vector<1x16xf32> to vector<16xf32>
      %swap3A_61 = vector.shape_cast %broadcast_in_dim3A_7 : vector<16xf32> to vector<1x16xf32>
      tpu.vector_store %arg9[%swap3A_57, %swap3A_58], %swap3A_61 {strides = array<i32>} : memref<256x128xf32, #tpu.memory_space<vmem>>, vector<1x16xf32>,
      %swap3A_62 = arith.index_cast %scan3A_32 : i32 to index
      %swap3A_63 = arith.constant 96 : index
      %swap3A_64 = tpu.vector_load %arg9[%swap3A_62, %swap3A_63] {strides = array<i32>} : memref<256x128xf32, #tpu.memory_space<vmem>>, vector<1x16xf32>,
      %swap3A_65 = vector.shape_cast %swap3A_64 : vector<1x16xf32> to vector<16xf32>
      %swap3A_66 = vector.shape_cast %broadcast_in_dim3A_7 : vector<16xf32> to vector<1x16xf32>
      tpu.vector_store %arg9[%swap3A_62, %swap3A_63], %swap3A_66 {strides = array<i32>} : memref<256x128xf32, #tpu.memory_space<vmem>>, vector<1x16xf32>,
      %swap3A_67 = arith.index_cast %scan3A_32 : i32 to index
      %swap3A_68 = arith.constant 112 : index
      %swap3A_69 = tpu.vector_load %arg9[%swap3A_67, %swap3A_68] {strides = array<i32>} : memref<256x128xf32, #tpu.memory_space<vmem>>, vector<1x16xf32>,
      %swap3A_70 = vector.shape_cast %swap3A_69 : vector<1x16xf32> to vector<16xf32>
      %swap3A_71 = vector.shape_cast %broadcast_in_dim3A_7 : vector<16xf32> to vector<1x16xf32>
      tpu.vector_store %arg9[%swap3A_67, %swap3A_68], %swap3A_71 {strides = array<i32>} : memref<256x128xf32, #tpu.memory_space<vmem>>, vector<1x16xf32>,
    }
    %scan3A_12 = arith.constant 256 : i32
    %iota3A = tpu.iota {dimensions = array<i32: 0>} : vector<16xi32>
    %scan3A_13 = arith.constant 0 : i32
    %scan3A_14 = arith.constant 0 : i32
    %scan3A_15 = arith.constant 8 : i32
    %scan3A_16 = arith.addi %scan3A_14, %scan3A_15 : i32
    %scan3A_17 = arith.constant 1 : i32
    scf.for %scan3A_32 = %scan3A_14 to %scan3A_16 step %scan3A_17  : i32 {
      %mul3A_33 = arith.constant 16 : i32
      %mul3A_34 = arith.muli %scan3A_32, %mul3A_33 : i32
      %add3A_35 = vector.broadcast %mul3A_34 : i32 to vector<16xi32>
      %add3A_36 = arith.addi %iota3A, %add3A_35 : vector<16xi32>
      %mul3A_37 = arith.constant 16 : i32
      %mul3A_38 = arith.muli %scan3A_32, %mul3A_37 : i32
      %swap3A = arith.index_cast %mul3A_38 : i32 to index
      %swap3A_39 = tpu.vector_load %arg11[%swap3A] {strides = array<i32>} : memref<128xi32, #tpu.memory_space<vmem>>, vector<16xi32>,
      %swap3A_40 = vector.shape_cast %swap3A_39 : vector<16xi32> to vector<16xi32>
      %swap3A_41 = vector.shape_cast %add3A_36 : vector<16xi32> to vector<16xi32>
      tpu.vector_store %arg11[%swap3A], %swap3A_41 {strides = array<i32>} : memref<128xi32, #tpu.memory_space<vmem>>, vector<16xi32>,
      %mul3A_42 = arith.constant 16 : i32
      %mul3A_43 = arith.muli %scan3A_32, %mul3A_42 : i32
      %add3A_44 = arith.constant 128 : i32
      %add3A_45 = arith.addi %mul3A_43, %add3A_44 : i32
      %add3A_46 = vector.broadcast %add3A_45 : i32 to vector<16xi32>
      %add3A_47 = arith.addi %iota3A, %add3A_46 : vector<16xi32>
      %mul3A_48 = arith.constant 16 : i32
      %mul3A_49 = arith.muli %scan3A_32, %mul3A_48 : i32
      %swap3A_50 = arith.index_cast %mul3A_49 : i32 to index
      %swap3A_51 = tpu.vector_load %arg12[%swap3A_50] {strides = array<i32>} : memref<128xi32, #tpu.memory_space<vmem>>, vector<16xi32>,
      %swap3A_52 = vector.shape_cast %swap3A_51 : vector<16xi32> to vector<16xi32>
      %swap3A_53 = vector.shape_cast %add3A_47 : vector<16xi32> to vector<16xi32>
      tpu.vector_store %arg12[%swap3A_50], %swap3A_53 {strides = array<i32>} : memref<128xi32, #tpu.memory_space<vmem>>, vector<16xi32>,
    }
    %scan3A_18 = arith.constant 8 : i32
    %eq3A = arith.constant 0 : i32
    %eq3A_19 = arith.cmpi eq, %arg1, %eq3A : i32
    %convert_element_type3A_20 = arith.extui %eq3A_19 : i1 to i32
    %cond3A_21 = arith.constant 0 : i32
    %cond3A_22 = arith.cmpi ne, %convert_element_type3A_20, %cond3A_21 : i32
    scf.if %cond3A_22 {
      "tpu.region"() ({
        %run_scoped3A = tpu.sem_alloc : memref<!tpu.dma_semaphore, #tpu.memory_space<semaphore_mem>>
        tpu.enqueue_dma source(%arg9 : memref<256x128xf32, #tpu.memory_space<vmem>>) target(%arg10 : memref<256x128xf32, #tpu.memory_space<vmem_shared>>) target_semaphore(%run_scoped3A : memref<!tpu.dma_semaphore, #tpu.memory_space<semaphore_mem>>)
        tpu.wait_dma2 semaphore(%run_scoped3A : memref<!tpu.dma_semaphore, #tpu.memory_space<semaphore_mem>>) src(%arg9 : memref<256x128xf32, #tpu.memory_space<vmem>>) dst(%arg10 : memref<256x128xf32, #tpu.memory_space<vmem_shared>>)
        tpu.yield
      }) : () -> ()
    } else {
    }
    %barrier3A = arith.constant 0 : index
    tpu.barrier barrier_id(%barrier3A)
    %scan3A_23 = arith.constant 0 : i32
    %scan3A_24 = arith.constant 0 : i32
    %scan3A_25 = arith.constant 10 : i32
    %scan3A_26 = arith.addi %scan3A_24, %scan3A_25 : i32
    %scan3A_27 = arith.constant 1 : i32
    scf.for %scan3A_32 = %scan3A_24 to %scan3A_26 step %scan3A_27  : i32 {
      %mul3A_33 = arith.constant 2 : i32
      %mul3A_34 = arith.muli %mul3A_33, %scan3A_32 : i32
      %add3A_35 = arith.constant 1 : i32
      %add3A_36 = arith.addi %mul3A_34, %add3A_35 : i32
      %mul3A_37 = arith.constant 32 : i32
      %mul3A_38 = arith.muli %add3A_36, %mul3A_37 : i32
      %add3A_39 = arith.addi %mul3A_38, %add3A : i32
      %mul3A_40 = arith.constant 160 : i32
      %mul3A_41 = arith.muli %add3A_39, %mul3A_40 : i32
      %lt3A_42 = arith.constant 625 : i32
      %lt3A_43 = arith.cmpi slt, %add3A_39, %lt3A_42 : i32
      %convert_element_type3A_44 = arith.extui %lt3A_43 : i1 to i32
      %cond3A_45 = arith.constant 0 : i32
      %cond3A_46 = arith.cmpi ne, %convert_element_type3A_44, %cond3A_45 : i32
      scf.if %cond3A_46 {
        %dma_start3A = arith.constant 0 : i32
        %dma_start3A_81 = tpu.memref_slice %arg2[%mul3A_41, %dma_start3A] : memref<100000x128xf32, #tpu.memory_space<hbm>> -> memref<160x128xf32, #tpu.memory_space<hbm>>
        %dma_start3A_82 = arith.constant 0 : i32
        %dma_start3A_83 = tpu.memref_slice %arg2[%mul3A_41, %dma_start3A_82] : memref<100000x128xf32, #tpu.memory_space<hbm>> -> memref<160x128xf32, #tpu.memory_space<hbm>>
        tpu.enqueue_dma source(%dma_start3A_83 : memref<160x128xf32, #tpu.memory_space<hbm>>) target(%arg6 : memref<160x128xf32, #tpu.memory_space<vmem>>) target_semaphore(%arg15 : memref<!tpu.dma_semaphore, #tpu.memory_space<semaphore_mem>>)
        %dma_start3A_84 = tpu.memref_slice %arg3[%mul3A_41] : memref<100000xi32, #tpu.memory_space<hbm>> -> memref<160xi32, #tpu.memory_space<hbm>>
        %dma_start3A_85 = tpu.memref_slice %arg3[%mul3A_41] : memref<100000xi32, #tpu.memory_space<hbm>> -> memref<160xi32, #tpu.memory_space<hbm>>
        tpu.enqueue_dma source(%dma_start3A_85 : memref<160xi32, #tpu.memory_space<hbm>>) target(%arg8 : memref<160xi32, #tpu.memory_space<vmem>>) target_semaphore(%arg16 : memref<!tpu.dma_semaphore, #tpu.memory_space<semaphore_mem>>)
      } else {
      }
      %mul3A_47 = arith.constant 32 : i32
      %mul3A_48 = arith.muli %mul3A_34, %mul3A_47 : i32
      %add3A_49 = arith.addi %mul3A_48, %add3A : i32
      %mul3A_50 = arith.constant 160 : i32
      %mul3A_51 = arith.muli %add3A_49, %mul3A_50 : i32
      %lt3A_52 = arith.constant 625 : i32
      %lt3A_53 = arith.cmpi slt, %add3A_49, %lt3A_52 : i32
      %convert_element_type3A_54 = arith.extui %lt3A_53 : i1 to i32
      %cond3A_55 = arith.constant 0 : i32
      %cond3A_56 = arith.cmpi ne, %convert_element_type3A_54, %cond3A_55 : i32
      scf.if %cond3A_56 {
        %dma_wait3A = arith.constant 0 : i32
        %dma_wait3A_81 = tpu.memref_slice %arg2[%mul3A_51, %dma_wait3A] : memref<100000x128xf32, #tpu.memory_space<hbm>> -> memref<160x128xf32, #tpu.memory_space<hbm>>
        %dma_wait3A_82 = arith.constant 0 : i32
        %dma_wait3A_83 = tpu.memref_slice %arg2[%mul3A_51, %dma_wait3A_82] : memref<100000x128xf32, #tpu.memory_space<hbm>> -> memref<160x128xf32, #tpu.memory_space<hbm>>
        tpu.wait_dma2 semaphore(%arg13 : memref<!tpu.dma_semaphore, #tpu.memory_space<semaphore_mem>>) src(%dma_wait3A_83 : memref<160x128xf32, #tpu.memory_space<hbm>>) dst(%arg5 : memref<160x128xf32, #tpu.memory_space<vmem>>)
        %dma_wait3A_84 = tpu.memref_slice %arg3[%mul3A_51] : memref<100000xi32, #tpu.memory_space<hbm>> -> memref<160xi32, #tpu.memory_space<hbm>>
        %dma_wait3A_85 = tpu.memref_slice %arg3[%mul3A_51] : memref<100000xi32, #tpu.memory_space<hbm>> -> memref<160xi32, #tpu.memory_space<hbm>>
        tpu.wait_dma2 semaphore(%arg14 : memref<!tpu.dma_semaphore, #tpu.memory_space<semaphore_mem>>) src(%dma_wait3A_85 : memref<160xi32, #tpu.memory_space<hbm>>) dst(%arg7 : memref<160xi32, #tpu.memory_space<vmem>>)
        %scan3A_86 = arith.constant 0 : i32
        %scan3A_87 = arith.constant 0 : i32
        %scan3A_88 = arith.constant 10 : i32
        %scan3A_89 = arith.addi %scan3A_87, %scan3A_88 : i32
        %scan3A_90 = arith.constant 1 : i32
        scf.for %scan3A_92 = %scan3A_87 to %scan3A_89 step %scan3A_90  : i32 {
          %mul3A_93 = arith.constant 16 : i32
          %mul3A_94 = arith.muli %scan3A_92, %mul3A_93 : i32
          %get3A = arith.index_cast %mul3A_94 : i32 to index
          %get3A_95 = tpu.vector_load %arg7[%get3A] {strides = array<i32>} : memref<160xi32, #tpu.memory_space<vmem>>, vector<16xi32>,
          %get3A_96 = vector.shape_cast %get3A_95 : vector<16xi32> to vector<16xi32>
          %slice3A = vector.extract_strided_slice %get3A_96 {offsets = [0], sizes = [1], strides = [1]} : vector<16xi32> to vector<1xi32>
          %squeeze3A = vector.extract %slice3A[0] : i32 from vector<1xi32>
          %mul3A_97 = arith.constant 16 : i32
          %mul3A_98 = arith.muli %scan3A_92, %mul3A_97 : i32
          %slice3A_99 = vector.extract_strided_slice %get3A_96 {offsets = [15], sizes = [1], strides = [1]} : vector<16xi32> to vector<1xi32>
          %squeeze3A_100 = vector.extract %slice3A_99[0] : i32 from vector<1xi32>
          %eq3A_101 = arith.cmpi eq, %squeeze3A, %squeeze3A_100 : i32
          %convert_element_type3A_102 = arith.extui %eq3A_101 : i1 to i32
          %cond3A_103 = arith.constant 0 : i32
          %cond3A_104 = arith.cmpi ne, %convert_element_type3A_102, %cond3A_103 : i32
          scf.if %cond3A_104 {
            %add3A_105 = arith.constant 0 : i32
            %add3A_106 = arith.addi %mul3A_98, %add3A_105 : i32
            %get3A_107 = arith.index_cast %add3A_106 : i32 to index
            %get3A_108 = arith.constant 0 : index
            %get3A_109 = tpu.vector_load %arg5[%get3A_107, %get3A_108] {strides = array<i32>} : memref<160x128xf32, #tpu.memory_space<vmem>>, vector<1x16xf32>,
            %get3A_110 = vector.shape_cast %get3A_109 : vector<1x16xf32> to vector<16xf32>
            %add3A_111 = arith.constant 0 : i32
            %add3A_112 = arith.addi %mul3A_98, %add3A_111 : i32
            %add3A_113 = arith.constant 1 : i32
            %add3A_114 = arith.addi %add3A_112, %add3A_113 : i32
            %get3A_115 = arith.index_cast %add3A_114 : i32 to index
            %get3A_116 = arith.constant 0 : index
            %get3A_117 = tpu.vector_load %arg5[%get3A_115, %get3A_116] {strides = array<i32>} : memref<160x128xf32, #tpu.memory_space<vmem>>, vector<1x16xf32>,
            %get3A_118 = vector.shape_cast %get3A_117 : vector<1x16xf32> to vector<16xf32>
            %add3A_119 = arith.addf %get3A_110, %get3A_118 : vector<16xf32>
            %add3A_120 = arith.constant 0 : i32
            %add3A_121 = arith.addi %mul3A_98, %add3A_120 : i32
            %get3A_122 = arith.index_cast %add3A_121 : i32 to index
            %get3A_123 = arith.constant 16 : index
            %get3A_124 = tpu.vector_load %arg5[%get3A_122, %get3A_123] {strides = array<i32>} : memref<160x128xf32, #tpu.memory_space<vmem>>, vector<1x16xf32>,
            %get3A_125 = vector.shape_cast %get3A_124 : vector<1x16xf32> to vector<16xf32>
            %add3A_126 = arith.constant 0 : i32
            %add3A_127 = arith.addi %mul3A_98, %add3A_126 : i32
            %add3A_128 = arith.constant 1 : i32
            %add3A_129 = arith.addi %add3A_127, %add3A_128 : i32
            %get3A_130 = arith.index_cast %add3A_129 : i32 to index
            %get3A_131 = arith.constant 16 : index
            %get3A_132 = tpu.vector_load %arg5[%get3A_130, %get3A_131] {strides = array<i32>} : memref<160x128xf32, #tpu.memory_space<vmem>>, vector<1x16xf32>,
            %get3A_133 = vector.shape_cast %get3A_132 : vector<1x16xf32> to vector<16xf32>
            %add3A_134 = arith.addf %get3A_125, %get3A_133 : vector<16xf32>
            %add3A_135 = arith.constant 0 : i32
            %add3A_136 = arith.addi %mul3A_98, %add3A_135 : i32
            %get3A_137 = arith.index_cast %add3A_136 : i32 to index
            %get3A_138 = arith.constant 32 : index
            %get3A_139 = tpu.vector_load %arg5[%get3A_137, %get3A_138] {strides = array<i32>} : memref<160x128xf32, #tpu.memory_space<vmem>>, vector<1x16xf32>,
            %get3A_140 = vector.shape_cast %get3A_139 : vector<1x16xf32> to vector<16xf32>
            %add3A_141 = arith.constant 0 : i32
            %add3A_142 = arith.addi %mul3A_98, %add3A_141 : i32
            %add3A_143 = arith.constant 1 : i32
            %add3A_144 = arith.addi %add3A_142, %add3A_143 : i32
            %get3A_145 = arith.index_cast %add3A_144 : i32 to index
            %get3A_146 = arith.constant 32 : index
            %get3A_147 = tpu.vector_load %arg5[%get3A_145, %get3A_146] {strides = array<i32>} : memref<160x128xf32, #tpu.memory_space<vmem>>, vector<1x16xf32>,
            %get3A_148 = vector.shape_cast %get3A_147 : vector<1x16xf32> to vector<16xf32>
            %add3A_149 = arith.addf %get3A_140, %get3A_148 : vector<16xf32>
            %add3A_150 = arith.constant 0 : i32
            %add3A_151 = arith.addi %mul3A_98, %add3A_150 : i32
            %get3A_152 = arith.index_cast %add3A_151 : i32 to index
            %get3A_153 = arith.constant 48 : index
            %get3A_154 = tpu.vector_load %arg5[%get3A_152, %get3A_153] {strides = array<i32>} : memref<160x128xf32, #tpu.memory_space<vmem>>, vector<1x16xf32>,
            %get3A_155 = vector.shape_cast %get3A_154 : vector<1x16xf32> to vector<16xf32>
            %add3A_156 = arith.constant 0 : i32
            %add3A_157 = arith.addi %mul3A_98, %add3A_156 : i32
            %add3A_158 = arith.constant 1 : i32
            %add3A_159 = arith.addi %add3A_157, %add3A_158 : i32
            %get3A_160 = arith.index_cast %add3A_159 : i32 to index
            %get3A_161 = arith.constant 48 : index
            %get3A_162 = tpu.vector_load %arg5[%get3A_160, %get3A_161] {strides = array<i32>} : memref<160x128xf32, #tpu.memory_space<vmem>>, vector<1x16xf32>,
            %get3A_163 = vector.shape_cast %get3A_162 : vector<1x16xf32> to vector<16xf32>
            %add3A_164 = arith.addf %get3A_155, %get3A_163 : vector<16xf32>
            %add3A_165 = arith.constant 2 : i32
            %add3A_166 = arith.addi %mul3A_98, %add3A_165 : i32
            %get3A_167 = arith.index_cast %add3A_166 : i32 to index
            %get3A_168 = arith.constant 0 : index
            %get3A_169 = tpu.vector_load %arg5[%get3A_167, %get3A_168] {strides = array<i32>} : memref<160x128xf32, #tpu.memory_space<vmem>>, vector<1x16xf32>,
            %get3A_170 = vector.shape_cast %get3A_169 : vector<1x16xf32> to vector<16xf32>
            %add3A_171 = arith.constant 2 : i32
            %add3A_172 = arith.addi %mul3A_98, %add3A_171 : i32
            %add3A_173 = arith.constant 1 : i32
            %add3A_174 = arith.addi %add3A_172, %add3A_173 : i32
            %get3A_175 = arith.index_cast %add3A_174 : i32 to index
            %get3A_176 = arith.constant 0 : index
            %get3A_177 = tpu.vector_load %arg5[%get3A_175, %get3A_176] {strides = array<i32>} : memref<160x128xf32, #tpu.memory_space<vmem>>, vector<1x16xf32>,
            %get3A_178 = vector.shape_cast %get3A_177 : vector<1x16xf32> to vector<16xf32>
            %add3A_179 = arith.addf %get3A_170, %get3A_178 : vector<16xf32>
            %add3A_180 = arith.constant 2 : i32
            %add3A_181 = arith.addi %mul3A_98, %add3A_180 : i32
            %get3A_182 = arith.index_cast %add3A_181 : i32 to index
            %get3A_183 = arith.constant 16 : index
            %get3A_184 = tpu.vector_load %arg5[%get3A_182, %get3A_183] {strides = array<i32>} : memref<160x128xf32, #tpu.memory_space<vmem>>, vector<1x16xf32>,
            %get3A_185 = vector.shape_cast %get3A_184 : vector<1x16xf32> to vector<16xf32>
            %add3A_186 = arith.constant 2 : i32
            %add3A_187 = arith.addi %mul3A_98, %add3A_186 : i32
            %add3A_188 = arith.constant 1 : i32
            %add3A_189 = arith.addi %add3A_187, %add3A_188 : i32
            %get3A_190 = arith.index_cast %add3A_189 : i32 to index
            %get3A_191 = arith.constant 16 : index
            %get3A_192 = tpu.vector_load %arg5[%get3A_190, %get3A_191] {strides = array<i32>} : memref<160x128xf32, #tpu.memory_space<vmem>>, vector<1x16xf32>,
            %get3A_193 = vector.shape_cast %get3A_192 : vector<1x16xf32> to vector<16xf32>
            %add3A_194 = arith.addf %get3A_185, %get3A_193 : vector<16xf32>
            %add3A_195 = arith.constant 2 : i32
            %add3A_196 = arith.addi %mul3A_98, %add3A_195 : i32
            %get3A_197 = arith.index_cast %add3A_196 : i32 to index
            %get3A_198 = arith.constant 32 : index
            %get3A_199 = tpu.vector_load %arg5[%get3A_197, %get3A_198] {strides = array<i32>} : memref<160x128xf32, #tpu.memory_space<vmem>>, vector<1x16xf32>,
            %get3A_200 = vector.shape_cast %get3A_199 : vector<1x16xf32> to vector<16xf32>
            %add3A_201 = arith.constant 2 : i32
            %add3A_202 = arith.addi %mul3A_98, %add3A_201 : i32
            %add3A_203 = arith.constant 1 : i32
            %add3A_204 = arith.addi %add3A_202, %add3A_203 : i32
            %get3A_205 = arith.index_cast %add3A_204 : i32 to index
            %get3A_206 = arith.constant 32 : index
            %get3A_207 = tpu.vector_load %arg5[%get3A_205, %get3A_206] {strides = array<i32>} : memref<160x128xf32, #tpu.memory_space<vmem>>, vector<1x16xf32>,
            %get3A_208 = vector.shape_cast %get3A_207 : vector<1x16xf32> to vector<16xf32>
            %add3A_209 = arith.addf %get3A_200, %get3A_208 : vector<16xf32>
            %add3A_210 = arith.constant 2 : i32
            %add3A_211 = arith.addi %mul3A_98, %add3A_210 : i32
            %get3A_212 = arith.index_cast %add3A_211 : i32 to index
            %get3A_213 = arith.constant 48 : index
            %get3A_214 = tpu.vector_load %arg5[%get3A_212, %get3A_213] {strides = array<i32>} : memref<160x128xf32, #tpu.memory_space<vmem>>, vector<1x16xf32>,
            %get3A_215 = vector.shape_cast %get3A_214 : vector<1x16xf32> to vector<16xf32>
            %add3A_216 = arith.constant 2 : i32
            %add3A_217 = arith.addi %mul3A_98, %add3A_216 : i32
            %add3A_218 = arith.constant 1 : i32
            %add3A_219 = arith.addi %add3A_217, %add3A_218 : i32
            %get3A_220 = arith.index_cast %add3A_219 : i32 to index
            %get3A_221 = arith.constant 48 : index
            %get3A_222 = tpu.vector_load %arg5[%get3A_220, %get3A_221] {strides = array<i32>} : memref<160x128xf32, #tpu.memory_space<vmem>>, vector<1x16xf32>,
            %get3A_223 = vector.shape_cast %get3A_222 : vector<1x16xf32> to vector<16xf32>
            %add3A_224 = arith.addf %get3A_215, %get3A_223 : vector<16xf32>
            %add3A_225 = arith.constant 4 : i32
            %add3A_226 = arith.addi %mul3A_98, %add3A_225 : i32
            %get3A_227 = arith.index_cast %add3A_226 : i32 to index
            %get3A_228 = arith.constant 0 : index
            %get3A_229 = tpu.vector_load %arg5[%get3A_227, %get3A_228] {strides = array<i32>} : memref<160x128xf32, #tpu.memory_space<vmem>>, vector<1x16xf32>,
            %get3A_230 = vector.shape_cast %get3A_229 : vector<1x16xf32> to vector<16xf32>
            %add3A_231 = arith.constant 4 : i32
            %add3A_232 = arith.addi %mul3A_98, %add3A_231 : i32
            %add3A_233 = arith.constant 1 : i32
            %add3A_234 = arith.addi %add3A_232, %add3A_233 : i32
            %get3A_235 = arith.index_cast %add3A_234 : i32 to index
            %get3A_236 = arith.constant 0 : index
            %get3A_237 = tpu.vector_load %arg5[%get3A_235, %get3A_236] {strides = array<i32>} : memref<160x128xf32, #tpu.memory_space<vmem>>, vector<1x16xf32>,
            %get3A_238 = vector.shape_cast %get3A_237 : vector<1x16xf32> to vector<16xf32>
            %add3A_239 = arith.addf %get3A_230, %get3A_238 : vector<16xf32>
            %add3A_240 = arith.constant 4 : i32
            %add3A_241 = arith.addi %mul3A_98, %add3A_240 : i32
            %get3A_242 = arith.index_cast %add3A_241 : i32 to index
            %get3A_243 = arith.constant 16 : index
            %get3A_244 = tpu.vector_load %arg5[%get3A_242, %get3A_243] {strides = array<i32>} : memref<160x128xf32, #tpu.memory_space<vmem>>, vector<1x16xf32>,
            %get3A_245 = vector.shape_cast %get3A_244 : vector<1x16xf32> to vector<16xf32>
            %add3A_246 = arith.constant 4 : i32
            %add3A_247 = arith.addi %mul3A_98, %add3A_246 : i32
            %add3A_248 = arith.constant 1 : i32
            %add3A_249 = arith.addi %add3A_247, %add3A_248 : i32
            %get3A_250 = arith.index_cast %add3A_249 : i32 to index
            %get3A_251 = arith.constant 16 : index
            %get3A_252 = tpu.vector_load %arg5[%get3A_250, %get3A_251] {strides = array<i32>} : memref<160x128xf32, #tpu.memory_space<vmem>>, vector<1x16xf32>,
            %get3A_253 = vector.shape_cast %get3A_252 : vector<1x16xf32> to vector<16xf32>
            %add3A_254 = arith.addf %get3A_245, %get3A_253 : vector<16xf32>
            %add3A_255 = arith.constant 4 : i32
            %add3A_256 = arith.addi %mul3A_98, %add3A_255 : i32
            %get3A_257 = arith.index_cast %add3A_256 : i32 to index
            %get3A_258 = arith.constant 32 : index
            %get3A_259 = tpu.vector_load %arg5[%get3A_257, %get3A_258] {strides = array<i32>} : memref<160x128xf32, #tpu.memory_space<vmem>>, vector<1x16xf32>,
            %get3A_260 = vector.shape_cast %get3A_259 : vector<1x16xf32> to vector<16xf32>
            %add3A_261 = arith.constant 4 : i32
            %add3A_262 = arith.addi %mul3A_98, %add3A_261 : i32
            %add3A_263 = arith.constant 1 : i32
            %add3A_264 = arith.addi %add3A_262, %add3A_263 : i32
            %get3A_265 = arith.index_cast %add3A_264 : i32 to index
            %get3A_266 = arith.constant 32 : index
            %get3A_267 = tpu.vector_load %arg5[%get3A_265, %get3A_266] {strides = array<i32>} : memref<160x128xf32, #tpu.memory_space<vmem>>, vector<1x16xf32>,
            %get3A_268 = vector.shape_cast %get3A_267 : vector<1x16xf32> to vector<16xf32>
            %add3A_269 = arith.addf %get3A_260, %get3A_268 : vector<16xf32>
            %add3A_270 = arith.constant 4 : i32
            %add3A_271 = arith.addi %mul3A_98, %add3A_270 : i32
            %get3A_272 = arith.index_cast %add3A_271 : i32 to index
            %get3A_273 = arith.constant 48 : index
            %get3A_274 = tpu.vector_load %arg5[%get3A_272, %get3A_273] {strides = array<i32>} : memref<160x128xf32, #tpu.memory_space<vmem>>, vector<1x16xf32>,
            %get3A_275 = vector.shape_cast %get3A_274 : vector<1x16xf32> to vector<16xf32>
            %add3A_276 = arith.constant 4 : i32
            %add3A_277 = arith.addi %mul3A_98, %add3A_276 : i32
            %add3A_278 = arith.constant 1 : i32
            %add3A_279 = arith.addi %add3A_277, %add3A_278 : i32
            %get3A_280 = arith.index_cast %add3A_279 : i32 to index
            %get3A_281 = arith.constant 48 : index
            %get3A_282 = tpu.vector_load %arg5[%get3A_280, %get3A_281] {strides = array<i32>} : memref<160x128xf32, #tpu.memory_space<vmem>>, vector<1x16xf32>,
            %get3A_283 = vector.shape_cast %get3A_282 : vector<1x16xf32> to vector<16xf32>
            %add3A_284 = arith.addf %get3A_275, %get3A_283 : vector<16xf32>
            %add3A_285 = arith.constant 6 : i32
            %add3A_286 = arith.addi %mul3A_98, %add3A_285 : i32
            %get3A_287 = arith.index_cast %add3A_286 : i32 to index
            %get3A_288 = arith.constant 0 : index
            %get3A_289 = tpu.vector_load %arg5[%get3A_287, %get3A_288] {strides = array<i32>} : memref<160x128xf32, #tpu.memory_space<vmem>>, vector<1x16xf32>,
            %get3A_290 = vector.shape_cast %get3A_289 : vector<1x16xf32> to vector<16xf32>
            %add3A_291 = arith.constant 6 : i32
            %add3A_292 = arith.addi %mul3A_98, %add3A_291 : i32
            %add3A_293 = arith.constant 1 : i32
            %add3A_294 = arith.addi %add3A_292, %add3A_293 : i32
            %get3A_295 = arith.index_cast %add3A_294 : i32 to index
            %get3A_296 = arith.constant 0 : index
            %get3A_297 = tpu.vector_load %arg5[%get3A_295, %get3A_296] {strides = array<i32>} : memref<160x128xf32, #tpu.memory_space<vmem>>, vector<1x16xf32>,
            %get3A_298 = vector.shape_cast %get3A_297 : vector<1x16xf32> to vector<16xf32>
            %add3A_299 = arith.addf %get3A_290, %get3A_298 : vector<16xf32>
            %add3A_300 = arith.constant 6 : i32
            %add3A_301 = arith.addi %mul3A_98, %add3A_300 : i32
            %get3A_302 = arith.index_cast %add3A_301 : i32 to index
            %get3A_303 = arith.constant 16 : index
            %get3A_304 = tpu.vector_load %arg5[%get3A_302, %get3A_303] {strides = array<i32>} : memref<160x128xf32, #tpu.memory_space<vmem>>, vector<1x16xf32>,
            %get3A_305 = vector.shape_cast %get3A_304 : vector<1x16xf32> to vector<16xf32>
            %add3A_306 = arith.constant 6 : i32
            %add3A_307 = arith.addi %mul3A_98, %add3A_306 : i32
            %add3A_308 = arith.constant 1 : i32
            %add3A_309 = arith.addi %add3A_307, %add3A_308 : i32
            %get3A_310 = arith.index_cast %add3A_309 : i32 to index
            %get3A_311 = arith.constant 16 : index
            %get3A_312 = tpu.vector_load %arg5[%get3A_310, %get3A_311] {strides = array<i32>} : memref<160x128xf32, #tpu.memory_space<vmem>>, vector<1x16xf32>,
            %get3A_313 = vector.shape_cast %get3A_312 : vector<1x16xf32> to vector<16xf32>
            %add3A_314 = arith.addf %get3A_305, %get3A_313 : vector<16xf32>
            %add3A_315 = arith.constant 6 : i32
            %add3A_316 = arith.addi %mul3A_98, %add3A_315 : i32
            %get3A_317 = arith.index_cast %add3A_316 : i32 to index
            %get3A_318 = arith.constant 32 : index
            %get3A_319 = tpu.vector_load %arg5[%get3A_317, %get3A_318] {strides = array<i32>} : memref<160x128xf32, #tpu.memory_space<vmem>>, vector<1x16xf32>,
            %get3A_320 = vector.shape_cast %get3A_319 : vector<1x16xf32> to vector<16xf32>
            %add3A_321 = arith.constant 6 : i32
            %add3A_322 = arith.addi %mul3A_98, %add3A_321 : i32
            %add3A_323 = arith.constant 1 : i32
            %add3A_324 = arith.addi %add3A_322, %add3A_323 : i32
            %get3A_325 = arith.index_cast %add3A_324 : i32 to index
            %get3A_326 = arith.constant 32 : index
            %get3A_327 = tpu.vector_load %arg5[%get3A_325, %get3A_326] {strides = array<i32>} : memref<160x128xf32, #tpu.memory_space<vmem>>, vector<1x16xf32>,
            %get3A_328 = vector.shape_cast %get3A_327 : vector<1x16xf32> to vector<16xf32>
            %add3A_329 = arith.addf %get3A_320, %get3A_328 : vector<16xf32>
            %add3A_330 = arith.constant 6 : i32
            %add3A_331 = arith.addi %mul3A_98, %add3A_330 : i32
            %get3A_332 = arith.index_cast %add3A_331 : i32 to index
            %get3A_333 = arith.constant 48 : index
            %get3A_334 = tpu.vector_load %arg5[%get3A_332, %get3A_333] {strides = array<i32>} : memref<160x128xf32, #tpu.memory_space<vmem>>, vector<1x16xf32>,
            %get3A_335 = vector.shape_cast %get3A_334 : vector<1x16xf32> to vector<16xf32>
            %add3A_336 = arith.constant 6 : i32
            %add3A_337 = arith.addi %mul3A_98, %add3A_336 : i32
            %add3A_338 = arith.constant 1 : i32
            %add3A_339 = arith.addi %add3A_337, %add3A_338 : i32
            %get3A_340 = arith.index_cast %add3A_339 : i32 to index
            %get3A_341 = arith.constant 48 : index
            %get3A_342 = tpu.vector_load %arg5[%get3A_340, %get3A_341] {strides = array<i32>} : memref<160x128xf32, #tpu.memory_space<vmem>>, vector<1x16xf32>,
            %get3A_343 = vector.shape_cast %get3A_342 : vector<1x16xf32> to vector<16xf32>
            %add3A_344 = arith.addf %get3A_335, %get3A_343 : vector<16xf32>
            %add3A_345 = arith.constant 8 : i32
            %add3A_346 = arith.addi %mul3A_98, %add3A_345 : i32
            %get3A_347 = arith.index_cast %add3A_346 : i32 to index
            %get3A_348 = arith.constant 0 : index
            %get3A_349 = tpu.vector_load %arg5[%get3A_347, %get3A_348] {strides = array<i32>} : memref<160x128xf32, #tpu.memory_space<vmem>>, vector<1x16xf32>,
            %get3A_350 = vector.shape_cast %get3A_349 : vector<1x16xf32> to vector<16xf32>
            %add3A_351 = arith.constant 8 : i32
            %add3A_352 = arith.addi %mul3A_98, %add3A_351 : i32
            %add3A_353 = arith.constant 1 : i32
            %add3A_354 = arith.addi %add3A_352, %add3A_353 : i32
            %get3A_355 = arith.index_cast %add3A_354 : i32 to index
            %get3A_356 = arith.constant 0 : index
            %get3A_357 = tpu.vector_load %arg5[%get3A_355, %get3A_356] {strides = array<i32>} : memref<160x128xf32, #tpu.memory_space<vmem>>, vector<1x16xf32>,
            %get3A_358 = vector.shape_cast %get3A_357 : vector<1x16xf32> to vector<16xf32>
            %add3A_359 = arith.addf %get3A_350, %get3A_358 : vector<16xf32>
            %add3A_360 = arith.constant 8 : i32
            %add3A_361 = arith.addi %mul3A_98, %add3A_360 : i32
            %get3A_362 = arith.index_cast %add3A_361 : i32 to index
            %get3A_363 = arith.constant 16 : index
            %get3A_364 = tpu.vector_load %arg5[%get3A_362, %get3A_363] {strides = array<i32>} : memref<160x128xf32, #tpu.memory_space<vmem>>, vector<1x16xf32>,
            %get3A_365 = vector.shape_cast %get3A_364 : vector<1x16xf32> to vector<16xf32>
            %add3A_366 = arith.constant 8 : i32
            %add3A_367 = arith.addi %mul3A_98, %add3A_366 : i32
            %add3A_368 = arith.constant 1 : i32
            %add3A_369 = arith.addi %add3A_367, %add3A_368 : i32
            %get3A_370 = arith.index_cast %add3A_369 : i32 to index
            %get3A_371 = arith.constant 16 : index
            %get3A_372 = tpu.vector_load %arg5[%get3A_370, %get3A_371] {strides = array<i32>} : memref<160x128xf32, #tpu.memory_space<vmem>>, vector<1x16xf32>,
            %get3A_373 = vector.shape_cast %get3A_372 : vector<1x16xf32> to vector<16xf32>
            %add3A_374 = arith.addf %get3A_365, %get3A_373 : vector<16xf32>
            %add3A_375 = arith.constant 8 : i32
            %add3A_376 = arith.addi %mul3A_98, %add3A_375 : i32
            %get3A_377 = arith.index_cast %add3A_376 : i32 to index
            %get3A_378 = arith.constant 32 : index
            %get3A_379 = tpu.vector_load %arg5[%get3A_377, %get3A_378] {strides = array<i32>} : memref<160x128xf32, #tpu.memory_space<vmem>>, vector<1x16xf32>,
            %get3A_380 = vector.shape_cast %get3A_379 : vector<1x16xf32> to vector<16xf32>
            %add3A_381 = arith.constant 8 : i32
            %add3A_382 = arith.addi %mul3A_98, %add3A_381 : i32
            %add3A_383 = arith.constant 1 : i32
            %add3A_384 = arith.addi %add3A_382, %add3A_383 : i32
            %get3A_385 = arith.index_cast %add3A_384 : i32 to index
            %get3A_386 = arith.constant 32 : index
            %get3A_387 = tpu.vector_load %arg5[%get3A_385, %get3A_386] {strides = array<i32>} : memref<160x128xf32, #tpu.memory_space<vmem>>, vector<1x16xf32>,
            %get3A_388 = vector.shape_cast %get3A_387 : vector<1x16xf32> to vector<16xf32>
            %add3A_389 = arith.addf %get3A_380, %get3A_388 : vector<16xf32>
            %add3A_390 = arith.constant 8 : i32
            %add3A_391 = arith.addi %mul3A_98, %add3A_390 : i32
            %get3A_392 = arith.index_cast %add3A_391 : i32 to index
            %get3A_393 = arith.constant 48 : index
            %get3A_394 = tpu.vector_load %arg5[%get3A_392, %get3A_393] {strides = array<i32>} : memref<160x128xf32, #tpu.memory_space<vmem>>, vector<1x16xf32>,
            %get3A_395 = vector.shape_cast %get3A_394 : vector<1x16xf32> to vector<16xf32>
            %add3A_396 = arith.constant 8 : i32
            %add3A_397 = arith.addi %mul3A_98, %add3A_396 : i32
            %add3A_398 = arith.constant 1 : i32
            %add3A_399 = arith.addi %add3A_397, %add3A_398 : i32
            %get3A_400 = arith.index_cast %add3A_399 : i32 to index
            %get3A_401 = arith.constant 48 : index
            %get3A_402 = tpu.vector_load %arg5[%get3A_400, %get3A_401] {strides = array<i32>} : memref<160x128xf32, #tpu.memory_space<vmem>>, vector<1x16xf32>,
            %get3A_403 = vector.shape_cast %get3A_402 : vector<1x16xf32> to vector<16xf32>
            %add3A_404 = arith.addf %get3A_395, %get3A_403 : vector<16xf32>
            %add3A_405 = arith.constant 10 : i32
            %add3A_406 = arith.addi %mul3A_98, %add3A_405 : i32
            %get3A_407 = arith.index_cast %add3A_406 : i32 to index
            %get3A_408 = arith.constant 0 : index
            %get3A_409 = tpu.vector_load %arg5[%get3A_407, %get3A_408] {strides = array<i32>} : memref<160x128xf32, #tpu.memory_space<vmem>>, vector<1x16xf32>,
            %get3A_410 = vector.shape_cast %get3A_409 : vector<1x16xf32> to vector<16xf32>
            %add3A_411 = arith.constant 10 : i32
            %add3A_412 = arith.addi %mul3A_98, %add3A_411 : i32
            %add3A_413 = arith.constant 1 : i32
            %add3A_414 = arith.addi %add3A_412, %add3A_413 : i32
            %get3A_415 = arith.index_cast %add3A_414 : i32 to index
            %get3A_416 = arith.constant 0 : index
            %get3A_417 = tpu.vector_load %arg5[%get3A_415, %get3A_416] {strides = array<i32>} : memref<160x128xf32, #tpu.memory_space<vmem>>, vector<1x16xf32>,
            %get3A_418 = vector.shape_cast %get3A_417 : vector<1x16xf32> to vector<16xf32>
            %add3A_419 = arith.addf %get3A_410, %get3A_418 : vector<16xf32>
            %add3A_420 = arith.constant 10 : i32
            %add3A_421 = arith.addi %mul3A_98, %add3A_420 : i32
            %get3A_422 = arith.index_cast %add3A_421 : i32 to index
            %get3A_423 = arith.constant 16 : index
            %get3A_424 = tpu.vector_load %arg5[%get3A_422, %get3A_423] {strides = array<i32>} : memref<160x128xf32, #tpu.memory_space<vmem>>, vector<1x16xf32>,
            %get3A_425 = vector.shape_cast %get3A_424 : vector<1x16xf32> to vector<16xf32>
            %add3A_426 = arith.constant 10 : i32
            %add3A_427 = arith.addi %mul3A_98, %add3A_426 : i32
            %add3A_428 = arith.constant 1 : i32
            %add3A_429 = arith.addi %add3A_427, %add3A_428 : i32
            %get3A_430 = arith.index_cast %add3A_429 : i32 to index
            %get3A_431 = arith.constant 16 : index
            %get3A_432 = tpu.vector_load %arg5[%get3A_430, %get3A_431] {strides = array<i32>} : memref<160x128xf32, #tpu.memory_space<vmem>>, vector<1x16xf32>,
            %get3A_433 = vector.shape_cast %get3A_432 : vector<1x16xf32> to vector<16xf32>
            %add3A_434 = arith.addf %get3A_425, %get3A_433 : vector<16xf32>
            %add3A_435 = arith.constant 10 : i32
            %add3A_436 = arith.addi %mul3A_98, %add3A_435 : i32
            %get3A_437 = arith.index_cast %add3A_436 : i32 to index
            %get3A_438 = arith.constant 32 : index
            %get3A_439 = tpu.vector_load %arg5[%get3A_437, %get3A_438] {strides = array<i32>} : memref<160x128xf32, #tpu.memory_space<vmem>>, vector<1x16xf32>,
            %get3A_440 = vector.shape_cast %get3A_439 : vector<1x16xf32> to vector<16xf32>
            %add3A_441 = arith.constant 10 : i32
            %add3A_442 = arith.addi %mul3A_98, %add3A_441 : i32
            %add3A_443 = arith.constant 1 : i32
            %add3A_444 = arith.addi %add3A_442, %add3A_443 : i32
            %get3A_445 = arith.index_cast %add3A_444 : i32 to index
            %get3A_446 = arith.constant 32 : index
            %get3A_447 = tpu.vector_load %arg5[%get3A_445, %get3A_446] {strides = array<i32>} : memref<160x128xf32, #tpu.memory_space<vmem>>, vector<1x16xf32>,
            %get3A_448 = vector.shape_cast %get3A_447 : vector<1x16xf32> to vector<16xf32>
            %add3A_449 = arith.addf %get3A_440, %get3A_448 : vector<16xf32>
            %add3A_450 = arith.constant 10 : i32
            %add3A_451 = arith.addi %mul3A_98, %add3A_450 : i32
            %get3A_452 = arith.index_cast %add3A_451 : i32 to index
            %get3A_453 = arith.constant 48 : index
            %get3A_454 = tpu.vector_load %arg5[%get3A_452, %get3A_453] {strides = array<i32>} : memref<160x128xf32, #tpu.memory_space<vmem>>, vector<1x16xf32>,
            %get3A_455 = vector.shape_cast %get3A_454 : vector<1x16xf32> to vector<16xf32>
            %add3A_456 = arith.constant 10 : i32
            %add3A_457 = arith.addi %mul3A_98, %add3A_456 : i32
            %add3A_458 = arith.constant 1 : i32
            %add3A_459 = arith.addi %add3A_457, %add3A_458 : i32
            %get3A_460 = arith.index_cast %add3A_459 : i32 to index
            %get3A_461 = arith.constant 48 : index
            %get3A_462 = tpu.vector_load %arg5[%get3A_460, %get3A_461] {strides = array<i32>} : memref<160x128xf32, #tpu.memory_space<vmem>>, vector<1x16xf32>,
            %get3A_463 = vector.shape_cast %get3A_462 : vector<1x16xf32> to vector<16xf32>
            %add3A_464 = arith.addf %get3A_455, %get3A_463 : vector<16xf32>
            %add3A_465 = arith.constant 12 : i32
            %add3A_466 = arith.addi %mul3A_98, %add3A_465 : i32
            %get3A_467 = arith.index_cast %add3A_466 : i32 to index
            %get3A_468 = arith.constant 0 : index
            %get3A_469 = tpu.vector_load %arg5[%get3A_467, %get3A_468] {strides = array<i32>} : memref<160x128xf32, #tpu.memory_space<vmem>>, vector<1x16xf32>,
            %get3A_470 = vector.shape_cast %get3A_469 : vector<1x16xf32> to vector<16xf32>
            %add3A_471 = arith.constant 12 : i32
            %add3A_472 = arith.addi %mul3A_98, %add3A_471 : i32
            %add3A_473 = arith.constant 1 : i32
            %add3A_474 = arith.addi %add3A_472, %add3A_473 : i32
            %get3A_475 = arith.index_cast %add3A_474 : i32 to index
            %get3A_476 = arith.constant 0 : index
            %get3A_477 = tpu.vector_load %arg5[%get3A_475, %get3A_476] {strides = array<i32>} : memref<160x128xf32, #tpu.memory_space<vmem>>, vector<1x16xf32>,
            %get3A_478 = vector.shape_cast %get3A_477 : vector<1x16xf32> to vector<16xf32>
            %add3A_479 = arith.addf %get3A_470, %get3A_478 : vector<16xf32>
            %add3A_480 = arith.constant 12 : i32
            %add3A_481 = arith.addi %mul3A_98, %add3A_480 : i32
            %get3A_482 = arith.index_cast %add3A_481 : i32 to index
            %get3A_483 = arith.constant 16 : index
            %get3A_484 = tpu.vector_load %arg5[%get3A_482, %get3A_483] {strides = array<i32>} : memref<160x128xf32, #tpu.memory_space<vmem>>, vector<1x16xf32>,
            %get3A_485 = vector.shape_cast %get3A_484 : vector<1x16xf32> to vector<16xf32>
            %add3A_486 = arith.constant 12 : i32
            %add3A_487 = arith.addi %mul3A_98, %add3A_486 : i32
            %add3A_488 = arith.constant 1 : i32
            %add3A_489 = arith.addi %add3A_487, %add3A_488 : i32
            %get3A_490 = arith.index_cast %add3A_489 : i32 to index
            %get3A_491 = arith.constant 16 : index
            %get3A_492 = tpu.vector_load %arg5[%get3A_490, %get3A_491] {strides = array<i32>} : memref<160x128xf32, #tpu.memory_space<vmem>>, vector<1x16xf32>,
            %get3A_493 = vector.shape_cast %get3A_492 : vector<1x16xf32> to vector<16xf32>
            %add3A_494 = arith.addf %get3A_485, %get3A_493 : vector<16xf32>
            %add3A_495 = arith.constant 12 : i32
            %add3A_496 = arith.addi %mul3A_98, %add3A_495 : i32
            %get3A_497 = arith.index_cast %add3A_496 : i32 to index
            %get3A_498 = arith.constant 32 : index
            %get3A_499 = tpu.vector_load %arg5[%get3A_497, %get3A_498] {strides = array<i32>} : memref<160x128xf32, #tpu.memory_space<vmem>>, vector<1x16xf32>,
            %get3A_500 = vector.shape_cast %get3A_499 : vector<1x16xf32> to vector<16xf32>
            %add3A_501 = arith.constant 12 : i32
            %add3A_502 = arith.addi %mul3A_98, %add3A_501 : i32
            %add3A_503 = arith.constant 1 : i32
            %add3A_504 = arith.addi %add3A_502, %add3A_503 : i32
            %get3A_505 = arith.index_cast %add3A_504 : i32 to index
            %get3A_506 = arith.constant 32 : index
            %get3A_507 = tpu.vector_load %arg5[%get3A_505, %get3A_506] {strides = array<i32>} : memref<160x128xf32, #tpu.memory_space<vmem>>, vector<1x16xf32>,
            %get3A_508 = vector.shape_cast %get3A_507 : vector<1x16xf32> to vector<16xf32>
            %add3A_509 = arith.addf %get3A_500, %get3A_508 : vector<16xf32>
            %add3A_510 = arith.constant 12 : i32
            %add3A_511 = arith.addi %mul3A_98, %add3A_510 : i32
            %get3A_512 = arith.index_cast %add3A_511 : i32 to index
            %get3A_513 = arith.constant 48 : index
            %get3A_514 = tpu.vector_load %arg5[%get3A_512, %get3A_513] {strides = array<i32>} : memref<160x128xf32, #tpu.memory_space<vmem>>, vector<1x16xf32>,
            %get3A_515 = vector.shape_cast %get3A_514 : vector<1x16xf32> to vector<16xf32>
            %add3A_516 = arith.constant 12 : i32
            %add3A_517 = arith.addi %mul3A_98, %add3A_516 : i32
            %add3A_518 = arith.constant 1 : i32
            %add3A_519 = arith.addi %add3A_517, %add3A_518 : i32
            %get3A_520 = arith.index_cast %add3A_519 : i32 to index
            %get3A_521 = arith.constant 48 : index
            %get3A_522 = tpu.vector_load %arg5[%get3A_520, %get3A_521] {strides = array<i32>} : memref<160x128xf32, #tpu.memory_space<vmem>>, vector<1x16xf32>,
            %get3A_523 = vector.shape_cast %get3A_522 : vector<1x16xf32> to vector<16xf32>
            %add3A_524 = arith.addf %get3A_515, %get3A_523 : vector<16xf32>
            %add3A_525 = arith.constant 14 : i32
            %add3A_526 = arith.addi %mul3A_98, %add3A_525 : i32
            %get3A_527 = arith.index_cast %add3A_526 : i32 to index
            %get3A_528 = arith.constant 0 : index
            %get3A_529 = tpu.vector_load %arg5[%get3A_527, %get3A_528] {strides = array<i32>} : memref<160x128xf32, #tpu.memory_space<vmem>>, vector<1x16xf32>,
            %get3A_530 = vector.shape_cast %get3A_529 : vector<1x16xf32> to vector<16xf32>
            %add3A_531 = arith.constant 14 : i32
            %add3A_532 = arith.addi %mul3A_98, %add3A_531 : i32
            %add3A_533 = arith.constant 1 : i32
            %add3A_534 = arith.addi %add3A_532, %add3A_533 : i32
            %get3A_535 = arith.index_cast %add3A_534 : i32 to index
            %get3A_536 = arith.constant 0 : index
            %get3A_537 = tpu.vector_load %arg5[%get3A_535, %get3A_536] {strides = array<i32>} : memref<160x128xf32, #tpu.memory_space<vmem>>, vector<1x16xf32>,
            %get3A_538 = vector.shape_cast %get3A_537 : vector<1x16xf32> to vector<16xf32>
            %add3A_539 = arith.addf %get3A_530, %get3A_538 : vector<16xf32>
            %add3A_540 = arith.constant 14 : i32
            %add3A_541 = arith.addi %mul3A_98, %add3A_540 : i32
            %get3A_542 = arith.index_cast %add3A_541 : i32 to index
            %get3A_543 = arith.constant 16 : index
            %get3A_544 = tpu.vector_load %arg5[%get3A_542, %get3A_543] {strides = array<i32>} : memref<160x128xf32, #tpu.memory_space<vmem>>, vector<1x16xf32>,
            %get3A_545 = vector.shape_cast %get3A_544 : vector<1x16xf32> to vector<16xf32>
            %add3A_546 = arith.constant 14 : i32
            %add3A_547 = arith.addi %mul3A_98, %add3A_546 : i32
            %add3A_548 = arith.constant 1 : i32
            %add3A_549 = arith.addi %add3A_547, %add3A_548 : i32
            %get3A_550 = arith.index_cast %add3A_549 : i32 to index
            %get3A_551 = arith.constant 16 : index
            %get3A_552 = tpu.vector_load %arg5[%get3A_550, %get3A_551] {strides = array<i32>} : memref<160x128xf32, #tpu.memory_space<vmem>>, vector<1x16xf32>,
            %get3A_553 = vector.shape_cast %get3A_552 : vector<1x16xf32> to vector<16xf32>
            %add3A_554 = arith.addf %get3A_545, %get3A_553 : vector<16xf32>
            %add3A_555 = arith.constant 14 : i32
            %add3A_556 = arith.addi %mul3A_98, %add3A_555 : i32
            %get3A_557 = arith.index_cast %add3A_556 : i32 to index
            %get3A_558 = arith.constant 32 : index
            %get3A_559 = tpu.vector_load %arg5[%get3A_557, %get3A_558] {strides = array<i32>} : memref<160x128xf32, #tpu.memory_space<vmem>>, vector<1x16xf32>,
            %get3A_560 = vector.shape_cast %get3A_559 : vector<1x16xf32> to vector<16xf32>
            %add3A_561 = arith.constant 14 : i32
            %add3A_562 = arith.addi %mul3A_98, %add3A_561 : i32
            %add3A_563 = arith.constant 1 : i32
            %add3A_564 = arith.addi %add3A_562, %add3A_563 : i32
            %get3A_565 = arith.index_cast %add3A_564 : i32 to index
            %get3A_566 = arith.constant 32 : index
            %get3A_567 = tpu.vector_load %arg5[%get3A_565, %get3A_566] {strides = array<i32>} : memref<160x128xf32, #tpu.memory_space<vmem>>, vector<1x16xf32>,
            %get3A_568 = vector.shape_cast %get3A_567 : vector<1x16xf32> to vector<16xf32>
            %add3A_569 = arith.addf %get3A_560, %get3A_568 : vector<16xf32>
            %add3A_570 = arith.constant 14 : i32
            %add3A_571 = arith.addi %mul3A_98, %add3A_570 : i32
            %get3A_572 = arith.index_cast %add3A_571 : i32 to index
            %get3A_573 = arith.constant 48 : index
            %get3A_574 = tpu.vector_load %arg5[%get3A_572, %get3A_573] {strides = array<i32>} : memref<160x128xf32, #tpu.memory_space<vmem>>, vector<1x16xf32>,
            %get3A_575 = vector.shape_cast %get3A_574 : vector<1x16xf32> to vector<16xf32>
            %add3A_576 = arith.constant 14 : i32
            %add3A_577 = arith.addi %mul3A_98, %add3A_576 : i32
            %add3A_578 = arith.constant 1 : i32
            %add3A_579 = arith.addi %add3A_577, %add3A_578 : i32
            %get3A_580 = arith.index_cast %add3A_579 : i32 to index
            %get3A_581 = arith.constant 48 : index
            %get3A_582 = tpu.vector_load %arg5[%get3A_580, %get3A_581] {strides = array<i32>} : memref<160x128xf32, #tpu.memory_space<vmem>>, vector<1x16xf32>,
            %get3A_583 = vector.shape_cast %get3A_582 : vector<1x16xf32> to vector<16xf32>
            %add3A_584 = arith.addf %get3A_575, %get3A_583 : vector<16xf32>
            %add3A_585 = arith.addf %add3A_119, %add3A_179 : vector<16xf32>
            %add3A_586 = arith.addf %add3A_239, %add3A_299 : vector<16xf32>
            %add3A_587 = arith.addf %add3A_359, %add3A_419 : vector<16xf32>
            %add3A_588 = arith.addf %add3A_479, %add3A_539 : vector<16xf32>
            %add3A_589 = arith.addf %add3A_134, %add3A_194 : vector<16xf32>
            %add3A_590 = arith.addf %add3A_254, %add3A_314 : vector<16xf32>
            %add3A_591 = arith.addf %add3A_374, %add3A_434 : vector<16xf32>
            %add3A_592 = arith.addf %add3A_494, %add3A_554 : vector<16xf32>
            %add3A_593 = arith.addf %add3A_149, %add3A_209 : vector<16xf32>
            %add3A_594 = arith.addf %add3A_269, %add3A_329 : vector<16xf32>
            %add3A_595 = arith.addf %add3A_389, %add3A_449 : vector<16xf32>
            %add3A_596 = arith.addf %add3A_509, %add3A_569 : vector<16xf32>
            %add3A_597 = arith.addf %add3A_164, %add3A_224 : vector<16xf32>
            %add3A_598 = arith.addf %add3A_284, %add3A_344 : vector<16xf32>
            %add3A_599 = arith.addf %add3A_404, %add3A_464 : vector<16xf32>
            %add3A_600 = arith.addf %add3A_524, %add3A_584 : vector<16xf32>
            %add3A_601 = arith.addf %add3A_585, %add3A_586 : vector<16xf32>
            %add3A_602 = arith.addf %add3A_587, %add3A_588 : vector<16xf32>
            %add3A_603 = arith.addf %add3A_589, %add3A_590 : vector<16xf32>
            %add3A_604 = arith.addf %add3A_591, %add3A_592 : vector<16xf32>
            %add3A_605 = arith.addf %add3A_593, %add3A_594 : vector<16xf32>
            %add3A_606 = arith.addf %add3A_595, %add3A_596 : vector<16xf32>
            %add3A_607 = arith.addf %add3A_597, %add3A_598 : vector<16xf32>
            %add3A_608 = arith.addf %add3A_599, %add3A_600 : vector<16xf32>
            %add3A_609 = arith.addf %add3A_601, %add3A_602 : vector<16xf32>
            %add3A_610 = arith.addf %add3A_603, %add3A_604 : vector<16xf32>
            %add3A_611 = arith.addf %add3A_605, %add3A_606 : vector<16xf32>
            %add3A_612 = arith.addf %add3A_607, %add3A_608 : vector<16xf32>
            %swap3A = arith.index_cast %squeeze3A : i32 to index
            %swap3A_613 = arith.constant 0 : index
            %swap3A_614 = tpu.vector_load %arg9[%swap3A, %swap3A_613] {strides = array<i32>} : memref<256x128xf32, #tpu.memory_space<vmem>>, vector<1x16xf32>,
            %swap3A_615 = vector.shape_cast %swap3A_614 : vector<1x16xf32> to vector<16xf32>
            %swap3A_616 = vector.shape_cast %add3A_609 : vector<16xf32> to vector<1x16xf32>
            tpu.vector_store %arg9[%swap3A, %swap3A_613], %swap3A_616 {add = true, strides = array<i32>} : memref<256x128xf32, #tpu.memory_space<vmem>>, vector<1x16xf32>,
            %swap3A_617 = arith.index_cast %squeeze3A : i32 to index
            %swap3A_618 = arith.constant 16 : index
            %swap3A_619 = tpu.vector_load %arg9[%swap3A_617, %swap3A_618] {strides = array<i32>} : memref<256x128xf32, #tpu.memory_space<vmem>>, vector<1x16xf32>,
            %swap3A_620 = vector.shape_cast %swap3A_619 : vector<1x16xf32> to vector<16xf32>
            %swap3A_621 = vector.shape_cast %add3A_610 : vector<16xf32> to vector<1x16xf32>
            tpu.vector_store %arg9[%swap3A_617, %swap3A_618], %swap3A_621 {add = true, strides = array<i32>} : memref<256x128xf32, #tpu.memory_space<vmem>>, vector<1x16xf32>,
            %swap3A_622 = arith.index_cast %squeeze3A : i32 to index
            %swap3A_623 = arith.constant 32 : index
            %swap3A_624 = tpu.vector_load %arg9[%swap3A_622, %swap3A_623] {strides = array<i32>} : memref<256x128xf32, #tpu.memory_space<vmem>>, vector<1x16xf32>,
            %swap3A_625 = vector.shape_cast %swap3A_624 : vector<1x16xf32> to vector<16xf32>
            %swap3A_626 = vector.shape_cast %add3A_611 : vector<16xf32> to vector<1x16xf32>
            tpu.vector_store %arg9[%swap3A_622, %swap3A_623], %swap3A_626 {add = true, strides = array<i32>} : memref<256x128xf32, #tpu.memory_space<vmem>>, vector<1x16xf32>,
            %swap3A_627 = arith.index_cast %squeeze3A : i32 to index
            %swap3A_628 = arith.constant 48 : index
            %swap3A_629 = tpu.vector_load %arg9[%swap3A_627, %swap3A_628] {strides = array<i32>} : memref<256x128xf32, #tpu.memory_space<vmem>>, vector<1x16xf32>,
            %swap3A_630 = vector.shape_cast %swap3A_629 : vector<1x16xf32> to vector<16xf32>
            %swap3A_631 = vector.shape_cast %add3A_612 : vector<16xf32> to vector<1x16xf32>
            tpu.vector_store %arg9[%swap3A_627, %swap3A_628], %swap3A_631 {add = true, strides = array<i32>} : memref<256x128xf32, #tpu.memory_space<vmem>>, vector<1x16xf32>,
            %add3A_632 = arith.constant 0 : i32
            %add3A_633 = arith.addi %mul3A_98, %add3A_632 : i32
            %get3A_634 = arith.index_cast %add3A_633 : i32 to index
            %get3A_635 = arith.constant 64 : index
            %get3A_636 = tpu.vector_load %arg5[%get3A_634, %get3A_635] {strides = array<i32>} : memref<160x128xf32, #tpu.memory_space<vmem>>, vector<1x16xf32>,
            %get3A_637 = vector.shape_cast %get3A_636 : vector<1x16xf32> to vector<16xf32>
            %add3A_638 = arith.constant 0 : i32
            %add3A_639 = arith.addi %mul3A_98, %add3A_638 : i32
            %add3A_640 = arith.constant 1 : i32
            %add3A_641 = arith.addi %add3A_639, %add3A_640 : i32
            %get3A_642 = arith.index_cast %add3A_641 : i32 to index
            %get3A_643 = arith.constant 64 : index
            %get3A_644 = tpu.vector_load %arg5[%get3A_642, %get3A_643] {strides = array<i32>} : memref<160x128xf32, #tpu.memory_space<vmem>>, vector<1x16xf32>,
            %get3A_645 = vector.shape_cast %get3A_644 : vector<1x16xf32> to vector<16xf32>
            %add3A_646 = arith.addf %get3A_637, %get3A_645 : vector<16xf32>
            %add3A_647 = arith.constant 0 : i32
            %add3A_648 = arith.addi %mul3A_98, %add3A_647 : i32
            %get3A_649 = arith.index_cast %add3A_648 : i32 to index
            %get3A_650 = arith.constant 80 : index
            %get3A_651 = tpu.vector_load %arg5[%get3A_649, %get3A_650] {strides = array<i32>} : memref<160x128xf32, #tpu.memory_space<vmem>>, vector<1x16xf32>,
            %get3A_652 = vector.shape_cast %get3A_651 : vector<1x16xf32> to vector<16xf32>
            %add3A_653 = arith.constant 0 : i32
            %add3A_654 = arith.addi %mul3A_98, %add3A_653 : i32
            %add3A_655 = arith.constant 1 : i32
            %add3A_656 = arith.addi %add3A_654, %add3A_655 : i32
            %get3A_657 = arith.index_cast %add3A_656 : i32 to index
            %get3A_658 = arith.constant 80 : index
            %get3A_659 = tpu.vector_load %arg5[%get3A_657, %get3A_658] {strides = array<i32>} : memref<160x128xf32, #tpu.memory_space<vmem>>, vector<1x16xf32>,
            %get3A_660 = vector.shape_cast %get3A_659 : vector<1x16xf32> to vector<16xf32>
            %add3A_661 = arith.addf %get3A_652, %get3A_660 : vector<16xf32>
            %add3A_662 = arith.constant 0 : i32
            %add3A_663 = arith.addi %mul3A_98, %add3A_662 : i32
            %get3A_664 = arith.index_cast %add3A_663 : i32 to index
            %get3A_665 = arith.constant 96 : index
            %get3A_666 = tpu.vector_load %arg5[%get3A_664, %get3A_665] {strides = array<i32>} : memref<160x128xf32, #tpu.memory_space<vmem>>, vector<1x16xf32>,
            %get3A_667 = vector.shape_cast %get3A_666 : vector<1x16xf32> to vector<16xf32>
            %add3A_668 = arith.constant 0 : i32
            %add3A_669 = arith.addi %mul3A_98, %add3A_668 : i32
            %add3A_670 = arith.constant 1 : i32
            %add3A_671 = arith.addi %add3A_669, %add3A_670 : i32
            %get3A_672 = arith.index_cast %add3A_671 : i32 to index
            %get3A_673 = arith.constant 96 : index
            %get3A_674 = tpu.vector_load %arg5[%get3A_672, %get3A_673] {strides = array<i32>} : memref<160x128xf32, #tpu.memory_space<vmem>>, vector<1x16xf32>,
            %get3A_675 = vector.shape_cast %get3A_674 : vector<1x16xf32> to vector<16xf32>
            %add3A_676 = arith.addf %get3A_667, %get3A_675 : vector<16xf32>
            %add3A_677 = arith.constant 0 : i32
            %add3A_678 = arith.addi %mul3A_98, %add3A_677 : i32
            %get3A_679 = arith.index_cast %add3A_678 : i32 to index
            %get3A_680 = arith.constant 112 : index
            %get3A_681 = tpu.vector_load %arg5[%get3A_679, %get3A_680] {strides = array<i32>} : memref<160x128xf32, #tpu.memory_space<vmem>>, vector<1x16xf32>,
            %get3A_682 = vector.shape_cast %get3A_681 : vector<1x16xf32> to vector<16xf32>
            %add3A_683 = arith.constant 0 : i32
            %add3A_684 = arith.addi %mul3A_98, %add3A_683 : i32
            %add3A_685 = arith.constant 1 : i32
            %add3A_686 = arith.addi %add3A_684, %add3A_685 : i32
            %get3A_687 = arith.index_cast %add3A_686 : i32 to index
            %get3A_688 = arith.constant 112 : index
            %get3A_689 = tpu.vector_load %arg5[%get3A_687, %get3A_688] {strides = array<i32>} : memref<160x128xf32, #tpu.memory_space<vmem>>, vector<1x16xf32>,
            %get3A_690 = vector.shape_cast %get3A_689 : vector<1x16xf32> to vector<16xf32>
            %add3A_691 = arith.addf %get3A_682, %get3A_690 : vector<16xf32>
            %add3A_692 = arith.constant 2 : i32
            %add3A_693 = arith.addi %mul3A_98, %add3A_692 : i32
            %get3A_694 = arith.index_cast %add3A_693 : i32 to index
            %get3A_695 = arith.constant 64 : index
            %get3A_696 = tpu.vector_load %arg5[%get3A_694, %get3A_695] {strides = array<i32>} : memref<160x128xf32, #tpu.memory_space<vmem>>, vector<1x16xf32>,
            %get3A_697 = vector.shape_cast %get3A_696 : vector<1x16xf32> to vector<16xf32>
            %add3A_698 = arith.constant 2 : i32
            %add3A_699 = arith.addi %mul3A_98, %add3A_698 : i32
            %add3A_700 = arith.constant 1 : i32
            %add3A_701 = arith.addi %add3A_699, %add3A_700 : i32
            %get3A_702 = arith.index_cast %add3A_701 : i32 to index
            %get3A_703 = arith.constant 64 : index
            %get3A_704 = tpu.vector_load %arg5[%get3A_702, %get3A_703] {strides = array<i32>} : memref<160x128xf32, #tpu.memory_space<vmem>>, vector<1x16xf32>,
            %get3A_705 = vector.shape_cast %get3A_704 : vector<1x16xf32> to vector<16xf32>
            %add3A_706 = arith.addf %get3A_697, %get3A_705 : vector<16xf32>
            %add3A_707 = arith.constant 2 : i32
            %add3A_708 = arith.addi %mul3A_98, %add3A_707 : i32
            %get3A_709 = arith.index_cast %add3A_708 : i32 to index
            %get3A_710 = arith.constant 80 : index
            %get3A_711 = tpu.vector_load %arg5[%get3A_709, %get3A_710] {strides = array<i32>} : memref<160x128xf32, #tpu.memory_space<vmem>>, vector<1x16xf32>,
            %get3A_712 = vector.shape_cast %get3A_711 : vector<1x16xf32> to vector<16xf32>
            %add3A_713 = arith.constant 2 : i32
            %add3A_714 = arith.addi %mul3A_98, %add3A_713 : i32
            %add3A_715 = arith.constant 1 : i32
            %add3A_716 = arith.addi %add3A_714, %add3A_715 : i32
            %get3A_717 = arith.index_cast %add3A_716 : i32 to index
            %get3A_718 = arith.constant 80 : index
            %get3A_719 = tpu.vector_load %arg5[%get3A_717, %get3A_718] {strides = array<i32>} : memref<160x128xf32, #tpu.memory_space<vmem>>, vector<1x16xf32>,
            %get3A_720 = vector.shape_cast %get3A_719 : vector<1x16xf32> to vector<16xf32>
            %add3A_721 = arith.addf %get3A_712, %get3A_720 : vector<16xf32>
            %add3A_722 = arith.constant 2 : i32
            %add3A_723 = arith.addi %mul3A_98, %add3A_722 : i32
            %get3A_724 = arith.index_cast %add3A_723 : i32 to index
            %get3A_725 = arith.constant 96 : index
            %get3A_726 = tpu.vector_load %arg5[%get3A_724, %get3A_725] {strides = array<i32>} : memref<160x128xf32, #tpu.memory_space<vmem>>, vector<1x16xf32>,
            %get3A_727 = vector.shape_cast %get3A_726 : vector<1x16xf32> to vector<16xf32>
            %add3A_728 = arith.constant 2 : i32
            %add3A_729 = arith.addi %mul3A_98, %add3A_728 : i32
            %add3A_730 = arith.constant 1 : i32
            %add3A_731 = arith.addi %add3A_729, %add3A_730 : i32
            %get3A_732 = arith.index_cast %add3A_731 : i32 to index
            %get3A_733 = arith.constant 96 : index
            %get3A_734 = tpu.vector_load %arg5[%get3A_732, %get3A_733] {strides = array<i32>} : memref<160x128xf32, #tpu.memory_space<vmem>>, vector<1x16xf32>,
            %get3A_735 = vector.shape_cast %get3A_734 : vector<1x16xf32> to vector<16xf32>
            %add3A_736 = arith.addf %get3A_727, %get3A_735 : vector<16xf32>
            %add3A_737 = arith.constant 2 : i32
            %add3A_738 = arith.addi %mul3A_98, %add3A_737 : i32
            %get3A_739 = arith.index_cast %add3A_738 : i32 to index
            %get3A_740 = arith.constant 112 : index
            %get3A_741 = tpu.vector_load %arg5[%get3A_739, %get3A_740] {strides = array<i32>} : memref<160x128xf32, #tpu.memory_space<vmem>>, vector<1x16xf32>,
            %get3A_742 = vector.shape_cast %get3A_741 : vector<1x16xf32> to vector<16xf32>
            %add3A_743 = arith.constant 2 : i32
            %add3A_744 = arith.addi %mul3A_98, %add3A_743 : i32
            %add3A_745 = arith.constant 1 : i32
            %add3A_746 = arith.addi %add3A_744, %add3A_745 : i32
            %get3A_747 = arith.index_cast %add3A_746 : i32 to index
            %get3A_748 = arith.constant 112 : index
            %get3A_749 = tpu.vector_load %arg5[%get3A_747, %get3A_748] {strides = array<i32>} : memref<160x128xf32, #tpu.memory_space<vmem>>, vector<1x16xf32>,
            %get3A_750 = vector.shape_cast %get3A_749 : vector<1x16xf32> to vector<16xf32>
            %add3A_751 = arith.addf %get3A_742, %get3A_750 : vector<16xf32>
            %add3A_752 = arith.constant 4 : i32
            %add3A_753 = arith.addi %mul3A_98, %add3A_752 : i32
            %get3A_754 = arith.index_cast %add3A_753 : i32 to index
            %get3A_755 = arith.constant 64 : index
            %get3A_756 = tpu.vector_load %arg5[%get3A_754, %get3A_755] {strides = array<i32>} : memref<160x128xf32, #tpu.memory_space<vmem>>, vector<1x16xf32>,
            %get3A_757 = vector.shape_cast %get3A_756 : vector<1x16xf32> to vector<16xf32>
            %add3A_758 = arith.constant 4 : i32
            %add3A_759 = arith.addi %mul3A_98, %add3A_758 : i32
            %add3A_760 = arith.constant 1 : i32
            %add3A_761 = arith.addi %add3A_759, %add3A_760 : i32
            %get3A_762 = arith.index_cast %add3A_761 : i32 to index
            %get3A_763 = arith.constant 64 : index
            %get3A_764 = tpu.vector_load %arg5[%get3A_762, %get3A_763] {strides = array<i32>} : memref<160x128xf32, #tpu.memory_space<vmem>>, vector<1x16xf32>,
            %get3A_765 = vector.shape_cast %get3A_764 : vector<1x16xf32> to vector<16xf32>
            %add3A_766 = arith.addf %get3A_757, %get3A_765 : vector<16xf32>
            %add3A_767 = arith.constant 4 : i32
            %add3A_768 = arith.addi %mul3A_98, %add3A_767 : i32
            %get3A_769 = arith.index_cast %add3A_768 : i32 to index
            %get3A_770 = arith.constant 80 : index
            %get3A_771 = tpu.vector_load %arg5[%get3A_769, %get3A_770] {strides = array<i32>} : memref<160x128xf32, #tpu.memory_space<vmem>>, vector<1x16xf32>,
            %get3A_772 = vector.shape_cast %get3A_771 : vector<1x16xf32> to vector<16xf32>
            %add3A_773 = arith.constant 4 : i32
            %add3A_774 = arith.addi %mul3A_98, %add3A_773 : i32
            %add3A_775 = arith.constant 1 : i32
            %add3A_776 = arith.addi %add3A_774, %add3A_775 : i32
            %get3A_777 = arith.index_cast %add3A_776 : i32 to index
            %get3A_778 = arith.constant 80 : index
            %get3A_779 = tpu.vector_load %arg5[%get3A_777, %get3A_778] {strides = array<i32>} : memref<160x128xf32, #tpu.memory_space<vmem>>, vector<1x16xf32>,
            %get3A_780 = vector.shape_cast %get3A_779 : vector<1x16xf32> to vector<16xf32>
            %add3A_781 = arith.addf %get3A_772, %get3A_780 : vector<16xf32>
            %add3A_782 = arith.constant 4 : i32
            %add3A_783 = arith.addi %mul3A_98, %add3A_782 : i32
            %get3A_784 = arith.index_cast %add3A_783 : i32 to index
            %get3A_785 = arith.constant 96 : index
            %get3A_786 = tpu.vector_load %arg5[%get3A_784, %get3A_785] {strides = array<i32>} : memref<160x128xf32, #tpu.memory_space<vmem>>, vector<1x16xf32>,
            %get3A_787 = vector.shape_cast %get3A_786 : vector<1x16xf32> to vector<16xf32>
            %add3A_788 = arith.constant 4 : i32
            %add3A_789 = arith.addi %mul3A_98, %add3A_788 : i32
            %add3A_790 = arith.constant 1 : i32
            %add3A_791 = arith.addi %add3A_789, %add3A_790 : i32
            %get3A_792 = arith.index_cast %add3A_791 : i32 to index
            %get3A_793 = arith.constant 96 : index
            %get3A_794 = tpu.vector_load %arg5[%get3A_792, %get3A_793] {strides = array<i32>} : memref<160x128xf32, #tpu.memory_space<vmem>>, vector<1x16xf32>,
            %get3A_795 = vector.shape_cast %get3A_794 : vector<1x16xf32> to vector<16xf32>
            %add3A_796 = arith.addf %get3A_787, %get3A_795 : vector<16xf32>
            %add3A_797 = arith.constant 4 : i32
            %add3A_798 = arith.addi %mul3A_98, %add3A_797 : i32
            %get3A_799 = arith.index_cast %add3A_798 : i32 to index
            %get3A_800 = arith.constant 112 : index
            %get3A_801 = tpu.vector_load %arg5[%get3A_799, %get3A_800] {strides = array<i32>} : memref<160x128xf32, #tpu.memory_space<vmem>>, vector<1x16xf32>,
            %get3A_802 = vector.shape_cast %get3A_801 : vector<1x16xf32> to vector<16xf32>
            %add3A_803 = arith.constant 4 : i32
            %add3A_804 = arith.addi %mul3A_98, %add3A_803 : i32
            %add3A_805 = arith.constant 1 : i32
            %add3A_806 = arith.addi %add3A_804, %add3A_805 : i32
            %get3A_807 = arith.index_cast %add3A_806 : i32 to index
            %get3A_808 = arith.constant 112 : index
            %get3A_809 = tpu.vector_load %arg5[%get3A_807, %get3A_808] {strides = array<i32>} : memref<160x128xf32, #tpu.memory_space<vmem>>, vector<1x16xf32>,
            %get3A_810 = vector.shape_cast %get3A_809 : vector<1x16xf32> to vector<16xf32>
            %add3A_811 = arith.addf %get3A_802, %get3A_810 : vector<16xf32>
            %add3A_812 = arith.constant 6 : i32
            %add3A_813 = arith.addi %mul3A_98, %add3A_812 : i32
            %get3A_814 = arith.index_cast %add3A_813 : i32 to index
            %get3A_815 = arith.constant 64 : index
            %get3A_816 = tpu.vector_load %arg5[%get3A_814, %get3A_815] {strides = array<i32>} : memref<160x128xf32, #tpu.memory_space<vmem>>, vector<1x16xf32>,
            %get3A_817 = vector.shape_cast %get3A_816 : vector<1x16xf32> to vector<16xf32>
            %add3A_818 = arith.constant 6 : i32
            %add3A_819 = arith.addi %mul3A_98, %add3A_818 : i32
            %add3A_820 = arith.constant 1 : i32
            %add3A_821 = arith.addi %add3A_819, %add3A_820 : i32
            %get3A_822 = arith.index_cast %add3A_821 : i32 to index
            %get3A_823 = arith.constant 64 : index
            %get3A_824 = tpu.vector_load %arg5[%get3A_822, %get3A_823] {strides = array<i32>} : memref<160x128xf32, #tpu.memory_space<vmem>>, vector<1x16xf32>,
            %get3A_825 = vector.shape_cast %get3A_824 : vector<1x16xf32> to vector<16xf32>
            %add3A_826 = arith.addf %get3A_817, %get3A_825 : vector<16xf32>
            %add3A_827 = arith.constant 6 : i32
            %add3A_828 = arith.addi %mul3A_98, %add3A_827 : i32
            %get3A_829 = arith.index_cast %add3A_828 : i32 to index
            %get3A_830 = arith.constant 80 : index
            %get3A_831 = tpu.vector_load %arg5[%get3A_829, %get3A_830] {strides = array<i32>} : memref<160x128xf32, #tpu.memory_space<vmem>>, vector<1x16xf32>,
            %get3A_832 = vector.shape_cast %get3A_831 : vector<1x16xf32> to vector<16xf32>
            %add3A_833 = arith.constant 6 : i32
            %add3A_834 = arith.addi %mul3A_98, %add3A_833 : i32
            %add3A_835 = arith.constant 1 : i32
            %add3A_836 = arith.addi %add3A_834, %add3A_835 : i32
            %get3A_837 = arith.index_cast %add3A_836 : i32 to index
            %get3A_838 = arith.constant 80 : index
            %get3A_839 = tpu.vector_load %arg5[%get3A_837, %get3A_838] {strides = array<i32>} : memref<160x128xf32, #tpu.memory_space<vmem>>, vector<1x16xf32>,
            %get3A_840 = vector.shape_cast %get3A_839 : vector<1x16xf32> to vector<16xf32>
            %add3A_841 = arith.addf %get3A_832, %get3A_840 : vector<16xf32>
            %add3A_842 = arith.constant 6 : i32
            %add3A_843 = arith.addi %mul3A_98, %add3A_842 : i32
            %get3A_844 = arith.index_cast %add3A_843 : i32 to index
            %get3A_845 = arith.constant 96 : index
            %get3A_846 = tpu.vector_load %arg5[%get3A_844, %get3A_845] {strides = array<i32>} : memref<160x128xf32, #tpu.memory_space<vmem>>, vector<1x16xf32>,
            %get3A_847 = vector.shape_cast %get3A_846 : vector<1x16xf32> to vector<16xf32>
            %add3A_848 = arith.constant 6 : i32
            %add3A_849 = arith.addi %mul3A_98, %add3A_848 : i32
            %add3A_850 = arith.constant 1 : i32
            %add3A_851 = arith.addi %add3A_849, %add3A_850 : i32
            %get3A_852 = arith.index_cast %add3A_851 : i32 to index
            %get3A_853 = arith.constant 96 : index
            %get3A_854 = tpu.vector_load %arg5[%get3A_852, %get3A_853] {strides = array<i32>} : memref<160x128xf32, #tpu.memory_space<vmem>>, vector<1x16xf32>,
            %get3A_855 = vector.shape_cast %get3A_854 : vector<1x16xf32> to vector<16xf32>
            %add3A_856 = arith.addf %get3A_847, %get3A_855 : vector<16xf32>
            %add3A_857 = arith.constant 6 : i32
            %add3A_858 = arith.addi %mul3A_98, %add3A_857 : i32
            %get3A_859 = arith.index_cast %add3A_858 : i32 to index
            %get3A_860 = arith.constant 112 : index
            %get3A_861 = tpu.vector_load %arg5[%get3A_859, %get3A_860] {strides = array<i32>} : memref<160x128xf32, #tpu.memory_space<vmem>>, vector<1x16xf32>,
            %get3A_862 = vector.shape_cast %get3A_861 : vector<1x16xf32> to vector<16xf32>
            %add3A_863 = arith.constant 6 : i32
            %add3A_864 = arith.addi %mul3A_98, %add3A_863 : i32
            %add3A_865 = arith.constant 1 : i32
            %add3A_866 = arith.addi %add3A_864, %add3A_865 : i32
            %get3A_867 = arith.index_cast %add3A_866 : i32 to index
            %get3A_868 = arith.constant 112 : index
            %get3A_869 = tpu.vector_load %arg5[%get3A_867, %get3A_868] {strides = array<i32>} : memref<160x128xf32, #tpu.memory_space<vmem>>, vector<1x16xf32>,
            %get3A_870 = vector.shape_cast %get3A_869 : vector<1x16xf32> to vector<16xf32>
            %add3A_871 = arith.addf %get3A_862, %get3A_870 : vector<16xf32>
            %add3A_872 = arith.constant 8 : i32
            %add3A_873 = arith.addi %mul3A_98, %add3A_872 : i32
            %get3A_874 = arith.index_cast %add3A_873 : i32 to index
            %get3A_875 = arith.constant 64 : index
            %get3A_876 = tpu.vector_load %arg5[%get3A_874, %get3A_875] {strides = array<i32>} : memref<160x128xf32, #tpu.memory_space<vmem>>, vector<1x16xf32>,
            %get3A_877 = vector.shape_cast %get3A_876 : vector<1x16xf32> to vector<16xf32>
            %add3A_878 = arith.constant 8 : i32
            %add3A_879 = arith.addi %mul3A_98, %add3A_878 : i32
            %add3A_880 = arith.constant 1 : i32
            %add3A_881 = arith.addi %add3A_879, %add3A_880 : i32
            %get3A_882 = arith.index_cast %add3A_881 : i32 to index
            %get3A_883 = arith.constant 64 : index
            %get3A_884 = tpu.vector_load %arg5[%get3A_882, %get3A_883] {strides = array<i32>} : memref<160x128xf32, #tpu.memory_space<vmem>>, vector<1x16xf32>,
            %get3A_885 = vector.shape_cast %get3A_884 : vector<1x16xf32> to vector<16xf32>
            %add3A_886 = arith.addf %get3A_877, %get3A_885 : vector<16xf32>
            %add3A_887 = arith.constant 8 : i32
            %add3A_888 = arith.addi %mul3A_98, %add3A_887 : i32
            %get3A_889 = arith.index_cast %add3A_888 : i32 to index
            %get3A_890 = arith.constant 80 : index
            %get3A_891 = tpu.vector_load %arg5[%get3A_889, %get3A_890] {strides = array<i32>} : memref<160x128xf32, #tpu.memory_space<vmem>>, vector<1x16xf32>,
            %get3A_892 = vector.shape_cast %get3A_891 : vector<1x16xf32> to vector<16xf32>
            %add3A_893 = arith.constant 8 : i32
            %add3A_894 = arith.addi %mul3A_98, %add3A_893 : i32
            %add3A_895 = arith.constant 1 : i32
            %add3A_896 = arith.addi %add3A_894, %add3A_895 : i32
            %get3A_897 = arith.index_cast %add3A_896 : i32 to index
            %get3A_898 = arith.constant 80 : index
            %get3A_899 = tpu.vector_load %arg5[%get3A_897, %get3A_898] {strides = array<i32>} : memref<160x128xf32, #tpu.memory_space<vmem>>, vector<1x16xf32>,
            %get3A_900 = vector.shape_cast %get3A_899 : vector<1x16xf32> to vector<16xf32>
            %add3A_901 = arith.addf %get3A_892, %get3A_900 : vector<16xf32>
            %add3A_902 = arith.constant 8 : i32
            %add3A_903 = arith.addi %mul3A_98, %add3A_902 : i32
            %get3A_904 = arith.index_cast %add3A_903 : i32 to index
            %get3A_905 = arith.constant 96 : index
            %get3A_906 = tpu.vector_load %arg5[%get3A_904, %get3A_905] {strides = array<i32>} : memref<160x128xf32, #tpu.memory_space<vmem>>, vector<1x16xf32>,
            %get3A_907 = vector.shape_cast %get3A_906 : vector<1x16xf32> to vector<16xf32>
            %add3A_908 = arith.constant 8 : i32
            %add3A_909 = arith.addi %mul3A_98, %add3A_908 : i32
            %add3A_910 = arith.constant 1 : i32
            %add3A_911 = arith.addi %add3A_909, %add3A_910 : i32
            %get3A_912 = arith.index_cast %add3A_911 : i32 to index
            %get3A_913 = arith.constant 96 : index
            %get3A_914 = tpu.vector_load %arg5[%get3A_912, %get3A_913] {strides = array<i32>} : memref<160x128xf32, #tpu.memory_space<vmem>>, vector<1x16xf32>,
            %get3A_915 = vector.shape_cast %get3A_914 : vector<1x16xf32> to vector<16xf32>
            %add3A_916 = arith.addf %get3A_907, %get3A_915 : vector<16xf32>
            %add3A_917 = arith.constant 8 : i32
            %add3A_918 = arith.addi %mul3A_98, %add3A_917 : i32
            %get3A_919 = arith.index_cast %add3A_918 : i32 to index
            %get3A_920 = arith.constant 112 : index
            %get3A_921 = tpu.vector_load %arg5[%get3A_919, %get3A_920] {strides = array<i32>} : memref<160x128xf32, #tpu.memory_space<vmem>>, vector<1x16xf32>,
            %get3A_922 = vector.shape_cast %get3A_921 : vector<1x16xf32> to vector<16xf32>
            %add3A_923 = arith.constant 8 : i32
            %add3A_924 = arith.addi %mul3A_98, %add3A_923 : i32
            %add3A_925 = arith.constant 1 : i32
            %add3A_926 = arith.addi %add3A_924, %add3A_925 : i32
            %get3A_927 = arith.index_cast %add3A_926 : i32 to index
            %get3A_928 = arith.constant 112 : index
            %get3A_929 = tpu.vector_load %arg5[%get3A_927, %get3A_928] {strides = array<i32>} : memref<160x128xf32, #tpu.memory_space<vmem>>, vector<1x16xf32>,
            %get3A_930 = vector.shape_cast %get3A_929 : vector<1x16xf32> to vector<16xf32>
            %add3A_931 = arith.addf %get3A_922, %get3A_930 : vector<16xf32>
            %add3A_932 = arith.constant 10 : i32
            %add3A_933 = arith.addi %mul3A_98, %add3A_932 : i32
            %get3A_934 = arith.index_cast %add3A_933 : i32 to index
            %get3A_935 = arith.constant 64 : index
            %get3A_936 = tpu.vector_load %arg5[%get3A_934, %get3A_935] {strides = array<i32>} : memref<160x128xf32, #tpu.memory_space<vmem>>, vector<1x16xf32>,
            %get3A_937 = vector.shape_cast %get3A_936 : vector<1x16xf32> to vector<16xf32>
            %add3A_938 = arith.constant 10 : i32
            %add3A_939 = arith.addi %mul3A_98, %add3A_938 : i32
            %add3A_940 = arith.constant 1 : i32
            %add3A_941 = arith.addi %add3A_939, %add3A_940 : i32
            %get3A_942 = arith.index_cast %add3A_941 : i32 to index
            %get3A_943 = arith.constant 64 : index
            %get3A_944 = tpu.vector_load %arg5[%get3A_942, %get3A_943] {strides = array<i32>} : memref<160x128xf32, #tpu.memory_space<vmem>>, vector<1x16xf32>,
            %get3A_945 = vector.shape_cast %get3A_944 : vector<1x16xf32> to vector<16xf32>
            %add3A_946 = arith.addf %get3A_937, %get3A_945 : vector<16xf32>
            %add3A_947 = arith.constant 10 : i32
            %add3A_948 = arith.addi %mul3A_98, %add3A_947 : i32
            %get3A_949 = arith.index_cast %add3A_948 : i32 to index
            %get3A_950 = arith.constant 80 : index
            %get3A_951 = tpu.vector_load %arg5[%get3A_949, %get3A_950] {strides = array<i32>} : memref<160x128xf32, #tpu.memory_space<vmem>>, vector<1x16xf32>,
            %get3A_952 = vector.shape_cast %get3A_951 : vector<1x16xf32> to vector<16xf32>
            %add3A_953 = arith.constant 10 : i32
            %add3A_954 = arith.addi %mul3A_98, %add3A_953 : i32
            %add3A_955 = arith.constant 1 : i32
            %add3A_956 = arith.addi %add3A_954, %add3A_955 : i32
            %get3A_957 = arith.index_cast %add3A_956 : i32 to index
            %get3A_958 = arith.constant 80 : index
            %get3A_959 = tpu.vector_load %arg5[%get3A_957, %get3A_958] {strides = array<i32>} : memref<160x128xf32, #tpu.memory_space<vmem>>, vector<1x16xf32>,
            %get3A_960 = vector.shape_cast %get3A_959 : vector<1x16xf32> to vector<16xf32>
            %add3A_961 = arith.addf %get3A_952, %get3A_960 : vector<16xf32>
            %add3A_962 = arith.constant 10 : i32
            %add3A_963 = arith.addi %mul3A_98, %add3A_962 : i32
            %get3A_964 = arith.index_cast %add3A_963 : i32 to index
            %get3A_965 = arith.constant 96 : index
            %get3A_966 = tpu.vector_load %arg5[%get3A_964, %get3A_965] {strides = array<i32>} : memref<160x128xf32, #tpu.memory_space<vmem>>, vector<1x16xf32>,
            %get3A_967 = vector.shape_cast %get3A_966 : vector<1x16xf32> to vector<16xf32>
            %add3A_968 = arith.constant 10 : i32
            %add3A_969 = arith.addi %mul3A_98, %add3A_968 : i32
            %add3A_970 = arith.constant 1 : i32
            %add3A_971 = arith.addi %add3A_969, %add3A_970 : i32
            %get3A_972 = arith.index_cast %add3A_971 : i32 to index
            %get3A_973 = arith.constant 96 : index
            %get3A_974 = tpu.vector_load %arg5[%get3A_972, %get3A_973] {strides = array<i32>} : memref<160x128xf32, #tpu.memory_space<vmem>>, vector<1x16xf32>,
            %get3A_975 = vector.shape_cast %get3A_974 : vector<1x16xf32> to vector<16xf32>
            %add3A_976 = arith.addf %get3A_967, %get3A_975 : vector<16xf32>
            %add3A_977 = arith.constant 10 : i32
            %add3A_978 = arith.addi %mul3A_98, %add3A_977 : i32
            %get3A_979 = arith.index_cast %add3A_978 : i32 to index
            %get3A_980 = arith.constant 112 : index
            %get3A_981 = tpu.vector_load %arg5[%get3A_979, %get3A_980] {strides = array<i32>} : memref<160x128xf32, #tpu.memory_space<vmem>>, vector<1x16xf32>,
            %get3A_982 = vector.shape_cast %get3A_981 : vector<1x16xf32> to vector<16xf32>
            %add3A_983 = arith.constant 10 : i32
            %add3A_984 = arith.addi %mul3A_98, %add3A_983 : i32
            %add3A_985 = arith.constant 1 : i32
            %add3A_986 = arith.addi %add3A_984, %add3A_985 : i32
            %get3A_987 = arith.index_cast %add3A_986 : i32 to index
            %get3A_988 = arith.constant 112 : index
            %get3A_989 = tpu.vector_load %arg5[%get3A_987, %get3A_988] {strides = array<i32>} : memref<160x128xf32, #tpu.memory_space<vmem>>, vector<1x16xf32>,
            %get3A_990 = vector.shape_cast %get3A_989 : vector<1x16xf32> to vector<16xf32>
            %add3A_991 = arith.addf %get3A_982, %get3A_990 : vector<16xf32>
            %add3A_992 = arith.constant 12 : i32
            %add3A_993 = arith.addi %mul3A_98, %add3A_992 : i32
            %get3A_994 = arith.index_cast %add3A_993 : i32 to index
            %get3A_995 = arith.constant 64 : index
            %get3A_996 = tpu.vector_load %arg5[%get3A_994, %get3A_995] {strides = array<i32>} : memref<160x128xf32, #tpu.memory_space<vmem>>, vector<1x16xf32>,
            %get3A_997 = vector.shape_cast %get3A_996 : vector<1x16xf32> to vector<16xf32>
            %add3A_998 = arith.constant 12 : i32
            %add3A_999 = arith.addi %mul3A_98, %add3A_998 : i32
            %add3A_1000 = arith.constant 1 : i32
            %add3A_1001 = arith.addi %add3A_999, %add3A_1000 : i32
            %get3A_1002 = arith.index_cast %add3A_1001 : i32 to index
            %get3A_1003 = arith.constant 64 : index
            %get3A_1004 = tpu.vector_load %arg5[%get3A_1002, %get3A_1003] {strides = array<i32>} : memref<160x128xf32, #tpu.memory_space<vmem>>, vector<1x16xf32>,
            %get3A_1005 = vector.shape_cast %get3A_1004 : vector<1x16xf32> to vector<16xf32>
            %add3A_1006 = arith.addf %get3A_997, %get3A_1005 : vector<16xf32>
            %add3A_1007 = arith.constant 12 : i32
            %add3A_1008 = arith.addi %mul3A_98, %add3A_1007 : i32
            %get3A_1009 = arith.index_cast %add3A_1008 : i32 to index
            %get3A_1010 = arith.constant 80 : index
            %get3A_1011 = tpu.vector_load %arg5[%get3A_1009, %get3A_1010] {strides = array<i32>} : memref<160x128xf32, #tpu.memory_space<vmem>>, vector<1x16xf32>,
            %get3A_1012 = vector.shape_cast %get3A_1011 : vector<1x16xf32> to vector<16xf32>
            %add3A_1013 = arith.constant 12 : i32
            %add3A_1014 = arith.addi %mul3A_98, %add3A_1013 : i32
            %add3A_1015 = arith.constant 1 : i32
            %add3A_1016 = arith.addi %add3A_1014, %add3A_1015 : i32
            %get3A_1017 = arith.index_cast %add3A_1016 : i32 to index
            %get3A_1018 = arith.constant 80 : index
            %get3A_1019 = tpu.vector_load %arg5[%get3A_1017, %get3A_1018] {strides = array<i32>} : memref<160x128xf32, #tpu.memory_space<vmem>>, vector<1x16xf32>,
            %get3A_1020 = vector.shape_cast %get3A_1019 : vector<1x16xf32> to vector<16xf32>
            %add3A_1021 = arith.addf %get3A_1012, %get3A_1020 : vector<16xf32>
            %add3A_1022 = arith.constant 12 : i32
            %add3A_1023 = arith.addi %mul3A_98, %add3A_1022 : i32
            %get3A_1024 = arith.index_cast %add3A_1023 : i32 to index
            %get3A_1025 = arith.constant 96 : index
            %get3A_1026 = tpu.vector_load %arg5[%get3A_1024, %get3A_1025] {strides = array<i32>} : memref<160x128xf32, #tpu.memory_space<vmem>>, vector<1x16xf32>,
            %get3A_1027 = vector.shape_cast %get3A_1026 : vector<1x16xf32> to vector<16xf32>
            %add3A_1028 = arith.constant 12 : i32
            %add3A_1029 = arith.addi %mul3A_98, %add3A_1028 : i32
            %add3A_1030 = arith.constant 1 : i32
            %add3A_1031 = arith.addi %add3A_1029, %add3A_1030 : i32
            %get3A_1032 = arith.index_cast %add3A_1031 : i32 to index
            %get3A_1033 = arith.constant 96 : index
            %get3A_1034 = tpu.vector_load %arg5[%get3A_1032, %get3A_1033] {strides = array<i32>} : memref<160x128xf32, #tpu.memory_space<vmem>>, vector<1x16xf32>,
            %get3A_1035 = vector.shape_cast %get3A_1034 : vector<1x16xf32> to vector<16xf32>
            %add3A_1036 = arith.addf %get3A_1027, %get3A_1035 : vector<16xf32>
            %add3A_1037 = arith.constant 12 : i32
            %add3A_1038 = arith.addi %mul3A_98, %add3A_1037 : i32
            %get3A_1039 = arith.index_cast %add3A_1038 : i32 to index
            %get3A_1040 = arith.constant 112 : index
            %get3A_1041 = tpu.vector_load %arg5[%get3A_1039, %get3A_1040] {strides = array<i32>} : memref<160x128xf32, #tpu.memory_space<vmem>>, vector<1x16xf32>,
            %get3A_1042 = vector.shape_cast %get3A_1041 : vector<1x16xf32> to vector<16xf32>
            %add3A_1043 = arith.constant 12 : i32
            %add3A_1044 = arith.addi %mul3A_98, %add3A_1043 : i32
            %add3A_1045 = arith.constant 1 : i32
            %add3A_1046 = arith.addi %add3A_1044, %add3A_1045 : i32
            %get3A_1047 = arith.index_cast %add3A_1046 : i32 to index
            %get3A_1048 = arith.constant 112 : index
            %get3A_1049 = tpu.vector_load %arg5[%get3A_1047, %get3A_1048] {strides = array<i32>} : memref<160x128xf32, #tpu.memory_space<vmem>>, vector<1x16xf32>,
            %get3A_1050 = vector.shape_cast %get3A_1049 : vector<1x16xf32> to vector<16xf32>
            %add3A_1051 = arith.addf %get3A_1042, %get3A_1050 : vector<16xf32>
            %add3A_1052 = arith.constant 14 : i32
            %add3A_1053 = arith.addi %mul3A_98, %add3A_1052 : i32
            %get3A_1054 = arith.index_cast %add3A_1053 : i32 to index
            %get3A_1055 = arith.constant 64 : index
            %get3A_1056 = tpu.vector_load %arg5[%get3A_1054, %get3A_1055] {strides = array<i32>} : memref<160x128xf32, #tpu.memory_space<vmem>>, vector<1x16xf32>,
            %get3A_1057 = vector.shape_cast %get3A_1056 : vector<1x16xf32> to vector<16xf32>
            %add3A_1058 = arith.constant 14 : i32
            %add3A_1059 = arith.addi %mul3A_98, %add3A_1058 : i32
            %add3A_1060 = arith.constant 1 : i32
            %add3A_1061 = arith.addi %add3A_1059, %add3A_1060 : i32
            %get3A_1062 = arith.index_cast %add3A_1061 : i32 to index
            %get3A_1063 = arith.constant 64 : index
            %get3A_1064 = tpu.vector_load %arg5[%get3A_1062, %get3A_1063] {strides = array<i32>} : memref<160x128xf32, #tpu.memory_space<vmem>>, vector<1x16xf32>,
            %get3A_1065 = vector.shape_cast %get3A_1064 : vector<1x16xf32> to vector<16xf32>
            %add3A_1066 = arith.addf %get3A_1057, %get3A_1065 : vector<16xf32>
            %add3A_1067 = arith.constant 14 : i32
            %add3A_1068 = arith.addi %mul3A_98, %add3A_1067 : i32
            %get3A_1069 = arith.index_cast %add3A_1068 : i32 to index
            %get3A_1070 = arith.constant 80 : index
            %get3A_1071 = tpu.vector_load %arg5[%get3A_1069, %get3A_1070] {strides = array<i32>} : memref<160x128xf32, #tpu.memory_space<vmem>>, vector<1x16xf32>,
            %get3A_1072 = vector.shape_cast %get3A_1071 : vector<1x16xf32> to vector<16xf32>
            %add3A_1073 = arith.constant 14 : i32
            %add3A_1074 = arith.addi %mul3A_98, %add3A_1073 : i32
            %add3A_1075 = arith.constant 1 : i32
            %add3A_1076 = arith.addi %add3A_1074, %add3A_1075 : i32
            %get3A_1077 = arith.index_cast %add3A_1076 : i32 to index
            %get3A_1078 = arith.constant 80 : index
            %get3A_1079 = tpu.vector_load %arg5[%get3A_1077, %get3A_1078] {strides = array<i32>} : memref<160x128xf32, #tpu.memory_space<vmem>>, vector<1x16xf32>,
            %get3A_1080 = vector.shape_cast %get3A_1079 : vector<1x16xf32> to vector<16xf32>
            %add3A_1081 = arith.addf %get3A_1072, %get3A_1080 : vector<16xf32>
            %add3A_1082 = arith.constant 14 : i32
            %add3A_1083 = arith.addi %mul3A_98, %add3A_1082 : i32
            %get3A_1084 = arith.index_cast %add3A_1083 : i32 to index
            %get3A_1085 = arith.constant 96 : index
            %get3A_1086 = tpu.vector_load %arg5[%get3A_1084, %get3A_1085] {strides = array<i32>} : memref<160x128xf32, #tpu.memory_space<vmem>>, vector<1x16xf32>,
            %get3A_1087 = vector.shape_cast %get3A_1086 : vector<1x16xf32> to vector<16xf32>
            %add3A_1088 = arith.constant 14 : i32
            %add3A_1089 = arith.addi %mul3A_98, %add3A_1088 : i32
            %add3A_1090 = arith.constant 1 : i32
            %add3A_1091 = arith.addi %add3A_1089, %add3A_1090 : i32
            %get3A_1092 = arith.index_cast %add3A_1091 : i32 to index
            %get3A_1093 = arith.constant 96 : index
            %get3A_1094 = tpu.vector_load %arg5[%get3A_1092, %get3A_1093] {strides = array<i32>} : memref<160x128xf32, #tpu.memory_space<vmem>>, vector<1x16xf32>,
            %get3A_1095 = vector.shape_cast %get3A_1094 : vector<1x16xf32> to vector<16xf32>
            %add3A_1096 = arith.addf %get3A_1087, %get3A_1095 : vector<16xf32>
            %add3A_1097 = arith.constant 14 : i32
            %add3A_1098 = arith.addi %mul3A_98, %add3A_1097 : i32
            %get3A_1099 = arith.index_cast %add3A_1098 : i32 to index
            %get3A_1100 = arith.constant 112 : index
            %get3A_1101 = tpu.vector_load %arg5[%get3A_1099, %get3A_1100] {strides = array<i32>} : memref<160x128xf32, #tpu.memory_space<vmem>>, vector<1x16xf32>,
            %get3A_1102 = vector.shape_cast %get3A_1101 : vector<1x16xf32> to vector<16xf32>
            %add3A_1103 = arith.constant 14 : i32
            %add3A_1104 = arith.addi %mul3A_98, %add3A_1103 : i32
            %add3A_1105 = arith.constant 1 : i32
            %add3A_1106 = arith.addi %add3A_1104, %add3A_1105 : i32
            %get3A_1107 = arith.index_cast %add3A_1106 : i32 to index
            %get3A_1108 = arith.constant 112 : index
            %get3A_1109 = tpu.vector_load %arg5[%get3A_1107, %get3A_1108] {strides = array<i32>} : memref<160x128xf32, #tpu.memory_space<vmem>>, vector<1x16xf32>,
            %get3A_1110 = vector.shape_cast %get3A_1109 : vector<1x16xf32> to vector<16xf32>
            %add3A_1111 = arith.addf %get3A_1102, %get3A_1110 : vector<16xf32>
            %add3A_1112 = arith.addf %add3A_646, %add3A_706 : vector<16xf32>
            %add3A_1113 = arith.addf %add3A_766, %add3A_826 : vector<16xf32>
            %add3A_1114 = arith.addf %add3A_886, %add3A_946 : vector<16xf32>
            %add3A_1115 = arith.addf %add3A_1006, %add3A_1066 : vector<16xf32>
            %add3A_1116 = arith.addf %add3A_661, %add3A_721 : vector<16xf32>
            %add3A_1117 = arith.addf %add3A_781, %add3A_841 : vector<16xf32>
            %add3A_1118 = arith.addf %add3A_901, %add3A_961 : vector<16xf32>
            %add3A_1119 = arith.addf %add3A_1021, %add3A_1081 : vector<16xf32>
            %add3A_1120 = arith.addf %add3A_676, %add3A_736 : vector<16xf32>
            %add3A_1121 = arith.addf %add3A_796, %add3A_856 : vector<16xf32>
            %add3A_1122 = arith.addf %add3A_916, %add3A_976 : vector<16xf32>
            %add3A_1123 = arith.addf %add3A_1036, %add3A_1096 : vector<16xf32>
            %add3A_1124 = arith.addf %add3A_691, %add3A_751 : vector<16xf32>
            %add3A_1125 = arith.addf %add3A_811, %add3A_871 : vector<16xf32>
            %add3A_1126 = arith.addf %add3A_931, %add3A_991 : vector<16xf32>
            %add3A_1127 = arith.addf %add3A_1051, %add3A_1111 : vector<16xf32>
            %add3A_1128 = arith.addf %add3A_1112, %add3A_1113 : vector<16xf32>
            %add3A_1129 = arith.addf %add3A_1114, %add3A_1115 : vector<16xf32>
            %add3A_1130 = arith.addf %add3A_1116, %add3A_1117 : vector<16xf32>
            %add3A_1131 = arith.addf %add3A_1118, %add3A_1119 : vector<16xf32>
            %add3A_1132 = arith.addf %add3A_1120, %add3A_1121 : vector<16xf32>
            %add3A_1133 = arith.addf %add3A_1122, %add3A_1123 : vector<16xf32>
            %add3A_1134 = arith.addf %add3A_1124, %add3A_1125 : vector<16xf32>
            %add3A_1135 = arith.addf %add3A_1126, %add3A_1127 : vector<16xf32>
            %add3A_1136 = arith.addf %add3A_1128, %add3A_1129 : vector<16xf32>
            %add3A_1137 = arith.addf %add3A_1130, %add3A_1131 : vector<16xf32>
            %add3A_1138 = arith.addf %add3A_1132, %add3A_1133 : vector<16xf32>
            %add3A_1139 = arith.addf %add3A_1134, %add3A_1135 : vector<16xf32>
            %swap3A_1140 = arith.index_cast %squeeze3A : i32 to index
            %swap3A_1141 = arith.constant 64 : index
            %swap3A_1142 = tpu.vector_load %arg9[%swap3A_1140, %swap3A_1141] {strides = array<i32>} : memref<256x128xf32, #tpu.memory_space<vmem>>, vector<1x16xf32>,
            %swap3A_1143 = vector.shape_cast %swap3A_1142 : vector<1x16xf32> to vector<16xf32>
            %swap3A_1144 = vector.shape_cast %add3A_1136 : vector<16xf32> to vector<1x16xf32>
            tpu.vector_store %arg9[%swap3A_1140, %swap3A_1141], %swap3A_1144 {add = true, strides = array<i32>} : memref<256x128xf32, #tpu.memory_space<vmem>>, vector<1x16xf32>,
            %swap3A_1145 = arith.index_cast %squeeze3A : i32 to index
            %swap3A_1146 = arith.constant 80 : index
            %swap3A_1147 = tpu.vector_load %arg9[%swap3A_1145, %swap3A_1146] {strides = array<i32>} : memref<256x128xf32, #tpu.memory_space<vmem>>, vector<1x16xf32>,
            %swap3A_1148 = vector.shape_cast %swap3A_1147 : vector<1x16xf32> to vector<16xf32>
            %swap3A_1149 = vector.shape_cast %add3A_1137 : vector<16xf32> to vector<1x16xf32>
            tpu.vector_store %arg9[%swap3A_1145, %swap3A_1146], %swap3A_1149 {add = true, strides = array<i32>} : memref<256x128xf32, #tpu.memory_space<vmem>>, vector<1x16xf32>,
            %swap3A_1150 = arith.index_cast %squeeze3A : i32 to index
            %swap3A_1151 = arith.constant 96 : index
            %swap3A_1152 = tpu.vector_load %arg9[%swap3A_1150, %swap3A_1151] {strides = array<i32>} : memref<256x128xf32, #tpu.memory_space<vmem>>, vector<1x16xf32>,
            %swap3A_1153 = vector.shape_cast %swap3A_1152 : vector<1x16xf32> to vector<16xf32>
            %swap3A_1154 = vector.shape_cast %add3A_1138 : vector<16xf32> to vector<1x16xf32>
            tpu.vector_store %arg9[%swap3A_1150, %swap3A_1151], %swap3A_1154 {add = true, strides = array<i32>} : memref<256x128xf32, #tpu.memory_space<vmem>>, vector<1x16xf32>,
            %swap3A_1155 = arith.index_cast %squeeze3A : i32 to index
            %swap3A_1156 = arith.constant 112 : index
            %swap3A_1157 = tpu.vector_load %arg9[%swap3A_1155, %swap3A_1156] {strides = array<i32>} : memref<256x128xf32, #tpu.memory_space<vmem>>, vector<1x16xf32>,
            %swap3A_1158 = vector.shape_cast %swap3A_1157 : vector<1x16xf32> to vector<16xf32>
            %swap3A_1159 = vector.shape_cast %add3A_1139 : vector<16xf32> to vector<1x16xf32>
            tpu.vector_store %arg9[%swap3A_1155, %swap3A_1156], %swap3A_1159 {add = true, strides = array<i32>} : memref<256x128xf32, #tpu.memory_space<vmem>>, vector<1x16xf32>,
          } else {
            %slice3A_105 = vector.extract_strided_slice %get3A_96 {offsets = [0], sizes = [1], strides = [1]} : vector<16xi32> to vector<1xi32>
            %squeeze3A_106 = vector.extract %slice3A_105[0] : i32 from vector<1xi32>
            %add3A_107 = arith.constant 0 : i32
            %add3A_108 = arith.addi %mul3A_98, %add3A_107 : i32
            %get3A_109 = arith.index_cast %add3A_108 : i32 to index
            %get3A_110 = arith.constant 0 : index
            %get3A_111 = tpu.vector_load %arg5[%get3A_109, %get3A_110] {strides = array<i32>} : memref<160x128xf32, #tpu.memory_space<vmem>>, vector<1x16xf32>,
            %get3A_112 = vector.shape_cast %get3A_111 : vector<1x16xf32> to vector<16xf32>
            %add3A_113 = arith.constant 0 : i32
            %add3A_114 = arith.addi %mul3A_98, %add3A_113 : i32
            %get3A_115 = arith.index_cast %add3A_114 : i32 to index
            %get3A_116 = arith.constant 16 : index
            %get3A_117 = tpu.vector_load %arg5[%get3A_115, %get3A_116] {strides = array<i32>} : memref<160x128xf32, #tpu.memory_space<vmem>>, vector<1x16xf32>,
            %get3A_118 = vector.shape_cast %get3A_117 : vector<1x16xf32> to vector<16xf32>
            %add3A_119 = arith.constant 0 : i32
            %add3A_120 = arith.addi %mul3A_98, %add3A_119 : i32
            %get3A_121 = arith.index_cast %add3A_120 : i32 to index
            %get3A_122 = arith.constant 32 : index
            %get3A_123 = tpu.vector_load %arg5[%get3A_121, %get3A_122] {strides = array<i32>} : memref<160x128xf32, #tpu.memory_space<vmem>>, vector<1x16xf32>,
            %get3A_124 = vector.shape_cast %get3A_123 : vector<1x16xf32> to vector<16xf32>
            %add3A_125 = arith.constant 0 : i32
            %add3A_126 = arith.addi %mul3A_98, %add3A_125 : i32
            %get3A_127 = arith.index_cast %add3A_126 : i32 to index
            %get3A_128 = arith.constant 48 : index
            %get3A_129 = tpu.vector_load %arg5[%get3A_127, %get3A_128] {strides = array<i32>} : memref<160x128xf32, #tpu.memory_space<vmem>>, vector<1x16xf32>,
            %get3A_130 = vector.shape_cast %get3A_129 : vector<1x16xf32> to vector<16xf32>
            %add3A_131 = arith.constant 0 : i32
            %add3A_132 = arith.addi %mul3A_98, %add3A_131 : i32
            %get3A_133 = arith.index_cast %add3A_132 : i32 to index
            %get3A_134 = arith.constant 64 : index
            %get3A_135 = tpu.vector_load %arg5[%get3A_133, %get3A_134] {strides = array<i32>} : memref<160x128xf32, #tpu.memory_space<vmem>>, vector<1x16xf32>,
            %get3A_136 = vector.shape_cast %get3A_135 : vector<1x16xf32> to vector<16xf32>
            %add3A_137 = arith.constant 0 : i32
            %add3A_138 = arith.addi %mul3A_98, %add3A_137 : i32
            %get3A_139 = arith.index_cast %add3A_138 : i32 to index
            %get3A_140 = arith.constant 80 : index
            %get3A_141 = tpu.vector_load %arg5[%get3A_139, %get3A_140] {strides = array<i32>} : memref<160x128xf32, #tpu.memory_space<vmem>>, vector<1x16xf32>,
            %get3A_142 = vector.shape_cast %get3A_141 : vector<1x16xf32> to vector<16xf32>
            %add3A_143 = arith.constant 0 : i32
            %add3A_144 = arith.addi %mul3A_98, %add3A_143 : i32
            %get3A_145 = arith.index_cast %add3A_144 : i32 to index
            %get3A_146 = arith.constant 96 : index
            %get3A_147 = tpu.vector_load %arg5[%get3A_145, %get3A_146] {strides = array<i32>} : memref<160x128xf32, #tpu.memory_space<vmem>>, vector<1x16xf32>,
            %get3A_148 = vector.shape_cast %get3A_147 : vector<1x16xf32> to vector<16xf32>
            %add3A_149 = arith.constant 0 : i32
            %add3A_150 = arith.addi %mul3A_98, %add3A_149 : i32
            %get3A_151 = arith.index_cast %add3A_150 : i32 to index
            %get3A_152 = arith.constant 112 : index
            %get3A_153 = tpu.vector_load %arg5[%get3A_151, %get3A_152] {strides = array<i32>} : memref<160x128xf32, #tpu.memory_space<vmem>>, vector<1x16xf32>,
            %get3A_154 = vector.shape_cast %get3A_153 : vector<1x16xf32> to vector<16xf32>
            %swap3A = arith.index_cast %squeeze3A_106 : i32 to index
            %swap3A_155 = arith.constant 0 : index
            %swap3A_156 = tpu.vector_load %arg9[%swap3A, %swap3A_155] {strides = array<i32>} : memref<256x128xf32, #tpu.memory_space<vmem>>, vector<1x16xf32>,
            %swap3A_157 = vector.shape_cast %swap3A_156 : vector<1x16xf32> to vector<16xf32>
            %swap3A_158 = vector.shape_cast %get3A_112 : vector<16xf32> to vector<1x16xf32>
            tpu.vector_store %arg9[%swap3A, %swap3A_155], %swap3A_158 {add = true, strides = array<i32>} : memref<256x128xf32, #tpu.memory_space<vmem>>, vector<1x16xf32>,
            %swap3A_159 = arith.index_cast %squeeze3A_106 : i32 to index
            %swap3A_160 = arith.constant 16 : index
            %swap3A_161 = tpu.vector_load %arg9[%swap3A_159, %swap3A_160] {strides = array<i32>} : memref<256x128xf32, #tpu.memory_space<vmem>>, vector<1x16xf32>,
            %swap3A_162 = vector.shape_cast %swap3A_161 : vector<1x16xf32> to vector<16xf32>
            %swap3A_163 = vector.shape_cast %get3A_118 : vector<16xf32> to vector<1x16xf32>
            tpu.vector_store %arg9[%swap3A_159, %swap3A_160], %swap3A_163 {add = true, strides = array<i32>} : memref<256x128xf32, #tpu.memory_space<vmem>>, vector<1x16xf32>,
            %swap3A_164 = arith.index_cast %squeeze3A_106 : i32 to index
            %swap3A_165 = arith.constant 32 : index
            %swap3A_166 = tpu.vector_load %arg9[%swap3A_164, %swap3A_165] {strides = array<i32>} : memref<256x128xf32, #tpu.memory_space<vmem>>, vector<1x16xf32>,
            %swap3A_167 = vector.shape_cast %swap3A_166 : vector<1x16xf32> to vector<16xf32>
            %swap3A_168 = vector.shape_cast %get3A_124 : vector<16xf32> to vector<1x16xf32>
            tpu.vector_store %arg9[%swap3A_164, %swap3A_165], %swap3A_168 {add = true, strides = array<i32>} : memref<256x128xf32, #tpu.memory_space<vmem>>, vector<1x16xf32>,
            %swap3A_169 = arith.index_cast %squeeze3A_106 : i32 to index
            %swap3A_170 = arith.constant 48 : index
            %swap3A_171 = tpu.vector_load %arg9[%swap3A_169, %swap3A_170] {strides = array<i32>} : memref<256x128xf32, #tpu.memory_space<vmem>>, vector<1x16xf32>,
            %swap3A_172 = vector.shape_cast %swap3A_171 : vector<1x16xf32> to vector<16xf32>
            %swap3A_173 = vector.shape_cast %get3A_130 : vector<16xf32> to vector<1x16xf32>
            tpu.vector_store %arg9[%swap3A_169, %swap3A_170], %swap3A_173 {add = true, strides = array<i32>} : memref<256x128xf32, #tpu.memory_space<vmem>>, vector<1x16xf32>,
            %swap3A_174 = arith.index_cast %squeeze3A_106 : i32 to index
            %swap3A_175 = arith.constant 64 : index
            %swap3A_176 = tpu.vector_load %arg9[%swap3A_174, %swap3A_175] {strides = array<i32>} : memref<256x128xf32, #tpu.memory_space<vmem>>, vector<1x16xf32>,
            %swap3A_177 = vector.shape_cast %swap3A_176 : vector<1x16xf32> to vector<16xf32>
            %swap3A_178 = vector.shape_cast %get3A_136 : vector<16xf32> to vector<1x16xf32>
            tpu.vector_store %arg9[%swap3A_174, %swap3A_175], %swap3A_178 {add = true, strides = array<i32>} : memref<256x128xf32, #tpu.memory_space<vmem>>, vector<1x16xf32>,
            %swap3A_179 = arith.index_cast %squeeze3A_106 : i32 to index
            %swap3A_180 = arith.constant 80 : index
            %swap3A_181 = tpu.vector_load %arg9[%swap3A_179, %swap3A_180] {strides = array<i32>} : memref<256x128xf32, #tpu.memory_space<vmem>>, vector<1x16xf32>,
            %swap3A_182 = vector.shape_cast %swap3A_181 : vector<1x16xf32> to vector<16xf32>
            %swap3A_183 = vector.shape_cast %get3A_142 : vector<16xf32> to vector<1x16xf32>
            tpu.vector_store %arg9[%swap3A_179, %swap3A_180], %swap3A_183 {add = true, strides = array<i32>} : memref<256x128xf32, #tpu.memory_space<vmem>>, vector<1x16xf32>,
            %swap3A_184 = arith.index_cast %squeeze3A_106 : i32 to index
            %swap3A_185 = arith.constant 96 : index
            %swap3A_186 = tpu.vector_load %arg9[%swap3A_184, %swap3A_185] {strides = array<i32>} : memref<256x128xf32, #tpu.memory_space<vmem>>, vector<1x16xf32>,
            %swap3A_187 = vector.shape_cast %swap3A_186 : vector<1x16xf32> to vector<16xf32>
            %swap3A_188 = vector.shape_cast %get3A_148 : vector<16xf32> to vector<1x16xf32>
            tpu.vector_store %arg9[%swap3A_184, %swap3A_185], %swap3A_188 {add = true, strides = array<i32>} : memref<256x128xf32, #tpu.memory_space<vmem>>, vector<1x16xf32>,
            %swap3A_189 = arith.index_cast %squeeze3A_106 : i32 to index
            %swap3A_190 = arith.constant 112 : index
            %swap3A_191 = tpu.vector_load %arg9[%swap3A_189, %swap3A_190] {strides = array<i32>} : memref<256x128xf32, #tpu.memory_space<vmem>>, vector<1x16xf32>,
            %swap3A_192 = vector.shape_cast %swap3A_191 : vector<1x16xf32> to vector<16xf32>
            %swap3A_193 = vector.shape_cast %get3A_154 : vector<16xf32> to vector<1x16xf32>
            tpu.vector_store %arg9[%swap3A_189, %swap3A_190], %swap3A_193 {add = true, strides = array<i32>} : memref<256x128xf32, #tpu.memory_space<vmem>>, vector<1x16xf32>,
            %slice3A_194 = vector.extract_strided_slice %get3A_96 {offsets = [1], sizes = [1], strides = [1]} : vector<16xi32> to vector<1xi32>
            %squeeze3A_195 = vector.extract %slice3A_194[0] : i32 from vector<1xi32>
            %add3A_196 = arith.constant 1 : i32
            %add3A_197 = arith.addi %mul3A_98, %add3A_196 : i32
            %get3A_198 = arith.index_cast %add3A_197 : i32 to index
            %get3A_199 = arith.constant 0 : index
            %get3A_200 = tpu.vector_load %arg5[%get3A_198, %get3A_199] {strides = array<i32>} : memref<160x128xf32, #tpu.memory_space<vmem>>, vector<1x16xf32>,
            %get3A_201 = vector.shape_cast %get3A_200 : vector<1x16xf32> to vector<16xf32>
            %add3A_202 = arith.constant 1 : i32
            %add3A_203 = arith.addi %mul3A_98, %add3A_202 : i32
            %get3A_204 = arith.index_cast %add3A_203 : i32 to index
            %get3A_205 = arith.constant 16 : index
            %get3A_206 = tpu.vector_load %arg5[%get3A_204, %get3A_205] {strides = array<i32>} : memref<160x128xf32, #tpu.memory_space<vmem>>, vector<1x16xf32>,
            %get3A_207 = vector.shape_cast %get3A_206 : vector<1x16xf32> to vector<16xf32>
            %add3A_208 = arith.constant 1 : i32
            %add3A_209 = arith.addi %mul3A_98, %add3A_208 : i32
            %get3A_210 = arith.index_cast %add3A_209 : i32 to index
            %get3A_211 = arith.constant 32 : index
            %get3A_212 = tpu.vector_load %arg5[%get3A_210, %get3A_211] {strides = array<i32>} : memref<160x128xf32, #tpu.memory_space<vmem>>, vector<1x16xf32>,
            %get3A_213 = vector.shape_cast %get3A_212 : vector<1x16xf32> to vector<16xf32>
            %add3A_214 = arith.constant 1 : i32
            %add3A_215 = arith.addi %mul3A_98, %add3A_214 : i32
            %get3A_216 = arith.index_cast %add3A_215 : i32 to index
            %get3A_217 = arith.constant 48 : index
            %get3A_218 = tpu.vector_load %arg5[%get3A_216, %get3A_217] {strides = array<i32>} : memref<160x128xf32, #tpu.memory_space<vmem>>, vector<1x16xf32>,
            %get3A_219 = vector.shape_cast %get3A_218 : vector<1x16xf32> to vector<16xf32>
            %add3A_220 = arith.constant 1 : i32
            %add3A_221 = arith.addi %mul3A_98, %add3A_220 : i32
            %get3A_222 = arith.index_cast %add3A_221 : i32 to index
            %get3A_223 = arith.constant 64 : index
            %get3A_224 = tpu.vector_load %arg5[%get3A_222, %get3A_223] {strides = array<i32>} : memref<160x128xf32, #tpu.memory_space<vmem>>, vector<1x16xf32>,
            %get3A_225 = vector.shape_cast %get3A_224 : vector<1x16xf32> to vector<16xf32>
            %add3A_226 = arith.constant 1 : i32
            %add3A_227 = arith.addi %mul3A_98, %add3A_226 : i32
            %get3A_228 = arith.index_cast %add3A_227 : i32 to index
            %get3A_229 = arith.constant 80 : index
            %get3A_230 = tpu.vector_load %arg5[%get3A_228, %get3A_229] {strides = array<i32>} : memref<160x128xf32, #tpu.memory_space<vmem>>, vector<1x16xf32>,
            %get3A_231 = vector.shape_cast %get3A_230 : vector<1x16xf32> to vector<16xf32>
            %add3A_232 = arith.constant 1 : i32
            %add3A_233 = arith.addi %mul3A_98, %add3A_232 : i32
            %get3A_234 = arith.index_cast %add3A_233 : i32 to index
            %get3A_235 = arith.constant 96 : index
            %get3A_236 = tpu.vector_load %arg5[%get3A_234, %get3A_235] {strides = array<i32>} : memref<160x128xf32, #tpu.memory_space<vmem>>, vector<1x16xf32>,
            %get3A_237 = vector.shape_cast %get3A_236 : vector<1x16xf32> to vector<16xf32>
            %add3A_238 = arith.constant 1 : i32
            %add3A_239 = arith.addi %mul3A_98, %add3A_238 : i32
            %get3A_240 = arith.index_cast %add3A_239 : i32 to index
            %get3A_241 = arith.constant 112 : index
            %get3A_242 = tpu.vector_load %arg5[%get3A_240, %get3A_241] {strides = array<i32>} : memref<160x128xf32, #tpu.memory_space<vmem>>, vector<1x16xf32>,
            %get3A_243 = vector.shape_cast %get3A_242 : vector<1x16xf32> to vector<16xf32>
            %swap3A_244 = arith.index_cast %squeeze3A_195 : i32 to index
            %swap3A_245 = arith.constant 0 : index
            %swap3A_246 = tpu.vector_load %arg9[%swap3A_244, %swap3A_245] {strides = array<i32>} : memref<256x128xf32, #tpu.memory_space<vmem>>, vector<1x16xf32>,
            %swap3A_247 = vector.shape_cast %swap3A_246 : vector<1x16xf32> to vector<16xf32>
            %swap3A_248 = vector.shape_cast %get3A_201 : vector<16xf32> to vector<1x16xf32>
            tpu.vector_store %arg9[%swap3A_244, %swap3A_245], %swap3A_248 {add = true, strides = array<i32>} : memref<256x128xf32, #tpu.memory_space<vmem>>, vector<1x16xf32>,
            %swap3A_249 = arith.index_cast %squeeze3A_195 : i32 to index
            %swap3A_250 = arith.constant 16 : index
            %swap3A_251 = tpu.vector_load %arg9[%swap3A_249, %swap3A_250] {strides = array<i32>} : memref<256x128xf32, #tpu.memory_space<vmem>>, vector<1x16xf32>,
            %swap3A_252 = vector.shape_cast %swap3A_251 : vector<1x16xf32> to vector<16xf32>
            %swap3A_253 = vector.shape_cast %get3A_207 : vector<16xf32> to vector<1x16xf32>
            tpu.vector_store %arg9[%swap3A_249, %swap3A_250], %swap3A_253 {add = true, strides = array<i32>} : memref<256x128xf32, #tpu.memory_space<vmem>>, vector<1x16xf32>,
            %swap3A_254 = arith.index_cast %squeeze3A_195 : i32 to index
            %swap3A_255 = arith.constant 32 : index
            %swap3A_256 = tpu.vector_load %arg9[%swap3A_254, %swap3A_255] {strides = array<i32>} : memref<256x128xf32, #tpu.memory_space<vmem>>, vector<1x16xf32>,
            %swap3A_257 = vector.shape_cast %swap3A_256 : vector<1x16xf32> to vector<16xf32>
            %swap3A_258 = vector.shape_cast %get3A_213 : vector<16xf32> to vector<1x16xf32>
            tpu.vector_store %arg9[%swap3A_254, %swap3A_255], %swap3A_258 {add = true, strides = array<i32>} : memref<256x128xf32, #tpu.memory_space<vmem>>, vector<1x16xf32>,
            %swap3A_259 = arith.index_cast %squeeze3A_195 : i32 to index
            %swap3A_260 = arith.constant 48 : index
            %swap3A_261 = tpu.vector_load %arg9[%swap3A_259, %swap3A_260] {strides = array<i32>} : memref<256x128xf32, #tpu.memory_space<vmem>>, vector<1x16xf32>,
            %swap3A_262 = vector.shape_cast %swap3A_261 : vector<1x16xf32> to vector<16xf32>
            %swap3A_263 = vector.shape_cast %get3A_219 : vector<16xf32> to vector<1x16xf32>
            tpu.vector_store %arg9[%swap3A_259, %swap3A_260], %swap3A_263 {add = true, strides = array<i32>} : memref<256x128xf32, #tpu.memory_space<vmem>>, vector<1x16xf32>,
            %swap3A_264 = arith.index_cast %squeeze3A_195 : i32 to index
            %swap3A_265 = arith.constant 64 : index
            %swap3A_266 = tpu.vector_load %arg9[%swap3A_264, %swap3A_265] {strides = array<i32>} : memref<256x128xf32, #tpu.memory_space<vmem>>, vector<1x16xf32>,
            %swap3A_267 = vector.shape_cast %swap3A_266 : vector<1x16xf32> to vector<16xf32>
            %swap3A_268 = vector.shape_cast %get3A_225 : vector<16xf32> to vector<1x16xf32>
            tpu.vector_store %arg9[%swap3A_264, %swap3A_265], %swap3A_268 {add = true, strides = array<i32>} : memref<256x128xf32, #tpu.memory_space<vmem>>, vector<1x16xf32>,
            %swap3A_269 = arith.index_cast %squeeze3A_195 : i32 to index
            %swap3A_270 = arith.constant 80 : index
            %swap3A_271 = tpu.vector_load %arg9[%swap3A_269, %swap3A_270] {strides = array<i32>} : memref<256x128xf32, #tpu.memory_space<vmem>>, vector<1x16xf32>,
            %swap3A_272 = vector.shape_cast %swap3A_271 : vector<1x16xf32> to vector<16xf32>
            %swap3A_273 = vector.shape_cast %get3A_231 : vector<16xf32> to vector<1x16xf32>
            tpu.vector_store %arg9[%swap3A_269, %swap3A_270], %swap3A_273 {add = true, strides = array<i32>} : memref<256x128xf32, #tpu.memory_space<vmem>>, vector<1x16xf32>,
            %swap3A_274 = arith.index_cast %squeeze3A_195 : i32 to index
            %swap3A_275 = arith.constant 96 : index
            %swap3A_276 = tpu.vector_load %arg9[%swap3A_274, %swap3A_275] {strides = array<i32>} : memref<256x128xf32, #tpu.memory_space<vmem>>, vector<1x16xf32>,
            %swap3A_277 = vector.shape_cast %swap3A_276 : vector<1x16xf32> to vector<16xf32>
            %swap3A_278 = vector.shape_cast %get3A_237 : vector<16xf32> to vector<1x16xf32>
            tpu.vector_store %arg9[%swap3A_274, %swap3A_275], %swap3A_278 {add = true, strides = array<i32>} : memref<256x128xf32, #tpu.memory_space<vmem>>, vector<1x16xf32>,
            %swap3A_279 = arith.index_cast %squeeze3A_195 : i32 to index
            %swap3A_280 = arith.constant 112 : index
            %swap3A_281 = tpu.vector_load %arg9[%swap3A_279, %swap3A_280] {strides = array<i32>} : memref<256x128xf32, #tpu.memory_space<vmem>>, vector<1x16xf32>,
            %swap3A_282 = vector.shape_cast %swap3A_281 : vector<1x16xf32> to vector<16xf32>
            %swap3A_283 = vector.shape_cast %get3A_243 : vector<16xf32> to vector<1x16xf32>
            tpu.vector_store %arg9[%swap3A_279, %swap3A_280], %swap3A_283 {add = true, strides = array<i32>} : memref<256x128xf32, #tpu.memory_space<vmem>>, vector<1x16xf32>,
            %slice3A_284 = vector.extract_strided_slice %get3A_96 {offsets = [2], sizes = [1], strides = [1]} : vector<16xi32> to vector<1xi32>
            %squeeze3A_285 = vector.extract %slice3A_284[0] : i32 from vector<1xi32>
            %add3A_286 = arith.constant 2 : i32
            %add3A_287 = arith.addi %mul3A_98, %add3A_286 : i32
            %get3A_288 = arith.index_cast %add3A_287 : i32 to index
            %get3A_289 = arith.constant 0 : index
            %get3A_290 = tpu.vector_load %arg5[%get3A_288, %get3A_289] {strides = array<i32>} : memref<160x128xf32, #tpu.memory_space<vmem>>, vector<1x16xf32>,
            %get3A_291 = vector.shape_cast %get3A_290 : vector<1x16xf32> to vector<16xf32>
            %add3A_292 = arith.constant 2 : i32
            %add3A_293 = arith.addi %mul3A_98, %add3A_292 : i32
            %get3A_294 = arith.index_cast %add3A_293 : i32 to index
            %get3A_295 = arith.constant 16 : index
            %get3A_296 = tpu.vector_load %arg5[%get3A_294, %get3A_295] {strides = array<i32>} : memref<160x128xf32, #tpu.memory_space<vmem>>, vector<1x16xf32>,
            %get3A_297 = vector.shape_cast %get3A_296 : vector<1x16xf32> to vector<16xf32>
            %add3A_298 = arith.constant 2 : i32
            %add3A_299 = arith.addi %mul3A_98, %add3A_298 : i32
            %get3A_300 = arith.index_cast %add3A_299 : i32 to index
            %get3A_301 = arith.constant 32 : index
            %get3A_302 = tpu.vector_load %arg5[%get3A_300, %get3A_301] {strides = array<i32>} : memref<160x128xf32, #tpu.memory_space<vmem>>, vector<1x16xf32>,
            %get3A_303 = vector.shape_cast %get3A_302 : vector<1x16xf32> to vector<16xf32>
            %add3A_304 = arith.constant 2 : i32
            %add3A_305 = arith.addi %mul3A_98, %add3A_304 : i32
            %get3A_306 = arith.index_cast %add3A_305 : i32 to index
            %get3A_307 = arith.constant 48 : index
            %get3A_308 = tpu.vector_load %arg5[%get3A_306, %get3A_307] {strides = array<i32>} : memref<160x128xf32, #tpu.memory_space<vmem>>, vector<1x16xf32>,
            %get3A_309 = vector.shape_cast %get3A_308 : vector<1x16xf32> to vector<16xf32>
            %add3A_310 = arith.constant 2 : i32
            %add3A_311 = arith.addi %mul3A_98, %add3A_310 : i32
            %get3A_312 = arith.index_cast %add3A_311 : i32 to index
            %get3A_313 = arith.constant 64 : index
            %get3A_314 = tpu.vector_load %arg5[%get3A_312, %get3A_313] {strides = array<i32>} : memref<160x128xf32, #tpu.memory_space<vmem>>, vector<1x16xf32>,
            %get3A_315 = vector.shape_cast %get3A_314 : vector<1x16xf32> to vector<16xf32>
            %add3A_316 = arith.constant 2 : i32
            %add3A_317 = arith.addi %mul3A_98, %add3A_316 : i32
            %get3A_318 = arith.index_cast %add3A_317 : i32 to index
            %get3A_319 = arith.constant 80 : index
            %get3A_320 = tpu.vector_load %arg5[%get3A_318, %get3A_319] {strides = array<i32>} : memref<160x128xf32, #tpu.memory_space<vmem>>, vector<1x16xf32>,
            %get3A_321 = vector.shape_cast %get3A_320 : vector<1x16xf32> to vector<16xf32>
            %add3A_322 = arith.constant 2 : i32
            %add3A_323 = arith.addi %mul3A_98, %add3A_322 : i32
            %get3A_324 = arith.index_cast %add3A_323 : i32 to index
            %get3A_325 = arith.constant 96 : index
            %get3A_326 = tpu.vector_load %arg5[%get3A_324, %get3A_325] {strides = array<i32>} : memref<160x128xf32, #tpu.memory_space<vmem>>, vector<1x16xf32>,
            %get3A_327 = vector.shape_cast %get3A_326 : vector<1x16xf32> to vector<16xf32>
            %add3A_328 = arith.constant 2 : i32
            %add3A_329 = arith.addi %mul3A_98, %add3A_328 : i32
            %get3A_330 = arith.index_cast %add3A_329 : i32 to index
            %get3A_331 = arith.constant 112 : index
            %get3A_332 = tpu.vector_load %arg5[%get3A_330, %get3A_331] {strides = array<i32>} : memref<160x128xf32, #tpu.memory_space<vmem>>, vector<1x16xf32>,
            %get3A_333 = vector.shape_cast %get3A_332 : vector<1x16xf32> to vector<16xf32>
            %swap3A_334 = arith.index_cast %squeeze3A_285 : i32 to index
            %swap3A_335 = arith.constant 0 : index
            %swap3A_336 = tpu.vector_load %arg9[%swap3A_334, %swap3A_335] {strides = array<i32>} : memref<256x128xf32, #tpu.memory_space<vmem>>, vector<1x16xf32>,
            %swap3A_337 = vector.shape_cast %swap3A_336 : vector<1x16xf32> to vector<16xf32>
            %swap3A_338 = vector.shape_cast %get3A_291 : vector<16xf32> to vector<1x16xf32>
            tpu.vector_store %arg9[%swap3A_334, %swap3A_335], %swap3A_338 {add = true, strides = array<i32>} : memref<256x128xf32, #tpu.memory_space<vmem>>, vector<1x16xf32>,
            %swap3A_339 = arith.index_cast %squeeze3A_285 : i32 to index
            %swap3A_340 = arith.constant 16 : index
            %swap3A_341 = tpu.vector_load %arg9[%swap3A_339, %swap3A_340] {strides = array<i32>} : memref<256x128xf32, #tpu.memory_space<vmem>>, vector<1x16xf32>,
            %swap3A_342 = vector.shape_cast %swap3A_341 : vector<1x16xf32> to vector<16xf32>
            %swap3A_343 = vector.shape_cast %get3A_297 : vector<16xf32> to vector<1x16xf32>
            tpu.vector_store %arg9[%swap3A_339, %swap3A_340], %swap3A_343 {add = true, strides = array<i32>} : memref<256x128xf32, #tpu.memory_space<vmem>>, vector<1x16xf32>,
            %swap3A_344 = arith.index_cast %squeeze3A_285 : i32 to index
            %swap3A_345 = arith.constant 32 : index
            %swap3A_346 = tpu.vector_load %arg9[%swap3A_344, %swap3A_345] {strides = array<i32>} : memref<256x128xf32, #tpu.memory_space<vmem>>, vector<1x16xf32>,
            %swap3A_347 = vector.shape_cast %swap3A_346 : vector<1x16xf32> to vector<16xf32>
            %swap3A_348 = vector.shape_cast %get3A_303 : vector<16xf32> to vector<1x16xf32>
            tpu.vector_store %arg9[%swap3A_344, %swap3A_345], %swap3A_348 {add = true, strides = array<i32>} : memref<256x128xf32, #tpu.memory_space<vmem>>, vector<1x16xf32>,
            %swap3A_349 = arith.index_cast %squeeze3A_285 : i32 to index
            %swap3A_350 = arith.constant 48 : index
            %swap3A_351 = tpu.vector_load %arg9[%swap3A_349, %swap3A_350] {strides = array<i32>} : memref<256x128xf32, #tpu.memory_space<vmem>>, vector<1x16xf32>,
            %swap3A_352 = vector.shape_cast %swap3A_351 : vector<1x16xf32> to vector<16xf32>
            %swap3A_353 = vector.shape_cast %get3A_309 : vector<16xf32> to vector<1x16xf32>
            tpu.vector_store %arg9[%swap3A_349, %swap3A_350], %swap3A_353 {add = true, strides = array<i32>} : memref<256x128xf32, #tpu.memory_space<vmem>>, vector<1x16xf32>,
            %swap3A_354 = arith.index_cast %squeeze3A_285 : i32 to index
            %swap3A_355 = arith.constant 64 : index
            %swap3A_356 = tpu.vector_load %arg9[%swap3A_354, %swap3A_355] {strides = array<i32>} : memref<256x128xf32, #tpu.memory_space<vmem>>, vector<1x16xf32>,
            %swap3A_357 = vector.shape_cast %swap3A_356 : vector<1x16xf32> to vector<16xf32>
            %swap3A_358 = vector.shape_cast %get3A_315 : vector<16xf32> to vector<1x16xf32>
            tpu.vector_store %arg9[%swap3A_354, %swap3A_355], %swap3A_358 {add = true, strides = array<i32>} : memref<256x128xf32, #tpu.memory_space<vmem>>, vector<1x16xf32>,
            %swap3A_359 = arith.index_cast %squeeze3A_285 : i32 to index
            %swap3A_360 = arith.constant 80 : index
            %swap3A_361 = tpu.vector_load %arg9[%swap3A_359, %swap3A_360] {strides = array<i32>} : memref<256x128xf32, #tpu.memory_space<vmem>>, vector<1x16xf32>,
            %swap3A_362 = vector.shape_cast %swap3A_361 : vector<1x16xf32> to vector<16xf32>
            %swap3A_363 = vector.shape_cast %get3A_321 : vector<16xf32> to vector<1x16xf32>
            tpu.vector_store %arg9[%swap3A_359, %swap3A_360], %swap3A_363 {add = true, strides = array<i32>} : memref<256x128xf32, #tpu.memory_space<vmem>>, vector<1x16xf32>,
            %swap3A_364 = arith.index_cast %squeeze3A_285 : i32 to index
            %swap3A_365 = arith.constant 96 : index
            %swap3A_366 = tpu.vector_load %arg9[%swap3A_364, %swap3A_365] {strides = array<i32>} : memref<256x128xf32, #tpu.memory_space<vmem>>, vector<1x16xf32>,
            %swap3A_367 = vector.shape_cast %swap3A_366 : vector<1x16xf32> to vector<16xf32>
            %swap3A_368 = vector.shape_cast %get3A_327 : vector<16xf32> to vector<1x16xf32>
            tpu.vector_store %arg9[%swap3A_364, %swap3A_365], %swap3A_368 {add = true, strides = array<i32>} : memref<256x128xf32, #tpu.memory_space<vmem>>, vector<1x16xf32>,
            %swap3A_369 = arith.index_cast %squeeze3A_285 : i32 to index
            %swap3A_370 = arith.constant 112 : index
            %swap3A_371 = tpu.vector_load %arg9[%swap3A_369, %swap3A_370] {strides = array<i32>} : memref<256x128xf32, #tpu.memory_space<vmem>>, vector<1x16xf32>,
            %swap3A_372 = vector.shape_cast %swap3A_371 : vector<1x16xf32> to vector<16xf32>
            %swap3A_373 = vector.shape_cast %get3A_333 : vector<16xf32> to vector<1x16xf32>
            tpu.vector_store %arg9[%swap3A_369, %swap3A_370], %swap3A_373 {add = true, strides = array<i32>} : memref<256x128xf32, #tpu.memory_space<vmem>>, vector<1x16xf32>,
            %slice3A_374 = vector.extract_strided_slice %get3A_96 {offsets = [3], sizes = [1], strides = [1]} : vector<16xi32> to vector<1xi32>
            %squeeze3A_375 = vector.extract %slice3A_374[0] : i32 from vector<1xi32>
            %add3A_376 = arith.constant 3 : i32
            %add3A_377 = arith.addi %mul3A_98, %add3A_376 : i32
            %get3A_378 = arith.index_cast %add3A_377 : i32 to index
            %get3A_379 = arith.constant 0 : index
            %get3A_380 = tpu.vector_load %arg5[%get3A_378, %get3A_379] {strides = array<i32>} : memref<160x128xf32, #tpu.memory_space<vmem>>, vector<1x16xf32>,
            %get3A_381 = vector.shape_cast %get3A_380 : vector<1x16xf32> to vector<16xf32>
            %add3A_382 = arith.constant 3 : i32
            %add3A_383 = arith.addi %mul3A_98, %add3A_382 : i32
            %get3A_384 = arith.index_cast %add3A_383 : i32 to index
            %get3A_385 = arith.constant 16 : index
            %get3A_386 = tpu.vector_load %arg5[%get3A_384, %get3A_385] {strides = array<i32>} : memref<160x128xf32, #tpu.memory_space<vmem>>, vector<1x16xf32>,
            %get3A_387 = vector.shape_cast %get3A_386 : vector<1x16xf32> to vector<16xf32>
            %add3A_388 = arith.constant 3 : i32
            %add3A_389 = arith.addi %mul3A_98, %add3A_388 : i32
            %get3A_390 = arith.index_cast %add3A_389 : i32 to index
            %get3A_391 = arith.constant 32 : index
            %get3A_392 = tpu.vector_load %arg5[%get3A_390, %get3A_391] {strides = array<i32>} : memref<160x128xf32, #tpu.memory_space<vmem>>, vector<1x16xf32>,
            %get3A_393 = vector.shape_cast %get3A_392 : vector<1x16xf32> to vector<16xf32>
            %add3A_394 = arith.constant 3 : i32
            %add3A_395 = arith.addi %mul3A_98, %add3A_394 : i32
            %get3A_396 = arith.index_cast %add3A_395 : i32 to index
            %get3A_397 = arith.constant 48 : index
            %get3A_398 = tpu.vector_load %arg5[%get3A_396, %get3A_397] {strides = array<i32>} : memref<160x128xf32, #tpu.memory_space<vmem>>, vector<1x16xf32>,
            %get3A_399 = vector.shape_cast %get3A_398 : vector<1x16xf32> to vector<16xf32>
            %add3A_400 = arith.constant 3 : i32
            %add3A_401 = arith.addi %mul3A_98, %add3A_400 : i32
            %get3A_402 = arith.index_cast %add3A_401 : i32 to index
            %get3A_403 = arith.constant 64 : index
            %get3A_404 = tpu.vector_load %arg5[%get3A_402, %get3A_403] {strides = array<i32>} : memref<160x128xf32, #tpu.memory_space<vmem>>, vector<1x16xf32>,
            %get3A_405 = vector.shape_cast %get3A_404 : vector<1x16xf32> to vector<16xf32>
            %add3A_406 = arith.constant 3 : i32
            %add3A_407 = arith.addi %mul3A_98, %add3A_406 : i32
            %get3A_408 = arith.index_cast %add3A_407 : i32 to index
            %get3A_409 = arith.constant 80 : index
            %get3A_410 = tpu.vector_load %arg5[%get3A_408, %get3A_409] {strides = array<i32>} : memref<160x128xf32, #tpu.memory_space<vmem>>, vector<1x16xf32>,
            %get3A_411 = vector.shape_cast %get3A_410 : vector<1x16xf32> to vector<16xf32>
            %add3A_412 = arith.constant 3 : i32
            %add3A_413 = arith.addi %mul3A_98, %add3A_412 : i32
            %get3A_414 = arith.index_cast %add3A_413 : i32 to index
            %get3A_415 = arith.constant 96 : index
            %get3A_416 = tpu.vector_load %arg5[%get3A_414, %get3A_415] {strides = array<i32>} : memref<160x128xf32, #tpu.memory_space<vmem>>, vector<1x16xf32>,
            %get3A_417 = vector.shape_cast %get3A_416 : vector<1x16xf32> to vector<16xf32>
            %add3A_418 = arith.constant 3 : i32
            %add3A_419 = arith.addi %mul3A_98, %add3A_418 : i32
            %get3A_420 = arith.index_cast %add3A_419 : i32 to index
            %get3A_421 = arith.constant 112 : index
            %get3A_422 = tpu.vector_load %arg5[%get3A_420, %get3A_421] {strides = array<i32>} : memref<160x128xf32, #tpu.memory_space<vmem>>, vector<1x16xf32>,
            %get3A_423 = vector.shape_cast %get3A_422 : vector<1x16xf32> to vector<16xf32>
            %swap3A_424 = arith.index_cast %squeeze3A_375 : i32 to index
            %swap3A_425 = arith.constant 0 : index
            %swap3A_426 = tpu.vector_load %arg9[%swap3A_424, %swap3A_425] {strides = array<i32>} : memref<256x128xf32, #tpu.memory_space<vmem>>, vector<1x16xf32>,
            %swap3A_427 = vector.shape_cast %swap3A_426 : vector<1x16xf32> to vector<16xf32>
            %swap3A_428 = vector.shape_cast %get3A_381 : vector<16xf32> to vector<1x16xf32>
            tpu.vector_store %arg9[%swap3A_424, %swap3A_425], %swap3A_428 {add = true, strides = array<i32>} : memref<256x128xf32, #tpu.memory_space<vmem>>, vector<1x16xf32>,
            %swap3A_429 = arith.index_cast %squeeze3A_375 : i32 to index
            %swap3A_430 = arith.constant 16 : index
            %swap3A_431 = tpu.vector_load %arg9[%swap3A_429, %swap3A_430] {strides = array<i32>} : memref<256x128xf32, #tpu.memory_space<vmem>>, vector<1x16xf32>,
            %swap3A_432 = vector.shape_cast %swap3A_431 : vector<1x16xf32> to vector<16xf32>
            %swap3A_433 = vector.shape_cast %get3A_387 : vector<16xf32> to vector<1x16xf32>
            tpu.vector_store %arg9[%swap3A_429, %swap3A_430], %swap3A_433 {add = true, strides = array<i32>} : memref<256x128xf32, #tpu.memory_space<vmem>>, vector<1x16xf32>,
            %swap3A_434 = arith.index_cast %squeeze3A_375 : i32 to index
            %swap3A_435 = arith.constant 32 : index
            %swap3A_436 = tpu.vector_load %arg9[%swap3A_434, %swap3A_435] {strides = array<i32>} : memref<256x128xf32, #tpu.memory_space<vmem>>, vector<1x16xf32>,
            %swap3A_437 = vector.shape_cast %swap3A_436 : vector<1x16xf32> to vector<16xf32>
            %swap3A_438 = vector.shape_cast %get3A_393 : vector<16xf32> to vector<1x16xf32>
            tpu.vector_store %arg9[%swap3A_434, %swap3A_435], %swap3A_438 {add = true, strides = array<i32>} : memref<256x128xf32, #tpu.memory_space<vmem>>, vector<1x16xf32>,
            %swap3A_439 = arith.index_cast %squeeze3A_375 : i32 to index
            %swap3A_440 = arith.constant 48 : index
            %swap3A_441 = tpu.vector_load %arg9[%swap3A_439, %swap3A_440] {strides = array<i32>} : memref<256x128xf32, #tpu.memory_space<vmem>>, vector<1x16xf32>,
            %swap3A_442 = vector.shape_cast %swap3A_441 : vector<1x16xf32> to vector<16xf32>
            %swap3A_443 = vector.shape_cast %get3A_399 : vector<16xf32> to vector<1x16xf32>
            tpu.vector_store %arg9[%swap3A_439, %swap3A_440], %swap3A_443 {add = true, strides = array<i32>} : memref<256x128xf32, #tpu.memory_space<vmem>>, vector<1x16xf32>,
            %swap3A_444 = arith.index_cast %squeeze3A_375 : i32 to index
            %swap3A_445 = arith.constant 64 : index
            %swap3A_446 = tpu.vector_load %arg9[%swap3A_444, %swap3A_445] {strides = array<i32>} : memref<256x128xf32, #tpu.memory_space<vmem>>, vector<1x16xf32>,
            %swap3A_447 = vector.shape_cast %swap3A_446 : vector<1x16xf32> to vector<16xf32>
            %swap3A_448 = vector.shape_cast %get3A_405 : vector<16xf32> to vector<1x16xf32>
            tpu.vector_store %arg9[%swap3A_444, %swap3A_445], %swap3A_448 {add = true, strides = array<i32>} : memref<256x128xf32, #tpu.memory_space<vmem>>, vector<1x16xf32>,
            %swap3A_449 = arith.index_cast %squeeze3A_375 : i32 to index
            %swap3A_450 = arith.constant 80 : index
            %swap3A_451 = tpu.vector_load %arg9[%swap3A_449, %swap3A_450] {strides = array<i32>} : memref<256x128xf32, #tpu.memory_space<vmem>>, vector<1x16xf32>,
            %swap3A_452 = vector.shape_cast %swap3A_451 : vector<1x16xf32> to vector<16xf32>
            %swap3A_453 = vector.shape_cast %get3A_411 : vector<16xf32> to vector<1x16xf32>
            tpu.vector_store %arg9[%swap3A_449, %swap3A_450], %swap3A_453 {add = true, strides = array<i32>} : memref<256x128xf32, #tpu.memory_space<vmem>>, vector<1x16xf32>,
            %swap3A_454 = arith.index_cast %squeeze3A_375 : i32 to index
            %swap3A_455 = arith.constant 96 : index
            %swap3A_456 = tpu.vector_load %arg9[%swap3A_454, %swap3A_455] {strides = array<i32>} : memref<256x128xf32, #tpu.memory_space<vmem>>, vector<1x16xf32>,
            %swap3A_457 = vector.shape_cast %swap3A_456 : vector<1x16xf32> to vector<16xf32>
            %swap3A_458 = vector.shape_cast %get3A_417 : vector<16xf32> to vector<1x16xf32>
            tpu.vector_store %arg9[%swap3A_454, %swap3A_455], %swap3A_458 {add = true, strides = array<i32>} : memref<256x128xf32, #tpu.memory_space<vmem>>, vector<1x16xf32>,
            %swap3A_459 = arith.index_cast %squeeze3A_375 : i32 to index
            %swap3A_460 = arith.constant 112 : index
            %swap3A_461 = tpu.vector_load %arg9[%swap3A_459, %swap3A_460] {strides = array<i32>} : memref<256x128xf32, #tpu.memory_space<vmem>>, vector<1x16xf32>,
            %swap3A_462 = vector.shape_cast %swap3A_461 : vector<1x16xf32> to vector<16xf32>
            %swap3A_463 = vector.shape_cast %get3A_423 : vector<16xf32> to vector<1x16xf32>
            tpu.vector_store %arg9[%swap3A_459, %swap3A_460], %swap3A_463 {add = true, strides = array<i32>} : memref<256x128xf32, #tpu.memory_space<vmem>>, vector<1x16xf32>,
            %slice3A_464 = vector.extract_strided_slice %get3A_96 {offsets = [4], sizes = [1], strides = [1]} : vector<16xi32> to vector<1xi32>
            %squeeze3A_465 = vector.extract %slice3A_464[0] : i32 from vector<1xi32>
            %add3A_466 = arith.constant 4 : i32
            %add3A_467 = arith.addi %mul3A_98, %add3A_466 : i32
            %get3A_468 = arith.index_cast %add3A_467 : i32 to index
            %get3A_469 = arith.constant 0 : index
            %get3A_470 = tpu.vector_load %arg5[%get3A_468, %get3A_469] {strides = array<i32>} : memref<160x128xf32, #tpu.memory_space<vmem>>, vector<1x16xf32>,
            %get3A_471 = vector.shape_cast %get3A_470 : vector<1x16xf32> to vector<16xf32>
            %add3A_472 = arith.constant 4 : i32
            %add3A_473 = arith.addi %mul3A_98, %add3A_472 : i32
            %get3A_474 = arith.index_cast %add3A_473 : i32 to index
            %get3A_475 = arith.constant 16 : index
            %get3A_476 = tpu.vector_load %arg5[%get3A_474, %get3A_475] {strides = array<i32>} : memref<160x128xf32, #tpu.memory_space<vmem>>, vector<1x16xf32>,
            %get3A_477 = vector.shape_cast %get3A_476 : vector<1x16xf32> to vector<16xf32>
            %add3A_478 = arith.constant 4 : i32
            %add3A_479 = arith.addi %mul3A_98, %add3A_478 : i32
            %get3A_480 = arith.index_cast %add3A_479 : i32 to index
            %get3A_481 = arith.constant 32 : index
            %get3A_482 = tpu.vector_load %arg5[%get3A_480, %get3A_481] {strides = array<i32>} : memref<160x128xf32, #tpu.memory_space<vmem>>, vector<1x16xf32>,
            %get3A_483 = vector.shape_cast %get3A_482 : vector<1x16xf32> to vector<16xf32>
            %add3A_484 = arith.constant 4 : i32
            %add3A_485 = arith.addi %mul3A_98, %add3A_484 : i32
            %get3A_486 = arith.index_cast %add3A_485 : i32 to index
            %get3A_487 = arith.constant 48 : index
            %get3A_488 = tpu.vector_load %arg5[%get3A_486, %get3A_487] {strides = array<i32>} : memref<160x128xf32, #tpu.memory_space<vmem>>, vector<1x16xf32>,
            %get3A_489 = vector.shape_cast %get3A_488 : vector<1x16xf32> to vector<16xf32>
            %add3A_490 = arith.constant 4 : i32
            %add3A_491 = arith.addi %mul3A_98, %add3A_490 : i32
            %get3A_492 = arith.index_cast %add3A_491 : i32 to index
            %get3A_493 = arith.constant 64 : index
            %get3A_494 = tpu.vector_load %arg5[%get3A_492, %get3A_493] {strides = array<i32>} : memref<160x128xf32, #tpu.memory_space<vmem>>, vector<1x16xf32>,
            %get3A_495 = vector.shape_cast %get3A_494 : vector<1x16xf32> to vector<16xf32>
            %add3A_496 = arith.constant 4 : i32
            %add3A_497 = arith.addi %mul3A_98, %add3A_496 : i32
            %get3A_498 = arith.index_cast %add3A_497 : i32 to index
            %get3A_499 = arith.constant 80 : index
            %get3A_500 = tpu.vector_load %arg5[%get3A_498, %get3A_499] {strides = array<i32>} : memref<160x128xf32, #tpu.memory_space<vmem>>, vector<1x16xf32>,
            %get3A_501 = vector.shape_cast %get3A_500 : vector<1x16xf32> to vector<16xf32>
            %add3A_502 = arith.constant 4 : i32
            %add3A_503 = arith.addi %mul3A_98, %add3A_502 : i32
            %get3A_504 = arith.index_cast %add3A_503 : i32 to index
            %get3A_505 = arith.constant 96 : index
            %get3A_506 = tpu.vector_load %arg5[%get3A_504, %get3A_505] {strides = array<i32>} : memref<160x128xf32, #tpu.memory_space<vmem>>, vector<1x16xf32>,
            %get3A_507 = vector.shape_cast %get3A_506 : vector<1x16xf32> to vector<16xf32>
            %add3A_508 = arith.constant 4 : i32
            %add3A_509 = arith.addi %mul3A_98, %add3A_508 : i32
            %get3A_510 = arith.index_cast %add3A_509 : i32 to index
            %get3A_511 = arith.constant 112 : index
            %get3A_512 = tpu.vector_load %arg5[%get3A_510, %get3A_511] {strides = array<i32>} : memref<160x128xf32, #tpu.memory_space<vmem>>, vector<1x16xf32>,
            %get3A_513 = vector.shape_cast %get3A_512 : vector<1x16xf32> to vector<16xf32>
            %swap3A_514 = arith.index_cast %squeeze3A_465 : i32 to index
            %swap3A_515 = arith.constant 0 : index
            %swap3A_516 = tpu.vector_load %arg9[%swap3A_514, %swap3A_515] {strides = array<i32>} : memref<256x128xf32, #tpu.memory_space<vmem>>, vector<1x16xf32>,
            %swap3A_517 = vector.shape_cast %swap3A_516 : vector<1x16xf32> to vector<16xf32>
            %swap3A_518 = vector.shape_cast %get3A_471 : vector<16xf32> to vector<1x16xf32>
            tpu.vector_store %arg9[%swap3A_514, %swap3A_515], %swap3A_518 {add = true, strides = array<i32>} : memref<256x128xf32, #tpu.memory_space<vmem>>, vector<1x16xf32>,
            %swap3A_519 = arith.index_cast %squeeze3A_465 : i32 to index
            %swap3A_520 = arith.constant 16 : index
            %swap3A_521 = tpu.vector_load %arg9[%swap3A_519, %swap3A_520] {strides = array<i32>} : memref<256x128xf32, #tpu.memory_space<vmem>>, vector<1x16xf32>,
            %swap3A_522 = vector.shape_cast %swap3A_521 : vector<1x16xf32> to vector<16xf32>
            %swap3A_523 = vector.shape_cast %get3A_477 : vector<16xf32> to vector<1x16xf32>
            tpu.vector_store %arg9[%swap3A_519, %swap3A_520], %swap3A_523 {add = true, strides = array<i32>} : memref<256x128xf32, #tpu.memory_space<vmem>>, vector<1x16xf32>,
            %swap3A_524 = arith.index_cast %squeeze3A_465 : i32 to index
            %swap3A_525 = arith.constant 32 : index
            %swap3A_526 = tpu.vector_load %arg9[%swap3A_524, %swap3A_525] {strides = array<i32>} : memref<256x128xf32, #tpu.memory_space<vmem>>, vector<1x16xf32>,
            %swap3A_527 = vector.shape_cast %swap3A_526 : vector<1x16xf32> to vector<16xf32>
            %swap3A_528 = vector.shape_cast %get3A_483 : vector<16xf32> to vector<1x16xf32>
            tpu.vector_store %arg9[%swap3A_524, %swap3A_525], %swap3A_528 {add = true, strides = array<i32>} : memref<256x128xf32, #tpu.memory_space<vmem>>, vector<1x16xf32>,
            %swap3A_529 = arith.index_cast %squeeze3A_465 : i32 to index
            %swap3A_530 = arith.constant 48 : index
            %swap3A_531 = tpu.vector_load %arg9[%swap3A_529, %swap3A_530] {strides = array<i32>} : memref<256x128xf32, #tpu.memory_space<vmem>>, vector<1x16xf32>,
            %swap3A_532 = vector.shape_cast %swap3A_531 : vector<1x16xf32> to vector<16xf32>
            %swap3A_533 = vector.shape_cast %get3A_489 : vector<16xf32> to vector<1x16xf32>
            tpu.vector_store %arg9[%swap3A_529, %swap3A_530], %swap3A_533 {add = true, strides = array<i32>} : memref<256x128xf32, #tpu.memory_space<vmem>>, vector<1x16xf32>,
            %swap3A_534 = arith.index_cast %squeeze3A_465 : i32 to index
            %swap3A_535 = arith.constant 64 : index
            %swap3A_536 = tpu.vector_load %arg9[%swap3A_534, %swap3A_535] {strides = array<i32>} : memref<256x128xf32, #tpu.memory_space<vmem>>, vector<1x16xf32>,
            %swap3A_537 = vector.shape_cast %swap3A_536 : vector<1x16xf32> to vector<16xf32>
            %swap3A_538 = vector.shape_cast %get3A_495 : vector<16xf32> to vector<1x16xf32>
            tpu.vector_store %arg9[%swap3A_534, %swap3A_535], %swap3A_538 {add = true, strides = array<i32>} : memref<256x128xf32, #tpu.memory_space<vmem>>, vector<1x16xf32>,
            %swap3A_539 = arith.index_cast %squeeze3A_465 : i32 to index
            %swap3A_540 = arith.constant 80 : index
            %swap3A_541 = tpu.vector_load %arg9[%swap3A_539, %swap3A_540] {strides = array<i32>} : memref<256x128xf32, #tpu.memory_space<vmem>>, vector<1x16xf32>,
            %swap3A_542 = vector.shape_cast %swap3A_541 : vector<1x16xf32> to vector<16xf32>
            %swap3A_543 = vector.shape_cast %get3A_501 : vector<16xf32> to vector<1x16xf32>
            tpu.vector_store %arg9[%swap3A_539, %swap3A_540], %swap3A_543 {add = true, strides = array<i32>} : memref<256x128xf32, #tpu.memory_space<vmem>>, vector<1x16xf32>,
            %swap3A_544 = arith.index_cast %squeeze3A_465 : i32 to index
            %swap3A_545 = arith.constant 96 : index
            %swap3A_546 = tpu.vector_load %arg9[%swap3A_544, %swap3A_545] {strides = array<i32>} : memref<256x128xf32, #tpu.memory_space<vmem>>, vector<1x16xf32>,
            %swap3A_547 = vector.shape_cast %swap3A_546 : vector<1x16xf32> to vector<16xf32>
            %swap3A_548 = vector.shape_cast %get3A_507 : vector<16xf32> to vector<1x16xf32>
            tpu.vector_store %arg9[%swap3A_544, %swap3A_545], %swap3A_548 {add = true, strides = array<i32>} : memref<256x128xf32, #tpu.memory_space<vmem>>, vector<1x16xf32>,
            %swap3A_549 = arith.index_cast %squeeze3A_465 : i32 to index
            %swap3A_550 = arith.constant 112 : index
            %swap3A_551 = tpu.vector_load %arg9[%swap3A_549, %swap3A_550] {strides = array<i32>} : memref<256x128xf32, #tpu.memory_space<vmem>>, vector<1x16xf32>,
            %swap3A_552 = vector.shape_cast %swap3A_551 : vector<1x16xf32> to vector<16xf32>
            %swap3A_553 = vector.shape_cast %get3A_513 : vector<16xf32> to vector<1x16xf32>
            tpu.vector_store %arg9[%swap3A_549, %swap3A_550], %swap3A_553 {add = true, strides = array<i32>} : memref<256x128xf32, #tpu.memory_space<vmem>>, vector<1x16xf32>,
            %slice3A_554 = vector.extract_strided_slice %get3A_96 {offsets = [5], sizes = [1], strides = [1]} : vector<16xi32> to vector<1xi32>
            %squeeze3A_555 = vector.extract %slice3A_554[0] : i32 from vector<1xi32>
            %add3A_556 = arith.constant 5 : i32
            %add3A_557 = arith.addi %mul3A_98, %add3A_556 : i32
            %get3A_558 = arith.index_cast %add3A_557 : i32 to index
            %get3A_559 = arith.constant 0 : index
            %get3A_560 = tpu.vector_load %arg5[%get3A_558, %get3A_559] {strides = array<i32>} : memref<160x128xf32, #tpu.memory_space<vmem>>, vector<1x16xf32>,
            %get3A_561 = vector.shape_cast %get3A_560 : vector<1x16xf32> to vector<16xf32>
            %add3A_562 = arith.constant 5 : i32
            %add3A_563 = arith.addi %mul3A_98, %add3A_562 : i32
            %get3A_564 = arith.index_cast %add3A_563 : i32 to index
            %get3A_565 = arith.constant 16 : index
            %get3A_566 = tpu.vector_load %arg5[%get3A_564, %get3A_565] {strides = array<i32>} : memref<160x128xf32, #tpu.memory_space<vmem>>, vector<1x16xf32>,
            %get3A_567 = vector.shape_cast %get3A_566 : vector<1x16xf32> to vector<16xf32>
            %add3A_568 = arith.constant 5 : i32
            %add3A_569 = arith.addi %mul3A_98, %add3A_568 : i32
            %get3A_570 = arith.index_cast %add3A_569 : i32 to index
            %get3A_571 = arith.constant 32 : index
            %get3A_572 = tpu.vector_load %arg5[%get3A_570, %get3A_571] {strides = array<i32>} : memref<160x128xf32, #tpu.memory_space<vmem>>, vector<1x16xf32>,
            %get3A_573 = vector.shape_cast %get3A_572 : vector<1x16xf32> to vector<16xf32>
            %add3A_574 = arith.constant 5 : i32
            %add3A_575 = arith.addi %mul3A_98, %add3A_574 : i32
            %get3A_576 = arith.index_cast %add3A_575 : i32 to index
            %get3A_577 = arith.constant 48 : index
            %get3A_578 = tpu.vector_load %arg5[%get3A_576, %get3A_577] {strides = array<i32>} : memref<160x128xf32, #tpu.memory_space<vmem>>, vector<1x16xf32>,
            %get3A_579 = vector.shape_cast %get3A_578 : vector<1x16xf32> to vector<16xf32>
            %add3A_580 = arith.constant 5 : i32
            %add3A_581 = arith.addi %mul3A_98, %add3A_580 : i32
            %get3A_582 = arith.index_cast %add3A_581 : i32 to index
            %get3A_583 = arith.constant 64 : index
            %get3A_584 = tpu.vector_load %arg5[%get3A_582, %get3A_583] {strides = array<i32>} : memref<160x128xf32, #tpu.memory_space<vmem>>, vector<1x16xf32>,
            %get3A_585 = vector.shape_cast %get3A_584 : vector<1x16xf32> to vector<16xf32>
            %add3A_586 = arith.constant 5 : i32
            %add3A_587 = arith.addi %mul3A_98, %add3A_586 : i32
            %get3A_588 = arith.index_cast %add3A_587 : i32 to index
            %get3A_589 = arith.constant 80 : index
            %get3A_590 = tpu.vector_load %arg5[%get3A_588, %get3A_589] {strides = array<i32>} : memref<160x128xf32, #tpu.memory_space<vmem>>, vector<1x16xf32>,
            %get3A_591 = vector.shape_cast %get3A_590 : vector<1x16xf32> to vector<16xf32>
            %add3A_592 = arith.constant 5 : i32
            %add3A_593 = arith.addi %mul3A_98, %add3A_592 : i32
            %get3A_594 = arith.index_cast %add3A_593 : i32 to index
            %get3A_595 = arith.constant 96 : index
            %get3A_596 = tpu.vector_load %arg5[%get3A_594, %get3A_595] {strides = array<i32>} : memref<160x128xf32, #tpu.memory_space<vmem>>, vector<1x16xf32>,
            %get3A_597 = vector.shape_cast %get3A_596 : vector<1x16xf32> to vector<16xf32>
            %add3A_598 = arith.constant 5 : i32
            %add3A_599 = arith.addi %mul3A_98, %add3A_598 : i32
            %get3A_600 = arith.index_cast %add3A_599 : i32 to index
            %get3A_601 = arith.constant 112 : index
            %get3A_602 = tpu.vector_load %arg5[%get3A_600, %get3A_601] {strides = array<i32>} : memref<160x128xf32, #tpu.memory_space<vmem>>, vector<1x16xf32>,
            %get3A_603 = vector.shape_cast %get3A_602 : vector<1x16xf32> to vector<16xf32>
            %swap3A_604 = arith.index_cast %squeeze3A_555 : i32 to index
            %swap3A_605 = arith.constant 0 : index
            %swap3A_606 = tpu.vector_load %arg9[%swap3A_604, %swap3A_605] {strides = array<i32>} : memref<256x128xf32, #tpu.memory_space<vmem>>, vector<1x16xf32>,
            %swap3A_607 = vector.shape_cast %swap3A_606 : vector<1x16xf32> to vector<16xf32>
            %swap3A_608 = vector.shape_cast %get3A_561 : vector<16xf32> to vector<1x16xf32>
            tpu.vector_store %arg9[%swap3A_604, %swap3A_605], %swap3A_608 {add = true, strides = array<i32>} : memref<256x128xf32, #tpu.memory_space<vmem>>, vector<1x16xf32>,
            %swap3A_609 = arith.index_cast %squeeze3A_555 : i32 to index
            %swap3A_610 = arith.constant 16 : index
            %swap3A_611 = tpu.vector_load %arg9[%swap3A_609, %swap3A_610] {strides = array<i32>} : memref<256x128xf32, #tpu.memory_space<vmem>>, vector<1x16xf32>,
            %swap3A_612 = vector.shape_cast %swap3A_611 : vector<1x16xf32> to vector<16xf32>
            %swap3A_613 = vector.shape_cast %get3A_567 : vector<16xf32> to vector<1x16xf32>
            tpu.vector_store %arg9[%swap3A_609, %swap3A_610], %swap3A_613 {add = true, strides = array<i32>} : memref<256x128xf32, #tpu.memory_space<vmem>>, vector<1x16xf32>,
            %swap3A_614 = arith.index_cast %squeeze3A_555 : i32 to index
            %swap3A_615 = arith.constant 32 : index
            %swap3A_616 = tpu.vector_load %arg9[%swap3A_614, %swap3A_615] {strides = array<i32>} : memref<256x128xf32, #tpu.memory_space<vmem>>, vector<1x16xf32>,
            %swap3A_617 = vector.shape_cast %swap3A_616 : vector<1x16xf32> to vector<16xf32>
            %swap3A_618 = vector.shape_cast %get3A_573 : vector<16xf32> to vector<1x16xf32>
            tpu.vector_store %arg9[%swap3A_614, %swap3A_615], %swap3A_618 {add = true, strides = array<i32>} : memref<256x128xf32, #tpu.memory_space<vmem>>, vector<1x16xf32>,
            %swap3A_619 = arith.index_cast %squeeze3A_555 : i32 to index
            %swap3A_620 = arith.constant 48 : index
            %swap3A_621 = tpu.vector_load %arg9[%swap3A_619, %swap3A_620] {strides = array<i32>} : memref<256x128xf32, #tpu.memory_space<vmem>>, vector<1x16xf32>,
            %swap3A_622 = vector.shape_cast %swap3A_621 : vector<1x16xf32> to vector<16xf32>
            %swap3A_623 = vector.shape_cast %get3A_579 : vector<16xf32> to vector<1x16xf32>
            tpu.vector_store %arg9[%swap3A_619, %swap3A_620], %swap3A_623 {add = true, strides = array<i32>} : memref<256x128xf32, #tpu.memory_space<vmem>>, vector<1x16xf32>,
            %swap3A_624 = arith.index_cast %squeeze3A_555 : i32 to index
            %swap3A_625 = arith.constant 64 : index
            %swap3A_626 = tpu.vector_load %arg9[%swap3A_624, %swap3A_625] {strides = array<i32>} : memref<256x128xf32, #tpu.memory_space<vmem>>, vector<1x16xf32>,
            %swap3A_627 = vector.shape_cast %swap3A_626 : vector<1x16xf32> to vector<16xf32>
            %swap3A_628 = vector.shape_cast %get3A_585 : vector<16xf32> to vector<1x16xf32>
            tpu.vector_store %arg9[%swap3A_624, %swap3A_625], %swap3A_628 {add = true, strides = array<i32>} : memref<256x128xf32, #tpu.memory_space<vmem>>, vector<1x16xf32>,
            %swap3A_629 = arith.index_cast %squeeze3A_555 : i32 to index
            %swap3A_630 = arith.constant 80 : index
            %swap3A_631 = tpu.vector_load %arg9[%swap3A_629, %swap3A_630] {strides = array<i32>} : memref<256x128xf32, #tpu.memory_space<vmem>>, vector<1x16xf32>,
            %swap3A_632 = vector.shape_cast %swap3A_631 : vector<1x16xf32> to vector<16xf32>
            %swap3A_633 = vector.shape_cast %get3A_591 : vector<16xf32> to vector<1x16xf32>
            tpu.vector_store %arg9[%swap3A_629, %swap3A_630], %swap3A_633 {add = true, strides = array<i32>} : memref<256x128xf32, #tpu.memory_space<vmem>>, vector<1x16xf32>,
            %swap3A_634 = arith.index_cast %squeeze3A_555 : i32 to index
            %swap3A_635 = arith.constant 96 : index
            %swap3A_636 = tpu.vector_load %arg9[%swap3A_634, %swap3A_635] {strides = array<i32>} : memref<256x128xf32, #tpu.memory_space<vmem>>, vector<1x16xf32>,
            %swap3A_637 = vector.shape_cast %swap3A_636 : vector<1x16xf32> to vector<16xf32>
            %swap3A_638 = vector.shape_cast %get3A_597 : vector<16xf32> to vector<1x16xf32>
            tpu.vector_store %arg9[%swap3A_634, %swap3A_635], %swap3A_638 {add = true, strides = array<i32>} : memref<256x128xf32, #tpu.memory_space<vmem>>, vector<1x16xf32>,
            %swap3A_639 = arith.index_cast %squeeze3A_555 : i32 to index
            %swap3A_640 = arith.constant 112 : index
            %swap3A_641 = tpu.vector_load %arg9[%swap3A_639, %swap3A_640] {strides = array<i32>} : memref<256x128xf32, #tpu.memory_space<vmem>>, vector<1x16xf32>,
            %swap3A_642 = vector.shape_cast %swap3A_641 : vector<1x16xf32> to vector<16xf32>
            %swap3A_643 = vector.shape_cast %get3A_603 : vector<16xf32> to vector<1x16xf32>
            tpu.vector_store %arg9[%swap3A_639, %swap3A_640], %swap3A_643 {add = true, strides = array<i32>} : memref<256x128xf32, #tpu.memory_space<vmem>>, vector<1x16xf32>,
            %slice3A_644 = vector.extract_strided_slice %get3A_96 {offsets = [6], sizes = [1], strides = [1]} : vector<16xi32> to vector<1xi32>
            %squeeze3A_645 = vector.extract %slice3A_644[0] : i32 from vector<1xi32>
            %add3A_646 = arith.constant 6 : i32
            %add3A_647 = arith.addi %mul3A_98, %add3A_646 : i32
            %get3A_648 = arith.index_cast %add3A_647 : i32 to index
            %get3A_649 = arith.constant 0 : index
            %get3A_650 = tpu.vector_load %arg5[%get3A_648, %get3A_649] {strides = array<i32>} : memref<160x128xf32, #tpu.memory_space<vmem>>, vector<1x16xf32>,
            %get3A_651 = vector.shape_cast %get3A_650 : vector<1x16xf32> to vector<16xf32>
            %add3A_652 = arith.constant 6 : i32
            %add3A_653 = arith.addi %mul3A_98, %add3A_652 : i32
            %get3A_654 = arith.index_cast %add3A_653 : i32 to index
            %get3A_655 = arith.constant 16 : index
            %get3A_656 = tpu.vector_load %arg5[%get3A_654, %get3A_655] {strides = array<i32>} : memref<160x128xf32, #tpu.memory_space<vmem>>, vector<1x16xf32>,
            %get3A_657 = vector.shape_cast %get3A_656 : vector<1x16xf32> to vector<16xf32>
            %add3A_658 = arith.constant 6 : i32
            %add3A_659 = arith.addi %mul3A_98, %add3A_658 : i32
            %get3A_660 = arith.index_cast %add3A_659 : i32 to index
            %get3A_661 = arith.constant 32 : index
            %get3A_662 = tpu.vector_load %arg5[%get3A_660, %get3A_661] {strides = array<i32>} : memref<160x128xf32, #tpu.memory_space<vmem>>, vector<1x16xf32>,
            %get3A_663 = vector.shape_cast %get3A_662 : vector<1x16xf32> to vector<16xf32>
            %add3A_664 = arith.constant 6 : i32
            %add3A_665 = arith.addi %mul3A_98, %add3A_664 : i32
            %get3A_666 = arith.index_cast %add3A_665 : i32 to index
            %get3A_667 = arith.constant 48 : index
            %get3A_668 = tpu.vector_load %arg5[%get3A_666, %get3A_667] {strides = array<i32>} : memref<160x128xf32, #tpu.memory_space<vmem>>, vector<1x16xf32>,
            %get3A_669 = vector.shape_cast %get3A_668 : vector<1x16xf32> to vector<16xf32>
            %add3A_670 = arith.constant 6 : i32
            %add3A_671 = arith.addi %mul3A_98, %add3A_670 : i32
            %get3A_672 = arith.index_cast %add3A_671 : i32 to index
            %get3A_673 = arith.constant 64 : index
            %get3A_674 = tpu.vector_load %arg5[%get3A_672, %get3A_673] {strides = array<i32>} : memref<160x128xf32, #tpu.memory_space<vmem>>, vector<1x16xf32>,
            %get3A_675 = vector.shape_cast %get3A_674 : vector<1x16xf32> to vector<16xf32>
            %add3A_676 = arith.constant 6 : i32
            %add3A_677 = arith.addi %mul3A_98, %add3A_676 : i32
            %get3A_678 = arith.index_cast %add3A_677 : i32 to index
            %get3A_679 = arith.constant 80 : index
            %get3A_680 = tpu.vector_load %arg5[%get3A_678, %get3A_679] {strides = array<i32>} : memref<160x128xf32, #tpu.memory_space<vmem>>, vector<1x16xf32>,
            %get3A_681 = vector.shape_cast %get3A_680 : vector<1x16xf32> to vector<16xf32>
            %add3A_682 = arith.constant 6 : i32
            %add3A_683 = arith.addi %mul3A_98, %add3A_682 : i32
            %get3A_684 = arith.index_cast %add3A_683 : i32 to index
            %get3A_685 = arith.constant 96 : index
            %get3A_686 = tpu.vector_load %arg5[%get3A_684, %get3A_685] {strides = array<i32>} : memref<160x128xf32, #tpu.memory_space<vmem>>, vector<1x16xf32>,
            %get3A_687 = vector.shape_cast %get3A_686 : vector<1x16xf32> to vector<16xf32>
            %add3A_688 = arith.constant 6 : i32
            %add3A_689 = arith.addi %mul3A_98, %add3A_688 : i32
            %get3A_690 = arith.index_cast %add3A_689 : i32 to index
            %get3A_691 = arith.constant 112 : index
            %get3A_692 = tpu.vector_load %arg5[%get3A_690, %get3A_691] {strides = array<i32>} : memref<160x128xf32, #tpu.memory_space<vmem>>, vector<1x16xf32>,
            %get3A_693 = vector.shape_cast %get3A_692 : vector<1x16xf32> to vector<16xf32>
            %swap3A_694 = arith.index_cast %squeeze3A_645 : i32 to index
            %swap3A_695 = arith.constant 0 : index
            %swap3A_696 = tpu.vector_load %arg9[%swap3A_694, %swap3A_695] {strides = array<i32>} : memref<256x128xf32, #tpu.memory_space<vmem>>, vector<1x16xf32>,
            %swap3A_697 = vector.shape_cast %swap3A_696 : vector<1x16xf32> to vector<16xf32>
            %swap3A_698 = vector.shape_cast %get3A_651 : vector<16xf32> to vector<1x16xf32>
            tpu.vector_store %arg9[%swap3A_694, %swap3A_695], %swap3A_698 {add = true, strides = array<i32>} : memref<256x128xf32, #tpu.memory_space<vmem>>, vector<1x16xf32>,
            %swap3A_699 = arith.index_cast %squeeze3A_645 : i32 to index
            %swap3A_700 = arith.constant 16 : index
            %swap3A_701 = tpu.vector_load %arg9[%swap3A_699, %swap3A_700] {strides = array<i32>} : memref<256x128xf32, #tpu.memory_space<vmem>>, vector<1x16xf32>,
            %swap3A_702 = vector.shape_cast %swap3A_701 : vector<1x16xf32> to vector<16xf32>
            %swap3A_703 = vector.shape_cast %get3A_657 : vector<16xf32> to vector<1x16xf32>
            tpu.vector_store %arg9[%swap3A_699, %swap3A_700], %swap3A_703 {add = true, strides = array<i32>} : memref<256x128xf32, #tpu.memory_space<vmem>>, vector<1x16xf32>,
            %swap3A_704 = arith.index_cast %squeeze3A_645 : i32 to index
            %swap3A_705 = arith.constant 32 : index
            %swap3A_706 = tpu.vector_load %arg9[%swap3A_704, %swap3A_705] {strides = array<i32>} : memref<256x128xf32, #tpu.memory_space<vmem>>, vector<1x16xf32>,
            %swap3A_707 = vector.shape_cast %swap3A_706 : vector<1x16xf32> to vector<16xf32>
            %swap3A_708 = vector.shape_cast %get3A_663 : vector<16xf32> to vector<1x16xf32>
            tpu.vector_store %arg9[%swap3A_704, %swap3A_705], %swap3A_708 {add = true, strides = array<i32>} : memref<256x128xf32, #tpu.memory_space<vmem>>, vector<1x16xf32>,
            %swap3A_709 = arith.index_cast %squeeze3A_645 : i32 to index
            %swap3A_710 = arith.constant 48 : index
            %swap3A_711 = tpu.vector_load %arg9[%swap3A_709, %swap3A_710] {strides = array<i32>} : memref<256x128xf32, #tpu.memory_space<vmem>>, vector<1x16xf32>,
            %swap3A_712 = vector.shape_cast %swap3A_711 : vector<1x16xf32> to vector<16xf32>
            %swap3A_713 = vector.shape_cast %get3A_669 : vector<16xf32> to vector<1x16xf32>
            tpu.vector_store %arg9[%swap3A_709, %swap3A_710], %swap3A_713 {add = true, strides = array<i32>} : memref<256x128xf32, #tpu.memory_space<vmem>>, vector<1x16xf32>,
            %swap3A_714 = arith.index_cast %squeeze3A_645 : i32 to index
            %swap3A_715 = arith.constant 64 : index
            %swap3A_716 = tpu.vector_load %arg9[%swap3A_714, %swap3A_715] {strides = array<i32>} : memref<256x128xf32, #tpu.memory_space<vmem>>, vector<1x16xf32>,
            %swap3A_717 = vector.shape_cast %swap3A_716 : vector<1x16xf32> to vector<16xf32>
            %swap3A_718 = vector.shape_cast %get3A_675 : vector<16xf32> to vector<1x16xf32>
            tpu.vector_store %arg9[%swap3A_714, %swap3A_715], %swap3A_718 {add = true, strides = array<i32>} : memref<256x128xf32, #tpu.memory_space<vmem>>, vector<1x16xf32>,
            %swap3A_719 = arith.index_cast %squeeze3A_645 : i32 to index
            %swap3A_720 = arith.constant 80 : index
            %swap3A_721 = tpu.vector_load %arg9[%swap3A_719, %swap3A_720] {strides = array<i32>} : memref<256x128xf32, #tpu.memory_space<vmem>>, vector<1x16xf32>,
            %swap3A_722 = vector.shape_cast %swap3A_721 : vector<1x16xf32> to vector<16xf32>
            %swap3A_723 = vector.shape_cast %get3A_681 : vector<16xf32> to vector<1x16xf32>
            tpu.vector_store %arg9[%swap3A_719, %swap3A_720], %swap3A_723 {add = true, strides = array<i32>} : memref<256x128xf32, #tpu.memory_space<vmem>>, vector<1x16xf32>,
            %swap3A_724 = arith.index_cast %squeeze3A_645 : i32 to index
            %swap3A_725 = arith.constant 96 : index
            %swap3A_726 = tpu.vector_load %arg9[%swap3A_724, %swap3A_725] {strides = array<i32>} : memref<256x128xf32, #tpu.memory_space<vmem>>, vector<1x16xf32>,
            %swap3A_727 = vector.shape_cast %swap3A_726 : vector<1x16xf32> to vector<16xf32>
            %swap3A_728 = vector.shape_cast %get3A_687 : vector<16xf32> to vector<1x16xf32>
            tpu.vector_store %arg9[%swap3A_724, %swap3A_725], %swap3A_728 {add = true, strides = array<i32>} : memref<256x128xf32, #tpu.memory_space<vmem>>, vector<1x16xf32>,
            %swap3A_729 = arith.index_cast %squeeze3A_645 : i32 to index
            %swap3A_730 = arith.constant 112 : index
            %swap3A_731 = tpu.vector_load %arg9[%swap3A_729, %swap3A_730] {strides = array<i32>} : memref<256x128xf32, #tpu.memory_space<vmem>>, vector<1x16xf32>,
            %swap3A_732 = vector.shape_cast %swap3A_731 : vector<1x16xf32> to vector<16xf32>
            %swap3A_733 = vector.shape_cast %get3A_693 : vector<16xf32> to vector<1x16xf32>
            tpu.vector_store %arg9[%swap3A_729, %swap3A_730], %swap3A_733 {add = true, strides = array<i32>} : memref<256x128xf32, #tpu.memory_space<vmem>>, vector<1x16xf32>,
            %slice3A_734 = vector.extract_strided_slice %get3A_96 {offsets = [7], sizes = [1], strides = [1]} : vector<16xi32> to vector<1xi32>
            %squeeze3A_735 = vector.extract %slice3A_734[0] : i32 from vector<1xi32>
            %add3A_736 = arith.constant 7 : i32
            %add3A_737 = arith.addi %mul3A_98, %add3A_736 : i32
            %get3A_738 = arith.index_cast %add3A_737 : i32 to index
            %get3A_739 = arith.constant 0 : index
            %get3A_740 = tpu.vector_load %arg5[%get3A_738, %get3A_739] {strides = array<i32>} : memref<160x128xf32, #tpu.memory_space<vmem>>, vector<1x16xf32>,
            %get3A_741 = vector.shape_cast %get3A_740 : vector<1x16xf32> to vector<16xf32>
            %add3A_742 = arith.constant 7 : i32
            %add3A_743 = arith.addi %mul3A_98, %add3A_742 : i32
            %get3A_744 = arith.index_cast %add3A_743 : i32 to index
            %get3A_745 = arith.constant 16 : index
            %get3A_746 = tpu.vector_load %arg5[%get3A_744, %get3A_745] {strides = array<i32>} : memref<160x128xf32, #tpu.memory_space<vmem>>, vector<1x16xf32>,
            %get3A_747 = vector.shape_cast %get3A_746 : vector<1x16xf32> to vector<16xf32>
            %add3A_748 = arith.constant 7 : i32
            %add3A_749 = arith.addi %mul3A_98, %add3A_748 : i32
            %get3A_750 = arith.index_cast %add3A_749 : i32 to index
            %get3A_751 = arith.constant 32 : index
            %get3A_752 = tpu.vector_load %arg5[%get3A_750, %get3A_751] {strides = array<i32>} : memref<160x128xf32, #tpu.memory_space<vmem>>, vector<1x16xf32>,
            %get3A_753 = vector.shape_cast %get3A_752 : vector<1x16xf32> to vector<16xf32>
            %add3A_754 = arith.constant 7 : i32
            %add3A_755 = arith.addi %mul3A_98, %add3A_754 : i32
            %get3A_756 = arith.index_cast %add3A_755 : i32 to index
            %get3A_757 = arith.constant 48 : index
            %get3A_758 = tpu.vector_load %arg5[%get3A_756, %get3A_757] {strides = array<i32>} : memref<160x128xf32, #tpu.memory_space<vmem>>, vector<1x16xf32>,
            %get3A_759 = vector.shape_cast %get3A_758 : vector<1x16xf32> to vector<16xf32>
            %add3A_760 = arith.constant 7 : i32
            %add3A_761 = arith.addi %mul3A_98, %add3A_760 : i32
            %get3A_762 = arith.index_cast %add3A_761 : i32 to index
            %get3A_763 = arith.constant 64 : index
            %get3A_764 = tpu.vector_load %arg5[%get3A_762, %get3A_763] {strides = array<i32>} : memref<160x128xf32, #tpu.memory_space<vmem>>, vector<1x16xf32>,
            %get3A_765 = vector.shape_cast %get3A_764 : vector<1x16xf32> to vector<16xf32>
            %add3A_766 = arith.constant 7 : i32
            %add3A_767 = arith.addi %mul3A_98, %add3A_766 : i32
            %get3A_768 = arith.index_cast %add3A_767 : i32 to index
            %get3A_769 = arith.constant 80 : index
            %get3A_770 = tpu.vector_load %arg5[%get3A_768, %get3A_769] {strides = array<i32>} : memref<160x128xf32, #tpu.memory_space<vmem>>, vector<1x16xf32>,
            %get3A_771 = vector.shape_cast %get3A_770 : vector<1x16xf32> to vector<16xf32>
            %add3A_772 = arith.constant 7 : i32
            %add3A_773 = arith.addi %mul3A_98, %add3A_772 : i32
            %get3A_774 = arith.index_cast %add3A_773 : i32 to index
            %get3A_775 = arith.constant 96 : index
            %get3A_776 = tpu.vector_load %arg5[%get3A_774, %get3A_775] {strides = array<i32>} : memref<160x128xf32, #tpu.memory_space<vmem>>, vector<1x16xf32>,
            %get3A_777 = vector.shape_cast %get3A_776 : vector<1x16xf32> to vector<16xf32>
            %add3A_778 = arith.constant 7 : i32
            %add3A_779 = arith.addi %mul3A_98, %add3A_778 : i32
            %get3A_780 = arith.index_cast %add3A_779 : i32 to index
            %get3A_781 = arith.constant 112 : index
            %get3A_782 = tpu.vector_load %arg5[%get3A_780, %get3A_781] {strides = array<i32>} : memref<160x128xf32, #tpu.memory_space<vmem>>, vector<1x16xf32>,
            %get3A_783 = vector.shape_cast %get3A_782 : vector<1x16xf32> to vector<16xf32>
            %swap3A_784 = arith.index_cast %squeeze3A_735 : i32 to index
            %swap3A_785 = arith.constant 0 : index
            %swap3A_786 = tpu.vector_load %arg9[%swap3A_784, %swap3A_785] {strides = array<i32>} : memref<256x128xf32, #tpu.memory_space<vmem>>, vector<1x16xf32>,
            %swap3A_787 = vector.shape_cast %swap3A_786 : vector<1x16xf32> to vector<16xf32>
            %swap3A_788 = vector.shape_cast %get3A_741 : vector<16xf32> to vector<1x16xf32>
            tpu.vector_store %arg9[%swap3A_784, %swap3A_785], %swap3A_788 {add = true, strides = array<i32>} : memref<256x128xf32, #tpu.memory_space<vmem>>, vector<1x16xf32>,
            %swap3A_789 = arith.index_cast %squeeze3A_735 : i32 to index
            %swap3A_790 = arith.constant 16 : index
            %swap3A_791 = tpu.vector_load %arg9[%swap3A_789, %swap3A_790] {strides = array<i32>} : memref<256x128xf32, #tpu.memory_space<vmem>>, vector<1x16xf32>,
            %swap3A_792 = vector.shape_cast %swap3A_791 : vector<1x16xf32> to vector<16xf32>
            %swap3A_793 = vector.shape_cast %get3A_747 : vector<16xf32> to vector<1x16xf32>
            tpu.vector_store %arg9[%swap3A_789, %swap3A_790], %swap3A_793 {add = true, strides = array<i32>} : memref<256x128xf32, #tpu.memory_space<vmem>>, vector<1x16xf32>,
            %swap3A_794 = arith.index_cast %squeeze3A_735 : i32 to index
            %swap3A_795 = arith.constant 32 : index
            %swap3A_796 = tpu.vector_load %arg9[%swap3A_794, %swap3A_795] {strides = array<i32>} : memref<256x128xf32, #tpu.memory_space<vmem>>, vector<1x16xf32>,
            %swap3A_797 = vector.shape_cast %swap3A_796 : vector<1x16xf32> to vector<16xf32>
            %swap3A_798 = vector.shape_cast %get3A_753 : vector<16xf32> to vector<1x16xf32>
            tpu.vector_store %arg9[%swap3A_794, %swap3A_795], %swap3A_798 {add = true, strides = array<i32>} : memref<256x128xf32, #tpu.memory_space<vmem>>, vector<1x16xf32>,
            %swap3A_799 = arith.index_cast %squeeze3A_735 : i32 to index
            %swap3A_800 = arith.constant 48 : index
            %swap3A_801 = tpu.vector_load %arg9[%swap3A_799, %swap3A_800] {strides = array<i32>} : memref<256x128xf32, #tpu.memory_space<vmem>>, vector<1x16xf32>,
            %swap3A_802 = vector.shape_cast %swap3A_801 : vector<1x16xf32> to vector<16xf32>
            %swap3A_803 = vector.shape_cast %get3A_759 : vector<16xf32> to vector<1x16xf32>
            tpu.vector_store %arg9[%swap3A_799, %swap3A_800], %swap3A_803 {add = true, strides = array<i32>} : memref<256x128xf32, #tpu.memory_space<vmem>>, vector<1x16xf32>,
            %swap3A_804 = arith.index_cast %squeeze3A_735 : i32 to index
            %swap3A_805 = arith.constant 64 : index
            %swap3A_806 = tpu.vector_load %arg9[%swap3A_804, %swap3A_805] {strides = array<i32>} : memref<256x128xf32, #tpu.memory_space<vmem>>, vector<1x16xf32>,
            %swap3A_807 = vector.shape_cast %swap3A_806 : vector<1x16xf32> to vector<16xf32>
            %swap3A_808 = vector.shape_cast %get3A_765 : vector<16xf32> to vector<1x16xf32>
            tpu.vector_store %arg9[%swap3A_804, %swap3A_805], %swap3A_808 {add = true, strides = array<i32>} : memref<256x128xf32, #tpu.memory_space<vmem>>, vector<1x16xf32>,
            %swap3A_809 = arith.index_cast %squeeze3A_735 : i32 to index
            %swap3A_810 = arith.constant 80 : index
            %swap3A_811 = tpu.vector_load %arg9[%swap3A_809, %swap3A_810] {strides = array<i32>} : memref<256x128xf32, #tpu.memory_space<vmem>>, vector<1x16xf32>,
            %swap3A_812 = vector.shape_cast %swap3A_811 : vector<1x16xf32> to vector<16xf32>
            %swap3A_813 = vector.shape_cast %get3A_771 : vector<16xf32> to vector<1x16xf32>
            tpu.vector_store %arg9[%swap3A_809, %swap3A_810], %swap3A_813 {add = true, strides = array<i32>} : memref<256x128xf32, #tpu.memory_space<vmem>>, vector<1x16xf32>,
            %swap3A_814 = arith.index_cast %squeeze3A_735 : i32 to index
            %swap3A_815 = arith.constant 96 : index
            %swap3A_816 = tpu.vector_load %arg9[%swap3A_814, %swap3A_815] {strides = array<i32>} : memref<256x128xf32, #tpu.memory_space<vmem>>, vector<1x16xf32>,
            %swap3A_817 = vector.shape_cast %swap3A_816 : vector<1x16xf32> to vector<16xf32>
            %swap3A_818 = vector.shape_cast %get3A_777 : vector<16xf32> to vector<1x16xf32>
            tpu.vector_store %arg9[%swap3A_814, %swap3A_815], %swap3A_818 {add = true, strides = array<i32>} : memref<256x128xf32, #tpu.memory_space<vmem>>, vector<1x16xf32>,
            %swap3A_819 = arith.index_cast %squeeze3A_735 : i32 to index
            %swap3A_820 = arith.constant 112 : index
            %swap3A_821 = tpu.vector_load %arg9[%swap3A_819, %swap3A_820] {strides = array<i32>} : memref<256x128xf32, #tpu.memory_space<vmem>>, vector<1x16xf32>,
            %swap3A_822 = vector.shape_cast %swap3A_821 : vector<1x16xf32> to vector<16xf32>
            %swap3A_823 = vector.shape_cast %get3A_783 : vector<16xf32> to vector<1x16xf32>
            tpu.vector_store %arg9[%swap3A_819, %swap3A_820], %swap3A_823 {add = true, strides = array<i32>} : memref<256x128xf32, #tpu.memory_space<vmem>>, vector<1x16xf32>,
            %slice3A_824 = vector.extract_strided_slice %get3A_96 {offsets = [8], sizes = [1], strides = [1]} : vector<16xi32> to vector<1xi32>
            %squeeze3A_825 = vector.extract %slice3A_824[0] : i32 from vector<1xi32>
            %add3A_826 = arith.constant 8 : i32
            %add3A_827 = arith.addi %mul3A_98, %add3A_826 : i32
            %get3A_828 = arith.index_cast %add3A_827 : i32 to index
            %get3A_829 = arith.constant 0 : index
            %get3A_830 = tpu.vector_load %arg5[%get3A_828, %get3A_829] {strides = array<i32>} : memref<160x128xf32, #tpu.memory_space<vmem>>, vector<1x16xf32>,
            %get3A_831 = vector.shape_cast %get3A_830 : vector<1x16xf32> to vector<16xf32>
            %add3A_832 = arith.constant 8 : i32
            %add3A_833 = arith.addi %mul3A_98, %add3A_832 : i32
            %get3A_834 = arith.index_cast %add3A_833 : i32 to index
            %get3A_835 = arith.constant 16 : index
            %get3A_836 = tpu.vector_load %arg5[%get3A_834, %get3A_835] {strides = array<i32>} : memref<160x128xf32, #tpu.memory_space<vmem>>, vector<1x16xf32>,
            %get3A_837 = vector.shape_cast %get3A_836 : vector<1x16xf32> to vector<16xf32>
            %add3A_838 = arith.constant 8 : i32
            %add3A_839 = arith.addi %mul3A_98, %add3A_838 : i32
            %get3A_840 = arith.index_cast %add3A_839 : i32 to index
            %get3A_841 = arith.constant 32 : index
            %get3A_842 = tpu.vector_load %arg5[%get3A_840, %get3A_841] {strides = array<i32>} : memref<160x128xf32, #tpu.memory_space<vmem>>, vector<1x16xf32>,
            %get3A_843 = vector.shape_cast %get3A_842 : vector<1x16xf32> to vector<16xf32>
            %add3A_844 = arith.constant 8 : i32
            %add3A_845 = arith.addi %mul3A_98, %add3A_844 : i32
            %get3A_846 = arith.index_cast %add3A_845 : i32 to index
            %get3A_847 = arith.constant 48 : index
            %get3A_848 = tpu.vector_load %arg5[%get3A_846, %get3A_847] {strides = array<i32>} : memref<160x128xf32, #tpu.memory_space<vmem>>, vector<1x16xf32>,
            %get3A_849 = vector.shape_cast %get3A_848 : vector<1x16xf32> to vector<16xf32>
            %add3A_850 = arith.constant 8 : i32
            %add3A_851 = arith.addi %mul3A_98, %add3A_850 : i32
            %get3A_852 = arith.index_cast %add3A_851 : i32 to index
            %get3A_853 = arith.constant 64 : index
            %get3A_854 = tpu.vector_load %arg5[%get3A_852, %get3A_853] {strides = array<i32>} : memref<160x128xf32, #tpu.memory_space<vmem>>, vector<1x16xf32>,
            %get3A_855 = vector.shape_cast %get3A_854 : vector<1x16xf32> to vector<16xf32>
            %add3A_856 = arith.constant 8 : i32
            %add3A_857 = arith.addi %mul3A_98, %add3A_856 : i32
            %get3A_858 = arith.index_cast %add3A_857 : i32 to index
            %get3A_859 = arith.constant 80 : index
            %get3A_860 = tpu.vector_load %arg5[%get3A_858, %get3A_859] {strides = array<i32>} : memref<160x128xf32, #tpu.memory_space<vmem>>, vector<1x16xf32>,
            %get3A_861 = vector.shape_cast %get3A_860 : vector<1x16xf32> to vector<16xf32>
            %add3A_862 = arith.constant 8 : i32
            %add3A_863 = arith.addi %mul3A_98, %add3A_862 : i32
            %get3A_864 = arith.index_cast %add3A_863 : i32 to index
            %get3A_865 = arith.constant 96 : index
            %get3A_866 = tpu.vector_load %arg5[%get3A_864, %get3A_865] {strides = array<i32>} : memref<160x128xf32, #tpu.memory_space<vmem>>, vector<1x16xf32>,
            %get3A_867 = vector.shape_cast %get3A_866 : vector<1x16xf32> to vector<16xf32>
            %add3A_868 = arith.constant 8 : i32
            %add3A_869 = arith.addi %mul3A_98, %add3A_868 : i32
            %get3A_870 = arith.index_cast %add3A_869 : i32 to index
            %get3A_871 = arith.constant 112 : index
            %get3A_872 = tpu.vector_load %arg5[%get3A_870, %get3A_871] {strides = array<i32>} : memref<160x128xf32, #tpu.memory_space<vmem>>, vector<1x16xf32>,
            %get3A_873 = vector.shape_cast %get3A_872 : vector<1x16xf32> to vector<16xf32>
            %swap3A_874 = arith.index_cast %squeeze3A_825 : i32 to index
            %swap3A_875 = arith.constant 0 : index
            %swap3A_876 = tpu.vector_load %arg9[%swap3A_874, %swap3A_875] {strides = array<i32>} : memref<256x128xf32, #tpu.memory_space<vmem>>, vector<1x16xf32>,
            %swap3A_877 = vector.shape_cast %swap3A_876 : vector<1x16xf32> to vector<16xf32>
            %swap3A_878 = vector.shape_cast %get3A_831 : vector<16xf32> to vector<1x16xf32>
            tpu.vector_store %arg9[%swap3A_874, %swap3A_875], %swap3A_878 {add = true, strides = array<i32>} : memref<256x128xf32, #tpu.memory_space<vmem>>, vector<1x16xf32>,
            %swap3A_879 = arith.index_cast %squeeze3A_825 : i32 to index
            %swap3A_880 = arith.constant 16 : index
            %swap3A_881 = tpu.vector_load %arg9[%swap3A_879, %swap3A_880] {strides = array<i32>} : memref<256x128xf32, #tpu.memory_space<vmem>>, vector<1x16xf32>,
            %swap3A_882 = vector.shape_cast %swap3A_881 : vector<1x16xf32> to vector<16xf32>
            %swap3A_883 = vector.shape_cast %get3A_837 : vector<16xf32> to vector<1x16xf32>
            tpu.vector_store %arg9[%swap3A_879, %swap3A_880], %swap3A_883 {add = true, strides = array<i32>} : memref<256x128xf32, #tpu.memory_space<vmem>>, vector<1x16xf32>,
            %swap3A_884 = arith.index_cast %squeeze3A_825 : i32 to index
            %swap3A_885 = arith.constant 32 : index
            %swap3A_886 = tpu.vector_load %arg9[%swap3A_884, %swap3A_885] {strides = array<i32>} : memref<256x128xf32, #tpu.memory_space<vmem>>, vector<1x16xf32>,
            %swap3A_887 = vector.shape_cast %swap3A_886 : vector<1x16xf32> to vector<16xf32>
            %swap3A_888 = vector.shape_cast %get3A_843 : vector<16xf32> to vector<1x16xf32>
            tpu.vector_store %arg9[%swap3A_884, %swap3A_885], %swap3A_888 {add = true, strides = array<i32>} : memref<256x128xf32, #tpu.memory_space<vmem>>, vector<1x16xf32>,
            %swap3A_889 = arith.index_cast %squeeze3A_825 : i32 to index
            %swap3A_890 = arith.constant 48 : index
            %swap3A_891 = tpu.vector_load %arg9[%swap3A_889, %swap3A_890] {strides = array<i32>} : memref<256x128xf32, #tpu.memory_space<vmem>>, vector<1x16xf32>,
            %swap3A_892 = vector.shape_cast %swap3A_891 : vector<1x16xf32> to vector<16xf32>
            %swap3A_893 = vector.shape_cast %get3A_849 : vector<16xf32> to vector<1x16xf32>
            tpu.vector_store %arg9[%swap3A_889, %swap3A_890], %swap3A_893 {add = true, strides = array<i32>} : memref<256x128xf32, #tpu.memory_space<vmem>>, vector<1x16xf32>,
            %swap3A_894 = arith.index_cast %squeeze3A_825 : i32 to index
            %swap3A_895 = arith.constant 64 : index
            %swap3A_896 = tpu.vector_load %arg9[%swap3A_894, %swap3A_895] {strides = array<i32>} : memref<256x128xf32, #tpu.memory_space<vmem>>, vector<1x16xf32>,
            %swap3A_897 = vector.shape_cast %swap3A_896 : vector<1x16xf32> to vector<16xf32>
            %swap3A_898 = vector.shape_cast %get3A_855 : vector<16xf32> to vector<1x16xf32>
            tpu.vector_store %arg9[%swap3A_894, %swap3A_895], %swap3A_898 {add = true, strides = array<i32>} : memref<256x128xf32, #tpu.memory_space<vmem>>, vector<1x16xf32>,
            %swap3A_899 = arith.index_cast %squeeze3A_825 : i32 to index
            %swap3A_900 = arith.constant 80 : index
            %swap3A_901 = tpu.vector_load %arg9[%swap3A_899, %swap3A_900] {strides = array<i32>} : memref<256x128xf32, #tpu.memory_space<vmem>>, vector<1x16xf32>,
            %swap3A_902 = vector.shape_cast %swap3A_901 : vector<1x16xf32> to vector<16xf32>
            %swap3A_903 = vector.shape_cast %get3A_861 : vector<16xf32> to vector<1x16xf32>
            tpu.vector_store %arg9[%swap3A_899, %swap3A_900], %swap3A_903 {add = true, strides = array<i32>} : memref<256x128xf32, #tpu.memory_space<vmem>>, vector<1x16xf32>,
            %swap3A_904 = arith.index_cast %squeeze3A_825 : i32 to index
            %swap3A_905 = arith.constant 96 : index
            %swap3A_906 = tpu.vector_load %arg9[%swap3A_904, %swap3A_905] {strides = array<i32>} : memref<256x128xf32, #tpu.memory_space<vmem>>, vector<1x16xf32>,
            %swap3A_907 = vector.shape_cast %swap3A_906 : vector<1x16xf32> to vector<16xf32>
            %swap3A_908 = vector.shape_cast %get3A_867 : vector<16xf32> to vector<1x16xf32>
            tpu.vector_store %arg9[%swap3A_904, %swap3A_905], %swap3A_908 {add = true, strides = array<i32>} : memref<256x128xf32, #tpu.memory_space<vmem>>, vector<1x16xf32>,
            %swap3A_909 = arith.index_cast %squeeze3A_825 : i32 to index
            %swap3A_910 = arith.constant 112 : index
            %swap3A_911 = tpu.vector_load %arg9[%swap3A_909, %swap3A_910] {strides = array<i32>} : memref<256x128xf32, #tpu.memory_space<vmem>>, vector<1x16xf32>,
            %swap3A_912 = vector.shape_cast %swap3A_911 : vector<1x16xf32> to vector<16xf32>
            %swap3A_913 = vector.shape_cast %get3A_873 : vector<16xf32> to vector<1x16xf32>
            tpu.vector_store %arg9[%swap3A_909, %swap3A_910], %swap3A_913 {add = true, strides = array<i32>} : memref<256x128xf32, #tpu.memory_space<vmem>>, vector<1x16xf32>,
            %slice3A_914 = vector.extract_strided_slice %get3A_96 {offsets = [9], sizes = [1], strides = [1]} : vector<16xi32> to vector<1xi32>
            %squeeze3A_915 = vector.extract %slice3A_914[0] : i32 from vector<1xi32>
            %add3A_916 = arith.constant 9 : i32
            %add3A_917 = arith.addi %mul3A_98, %add3A_916 : i32
            %get3A_918 = arith.index_cast %add3A_917 : i32 to index
            %get3A_919 = arith.constant 0 : index
            %get3A_920 = tpu.vector_load %arg5[%get3A_918, %get3A_919] {strides = array<i32>} : memref<160x128xf32, #tpu.memory_space<vmem>>, vector<1x16xf32>,
            %get3A_921 = vector.shape_cast %get3A_920 : vector<1x16xf32> to vector<16xf32>
            %add3A_922 = arith.constant 9 : i32
            %add3A_923 = arith.addi %mul3A_98, %add3A_922 : i32
            %get3A_924 = arith.index_cast %add3A_923 : i32 to index
            %get3A_925 = arith.constant 16 : index
            %get3A_926 = tpu.vector_load %arg5[%get3A_924, %get3A_925] {strides = array<i32>} : memref<160x128xf32, #tpu.memory_space<vmem>>, vector<1x16xf32>,
            %get3A_927 = vector.shape_cast %get3A_926 : vector<1x16xf32> to vector<16xf32>
            %add3A_928 = arith.constant 9 : i32
            %add3A_929 = arith.addi %mul3A_98, %add3A_928 : i32
            %get3A_930 = arith.index_cast %add3A_929 : i32 to index
            %get3A_931 = arith.constant 32 : index
            %get3A_932 = tpu.vector_load %arg5[%get3A_930, %get3A_931] {strides = array<i32>} : memref<160x128xf32, #tpu.memory_space<vmem>>, vector<1x16xf32>,
            %get3A_933 = vector.shape_cast %get3A_932 : vector<1x16xf32> to vector<16xf32>
            %add3A_934 = arith.constant 9 : i32
            %add3A_935 = arith.addi %mul3A_98, %add3A_934 : i32
            %get3A_936 = arith.index_cast %add3A_935 : i32 to index
            %get3A_937 = arith.constant 48 : index
            %get3A_938 = tpu.vector_load %arg5[%get3A_936, %get3A_937] {strides = array<i32>} : memref<160x128xf32, #tpu.memory_space<vmem>>, vector<1x16xf32>,
            %get3A_939 = vector.shape_cast %get3A_938 : vector<1x16xf32> to vector<16xf32>
            %add3A_940 = arith.constant 9 : i32
            %add3A_941 = arith.addi %mul3A_98, %add3A_940 : i32
            %get3A_942 = arith.index_cast %add3A_941 : i32 to index
            %get3A_943 = arith.constant 64 : index
            %get3A_944 = tpu.vector_load %arg5[%get3A_942, %get3A_943] {strides = array<i32>} : memref<160x128xf32, #tpu.memory_space<vmem>>, vector<1x16xf32>,
            %get3A_945 = vector.shape_cast %get3A_944 : vector<1x16xf32> to vector<16xf32>
            %add3A_946 = arith.constant 9 : i32
            %add3A_947 = arith.addi %mul3A_98, %add3A_946 : i32
            %get3A_948 = arith.index_cast %add3A_947 : i32 to index
            %get3A_949 = arith.constant 80 : index
            %get3A_950 = tpu.vector_load %arg5[%get3A_948, %get3A_949] {strides = array<i32>} : memref<160x128xf32, #tpu.memory_space<vmem>>, vector<1x16xf32>,
            %get3A_951 = vector.shape_cast %get3A_950 : vector<1x16xf32> to vector<16xf32>
            %add3A_952 = arith.constant 9 : i32
            %add3A_953 = arith.addi %mul3A_98, %add3A_952 : i32
            %get3A_954 = arith.index_cast %add3A_953 : i32 to index
            %get3A_955 = arith.constant 96 : index
            %get3A_956 = tpu.vector_load %arg5[%get3A_954, %get3A_955] {strides = array<i32>} : memref<160x128xf32, #tpu.memory_space<vmem>>, vector<1x16xf32>,
            %get3A_957 = vector.shape_cast %get3A_956 : vector<1x16xf32> to vector<16xf32>
            %add3A_958 = arith.constant 9 : i32
            %add3A_959 = arith.addi %mul3A_98, %add3A_958 : i32
            %get3A_960 = arith.index_cast %add3A_959 : i32 to index
            %get3A_961 = arith.constant 112 : index
            %get3A_962 = tpu.vector_load %arg5[%get3A_960, %get3A_961] {strides = array<i32>} : memref<160x128xf32, #tpu.memory_space<vmem>>, vector<1x16xf32>,
            %get3A_963 = vector.shape_cast %get3A_962 : vector<1x16xf32> to vector<16xf32>
            %swap3A_964 = arith.index_cast %squeeze3A_915 : i32 to index
            %swap3A_965 = arith.constant 0 : index
            %swap3A_966 = tpu.vector_load %arg9[%swap3A_964, %swap3A_965] {strides = array<i32>} : memref<256x128xf32, #tpu.memory_space<vmem>>, vector<1x16xf32>,
            %swap3A_967 = vector.shape_cast %swap3A_966 : vector<1x16xf32> to vector<16xf32>
            %swap3A_968 = vector.shape_cast %get3A_921 : vector<16xf32> to vector<1x16xf32>
            tpu.vector_store %arg9[%swap3A_964, %swap3A_965], %swap3A_968 {add = true, strides = array<i32>} : memref<256x128xf32, #tpu.memory_space<vmem>>, vector<1x16xf32>,
            %swap3A_969 = arith.index_cast %squeeze3A_915 : i32 to index
            %swap3A_970 = arith.constant 16 : index
            %swap3A_971 = tpu.vector_load %arg9[%swap3A_969, %swap3A_970] {strides = array<i32>} : memref<256x128xf32, #tpu.memory_space<vmem>>, vector<1x16xf32>,
            %swap3A_972 = vector.shape_cast %swap3A_971 : vector<1x16xf32> to vector<16xf32>
            %swap3A_973 = vector.shape_cast %get3A_927 : vector<16xf32> to vector<1x16xf32>
            tpu.vector_store %arg9[%swap3A_969, %swap3A_970], %swap3A_973 {add = true, strides = array<i32>} : memref<256x128xf32, #tpu.memory_space<vmem>>, vector<1x16xf32>,
            %swap3A_974 = arith.index_cast %squeeze3A_915 : i32 to index
            %swap3A_975 = arith.constant 32 : index
            %swap3A_976 = tpu.vector_load %arg9[%swap3A_974, %swap3A_975] {strides = array<i32>} : memref<256x128xf32, #tpu.memory_space<vmem>>, vector<1x16xf32>,
            %swap3A_977 = vector.shape_cast %swap3A_976 : vector<1x16xf32> to vector<16xf32>
            %swap3A_978 = vector.shape_cast %get3A_933 : vector<16xf32> to vector<1x16xf32>
            tpu.vector_store %arg9[%swap3A_974, %swap3A_975], %swap3A_978 {add = true, strides = array<i32>} : memref<256x128xf32, #tpu.memory_space<vmem>>, vector<1x16xf32>,
            %swap3A_979 = arith.index_cast %squeeze3A_915 : i32 to index
            %swap3A_980 = arith.constant 48 : index
            %swap3A_981 = tpu.vector_load %arg9[%swap3A_979, %swap3A_980] {strides = array<i32>} : memref<256x128xf32, #tpu.memory_space<vmem>>, vector<1x16xf32>,
            %swap3A_982 = vector.shape_cast %swap3A_981 : vector<1x16xf32> to vector<16xf32>
            %swap3A_983 = vector.shape_cast %get3A_939 : vector<16xf32> to vector<1x16xf32>
            tpu.vector_store %arg9[%swap3A_979, %swap3A_980], %swap3A_983 {add = true, strides = array<i32>} : memref<256x128xf32, #tpu.memory_space<vmem>>, vector<1x16xf32>,
            %swap3A_984 = arith.index_cast %squeeze3A_915 : i32 to index
            %swap3A_985 = arith.constant 64 : index
            %swap3A_986 = tpu.vector_load %arg9[%swap3A_984, %swap3A_985] {strides = array<i32>} : memref<256x128xf32, #tpu.memory_space<vmem>>, vector<1x16xf32>,
            %swap3A_987 = vector.shape_cast %swap3A_986 : vector<1x16xf32> to vector<16xf32>
            %swap3A_988 = vector.shape_cast %get3A_945 : vector<16xf32> to vector<1x16xf32>
            tpu.vector_store %arg9[%swap3A_984, %swap3A_985], %swap3A_988 {add = true, strides = array<i32>} : memref<256x128xf32, #tpu.memory_space<vmem>>, vector<1x16xf32>,
            %swap3A_989 = arith.index_cast %squeeze3A_915 : i32 to index
            %swap3A_990 = arith.constant 80 : index
            %swap3A_991 = tpu.vector_load %arg9[%swap3A_989, %swap3A_990] {strides = array<i32>} : memref<256x128xf32, #tpu.memory_space<vmem>>, vector<1x16xf32>,
            %swap3A_992 = vector.shape_cast %swap3A_991 : vector<1x16xf32> to vector<16xf32>
            %swap3A_993 = vector.shape_cast %get3A_951 : vector<16xf32> to vector<1x16xf32>
            tpu.vector_store %arg9[%swap3A_989, %swap3A_990], %swap3A_993 {add = true, strides = array<i32>} : memref<256x128xf32, #tpu.memory_space<vmem>>, vector<1x16xf32>,
            %swap3A_994 = arith.index_cast %squeeze3A_915 : i32 to index
            %swap3A_995 = arith.constant 96 : index
            %swap3A_996 = tpu.vector_load %arg9[%swap3A_994, %swap3A_995] {strides = array<i32>} : memref<256x128xf32, #tpu.memory_space<vmem>>, vector<1x16xf32>,
            %swap3A_997 = vector.shape_cast %swap3A_996 : vector<1x16xf32> to vector<16xf32>
            %swap3A_998 = vector.shape_cast %get3A_957 : vector<16xf32> to vector<1x16xf32>
            tpu.vector_store %arg9[%swap3A_994, %swap3A_995], %swap3A_998 {add = true, strides = array<i32>} : memref<256x128xf32, #tpu.memory_space<vmem>>, vector<1x16xf32>,
            %swap3A_999 = arith.index_cast %squeeze3A_915 : i32 to index
            %swap3A_1000 = arith.constant 112 : index
            %swap3A_1001 = tpu.vector_load %arg9[%swap3A_999, %swap3A_1000] {strides = array<i32>} : memref<256x128xf32, #tpu.memory_space<vmem>>, vector<1x16xf32>,
            %swap3A_1002 = vector.shape_cast %swap3A_1001 : vector<1x16xf32> to vector<16xf32>
            %swap3A_1003 = vector.shape_cast %get3A_963 : vector<16xf32> to vector<1x16xf32>
            tpu.vector_store %arg9[%swap3A_999, %swap3A_1000], %swap3A_1003 {add = true, strides = array<i32>} : memref<256x128xf32, #tpu.memory_space<vmem>>, vector<1x16xf32>,
            %slice3A_1004 = vector.extract_strided_slice %get3A_96 {offsets = [10], sizes = [1], strides = [1]} : vector<16xi32> to vector<1xi32>
            %squeeze3A_1005 = vector.extract %slice3A_1004[0] : i32 from vector<1xi32>
            %add3A_1006 = arith.constant 10 : i32
            %add3A_1007 = arith.addi %mul3A_98, %add3A_1006 : i32
            %get3A_1008 = arith.index_cast %add3A_1007 : i32 to index
            %get3A_1009 = arith.constant 0 : index
            %get3A_1010 = tpu.vector_load %arg5[%get3A_1008, %get3A_1009] {strides = array<i32>} : memref<160x128xf32, #tpu.memory_space<vmem>>, vector<1x16xf32>,
            %get3A_1011 = vector.shape_cast %get3A_1010 : vector<1x16xf32> to vector<16xf32>
            %add3A_1012 = arith.constant 10 : i32
            %add3A_1013 = arith.addi %mul3A_98, %add3A_1012 : i32
            %get3A_1014 = arith.index_cast %add3A_1013 : i32 to index
            %get3A_1015 = arith.constant 16 : index
            %get3A_1016 = tpu.vector_load %arg5[%get3A_1014, %get3A_1015] {strides = array<i32>} : memref<160x128xf32, #tpu.memory_space<vmem>>, vector<1x16xf32>,
            %get3A_1017 = vector.shape_cast %get3A_1016 : vector<1x16xf32> to vector<16xf32>
            %add3A_1018 = arith.constant 10 : i32
            %add3A_1019 = arith.addi %mul3A_98, %add3A_1018 : i32
            %get3A_1020 = arith.index_cast %add3A_1019 : i32 to index
            %get3A_1021 = arith.constant 32 : index
            %get3A_1022 = tpu.vector_load %arg5[%get3A_1020, %get3A_1021] {strides = array<i32>} : memref<160x128xf32, #tpu.memory_space<vmem>>, vector<1x16xf32>,
            %get3A_1023 = vector.shape_cast %get3A_1022 : vector<1x16xf32> to vector<16xf32>
            %add3A_1024 = arith.constant 10 : i32
            %add3A_1025 = arith.addi %mul3A_98, %add3A_1024 : i32
            %get3A_1026 = arith.index_cast %add3A_1025 : i32 to index
            %get3A_1027 = arith.constant 48 : index
            %get3A_1028 = tpu.vector_load %arg5[%get3A_1026, %get3A_1027] {strides = array<i32>} : memref<160x128xf32, #tpu.memory_space<vmem>>, vector<1x16xf32>,
            %get3A_1029 = vector.shape_cast %get3A_1028 : vector<1x16xf32> to vector<16xf32>
            %add3A_1030 = arith.constant 10 : i32
            %add3A_1031 = arith.addi %mul3A_98, %add3A_1030 : i32
            %get3A_1032 = arith.index_cast %add3A_1031 : i32 to index
            %get3A_1033 = arith.constant 64 : index
            %get3A_1034 = tpu.vector_load %arg5[%get3A_1032, %get3A_1033] {strides = array<i32>} : memref<160x128xf32, #tpu.memory_space<vmem>>, vector<1x16xf32>,
            %get3A_1035 = vector.shape_cast %get3A_1034 : vector<1x16xf32> to vector<16xf32>
            %add3A_1036 = arith.constant 10 : i32
            %add3A_1037 = arith.addi %mul3A_98, %add3A_1036 : i32
            %get3A_1038 = arith.index_cast %add3A_1037 : i32 to index
            %get3A_1039 = arith.constant 80 : index
            %get3A_1040 = tpu.vector_load %arg5[%get3A_1038, %get3A_1039] {strides = array<i32>} : memref<160x128xf32, #tpu.memory_space<vmem>>, vector<1x16xf32>,
            %get3A_1041 = vector.shape_cast %get3A_1040 : vector<1x16xf32> to vector<16xf32>
            %add3A_1042 = arith.constant 10 : i32
            %add3A_1043 = arith.addi %mul3A_98, %add3A_1042 : i32
            %get3A_1044 = arith.index_cast %add3A_1043 : i32 to index
            %get3A_1045 = arith.constant 96 : index
            %get3A_1046 = tpu.vector_load %arg5[%get3A_1044, %get3A_1045] {strides = array<i32>} : memref<160x128xf32, #tpu.memory_space<vmem>>, vector<1x16xf32>,
            %get3A_1047 = vector.shape_cast %get3A_1046 : vector<1x16xf32> to vector<16xf32>
            %add3A_1048 = arith.constant 10 : i32
            %add3A_1049 = arith.addi %mul3A_98, %add3A_1048 : i32
            %get3A_1050 = arith.index_cast %add3A_1049 : i32 to index
            %get3A_1051 = arith.constant 112 : index
            %get3A_1052 = tpu.vector_load %arg5[%get3A_1050, %get3A_1051] {strides = array<i32>} : memref<160x128xf32, #tpu.memory_space<vmem>>, vector<1x16xf32>,
            %get3A_1053 = vector.shape_cast %get3A_1052 : vector<1x16xf32> to vector<16xf32>
            %swap3A_1054 = arith.index_cast %squeeze3A_1005 : i32 to index
            %swap3A_1055 = arith.constant 0 : index
            %swap3A_1056 = tpu.vector_load %arg9[%swap3A_1054, %swap3A_1055] {strides = array<i32>} : memref<256x128xf32, #tpu.memory_space<vmem>>, vector<1x16xf32>,
            %swap3A_1057 = vector.shape_cast %swap3A_1056 : vector<1x16xf32> to vector<16xf32>
            %swap3A_1058 = vector.shape_cast %get3A_1011 : vector<16xf32> to vector<1x16xf32>
            tpu.vector_store %arg9[%swap3A_1054, %swap3A_1055], %swap3A_1058 {add = true, strides = array<i32>} : memref<256x128xf32, #tpu.memory_space<vmem>>, vector<1x16xf32>,
            %swap3A_1059 = arith.index_cast %squeeze3A_1005 : i32 to index
            %swap3A_1060 = arith.constant 16 : index
            %swap3A_1061 = tpu.vector_load %arg9[%swap3A_1059, %swap3A_1060] {strides = array<i32>} : memref<256x128xf32, #tpu.memory_space<vmem>>, vector<1x16xf32>,
            %swap3A_1062 = vector.shape_cast %swap3A_1061 : vector<1x16xf32> to vector<16xf32>
            %swap3A_1063 = vector.shape_cast %get3A_1017 : vector<16xf32> to vector<1x16xf32>
            tpu.vector_store %arg9[%swap3A_1059, %swap3A_1060], %swap3A_1063 {add = true, strides = array<i32>} : memref<256x128xf32, #tpu.memory_space<vmem>>, vector<1x16xf32>,
            %swap3A_1064 = arith.index_cast %squeeze3A_1005 : i32 to index
            %swap3A_1065 = arith.constant 32 : index
            %swap3A_1066 = tpu.vector_load %arg9[%swap3A_1064, %swap3A_1065] {strides = array<i32>} : memref<256x128xf32, #tpu.memory_space<vmem>>, vector<1x16xf32>,
            %swap3A_1067 = vector.shape_cast %swap3A_1066 : vector<1x16xf32> to vector<16xf32>
            %swap3A_1068 = vector.shape_cast %get3A_1023 : vector<16xf32> to vector<1x16xf32>
            tpu.vector_store %arg9[%swap3A_1064, %swap3A_1065], %swap3A_1068 {add = true, strides = array<i32>} : memref<256x128xf32, #tpu.memory_space<vmem>>, vector<1x16xf32>,
            %swap3A_1069 = arith.index_cast %squeeze3A_1005 : i32 to index
            %swap3A_1070 = arith.constant 48 : index
            %swap3A_1071 = tpu.vector_load %arg9[%swap3A_1069, %swap3A_1070] {strides = array<i32>} : memref<256x128xf32, #tpu.memory_space<vmem>>, vector<1x16xf32>,
            %swap3A_1072 = vector.shape_cast %swap3A_1071 : vector<1x16xf32> to vector<16xf32>
            %swap3A_1073 = vector.shape_cast %get3A_1029 : vector<16xf32> to vector<1x16xf32>
            tpu.vector_store %arg9[%swap3A_1069, %swap3A_1070], %swap3A_1073 {add = true, strides = array<i32>} : memref<256x128xf32, #tpu.memory_space<vmem>>, vector<1x16xf32>,
            %swap3A_1074 = arith.index_cast %squeeze3A_1005 : i32 to index
            %swap3A_1075 = arith.constant 64 : index
            %swap3A_1076 = tpu.vector_load %arg9[%swap3A_1074, %swap3A_1075] {strides = array<i32>} : memref<256x128xf32, #tpu.memory_space<vmem>>, vector<1x16xf32>,
            %swap3A_1077 = vector.shape_cast %swap3A_1076 : vector<1x16xf32> to vector<16xf32>
            %swap3A_1078 = vector.shape_cast %get3A_1035 : vector<16xf32> to vector<1x16xf32>
            tpu.vector_store %arg9[%swap3A_1074, %swap3A_1075], %swap3A_1078 {add = true, strides = array<i32>} : memref<256x128xf32, #tpu.memory_space<vmem>>, vector<1x16xf32>,
            %swap3A_1079 = arith.index_cast %squeeze3A_1005 : i32 to index
            %swap3A_1080 = arith.constant 80 : index
            %swap3A_1081 = tpu.vector_load %arg9[%swap3A_1079, %swap3A_1080] {strides = array<i32>} : memref<256x128xf32, #tpu.memory_space<vmem>>, vector<1x16xf32>,
            %swap3A_1082 = vector.shape_cast %swap3A_1081 : vector<1x16xf32> to vector<16xf32>
            %swap3A_1083 = vector.shape_cast %get3A_1041 : vector<16xf32> to vector<1x16xf32>
            tpu.vector_store %arg9[%swap3A_1079, %swap3A_1080], %swap3A_1083 {add = true, strides = array<i32>} : memref<256x128xf32, #tpu.memory_space<vmem>>, vector<1x16xf32>,
            %swap3A_1084 = arith.index_cast %squeeze3A_1005 : i32 to index
            %swap3A_1085 = arith.constant 96 : index
            %swap3A_1086 = tpu.vector_load %arg9[%swap3A_1084, %swap3A_1085] {strides = array<i32>} : memref<256x128xf32, #tpu.memory_space<vmem>>, vector<1x16xf32>,
            %swap3A_1087 = vector.shape_cast %swap3A_1086 : vector<1x16xf32> to vector<16xf32>
            %swap3A_1088 = vector.shape_cast %get3A_1047 : vector<16xf32> to vector<1x16xf32>
            tpu.vector_store %arg9[%swap3A_1084, %swap3A_1085], %swap3A_1088 {add = true, strides = array<i32>} : memref<256x128xf32, #tpu.memory_space<vmem>>, vector<1x16xf32>,
            %swap3A_1089 = arith.index_cast %squeeze3A_1005 : i32 to index
            %swap3A_1090 = arith.constant 112 : index
            %swap3A_1091 = tpu.vector_load %arg9[%swap3A_1089, %swap3A_1090] {strides = array<i32>} : memref<256x128xf32, #tpu.memory_space<vmem>>, vector<1x16xf32>,
            %swap3A_1092 = vector.shape_cast %swap3A_1091 : vector<1x16xf32> to vector<16xf32>
            %swap3A_1093 = vector.shape_cast %get3A_1053 : vector<16xf32> to vector<1x16xf32>
            tpu.vector_store %arg9[%swap3A_1089, %swap3A_1090], %swap3A_1093 {add = true, strides = array<i32>} : memref<256x128xf32, #tpu.memory_space<vmem>>, vector<1x16xf32>,
            %slice3A_1094 = vector.extract_strided_slice %get3A_96 {offsets = [11], sizes = [1], strides = [1]} : vector<16xi32> to vector<1xi32>
            %squeeze3A_1095 = vector.extract %slice3A_1094[0] : i32 from vector<1xi32>
            %add3A_1096 = arith.constant 11 : i32
            %add3A_1097 = arith.addi %mul3A_98, %add3A_1096 : i32
            %get3A_1098 = arith.index_cast %add3A_1097 : i32 to index
            %get3A_1099 = arith.constant 0 : index
            %get3A_1100 = tpu.vector_load %arg5[%get3A_1098, %get3A_1099] {strides = array<i32>} : memref<160x128xf32, #tpu.memory_space<vmem>>, vector<1x16xf32>,
            %get3A_1101 = vector.shape_cast %get3A_1100 : vector<1x16xf32> to vector<16xf32>
            %add3A_1102 = arith.constant 11 : i32
            %add3A_1103 = arith.addi %mul3A_98, %add3A_1102 : i32
            %get3A_1104 = arith.index_cast %add3A_1103 : i32 to index
            %get3A_1105 = arith.constant 16 : index
            %get3A_1106 = tpu.vector_load %arg5[%get3A_1104, %get3A_1105] {strides = array<i32>} : memref<160x128xf32, #tpu.memory_space<vmem>>, vector<1x16xf32>,
            %get3A_1107 = vector.shape_cast %get3A_1106 : vector<1x16xf32> to vector<16xf32>
            %add3A_1108 = arith.constant 11 : i32
            %add3A_1109 = arith.addi %mul3A_98, %add3A_1108 : i32
            %get3A_1110 = arith.index_cast %add3A_1109 : i32 to index
            %get3A_1111 = arith.constant 32 : index
            %get3A_1112 = tpu.vector_load %arg5[%get3A_1110, %get3A_1111] {strides = array<i32>} : memref<160x128xf32, #tpu.memory_space<vmem>>, vector<1x16xf32>,
            %get3A_1113 = vector.shape_cast %get3A_1112 : vector<1x16xf32> to vector<16xf32>
            %add3A_1114 = arith.constant 11 : i32
            %add3A_1115 = arith.addi %mul3A_98, %add3A_1114 : i32
            %get3A_1116 = arith.index_cast %add3A_1115 : i32 to index
            %get3A_1117 = arith.constant 48 : index
            %get3A_1118 = tpu.vector_load %arg5[%get3A_1116, %get3A_1117] {strides = array<i32>} : memref<160x128xf32, #tpu.memory_space<vmem>>, vector<1x16xf32>,
            %get3A_1119 = vector.shape_cast %get3A_1118 : vector<1x16xf32> to vector<16xf32>
            %add3A_1120 = arith.constant 11 : i32
            %add3A_1121 = arith.addi %mul3A_98, %add3A_1120 : i32
            %get3A_1122 = arith.index_cast %add3A_1121 : i32 to index
            %get3A_1123 = arith.constant 64 : index
            %get3A_1124 = tpu.vector_load %arg5[%get3A_1122, %get3A_1123] {strides = array<i32>} : memref<160x128xf32, #tpu.memory_space<vmem>>, vector<1x16xf32>,
            %get3A_1125 = vector.shape_cast %get3A_1124 : vector<1x16xf32> to vector<16xf32>
            %add3A_1126 = arith.constant 11 : i32
            %add3A_1127 = arith.addi %mul3A_98, %add3A_1126 : i32
            %get3A_1128 = arith.index_cast %add3A_1127 : i32 to index
            %get3A_1129 = arith.constant 80 : index
            %get3A_1130 = tpu.vector_load %arg5[%get3A_1128, %get3A_1129] {strides = array<i32>} : memref<160x128xf32, #tpu.memory_space<vmem>>, vector<1x16xf32>,
            %get3A_1131 = vector.shape_cast %get3A_1130 : vector<1x16xf32> to vector<16xf32>
            %add3A_1132 = arith.constant 11 : i32
            %add3A_1133 = arith.addi %mul3A_98, %add3A_1132 : i32
            %get3A_1134 = arith.index_cast %add3A_1133 : i32 to index
            %get3A_1135 = arith.constant 96 : index
            %get3A_1136 = tpu.vector_load %arg5[%get3A_1134, %get3A_1135] {strides = array<i32>} : memref<160x128xf32, #tpu.memory_space<vmem>>, vector<1x16xf32>,
            %get3A_1137 = vector.shape_cast %get3A_1136 : vector<1x16xf32> to vector<16xf32>
            %add3A_1138 = arith.constant 11 : i32
            %add3A_1139 = arith.addi %mul3A_98, %add3A_1138 : i32
            %get3A_1140 = arith.index_cast %add3A_1139 : i32 to index
            %get3A_1141 = arith.constant 112 : index
            %get3A_1142 = tpu.vector_load %arg5[%get3A_1140, %get3A_1141] {strides = array<i32>} : memref<160x128xf32, #tpu.memory_space<vmem>>, vector<1x16xf32>,
            %get3A_1143 = vector.shape_cast %get3A_1142 : vector<1x16xf32> to vector<16xf32>
            %swap3A_1144 = arith.index_cast %squeeze3A_1095 : i32 to index
            %swap3A_1145 = arith.constant 0 : index
            %swap3A_1146 = tpu.vector_load %arg9[%swap3A_1144, %swap3A_1145] {strides = array<i32>} : memref<256x128xf32, #tpu.memory_space<vmem>>, vector<1x16xf32>,
            %swap3A_1147 = vector.shape_cast %swap3A_1146 : vector<1x16xf32> to vector<16xf32>
            %swap3A_1148 = vector.shape_cast %get3A_1101 : vector<16xf32> to vector<1x16xf32>
            tpu.vector_store %arg9[%swap3A_1144, %swap3A_1145], %swap3A_1148 {add = true, strides = array<i32>} : memref<256x128xf32, #tpu.memory_space<vmem>>, vector<1x16xf32>,
            %swap3A_1149 = arith.index_cast %squeeze3A_1095 : i32 to index
            %swap3A_1150 = arith.constant 16 : index
            %swap3A_1151 = tpu.vector_load %arg9[%swap3A_1149, %swap3A_1150] {strides = array<i32>} : memref<256x128xf32, #tpu.memory_space<vmem>>, vector<1x16xf32>,
            %swap3A_1152 = vector.shape_cast %swap3A_1151 : vector<1x16xf32> to vector<16xf32>
            %swap3A_1153 = vector.shape_cast %get3A_1107 : vector<16xf32> to vector<1x16xf32>
            tpu.vector_store %arg9[%swap3A_1149, %swap3A_1150], %swap3A_1153 {add = true, strides = array<i32>} : memref<256x128xf32, #tpu.memory_space<vmem>>, vector<1x16xf32>,
            %swap3A_1154 = arith.index_cast %squeeze3A_1095 : i32 to index
            %swap3A_1155 = arith.constant 32 : index
            %swap3A_1156 = tpu.vector_load %arg9[%swap3A_1154, %swap3A_1155] {strides = array<i32>} : memref<256x128xf32, #tpu.memory_space<vmem>>, vector<1x16xf32>,
            %swap3A_1157 = vector.shape_cast %swap3A_1156 : vector<1x16xf32> to vector<16xf32>
            %swap3A_1158 = vector.shape_cast %get3A_1113 : vector<16xf32> to vector<1x16xf32>
            tpu.vector_store %arg9[%swap3A_1154, %swap3A_1155], %swap3A_1158 {add = true, strides = array<i32>} : memref<256x128xf32, #tpu.memory_space<vmem>>, vector<1x16xf32>,
            %swap3A_1159 = arith.index_cast %squeeze3A_1095 : i32 to index
            %swap3A_1160 = arith.constant 48 : index
            %swap3A_1161 = tpu.vector_load %arg9[%swap3A_1159, %swap3A_1160] {strides = array<i32>} : memref<256x128xf32, #tpu.memory_space<vmem>>, vector<1x16xf32>,
            %swap3A_1162 = vector.shape_cast %swap3A_1161 : vector<1x16xf32> to vector<16xf32>
            %swap3A_1163 = vector.shape_cast %get3A_1119 : vector<16xf32> to vector<1x16xf32>
            tpu.vector_store %arg9[%swap3A_1159, %swap3A_1160], %swap3A_1163 {add = true, strides = array<i32>} : memref<256x128xf32, #tpu.memory_space<vmem>>, vector<1x16xf32>,
            %swap3A_1164 = arith.index_cast %squeeze3A_1095 : i32 to index
            %swap3A_1165 = arith.constant 64 : index
            %swap3A_1166 = tpu.vector_load %arg9[%swap3A_1164, %swap3A_1165] {strides = array<i32>} : memref<256x128xf32, #tpu.memory_space<vmem>>, vector<1x16xf32>,
            %swap3A_1167 = vector.shape_cast %swap3A_1166 : vector<1x16xf32> to vector<16xf32>
            %swap3A_1168 = vector.shape_cast %get3A_1125 : vector<16xf32> to vector<1x16xf32>
            tpu.vector_store %arg9[%swap3A_1164, %swap3A_1165], %swap3A_1168 {add = true, strides = array<i32>} : memref<256x128xf32, #tpu.memory_space<vmem>>, vector<1x16xf32>,
            %swap3A_1169 = arith.index_cast %squeeze3A_1095 : i32 to index
            %swap3A_1170 = arith.constant 80 : index
            %swap3A_1171 = tpu.vector_load %arg9[%swap3A_1169, %swap3A_1170] {strides = array<i32>} : memref<256x128xf32, #tpu.memory_space<vmem>>, vector<1x16xf32>,
            %swap3A_1172 = vector.shape_cast %swap3A_1171 : vector<1x16xf32> to vector<16xf32>
            %swap3A_1173 = vector.shape_cast %get3A_1131 : vector<16xf32> to vector<1x16xf32>
            tpu.vector_store %arg9[%swap3A_1169, %swap3A_1170], %swap3A_1173 {add = true, strides = array<i32>} : memref<256x128xf32, #tpu.memory_space<vmem>>, vector<1x16xf32>,
            %swap3A_1174 = arith.index_cast %squeeze3A_1095 : i32 to index
            %swap3A_1175 = arith.constant 96 : index
            %swap3A_1176 = tpu.vector_load %arg9[%swap3A_1174, %swap3A_1175] {strides = array<i32>} : memref<256x128xf32, #tpu.memory_space<vmem>>, vector<1x16xf32>,
            %swap3A_1177 = vector.shape_cast %swap3A_1176 : vector<1x16xf32> to vector<16xf32>
            %swap3A_1178 = vector.shape_cast %get3A_1137 : vector<16xf32> to vector<1x16xf32>
            tpu.vector_store %arg9[%swap3A_1174, %swap3A_1175], %swap3A_1178 {add = true, strides = array<i32>} : memref<256x128xf32, #tpu.memory_space<vmem>>, vector<1x16xf32>,
            %swap3A_1179 = arith.index_cast %squeeze3A_1095 : i32 to index
            %swap3A_1180 = arith.constant 112 : index
            %swap3A_1181 = tpu.vector_load %arg9[%swap3A_1179, %swap3A_1180] {strides = array<i32>} : memref<256x128xf32, #tpu.memory_space<vmem>>, vector<1x16xf32>,
            %swap3A_1182 = vector.shape_cast %swap3A_1181 : vector<1x16xf32> to vector<16xf32>
            %swap3A_1183 = vector.shape_cast %get3A_1143 : vector<16xf32> to vector<1x16xf32>
            tpu.vector_store %arg9[%swap3A_1179, %swap3A_1180], %swap3A_1183 {add = true, strides = array<i32>} : memref<256x128xf32, #tpu.memory_space<vmem>>, vector<1x16xf32>,
            %slice3A_1184 = vector.extract_strided_slice %get3A_96 {offsets = [12], sizes = [1], strides = [1]} : vector<16xi32> to vector<1xi32>
            %squeeze3A_1185 = vector.extract %slice3A_1184[0] : i32 from vector<1xi32>
            %add3A_1186 = arith.constant 12 : i32
            %add3A_1187 = arith.addi %mul3A_98, %add3A_1186 : i32
            %get3A_1188 = arith.index_cast %add3A_1187 : i32 to index
            %get3A_1189 = arith.constant 0 : index
            %get3A_1190 = tpu.vector_load %arg5[%get3A_1188, %get3A_1189] {strides = array<i32>} : memref<160x128xf32, #tpu.memory_space<vmem>>, vector<1x16xf32>,
            %get3A_1191 = vector.shape_cast %get3A_1190 : vector<1x16xf32> to vector<16xf32>
            %add3A_1192 = arith.constant 12 : i32
            %add3A_1193 = arith.addi %mul3A_98, %add3A_1192 : i32
            %get3A_1194 = arith.index_cast %add3A_1193 : i32 to index
            %get3A_1195 = arith.constant 16 : index
            %get3A_1196 = tpu.vector_load %arg5[%get3A_1194, %get3A_1195] {strides = array<i32>} : memref<160x128xf32, #tpu.memory_space<vmem>>, vector<1x16xf32>,
            %get3A_1197 = vector.shape_cast %get3A_1196 : vector<1x16xf32> to vector<16xf32>
            %add3A_1198 = arith.constant 12 : i32
            %add3A_1199 = arith.addi %mul3A_98, %add3A_1198 : i32
            %get3A_1200 = arith.index_cast %add3A_1199 : i32 to index
            %get3A_1201 = arith.constant 32 : index
            %get3A_1202 = tpu.vector_load %arg5[%get3A_1200, %get3A_1201] {strides = array<i32>} : memref<160x128xf32, #tpu.memory_space<vmem>>, vector<1x16xf32>,
            %get3A_1203 = vector.shape_cast %get3A_1202 : vector<1x16xf32> to vector<16xf32>
            %add3A_1204 = arith.constant 12 : i32
            %add3A_1205 = arith.addi %mul3A_98, %add3A_1204 : i32
            %get3A_1206 = arith.index_cast %add3A_1205 : i32 to index
            %get3A_1207 = arith.constant 48 : index
            %get3A_1208 = tpu.vector_load %arg5[%get3A_1206, %get3A_1207] {strides = array<i32>} : memref<160x128xf32, #tpu.memory_space<vmem>>, vector<1x16xf32>,
            %get3A_1209 = vector.shape_cast %get3A_1208 : vector<1x16xf32> to vector<16xf32>
            %add3A_1210 = arith.constant 12 : i32
            %add3A_1211 = arith.addi %mul3A_98, %add3A_1210 : i32
            %get3A_1212 = arith.index_cast %add3A_1211 : i32 to index
            %get3A_1213 = arith.constant 64 : index
            %get3A_1214 = tpu.vector_load %arg5[%get3A_1212, %get3A_1213] {strides = array<i32>} : memref<160x128xf32, #tpu.memory_space<vmem>>, vector<1x16xf32>,
            %get3A_1215 = vector.shape_cast %get3A_1214 : vector<1x16xf32> to vector<16xf32>
            %add3A_1216 = arith.constant 12 : i32
            %add3A_1217 = arith.addi %mul3A_98, %add3A_1216 : i32
            %get3A_1218 = arith.index_cast %add3A_1217 : i32 to index
            %get3A_1219 = arith.constant 80 : index
            %get3A_1220 = tpu.vector_load %arg5[%get3A_1218, %get3A_1219] {strides = array<i32>} : memref<160x128xf32, #tpu.memory_space<vmem>>, vector<1x16xf32>,
            %get3A_1221 = vector.shape_cast %get3A_1220 : vector<1x16xf32> to vector<16xf32>
            %add3A_1222 = arith.constant 12 : i32
            %add3A_1223 = arith.addi %mul3A_98, %add3A_1222 : i32
            %get3A_1224 = arith.index_cast %add3A_1223 : i32 to index
            %get3A_1225 = arith.constant 96 : index
            %get3A_1226 = tpu.vector_load %arg5[%get3A_1224, %get3A_1225] {strides = array<i32>} : memref<160x128xf32, #tpu.memory_space<vmem>>, vector<1x16xf32>,
            %get3A_1227 = vector.shape_cast %get3A_1226 : vector<1x16xf32> to vector<16xf32>
            %add3A_1228 = arith.constant 12 : i32
            %add3A_1229 = arith.addi %mul3A_98, %add3A_1228 : i32
            %get3A_1230 = arith.index_cast %add3A_1229 : i32 to index
            %get3A_1231 = arith.constant 112 : index
            %get3A_1232 = tpu.vector_load %arg5[%get3A_1230, %get3A_1231] {strides = array<i32>} : memref<160x128xf32, #tpu.memory_space<vmem>>, vector<1x16xf32>,
            %get3A_1233 = vector.shape_cast %get3A_1232 : vector<1x16xf32> to vector<16xf32>
            %swap3A_1234 = arith.index_cast %squeeze3A_1185 : i32 to index
            %swap3A_1235 = arith.constant 0 : index
            %swap3A_1236 = tpu.vector_load %arg9[%swap3A_1234, %swap3A_1235] {strides = array<i32>} : memref<256x128xf32, #tpu.memory_space<vmem>>, vector<1x16xf32>,
            %swap3A_1237 = vector.shape_cast %swap3A_1236 : vector<1x16xf32> to vector<16xf32>
            %swap3A_1238 = vector.shape_cast %get3A_1191 : vector<16xf32> to vector<1x16xf32>
            tpu.vector_store %arg9[%swap3A_1234, %swap3A_1235], %swap3A_1238 {add = true, strides = array<i32>} : memref<256x128xf32, #tpu.memory_space<vmem>>, vector<1x16xf32>,
            %swap3A_1239 = arith.index_cast %squeeze3A_1185 : i32 to index
            %swap3A_1240 = arith.constant 16 : index
            %swap3A_1241 = tpu.vector_load %arg9[%swap3A_1239, %swap3A_1240] {strides = array<i32>} : memref<256x128xf32, #tpu.memory_space<vmem>>, vector<1x16xf32>,
            %swap3A_1242 = vector.shape_cast %swap3A_1241 : vector<1x16xf32> to vector<16xf32>
            %swap3A_1243 = vector.shape_cast %get3A_1197 : vector<16xf32> to vector<1x16xf32>
            tpu.vector_store %arg9[%swap3A_1239, %swap3A_1240], %swap3A_1243 {add = true, strides = array<i32>} : memref<256x128xf32, #tpu.memory_space<vmem>>, vector<1x16xf32>,
            %swap3A_1244 = arith.index_cast %squeeze3A_1185 : i32 to index
            %swap3A_1245 = arith.constant 32 : index
            %swap3A_1246 = tpu.vector_load %arg9[%swap3A_1244, %swap3A_1245] {strides = array<i32>} : memref<256x128xf32, #tpu.memory_space<vmem>>, vector<1x16xf32>,
            %swap3A_1247 = vector.shape_cast %swap3A_1246 : vector<1x16xf32> to vector<16xf32>
            %swap3A_1248 = vector.shape_cast %get3A_1203 : vector<16xf32> to vector<1x16xf32>
            tpu.vector_store %arg9[%swap3A_1244, %swap3A_1245], %swap3A_1248 {add = true, strides = array<i32>} : memref<256x128xf32, #tpu.memory_space<vmem>>, vector<1x16xf32>,
            %swap3A_1249 = arith.index_cast %squeeze3A_1185 : i32 to index
            %swap3A_1250 = arith.constant 48 : index
            %swap3A_1251 = tpu.vector_load %arg9[%swap3A_1249, %swap3A_1250] {strides = array<i32>} : memref<256x128xf32, #tpu.memory_space<vmem>>, vector<1x16xf32>,
            %swap3A_1252 = vector.shape_cast %swap3A_1251 : vector<1x16xf32> to vector<16xf32>
            %swap3A_1253 = vector.shape_cast %get3A_1209 : vector<16xf32> to vector<1x16xf32>
            tpu.vector_store %arg9[%swap3A_1249, %swap3A_1250], %swap3A_1253 {add = true, strides = array<i32>} : memref<256x128xf32, #tpu.memory_space<vmem>>, vector<1x16xf32>,
            %swap3A_1254 = arith.index_cast %squeeze3A_1185 : i32 to index
            %swap3A_1255 = arith.constant 64 : index
            %swap3A_1256 = tpu.vector_load %arg9[%swap3A_1254, %swap3A_1255] {strides = array<i32>} : memref<256x128xf32, #tpu.memory_space<vmem>>, vector<1x16xf32>,
            %swap3A_1257 = vector.shape_cast %swap3A_1256 : vector<1x16xf32> to vector<16xf32>
            %swap3A_1258 = vector.shape_cast %get3A_1215 : vector<16xf32> to vector<1x16xf32>
            tpu.vector_store %arg9[%swap3A_1254, %swap3A_1255], %swap3A_1258 {add = true, strides = array<i32>} : memref<256x128xf32, #tpu.memory_space<vmem>>, vector<1x16xf32>,
            %swap3A_1259 = arith.index_cast %squeeze3A_1185 : i32 to index
            %swap3A_1260 = arith.constant 80 : index
            %swap3A_1261 = tpu.vector_load %arg9[%swap3A_1259, %swap3A_1260] {strides = array<i32>} : memref<256x128xf32, #tpu.memory_space<vmem>>, vector<1x16xf32>,
            %swap3A_1262 = vector.shape_cast %swap3A_1261 : vector<1x16xf32> to vector<16xf32>
            %swap3A_1263 = vector.shape_cast %get3A_1221 : vector<16xf32> to vector<1x16xf32>
            tpu.vector_store %arg9[%swap3A_1259, %swap3A_1260], %swap3A_1263 {add = true, strides = array<i32>} : memref<256x128xf32, #tpu.memory_space<vmem>>, vector<1x16xf32>,
            %swap3A_1264 = arith.index_cast %squeeze3A_1185 : i32 to index
            %swap3A_1265 = arith.constant 96 : index
            %swap3A_1266 = tpu.vector_load %arg9[%swap3A_1264, %swap3A_1265] {strides = array<i32>} : memref<256x128xf32, #tpu.memory_space<vmem>>, vector<1x16xf32>,
            %swap3A_1267 = vector.shape_cast %swap3A_1266 : vector<1x16xf32> to vector<16xf32>
            %swap3A_1268 = vector.shape_cast %get3A_1227 : vector<16xf32> to vector<1x16xf32>
            tpu.vector_store %arg9[%swap3A_1264, %swap3A_1265], %swap3A_1268 {add = true, strides = array<i32>} : memref<256x128xf32, #tpu.memory_space<vmem>>, vector<1x16xf32>,
            %swap3A_1269 = arith.index_cast %squeeze3A_1185 : i32 to index
            %swap3A_1270 = arith.constant 112 : index
            %swap3A_1271 = tpu.vector_load %arg9[%swap3A_1269, %swap3A_1270] {strides = array<i32>} : memref<256x128xf32, #tpu.memory_space<vmem>>, vector<1x16xf32>,
            %swap3A_1272 = vector.shape_cast %swap3A_1271 : vector<1x16xf32> to vector<16xf32>
            %swap3A_1273 = vector.shape_cast %get3A_1233 : vector<16xf32> to vector<1x16xf32>
            tpu.vector_store %arg9[%swap3A_1269, %swap3A_1270], %swap3A_1273 {add = true, strides = array<i32>} : memref<256x128xf32, #tpu.memory_space<vmem>>, vector<1x16xf32>,
            %slice3A_1274 = vector.extract_strided_slice %get3A_96 {offsets = [13], sizes = [1], strides = [1]} : vector<16xi32> to vector<1xi32>
            %squeeze3A_1275 = vector.extract %slice3A_1274[0] : i32 from vector<1xi32>
            %add3A_1276 = arith.constant 13 : i32
            %add3A_1277 = arith.addi %mul3A_98, %add3A_1276 : i32
            %get3A_1278 = arith.index_cast %add3A_1277 : i32 to index
            %get3A_1279 = arith.constant 0 : index
            %get3A_1280 = tpu.vector_load %arg5[%get3A_1278, %get3A_1279] {strides = array<i32>} : memref<160x128xf32, #tpu.memory_space<vmem>>, vector<1x16xf32>,
            %get3A_1281 = vector.shape_cast %get3A_1280 : vector<1x16xf32> to vector<16xf32>
            %add3A_1282 = arith.constant 13 : i32
            %add3A_1283 = arith.addi %mul3A_98, %add3A_1282 : i32
            %get3A_1284 = arith.index_cast %add3A_1283 : i32 to index
            %get3A_1285 = arith.constant 16 : index
            %get3A_1286 = tpu.vector_load %arg5[%get3A_1284, %get3A_1285] {strides = array<i32>} : memref<160x128xf32, #tpu.memory_space<vmem>>, vector<1x16xf32>,
            %get3A_1287 = vector.shape_cast %get3A_1286 : vector<1x16xf32> to vector<16xf32>
            %add3A_1288 = arith.constant 13 : i32
            %add3A_1289 = arith.addi %mul3A_98, %add3A_1288 : i32
            %get3A_1290 = arith.index_cast %add3A_1289 : i32 to index
            %get3A_1291 = arith.constant 32 : index
            %get3A_1292 = tpu.vector_load %arg5[%get3A_1290, %get3A_1291] {strides = array<i32>} : memref<160x128xf32, #tpu.memory_space<vmem>>, vector<1x16xf32>,
            %get3A_1293 = vector.shape_cast %get3A_1292 : vector<1x16xf32> to vector<16xf32>
            %add3A_1294 = arith.constant 13 : i32
            %add3A_1295 = arith.addi %mul3A_98, %add3A_1294 : i32
            %get3A_1296 = arith.index_cast %add3A_1295 : i32 to index
            %get3A_1297 = arith.constant 48 : index
            %get3A_1298 = tpu.vector_load %arg5[%get3A_1296, %get3A_1297] {strides = array<i32>} : memref<160x128xf32, #tpu.memory_space<vmem>>, vector<1x16xf32>,
            %get3A_1299 = vector.shape_cast %get3A_1298 : vector<1x16xf32> to vector<16xf32>
            %add3A_1300 = arith.constant 13 : i32
            %add3A_1301 = arith.addi %mul3A_98, %add3A_1300 : i32
            %get3A_1302 = arith.index_cast %add3A_1301 : i32 to index
            %get3A_1303 = arith.constant 64 : index
            %get3A_1304 = tpu.vector_load %arg5[%get3A_1302, %get3A_1303] {strides = array<i32>} : memref<160x128xf32, #tpu.memory_space<vmem>>, vector<1x16xf32>,
            %get3A_1305 = vector.shape_cast %get3A_1304 : vector<1x16xf32> to vector<16xf32>
            %add3A_1306 = arith.constant 13 : i32
            %add3A_1307 = arith.addi %mul3A_98, %add3A_1306 : i32
            %get3A_1308 = arith.index_cast %add3A_1307 : i32 to index
            %get3A_1309 = arith.constant 80 : index
            %get3A_1310 = tpu.vector_load %arg5[%get3A_1308, %get3A_1309] {strides = array<i32>} : memref<160x128xf32, #tpu.memory_space<vmem>>, vector<1x16xf32>,
            %get3A_1311 = vector.shape_cast %get3A_1310 : vector<1x16xf32> to vector<16xf32>
            %add3A_1312 = arith.constant 13 : i32
            %add3A_1313 = arith.addi %mul3A_98, %add3A_1312 : i32
            %get3A_1314 = arith.index_cast %add3A_1313 : i32 to index
            %get3A_1315 = arith.constant 96 : index
            %get3A_1316 = tpu.vector_load %arg5[%get3A_1314, %get3A_1315] {strides = array<i32>} : memref<160x128xf32, #tpu.memory_space<vmem>>, vector<1x16xf32>,
            %get3A_1317 = vector.shape_cast %get3A_1316 : vector<1x16xf32> to vector<16xf32>
            %add3A_1318 = arith.constant 13 : i32
            %add3A_1319 = arith.addi %mul3A_98, %add3A_1318 : i32
            %get3A_1320 = arith.index_cast %add3A_1319 : i32 to index
            %get3A_1321 = arith.constant 112 : index
            %get3A_1322 = tpu.vector_load %arg5[%get3A_1320, %get3A_1321] {strides = array<i32>} : memref<160x128xf32, #tpu.memory_space<vmem>>, vector<1x16xf32>,
            %get3A_1323 = vector.shape_cast %get3A_1322 : vector<1x16xf32> to vector<16xf32>
            %swap3A_1324 = arith.index_cast %squeeze3A_1275 : i32 to index
            %swap3A_1325 = arith.constant 0 : index
            %swap3A_1326 = tpu.vector_load %arg9[%swap3A_1324, %swap3A_1325] {strides = array<i32>} : memref<256x128xf32, #tpu.memory_space<vmem>>, vector<1x16xf32>,
            %swap3A_1327 = vector.shape_cast %swap3A_1326 : vector<1x16xf32> to vector<16xf32>
            %swap3A_1328 = vector.shape_cast %get3A_1281 : vector<16xf32> to vector<1x16xf32>
            tpu.vector_store %arg9[%swap3A_1324, %swap3A_1325], %swap3A_1328 {add = true, strides = array<i32>} : memref<256x128xf32, #tpu.memory_space<vmem>>, vector<1x16xf32>,
            %swap3A_1329 = arith.index_cast %squeeze3A_1275 : i32 to index
            %swap3A_1330 = arith.constant 16 : index
            %swap3A_1331 = tpu.vector_load %arg9[%swap3A_1329, %swap3A_1330] {strides = array<i32>} : memref<256x128xf32, #tpu.memory_space<vmem>>, vector<1x16xf32>,
            %swap3A_1332 = vector.shape_cast %swap3A_1331 : vector<1x16xf32> to vector<16xf32>
            %swap3A_1333 = vector.shape_cast %get3A_1287 : vector<16xf32> to vector<1x16xf32>
            tpu.vector_store %arg9[%swap3A_1329, %swap3A_1330], %swap3A_1333 {add = true, strides = array<i32>} : memref<256x128xf32, #tpu.memory_space<vmem>>, vector<1x16xf32>,
            %swap3A_1334 = arith.index_cast %squeeze3A_1275 : i32 to index
            %swap3A_1335 = arith.constant 32 : index
            %swap3A_1336 = tpu.vector_load %arg9[%swap3A_1334, %swap3A_1335] {strides = array<i32>} : memref<256x128xf32, #tpu.memory_space<vmem>>, vector<1x16xf32>,
            %swap3A_1337 = vector.shape_cast %swap3A_1336 : vector<1x16xf32> to vector<16xf32>
            %swap3A_1338 = vector.shape_cast %get3A_1293 : vector<16xf32> to vector<1x16xf32>
            tpu.vector_store %arg9[%swap3A_1334, %swap3A_1335], %swap3A_1338 {add = true, strides = array<i32>} : memref<256x128xf32, #tpu.memory_space<vmem>>, vector<1x16xf32>,
            %swap3A_1339 = arith.index_cast %squeeze3A_1275 : i32 to index
            %swap3A_1340 = arith.constant 48 : index
            %swap3A_1341 = tpu.vector_load %arg9[%swap3A_1339, %swap3A_1340] {strides = array<i32>} : memref<256x128xf32, #tpu.memory_space<vmem>>, vector<1x16xf32>,
            %swap3A_1342 = vector.shape_cast %swap3A_1341 : vector<1x16xf32> to vector<16xf32>
            %swap3A_1343 = vector.shape_cast %get3A_1299 : vector<16xf32> to vector<1x16xf32>
            tpu.vector_store %arg9[%swap3A_1339, %swap3A_1340], %swap3A_1343 {add = true, strides = array<i32>} : memref<256x128xf32, #tpu.memory_space<vmem>>, vector<1x16xf32>,
            %swap3A_1344 = arith.index_cast %squeeze3A_1275 : i32 to index
            %swap3A_1345 = arith.constant 64 : index
            %swap3A_1346 = tpu.vector_load %arg9[%swap3A_1344, %swap3A_1345] {strides = array<i32>} : memref<256x128xf32, #tpu.memory_space<vmem>>, vector<1x16xf32>,
            %swap3A_1347 = vector.shape_cast %swap3A_1346 : vector<1x16xf32> to vector<16xf32>
            %swap3A_1348 = vector.shape_cast %get3A_1305 : vector<16xf32> to vector<1x16xf32>
            tpu.vector_store %arg9[%swap3A_1344, %swap3A_1345], %swap3A_1348 {add = true, strides = array<i32>} : memref<256x128xf32, #tpu.memory_space<vmem>>, vector<1x16xf32>,
            %swap3A_1349 = arith.index_cast %squeeze3A_1275 : i32 to index
            %swap3A_1350 = arith.constant 80 : index
            %swap3A_1351 = tpu.vector_load %arg9[%swap3A_1349, %swap3A_1350] {strides = array<i32>} : memref<256x128xf32, #tpu.memory_space<vmem>>, vector<1x16xf32>,
            %swap3A_1352 = vector.shape_cast %swap3A_1351 : vector<1x16xf32> to vector<16xf32>
            %swap3A_1353 = vector.shape_cast %get3A_1311 : vector<16xf32> to vector<1x16xf32>
            tpu.vector_store %arg9[%swap3A_1349, %swap3A_1350], %swap3A_1353 {add = true, strides = array<i32>} : memref<256x128xf32, #tpu.memory_space<vmem>>, vector<1x16xf32>,
            %swap3A_1354 = arith.index_cast %squeeze3A_1275 : i32 to index
            %swap3A_1355 = arith.constant 96 : index
            %swap3A_1356 = tpu.vector_load %arg9[%swap3A_1354, %swap3A_1355] {strides = array<i32>} : memref<256x128xf32, #tpu.memory_space<vmem>>, vector<1x16xf32>,
            %swap3A_1357 = vector.shape_cast %swap3A_1356 : vector<1x16xf32> to vector<16xf32>
            %swap3A_1358 = vector.shape_cast %get3A_1317 : vector<16xf32> to vector<1x16xf32>
            tpu.vector_store %arg9[%swap3A_1354, %swap3A_1355], %swap3A_1358 {add = true, strides = array<i32>} : memref<256x128xf32, #tpu.memory_space<vmem>>, vector<1x16xf32>,
            %swap3A_1359 = arith.index_cast %squeeze3A_1275 : i32 to index
            %swap3A_1360 = arith.constant 112 : index
            %swap3A_1361 = tpu.vector_load %arg9[%swap3A_1359, %swap3A_1360] {strides = array<i32>} : memref<256x128xf32, #tpu.memory_space<vmem>>, vector<1x16xf32>,
            %swap3A_1362 = vector.shape_cast %swap3A_1361 : vector<1x16xf32> to vector<16xf32>
            %swap3A_1363 = vector.shape_cast %get3A_1323 : vector<16xf32> to vector<1x16xf32>
            tpu.vector_store %arg9[%swap3A_1359, %swap3A_1360], %swap3A_1363 {add = true, strides = array<i32>} : memref<256x128xf32, #tpu.memory_space<vmem>>, vector<1x16xf32>,
            %slice3A_1364 = vector.extract_strided_slice %get3A_96 {offsets = [14], sizes = [1], strides = [1]} : vector<16xi32> to vector<1xi32>
            %squeeze3A_1365 = vector.extract %slice3A_1364[0] : i32 from vector<1xi32>
            %add3A_1366 = arith.constant 14 : i32
            %add3A_1367 = arith.addi %mul3A_98, %add3A_1366 : i32
            %get3A_1368 = arith.index_cast %add3A_1367 : i32 to index
            %get3A_1369 = arith.constant 0 : index
            %get3A_1370 = tpu.vector_load %arg5[%get3A_1368, %get3A_1369] {strides = array<i32>} : memref<160x128xf32, #tpu.memory_space<vmem>>, vector<1x16xf32>,
            %get3A_1371 = vector.shape_cast %get3A_1370 : vector<1x16xf32> to vector<16xf32>
            %add3A_1372 = arith.constant 14 : i32
            %add3A_1373 = arith.addi %mul3A_98, %add3A_1372 : i32
            %get3A_1374 = arith.index_cast %add3A_1373 : i32 to index
            %get3A_1375 = arith.constant 16 : index
            %get3A_1376 = tpu.vector_load %arg5[%get3A_1374, %get3A_1375] {strides = array<i32>} : memref<160x128xf32, #tpu.memory_space<vmem>>, vector<1x16xf32>,
            %get3A_1377 = vector.shape_cast %get3A_1376 : vector<1x16xf32> to vector<16xf32>
            %add3A_1378 = arith.constant 14 : i32
            %add3A_1379 = arith.addi %mul3A_98, %add3A_1378 : i32
            %get3A_1380 = arith.index_cast %add3A_1379 : i32 to index
            %get3A_1381 = arith.constant 32 : index
            %get3A_1382 = tpu.vector_load %arg5[%get3A_1380, %get3A_1381] {strides = array<i32>} : memref<160x128xf32, #tpu.memory_space<vmem>>, vector<1x16xf32>,
            %get3A_1383 = vector.shape_cast %get3A_1382 : vector<1x16xf32> to vector<16xf32>
            %add3A_1384 = arith.constant 14 : i32
            %add3A_1385 = arith.addi %mul3A_98, %add3A_1384 : i32
            %get3A_1386 = arith.index_cast %add3A_1385 : i32 to index
            %get3A_1387 = arith.constant 48 : index
            %get3A_1388 = tpu.vector_load %arg5[%get3A_1386, %get3A_1387] {strides = array<i32>} : memref<160x128xf32, #tpu.memory_space<vmem>>, vector<1x16xf32>,
            %get3A_1389 = vector.shape_cast %get3A_1388 : vector<1x16xf32> to vector<16xf32>
            %add3A_1390 = arith.constant 14 : i32
            %add3A_1391 = arith.addi %mul3A_98, %add3A_1390 : i32
            %get3A_1392 = arith.index_cast %add3A_1391 : i32 to index
            %get3A_1393 = arith.constant 64 : index
            %get3A_1394 = tpu.vector_load %arg5[%get3A_1392, %get3A_1393] {strides = array<i32>} : memref<160x128xf32, #tpu.memory_space<vmem>>, vector<1x16xf32>,
            %get3A_1395 = vector.shape_cast %get3A_1394 : vector<1x16xf32> to vector<16xf32>
            %add3A_1396 = arith.constant 14 : i32
            %add3A_1397 = arith.addi %mul3A_98, %add3A_1396 : i32
            %get3A_1398 = arith.index_cast %add3A_1397 : i32 to index
            %get3A_1399 = arith.constant 80 : index
            %get3A_1400 = tpu.vector_load %arg5[%get3A_1398, %get3A_1399] {strides = array<i32>} : memref<160x128xf32, #tpu.memory_space<vmem>>, vector<1x16xf32>,
            %get3A_1401 = vector.shape_cast %get3A_1400 : vector<1x16xf32> to vector<16xf32>
            %add3A_1402 = arith.constant 14 : i32
            %add3A_1403 = arith.addi %mul3A_98, %add3A_1402 : i32
            %get3A_1404 = arith.index_cast %add3A_1403 : i32 to index
            %get3A_1405 = arith.constant 96 : index
            %get3A_1406 = tpu.vector_load %arg5[%get3A_1404, %get3A_1405] {strides = array<i32>} : memref<160x128xf32, #tpu.memory_space<vmem>>, vector<1x16xf32>,
            %get3A_1407 = vector.shape_cast %get3A_1406 : vector<1x16xf32> to vector<16xf32>
            %add3A_1408 = arith.constant 14 : i32
            %add3A_1409 = arith.addi %mul3A_98, %add3A_1408 : i32
            %get3A_1410 = arith.index_cast %add3A_1409 : i32 to index
            %get3A_1411 = arith.constant 112 : index
            %get3A_1412 = tpu.vector_load %arg5[%get3A_1410, %get3A_1411] {strides = array<i32>} : memref<160x128xf32, #tpu.memory_space<vmem>>, vector<1x16xf32>,
            %get3A_1413 = vector.shape_cast %get3A_1412 : vector<1x16xf32> to vector<16xf32>
            %swap3A_1414 = arith.index_cast %squeeze3A_1365 : i32 to index
            %swap3A_1415 = arith.constant 0 : index
            %swap3A_1416 = tpu.vector_load %arg9[%swap3A_1414, %swap3A_1415] {strides = array<i32>} : memref<256x128xf32, #tpu.memory_space<vmem>>, vector<1x16xf32>,
            %swap3A_1417 = vector.shape_cast %swap3A_1416 : vector<1x16xf32> to vector<16xf32>
            %swap3A_1418 = vector.shape_cast %get3A_1371 : vector<16xf32> to vector<1x16xf32>
            tpu.vector_store %arg9[%swap3A_1414, %swap3A_1415], %swap3A_1418 {add = true, strides = array<i32>} : memref<256x128xf32, #tpu.memory_space<vmem>>, vector<1x16xf32>,
            %swap3A_1419 = arith.index_cast %squeeze3A_1365 : i32 to index
            %swap3A_1420 = arith.constant 16 : index
            %swap3A_1421 = tpu.vector_load %arg9[%swap3A_1419, %swap3A_1420] {strides = array<i32>} : memref<256x128xf32, #tpu.memory_space<vmem>>, vector<1x16xf32>,
            %swap3A_1422 = vector.shape_cast %swap3A_1421 : vector<1x16xf32> to vector<16xf32>
            %swap3A_1423 = vector.shape_cast %get3A_1377 : vector<16xf32> to vector<1x16xf32>
            tpu.vector_store %arg9[%swap3A_1419, %swap3A_1420], %swap3A_1423 {add = true, strides = array<i32>} : memref<256x128xf32, #tpu.memory_space<vmem>>, vector<1x16xf32>,
            %swap3A_1424 = arith.index_cast %squeeze3A_1365 : i32 to index
            %swap3A_1425 = arith.constant 32 : index
            %swap3A_1426 = tpu.vector_load %arg9[%swap3A_1424, %swap3A_1425] {strides = array<i32>} : memref<256x128xf32, #tpu.memory_space<vmem>>, vector<1x16xf32>,
            %swap3A_1427 = vector.shape_cast %swap3A_1426 : vector<1x16xf32> to vector<16xf32>
            %swap3A_1428 = vector.shape_cast %get3A_1383 : vector<16xf32> to vector<1x16xf32>
            tpu.vector_store %arg9[%swap3A_1424, %swap3A_1425], %swap3A_1428 {add = true, strides = array<i32>} : memref<256x128xf32, #tpu.memory_space<vmem>>, vector<1x16xf32>,
            %swap3A_1429 = arith.index_cast %squeeze3A_1365 : i32 to index
            %swap3A_1430 = arith.constant 48 : index
            %swap3A_1431 = tpu.vector_load %arg9[%swap3A_1429, %swap3A_1430] {strides = array<i32>} : memref<256x128xf32, #tpu.memory_space<vmem>>, vector<1x16xf32>,
            %swap3A_1432 = vector.shape_cast %swap3A_1431 : vector<1x16xf32> to vector<16xf32>
            %swap3A_1433 = vector.shape_cast %get3A_1389 : vector<16xf32> to vector<1x16xf32>
            tpu.vector_store %arg9[%swap3A_1429, %swap3A_1430], %swap3A_1433 {add = true, strides = array<i32>} : memref<256x128xf32, #tpu.memory_space<vmem>>, vector<1x16xf32>,
            %swap3A_1434 = arith.index_cast %squeeze3A_1365 : i32 to index
            %swap3A_1435 = arith.constant 64 : index
            %swap3A_1436 = tpu.vector_load %arg9[%swap3A_1434, %swap3A_1435] {strides = array<i32>} : memref<256x128xf32, #tpu.memory_space<vmem>>, vector<1x16xf32>,
            %swap3A_1437 = vector.shape_cast %swap3A_1436 : vector<1x16xf32> to vector<16xf32>
            %swap3A_1438 = vector.shape_cast %get3A_1395 : vector<16xf32> to vector<1x16xf32>
            tpu.vector_store %arg9[%swap3A_1434, %swap3A_1435], %swap3A_1438 {add = true, strides = array<i32>} : memref<256x128xf32, #tpu.memory_space<vmem>>, vector<1x16xf32>,
            %swap3A_1439 = arith.index_cast %squeeze3A_1365 : i32 to index
            %swap3A_1440 = arith.constant 80 : index
            %swap3A_1441 = tpu.vector_load %arg9[%swap3A_1439, %swap3A_1440] {strides = array<i32>} : memref<256x128xf32, #tpu.memory_space<vmem>>, vector<1x16xf32>,
            %swap3A_1442 = vector.shape_cast %swap3A_1441 : vector<1x16xf32> to vector<16xf32>
            %swap3A_1443 = vector.shape_cast %get3A_1401 : vector<16xf32> to vector<1x16xf32>
            tpu.vector_store %arg9[%swap3A_1439, %swap3A_1440], %swap3A_1443 {add = true, strides = array<i32>} : memref<256x128xf32, #tpu.memory_space<vmem>>, vector<1x16xf32>,
            %swap3A_1444 = arith.index_cast %squeeze3A_1365 : i32 to index
            %swap3A_1445 = arith.constant 96 : index
            %swap3A_1446 = tpu.vector_load %arg9[%swap3A_1444, %swap3A_1445] {strides = array<i32>} : memref<256x128xf32, #tpu.memory_space<vmem>>, vector<1x16xf32>,
            %swap3A_1447 = vector.shape_cast %swap3A_1446 : vector<1x16xf32> to vector<16xf32>
            %swap3A_1448 = vector.shape_cast %get3A_1407 : vector<16xf32> to vector<1x16xf32>
            tpu.vector_store %arg9[%swap3A_1444, %swap3A_1445], %swap3A_1448 {add = true, strides = array<i32>} : memref<256x128xf32, #tpu.memory_space<vmem>>, vector<1x16xf32>,
            %swap3A_1449 = arith.index_cast %squeeze3A_1365 : i32 to index
            %swap3A_1450 = arith.constant 112 : index
            %swap3A_1451 = tpu.vector_load %arg9[%swap3A_1449, %swap3A_1450] {strides = array<i32>} : memref<256x128xf32, #tpu.memory_space<vmem>>, vector<1x16xf32>,
            %swap3A_1452 = vector.shape_cast %swap3A_1451 : vector<1x16xf32> to vector<16xf32>
            %swap3A_1453 = vector.shape_cast %get3A_1413 : vector<16xf32> to vector<1x16xf32>
            tpu.vector_store %arg9[%swap3A_1449, %swap3A_1450], %swap3A_1453 {add = true, strides = array<i32>} : memref<256x128xf32, #tpu.memory_space<vmem>>, vector<1x16xf32>,
            %slice3A_1454 = vector.extract_strided_slice %get3A_96 {offsets = [15], sizes = [1], strides = [1]} : vector<16xi32> to vector<1xi32>
            %squeeze3A_1455 = vector.extract %slice3A_1454[0] : i32 from vector<1xi32>
            %add3A_1456 = arith.constant 15 : i32
            %add3A_1457 = arith.addi %mul3A_98, %add3A_1456 : i32
            %get3A_1458 = arith.index_cast %add3A_1457 : i32 to index
            %get3A_1459 = arith.constant 0 : index
            %get3A_1460 = tpu.vector_load %arg5[%get3A_1458, %get3A_1459] {strides = array<i32>} : memref<160x128xf32, #tpu.memory_space<vmem>>, vector<1x16xf32>,
            %get3A_1461 = vector.shape_cast %get3A_1460 : vector<1x16xf32> to vector<16xf32>
            %add3A_1462 = arith.constant 15 : i32
            %add3A_1463 = arith.addi %mul3A_98, %add3A_1462 : i32
            %get3A_1464 = arith.index_cast %add3A_1463 : i32 to index
            %get3A_1465 = arith.constant 16 : index
            %get3A_1466 = tpu.vector_load %arg5[%get3A_1464, %get3A_1465] {strides = array<i32>} : memref<160x128xf32, #tpu.memory_space<vmem>>, vector<1x16xf32>,
            %get3A_1467 = vector.shape_cast %get3A_1466 : vector<1x16xf32> to vector<16xf32>
            %add3A_1468 = arith.constant 15 : i32
            %add3A_1469 = arith.addi %mul3A_98, %add3A_1468 : i32
            %get3A_1470 = arith.index_cast %add3A_1469 : i32 to index
            %get3A_1471 = arith.constant 32 : index
            %get3A_1472 = tpu.vector_load %arg5[%get3A_1470, %get3A_1471] {strides = array<i32>} : memref<160x128xf32, #tpu.memory_space<vmem>>, vector<1x16xf32>,
            %get3A_1473 = vector.shape_cast %get3A_1472 : vector<1x16xf32> to vector<16xf32>
            %add3A_1474 = arith.constant 15 : i32
            %add3A_1475 = arith.addi %mul3A_98, %add3A_1474 : i32
            %get3A_1476 = arith.index_cast %add3A_1475 : i32 to index
            %get3A_1477 = arith.constant 48 : index
            %get3A_1478 = tpu.vector_load %arg5[%get3A_1476, %get3A_1477] {strides = array<i32>} : memref<160x128xf32, #tpu.memory_space<vmem>>, vector<1x16xf32>,
            %get3A_1479 = vector.shape_cast %get3A_1478 : vector<1x16xf32> to vector<16xf32>
            %add3A_1480 = arith.constant 15 : i32
            %add3A_1481 = arith.addi %mul3A_98, %add3A_1480 : i32
            %get3A_1482 = arith.index_cast %add3A_1481 : i32 to index
            %get3A_1483 = arith.constant 64 : index
            %get3A_1484 = tpu.vector_load %arg5[%get3A_1482, %get3A_1483] {strides = array<i32>} : memref<160x128xf32, #tpu.memory_space<vmem>>, vector<1x16xf32>,
            %get3A_1485 = vector.shape_cast %get3A_1484 : vector<1x16xf32> to vector<16xf32>
            %add3A_1486 = arith.constant 15 : i32
            %add3A_1487 = arith.addi %mul3A_98, %add3A_1486 : i32
            %get3A_1488 = arith.index_cast %add3A_1487 : i32 to index
            %get3A_1489 = arith.constant 80 : index
            %get3A_1490 = tpu.vector_load %arg5[%get3A_1488, %get3A_1489] {strides = array<i32>} : memref<160x128xf32, #tpu.memory_space<vmem>>, vector<1x16xf32>,
            %get3A_1491 = vector.shape_cast %get3A_1490 : vector<1x16xf32> to vector<16xf32>
            %add3A_1492 = arith.constant 15 : i32
            %add3A_1493 = arith.addi %mul3A_98, %add3A_1492 : i32
            %get3A_1494 = arith.index_cast %add3A_1493 : i32 to index
            %get3A_1495 = arith.constant 96 : index
            %get3A_1496 = tpu.vector_load %arg5[%get3A_1494, %get3A_1495] {strides = array<i32>} : memref<160x128xf32, #tpu.memory_space<vmem>>, vector<1x16xf32>,
            %get3A_1497 = vector.shape_cast %get3A_1496 : vector<1x16xf32> to vector<16xf32>
            %add3A_1498 = arith.constant 15 : i32
            %add3A_1499 = arith.addi %mul3A_98, %add3A_1498 : i32
            %get3A_1500 = arith.index_cast %add3A_1499 : i32 to index
            %get3A_1501 = arith.constant 112 : index
            %get3A_1502 = tpu.vector_load %arg5[%get3A_1500, %get3A_1501] {strides = array<i32>} : memref<160x128xf32, #tpu.memory_space<vmem>>, vector<1x16xf32>,
            %get3A_1503 = vector.shape_cast %get3A_1502 : vector<1x16xf32> to vector<16xf32>
            %swap3A_1504 = arith.index_cast %squeeze3A_1455 : i32 to index
            %swap3A_1505 = arith.constant 0 : index
            %swap3A_1506 = tpu.vector_load %arg9[%swap3A_1504, %swap3A_1505] {strides = array<i32>} : memref<256x128xf32, #tpu.memory_space<vmem>>, vector<1x16xf32>,
            %swap3A_1507 = vector.shape_cast %swap3A_1506 : vector<1x16xf32> to vector<16xf32>
            %swap3A_1508 = vector.shape_cast %get3A_1461 : vector<16xf32> to vector<1x16xf32>
            tpu.vector_store %arg9[%swap3A_1504, %swap3A_1505], %swap3A_1508 {add = true, strides = array<i32>} : memref<256x128xf32, #tpu.memory_space<vmem>>, vector<1x16xf32>,
            %swap3A_1509 = arith.index_cast %squeeze3A_1455 : i32 to index
            %swap3A_1510 = arith.constant 16 : index
            %swap3A_1511 = tpu.vector_load %arg9[%swap3A_1509, %swap3A_1510] {strides = array<i32>} : memref<256x128xf32, #tpu.memory_space<vmem>>, vector<1x16xf32>,
            %swap3A_1512 = vector.shape_cast %swap3A_1511 : vector<1x16xf32> to vector<16xf32>
            %swap3A_1513 = vector.shape_cast %get3A_1467 : vector<16xf32> to vector<1x16xf32>
            tpu.vector_store %arg9[%swap3A_1509, %swap3A_1510], %swap3A_1513 {add = true, strides = array<i32>} : memref<256x128xf32, #tpu.memory_space<vmem>>, vector<1x16xf32>,
            %swap3A_1514 = arith.index_cast %squeeze3A_1455 : i32 to index
            %swap3A_1515 = arith.constant 32 : index
            %swap3A_1516 = tpu.vector_load %arg9[%swap3A_1514, %swap3A_1515] {strides = array<i32>} : memref<256x128xf32, #tpu.memory_space<vmem>>, vector<1x16xf32>,
            %swap3A_1517 = vector.shape_cast %swap3A_1516 : vector<1x16xf32> to vector<16xf32>
            %swap3A_1518 = vector.shape_cast %get3A_1473 : vector<16xf32> to vector<1x16xf32>
            tpu.vector_store %arg9[%swap3A_1514, %swap3A_1515], %swap3A_1518 {add = true, strides = array<i32>} : memref<256x128xf32, #tpu.memory_space<vmem>>, vector<1x16xf32>,
            %swap3A_1519 = arith.index_cast %squeeze3A_1455 : i32 to index
            %swap3A_1520 = arith.constant 48 : index
            %swap3A_1521 = tpu.vector_load %arg9[%swap3A_1519, %swap3A_1520] {strides = array<i32>} : memref<256x128xf32, #tpu.memory_space<vmem>>, vector<1x16xf32>,
            %swap3A_1522 = vector.shape_cast %swap3A_1521 : vector<1x16xf32> to vector<16xf32>
            %swap3A_1523 = vector.shape_cast %get3A_1479 : vector<16xf32> to vector<1x16xf32>
            tpu.vector_store %arg9[%swap3A_1519, %swap3A_1520], %swap3A_1523 {add = true, strides = array<i32>} : memref<256x128xf32, #tpu.memory_space<vmem>>, vector<1x16xf32>,
            %swap3A_1524 = arith.index_cast %squeeze3A_1455 : i32 to index
            %swap3A_1525 = arith.constant 64 : index
            %swap3A_1526 = tpu.vector_load %arg9[%swap3A_1524, %swap3A_1525] {strides = array<i32>} : memref<256x128xf32, #tpu.memory_space<vmem>>, vector<1x16xf32>,
            %swap3A_1527 = vector.shape_cast %swap3A_1526 : vector<1x16xf32> to vector<16xf32>
            %swap3A_1528 = vector.shape_cast %get3A_1485 : vector<16xf32> to vector<1x16xf32>
            tpu.vector_store %arg9[%swap3A_1524, %swap3A_1525], %swap3A_1528 {add = true, strides = array<i32>} : memref<256x128xf32, #tpu.memory_space<vmem>>, vector<1x16xf32>,
            %swap3A_1529 = arith.index_cast %squeeze3A_1455 : i32 to index
            %swap3A_1530 = arith.constant 80 : index
            %swap3A_1531 = tpu.vector_load %arg9[%swap3A_1529, %swap3A_1530] {strides = array<i32>} : memref<256x128xf32, #tpu.memory_space<vmem>>, vector<1x16xf32>,
            %swap3A_1532 = vector.shape_cast %swap3A_1531 : vector<1x16xf32> to vector<16xf32>
            %swap3A_1533 = vector.shape_cast %get3A_1491 : vector<16xf32> to vector<1x16xf32>
            tpu.vector_store %arg9[%swap3A_1529, %swap3A_1530], %swap3A_1533 {add = true, strides = array<i32>} : memref<256x128xf32, #tpu.memory_space<vmem>>, vector<1x16xf32>,
            %swap3A_1534 = arith.index_cast %squeeze3A_1455 : i32 to index
            %swap3A_1535 = arith.constant 96 : index
            %swap3A_1536 = tpu.vector_load %arg9[%swap3A_1534, %swap3A_1535] {strides = array<i32>} : memref<256x128xf32, #tpu.memory_space<vmem>>, vector<1x16xf32>,
            %swap3A_1537 = vector.shape_cast %swap3A_1536 : vector<1x16xf32> to vector<16xf32>
            %swap3A_1538 = vector.shape_cast %get3A_1497 : vector<16xf32> to vector<1x16xf32>
            tpu.vector_store %arg9[%swap3A_1534, %swap3A_1535], %swap3A_1538 {add = true, strides = array<i32>} : memref<256x128xf32, #tpu.memory_space<vmem>>, vector<1x16xf32>,
            %swap3A_1539 = arith.index_cast %squeeze3A_1455 : i32 to index
            %swap3A_1540 = arith.constant 112 : index
            %swap3A_1541 = tpu.vector_load %arg9[%swap3A_1539, %swap3A_1540] {strides = array<i32>} : memref<256x128xf32, #tpu.memory_space<vmem>>, vector<1x16xf32>,
            %swap3A_1542 = vector.shape_cast %swap3A_1541 : vector<1x16xf32> to vector<16xf32>
            %swap3A_1543 = vector.shape_cast %get3A_1503 : vector<16xf32> to vector<1x16xf32>
            tpu.vector_store %arg9[%swap3A_1539, %swap3A_1540], %swap3A_1543 {add = true, strides = array<i32>} : memref<256x128xf32, #tpu.memory_space<vmem>>, vector<1x16xf32>,
          }
        }
        %scan3A_91 = arith.constant 10 : i32
      } else {
      }
      %add3A_57 = arith.constant 2 : i32
      %add3A_58 = arith.addi %mul3A_34, %add3A_57 : i32
      %mul3A_59 = arith.constant 32 : i32
      %mul3A_60 = arith.muli %add3A_58, %mul3A_59 : i32
      %add3A_61 = arith.addi %mul3A_60, %add3A : i32
      %mul3A_62 = arith.constant 160 : i32
      %mul3A_63 = arith.muli %add3A_61, %mul3A_62 : i32
      %lt3A_64 = arith.constant 625 : i32
      %lt3A_65 = arith.cmpi slt, %add3A_61, %lt3A_64 : i32
      %convert_element_type3A_66 = arith.extui %lt3A_65 : i1 to i32
      %cond3A_67 = arith.constant 0 : i32
      %cond3A_68 = arith.cmpi ne, %convert_element_type3A_66, %cond3A_67 : i32
      scf.if %cond3A_68 {
        %dma_start3A = arith.constant 0 : i32
        %dma_start3A_81 = tpu.memref_slice %arg2[%mul3A_63, %dma_start3A] : memref<100000x128xf32, #tpu.memory_space<hbm>> -> memref<160x128xf32, #tpu.memory_space<hbm>>
        %dma_start3A_82 = arith.constant 0 : i32
        %dma_start3A_83 = tpu.memref_slice %arg2[%mul3A_63, %dma_start3A_82] : memref<100000x128xf32, #tpu.memory_space<hbm>> -> memref<160x128xf32, #tpu.memory_space<hbm>>
        tpu.enqueue_dma source(%dma_start3A_83 : memref<160x128xf32, #tpu.memory_space<hbm>>) target(%arg5 : memref<160x128xf32, #tpu.memory_space<vmem>>) target_semaphore(%arg13 : memref<!tpu.dma_semaphore, #tpu.memory_space<semaphore_mem>>)
        %dma_start3A_84 = tpu.memref_slice %arg3[%mul3A_63] : memref<100000xi32, #tpu.memory_space<hbm>> -> memref<160xi32, #tpu.memory_space<hbm>>
        %dma_start3A_85 = tpu.memref_slice %arg3[%mul3A_63] : memref<100000xi32, #tpu.memory_space<hbm>> -> memref<160xi32, #tpu.memory_space<hbm>>
        tpu.enqueue_dma source(%dma_start3A_85 : memref<160xi32, #tpu.memory_space<hbm>>) target(%arg7 : memref<160xi32, #tpu.memory_space<vmem>>) target_semaphore(%arg14 : memref<!tpu.dma_semaphore, #tpu.memory_space<semaphore_mem>>)
      } else {
      }
      %add3A_69 = arith.constant 1 : i32
      %add3A_70 = arith.addi %mul3A_34, %add3A_69 : i32
      %mul3A_71 = arith.constant 32 : i32
      %mul3A_72 = arith.muli %add3A_70, %mul3A_71 : i32
      %add3A_73 = arith.addi %mul3A_72, %add3A : i32
      %mul3A_74 = arith.constant 160 : i32
      %mul3A_75 = arith.muli %add3A_73, %mul3A_74 : i32
      %lt3A_76 = arith.constant 625 : i32
      %lt3A_77 = arith.cmpi slt, %add3A_73, %lt3A_76 : i32
      %convert_element_type3A_78 = arith.extui %lt3A_77 : i1 to i32
      %cond3A_79 = arith.constant 0 : i32
      %cond3A_80 = arith.cmpi ne, %convert_element_type3A_78, %cond3A_79 : i32
      scf.if %cond3A_80 {
        %dma_wait3A = arith.constant 0 : i32
        %dma_wait3A_81 = tpu.memref_slice %arg2[%mul3A_75, %dma_wait3A] : memref<100000x128xf32, #tpu.memory_space<hbm>> -> memref<160x128xf32, #tpu.memory_space<hbm>>
        %dma_wait3A_82 = arith.constant 0 : i32
        %dma_wait3A_83 = tpu.memref_slice %arg2[%mul3A_75, %dma_wait3A_82] : memref<100000x128xf32, #tpu.memory_space<hbm>> -> memref<160x128xf32, #tpu.memory_space<hbm>>
        tpu.wait_dma2 semaphore(%arg15 : memref<!tpu.dma_semaphore, #tpu.memory_space<semaphore_mem>>) src(%dma_wait3A_83 : memref<160x128xf32, #tpu.memory_space<hbm>>) dst(%arg6 : memref<160x128xf32, #tpu.memory_space<vmem>>)
        %dma_wait3A_84 = tpu.memref_slice %arg3[%mul3A_75] : memref<100000xi32, #tpu.memory_space<hbm>> -> memref<160xi32, #tpu.memory_space<hbm>>
        %dma_wait3A_85 = tpu.memref_slice %arg3[%mul3A_75] : memref<100000xi32, #tpu.memory_space<hbm>> -> memref<160xi32, #tpu.memory_space<hbm>>
        tpu.wait_dma2 semaphore(%arg16 : memref<!tpu.dma_semaphore, #tpu.memory_space<semaphore_mem>>) src(%dma_wait3A_85 : memref<160xi32, #tpu.memory_space<hbm>>) dst(%arg8 : memref<160xi32, #tpu.memory_space<vmem>>)
        %scan3A_86 = arith.constant 0 : i32
        %scan3A_87 = arith.constant 0 : i32
        %scan3A_88 = arith.constant 10 : i32
        %scan3A_89 = arith.addi %scan3A_87, %scan3A_88 : i32
        %scan3A_90 = arith.constant 1 : i32
        scf.for %scan3A_92 = %scan3A_87 to %scan3A_89 step %scan3A_90  : i32 {
          %mul3A_93 = arith.constant 16 : i32
          %mul3A_94 = arith.muli %scan3A_92, %mul3A_93 : i32
          %get3A = arith.index_cast %mul3A_94 : i32 to index
          %get3A_95 = tpu.vector_load %arg8[%get3A] {strides = array<i32>} : memref<160xi32, #tpu.memory_space<vmem>>, vector<16xi32>,
          %get3A_96 = vector.shape_cast %get3A_95 : vector<16xi32> to vector<16xi32>
          %slice3A = vector.extract_strided_slice %get3A_96 {offsets = [0], sizes = [1], strides = [1]} : vector<16xi32> to vector<1xi32>
          %squeeze3A = vector.extract %slice3A[0] : i32 from vector<1xi32>
          %mul3A_97 = arith.constant 16 : i32
          %mul3A_98 = arith.muli %scan3A_92, %mul3A_97 : i32
          %slice3A_99 = vector.extract_strided_slice %get3A_96 {offsets = [15], sizes = [1], strides = [1]} : vector<16xi32> to vector<1xi32>
          %squeeze3A_100 = vector.extract %slice3A_99[0] : i32 from vector<1xi32>
          %eq3A_101 = arith.cmpi eq, %squeeze3A, %squeeze3A_100 : i32
          %convert_element_type3A_102 = arith.extui %eq3A_101 : i1 to i32
          %cond3A_103 = arith.constant 0 : i32
          %cond3A_104 = arith.cmpi ne, %convert_element_type3A_102, %cond3A_103 : i32
          scf.if %cond3A_104 {
            %add3A_105 = arith.constant 0 : i32
            %add3A_106 = arith.addi %mul3A_98, %add3A_105 : i32
            %get3A_107 = arith.index_cast %add3A_106 : i32 to index
            %get3A_108 = arith.constant 0 : index
            %get3A_109 = tpu.vector_load %arg6[%get3A_107, %get3A_108] {strides = array<i32>} : memref<160x128xf32, #tpu.memory_space<vmem>>, vector<1x16xf32>,
            %get3A_110 = vector.shape_cast %get3A_109 : vector<1x16xf32> to vector<16xf32>
            %add3A_111 = arith.constant 0 : i32
            %add3A_112 = arith.addi %mul3A_98, %add3A_111 : i32
            %add3A_113 = arith.constant 1 : i32
            %add3A_114 = arith.addi %add3A_112, %add3A_113 : i32
            %get3A_115 = arith.index_cast %add3A_114 : i32 to index
            %get3A_116 = arith.constant 0 : index
            %get3A_117 = tpu.vector_load %arg6[%get3A_115, %get3A_116] {strides = array<i32>} : memref<160x128xf32, #tpu.memory_space<vmem>>, vector<1x16xf32>,
            %get3A_118 = vector.shape_cast %get3A_117 : vector<1x16xf32> to vector<16xf32>
            %add3A_119 = arith.addf %get3A_110, %get3A_118 : vector<16xf32>
            %add3A_120 = arith.constant 0 : i32
            %add3A_121 = arith.addi %mul3A_98, %add3A_120 : i32
            %get3A_122 = arith.index_cast %add3A_121 : i32 to index
            %get3A_123 = arith.constant 16 : index
            %get3A_124 = tpu.vector_load %arg6[%get3A_122, %get3A_123] {strides = array<i32>} : memref<160x128xf32, #tpu.memory_space<vmem>>, vector<1x16xf32>,
            %get3A_125 = vector.shape_cast %get3A_124 : vector<1x16xf32> to vector<16xf32>
            %add3A_126 = arith.constant 0 : i32
            %add3A_127 = arith.addi %mul3A_98, %add3A_126 : i32
            %add3A_128 = arith.constant 1 : i32
            %add3A_129 = arith.addi %add3A_127, %add3A_128 : i32
            %get3A_130 = arith.index_cast %add3A_129 : i32 to index
            %get3A_131 = arith.constant 16 : index
            %get3A_132 = tpu.vector_load %arg6[%get3A_130, %get3A_131] {strides = array<i32>} : memref<160x128xf32, #tpu.memory_space<vmem>>, vector<1x16xf32>,
            %get3A_133 = vector.shape_cast %get3A_132 : vector<1x16xf32> to vector<16xf32>
            %add3A_134 = arith.addf %get3A_125, %get3A_133 : vector<16xf32>
            %add3A_135 = arith.constant 0 : i32
            %add3A_136 = arith.addi %mul3A_98, %add3A_135 : i32
            %get3A_137 = arith.index_cast %add3A_136 : i32 to index
            %get3A_138 = arith.constant 32 : index
            %get3A_139 = tpu.vector_load %arg6[%get3A_137, %get3A_138] {strides = array<i32>} : memref<160x128xf32, #tpu.memory_space<vmem>>, vector<1x16xf32>,
            %get3A_140 = vector.shape_cast %get3A_139 : vector<1x16xf32> to vector<16xf32>
            %add3A_141 = arith.constant 0 : i32
            %add3A_142 = arith.addi %mul3A_98, %add3A_141 : i32
            %add3A_143 = arith.constant 1 : i32
            %add3A_144 = arith.addi %add3A_142, %add3A_143 : i32
            %get3A_145 = arith.index_cast %add3A_144 : i32 to index
            %get3A_146 = arith.constant 32 : index
            %get3A_147 = tpu.vector_load %arg6[%get3A_145, %get3A_146] {strides = array<i32>} : memref<160x128xf32, #tpu.memory_space<vmem>>, vector<1x16xf32>,
            %get3A_148 = vector.shape_cast %get3A_147 : vector<1x16xf32> to vector<16xf32>
            %add3A_149 = arith.addf %get3A_140, %get3A_148 : vector<16xf32>
            %add3A_150 = arith.constant 0 : i32
            %add3A_151 = arith.addi %mul3A_98, %add3A_150 : i32
            %get3A_152 = arith.index_cast %add3A_151 : i32 to index
            %get3A_153 = arith.constant 48 : index
            %get3A_154 = tpu.vector_load %arg6[%get3A_152, %get3A_153] {strides = array<i32>} : memref<160x128xf32, #tpu.memory_space<vmem>>, vector<1x16xf32>,
            %get3A_155 = vector.shape_cast %get3A_154 : vector<1x16xf32> to vector<16xf32>
            %add3A_156 = arith.constant 0 : i32
            %add3A_157 = arith.addi %mul3A_98, %add3A_156 : i32
            %add3A_158 = arith.constant 1 : i32
            %add3A_159 = arith.addi %add3A_157, %add3A_158 : i32
            %get3A_160 = arith.index_cast %add3A_159 : i32 to index
            %get3A_161 = arith.constant 48 : index
            %get3A_162 = tpu.vector_load %arg6[%get3A_160, %get3A_161] {strides = array<i32>} : memref<160x128xf32, #tpu.memory_space<vmem>>, vector<1x16xf32>,
            %get3A_163 = vector.shape_cast %get3A_162 : vector<1x16xf32> to vector<16xf32>
            %add3A_164 = arith.addf %get3A_155, %get3A_163 : vector<16xf32>
            %add3A_165 = arith.constant 2 : i32
            %add3A_166 = arith.addi %mul3A_98, %add3A_165 : i32
            %get3A_167 = arith.index_cast %add3A_166 : i32 to index
            %get3A_168 = arith.constant 0 : index
            %get3A_169 = tpu.vector_load %arg6[%get3A_167, %get3A_168] {strides = array<i32>} : memref<160x128xf32, #tpu.memory_space<vmem>>, vector<1x16xf32>,
            %get3A_170 = vector.shape_cast %get3A_169 : vector<1x16xf32> to vector<16xf32>
            %add3A_171 = arith.constant 2 : i32
            %add3A_172 = arith.addi %mul3A_98, %add3A_171 : i32
            %add3A_173 = arith.constant 1 : i32
            %add3A_174 = arith.addi %add3A_172, %add3A_173 : i32
            %get3A_175 = arith.index_cast %add3A_174 : i32 to index
            %get3A_176 = arith.constant 0 : index
            %get3A_177 = tpu.vector_load %arg6[%get3A_175, %get3A_176] {strides = array<i32>} : memref<160x128xf32, #tpu.memory_space<vmem>>, vector<1x16xf32>,
            %get3A_178 = vector.shape_cast %get3A_177 : vector<1x16xf32> to vector<16xf32>
            %add3A_179 = arith.addf %get3A_170, %get3A_178 : vector<16xf32>
            %add3A_180 = arith.constant 2 : i32
            %add3A_181 = arith.addi %mul3A_98, %add3A_180 : i32
            %get3A_182 = arith.index_cast %add3A_181 : i32 to index
            %get3A_183 = arith.constant 16 : index
            %get3A_184 = tpu.vector_load %arg6[%get3A_182, %get3A_183] {strides = array<i32>} : memref<160x128xf32, #tpu.memory_space<vmem>>, vector<1x16xf32>,
            %get3A_185 = vector.shape_cast %get3A_184 : vector<1x16xf32> to vector<16xf32>
            %add3A_186 = arith.constant 2 : i32
            %add3A_187 = arith.addi %mul3A_98, %add3A_186 : i32
            %add3A_188 = arith.constant 1 : i32
            %add3A_189 = arith.addi %add3A_187, %add3A_188 : i32
            %get3A_190 = arith.index_cast %add3A_189 : i32 to index
            %get3A_191 = arith.constant 16 : index
            %get3A_192 = tpu.vector_load %arg6[%get3A_190, %get3A_191] {strides = array<i32>} : memref<160x128xf32, #tpu.memory_space<vmem>>, vector<1x16xf32>,
            %get3A_193 = vector.shape_cast %get3A_192 : vector<1x16xf32> to vector<16xf32>
            %add3A_194 = arith.addf %get3A_185, %get3A_193 : vector<16xf32>
            %add3A_195 = arith.constant 2 : i32
            %add3A_196 = arith.addi %mul3A_98, %add3A_195 : i32
            %get3A_197 = arith.index_cast %add3A_196 : i32 to index
            %get3A_198 = arith.constant 32 : index
            %get3A_199 = tpu.vector_load %arg6[%get3A_197, %get3A_198] {strides = array<i32>} : memref<160x128xf32, #tpu.memory_space<vmem>>, vector<1x16xf32>,
            %get3A_200 = vector.shape_cast %get3A_199 : vector<1x16xf32> to vector<16xf32>
            %add3A_201 = arith.constant 2 : i32
            %add3A_202 = arith.addi %mul3A_98, %add3A_201 : i32
            %add3A_203 = arith.constant 1 : i32
            %add3A_204 = arith.addi %add3A_202, %add3A_203 : i32
            %get3A_205 = arith.index_cast %add3A_204 : i32 to index
            %get3A_206 = arith.constant 32 : index
            %get3A_207 = tpu.vector_load %arg6[%get3A_205, %get3A_206] {strides = array<i32>} : memref<160x128xf32, #tpu.memory_space<vmem>>, vector<1x16xf32>,
            %get3A_208 = vector.shape_cast %get3A_207 : vector<1x16xf32> to vector<16xf32>
            %add3A_209 = arith.addf %get3A_200, %get3A_208 : vector<16xf32>
            %add3A_210 = arith.constant 2 : i32
            %add3A_211 = arith.addi %mul3A_98, %add3A_210 : i32
            %get3A_212 = arith.index_cast %add3A_211 : i32 to index
            %get3A_213 = arith.constant 48 : index
            %get3A_214 = tpu.vector_load %arg6[%get3A_212, %get3A_213] {strides = array<i32>} : memref<160x128xf32, #tpu.memory_space<vmem>>, vector<1x16xf32>,
            %get3A_215 = vector.shape_cast %get3A_214 : vector<1x16xf32> to vector<16xf32>
            %add3A_216 = arith.constant 2 : i32
            %add3A_217 = arith.addi %mul3A_98, %add3A_216 : i32
            %add3A_218 = arith.constant 1 : i32
            %add3A_219 = arith.addi %add3A_217, %add3A_218 : i32
            %get3A_220 = arith.index_cast %add3A_219 : i32 to index
            %get3A_221 = arith.constant 48 : index
            %get3A_222 = tpu.vector_load %arg6[%get3A_220, %get3A_221] {strides = array<i32>} : memref<160x128xf32, #tpu.memory_space<vmem>>, vector<1x16xf32>,
            %get3A_223 = vector.shape_cast %get3A_222 : vector<1x16xf32> to vector<16xf32>
            %add3A_224 = arith.addf %get3A_215, %get3A_223 : vector<16xf32>
            %add3A_225 = arith.constant 4 : i32
            %add3A_226 = arith.addi %mul3A_98, %add3A_225 : i32
            %get3A_227 = arith.index_cast %add3A_226 : i32 to index
            %get3A_228 = arith.constant 0 : index
            %get3A_229 = tpu.vector_load %arg6[%get3A_227, %get3A_228] {strides = array<i32>} : memref<160x128xf32, #tpu.memory_space<vmem>>, vector<1x16xf32>,
            %get3A_230 = vector.shape_cast %get3A_229 : vector<1x16xf32> to vector<16xf32>
            %add3A_231 = arith.constant 4 : i32
            %add3A_232 = arith.addi %mul3A_98, %add3A_231 : i32
            %add3A_233 = arith.constant 1 : i32
            %add3A_234 = arith.addi %add3A_232, %add3A_233 : i32
            %get3A_235 = arith.index_cast %add3A_234 : i32 to index
            %get3A_236 = arith.constant 0 : index
            %get3A_237 = tpu.vector_load %arg6[%get3A_235, %get3A_236] {strides = array<i32>} : memref<160x128xf32, #tpu.memory_space<vmem>>, vector<1x16xf32>,
            %get3A_238 = vector.shape_cast %get3A_237 : vector<1x16xf32> to vector<16xf32>
            %add3A_239 = arith.addf %get3A_230, %get3A_238 : vector<16xf32>
            %add3A_240 = arith.constant 4 : i32
            %add3A_241 = arith.addi %mul3A_98, %add3A_240 : i32
            %get3A_242 = arith.index_cast %add3A_241 : i32 to index
            %get3A_243 = arith.constant 16 : index
            %get3A_244 = tpu.vector_load %arg6[%get3A_242, %get3A_243] {strides = array<i32>} : memref<160x128xf32, #tpu.memory_space<vmem>>, vector<1x16xf32>,
            %get3A_245 = vector.shape_cast %get3A_244 : vector<1x16xf32> to vector<16xf32>
            %add3A_246 = arith.constant 4 : i32
            %add3A_247 = arith.addi %mul3A_98, %add3A_246 : i32
            %add3A_248 = arith.constant 1 : i32
            %add3A_249 = arith.addi %add3A_247, %add3A_248 : i32
            %get3A_250 = arith.index_cast %add3A_249 : i32 to index
            %get3A_251 = arith.constant 16 : index
            %get3A_252 = tpu.vector_load %arg6[%get3A_250, %get3A_251] {strides = array<i32>} : memref<160x128xf32, #tpu.memory_space<vmem>>, vector<1x16xf32>,
            %get3A_253 = vector.shape_cast %get3A_252 : vector<1x16xf32> to vector<16xf32>
            %add3A_254 = arith.addf %get3A_245, %get3A_253 : vector<16xf32>
            %add3A_255 = arith.constant 4 : i32
            %add3A_256 = arith.addi %mul3A_98, %add3A_255 : i32
            %get3A_257 = arith.index_cast %add3A_256 : i32 to index
            %get3A_258 = arith.constant 32 : index
            %get3A_259 = tpu.vector_load %arg6[%get3A_257, %get3A_258] {strides = array<i32>} : memref<160x128xf32, #tpu.memory_space<vmem>>, vector<1x16xf32>,
            %get3A_260 = vector.shape_cast %get3A_259 : vector<1x16xf32> to vector<16xf32>
            %add3A_261 = arith.constant 4 : i32
            %add3A_262 = arith.addi %mul3A_98, %add3A_261 : i32
            %add3A_263 = arith.constant 1 : i32
            %add3A_264 = arith.addi %add3A_262, %add3A_263 : i32
            %get3A_265 = arith.index_cast %add3A_264 : i32 to index
            %get3A_266 = arith.constant 32 : index
            %get3A_267 = tpu.vector_load %arg6[%get3A_265, %get3A_266] {strides = array<i32>} : memref<160x128xf32, #tpu.memory_space<vmem>>, vector<1x16xf32>,
            %get3A_268 = vector.shape_cast %get3A_267 : vector<1x16xf32> to vector<16xf32>
            %add3A_269 = arith.addf %get3A_260, %get3A_268 : vector<16xf32>
            %add3A_270 = arith.constant 4 : i32
            %add3A_271 = arith.addi %mul3A_98, %add3A_270 : i32
            %get3A_272 = arith.index_cast %add3A_271 : i32 to index
            %get3A_273 = arith.constant 48 : index
            %get3A_274 = tpu.vector_load %arg6[%get3A_272, %get3A_273] {strides = array<i32>} : memref<160x128xf32, #tpu.memory_space<vmem>>, vector<1x16xf32>,
            %get3A_275 = vector.shape_cast %get3A_274 : vector<1x16xf32> to vector<16xf32>
            %add3A_276 = arith.constant 4 : i32
            %add3A_277 = arith.addi %mul3A_98, %add3A_276 : i32
            %add3A_278 = arith.constant 1 : i32
            %add3A_279 = arith.addi %add3A_277, %add3A_278 : i32
            %get3A_280 = arith.index_cast %add3A_279 : i32 to index
            %get3A_281 = arith.constant 48 : index
            %get3A_282 = tpu.vector_load %arg6[%get3A_280, %get3A_281] {strides = array<i32>} : memref<160x128xf32, #tpu.memory_space<vmem>>, vector<1x16xf32>,
            %get3A_283 = vector.shape_cast %get3A_282 : vector<1x16xf32> to vector<16xf32>
            %add3A_284 = arith.addf %get3A_275, %get3A_283 : vector<16xf32>
            %add3A_285 = arith.constant 6 : i32
            %add3A_286 = arith.addi %mul3A_98, %add3A_285 : i32
            %get3A_287 = arith.index_cast %add3A_286 : i32 to index
            %get3A_288 = arith.constant 0 : index
            %get3A_289 = tpu.vector_load %arg6[%get3A_287, %get3A_288] {strides = array<i32>} : memref<160x128xf32, #tpu.memory_space<vmem>>, vector<1x16xf32>,
            %get3A_290 = vector.shape_cast %get3A_289 : vector<1x16xf32> to vector<16xf32>
            %add3A_291 = arith.constant 6 : i32
            %add3A_292 = arith.addi %mul3A_98, %add3A_291 : i32
            %add3A_293 = arith.constant 1 : i32
            %add3A_294 = arith.addi %add3A_292, %add3A_293 : i32
            %get3A_295 = arith.index_cast %add3A_294 : i32 to index
            %get3A_296 = arith.constant 0 : index
            %get3A_297 = tpu.vector_load %arg6[%get3A_295, %get3A_296] {strides = array<i32>} : memref<160x128xf32, #tpu.memory_space<vmem>>, vector<1x16xf32>,
            %get3A_298 = vector.shape_cast %get3A_297 : vector<1x16xf32> to vector<16xf32>
            %add3A_299 = arith.addf %get3A_290, %get3A_298 : vector<16xf32>
            %add3A_300 = arith.constant 6 : i32
            %add3A_301 = arith.addi %mul3A_98, %add3A_300 : i32
            %get3A_302 = arith.index_cast %add3A_301 : i32 to index
            %get3A_303 = arith.constant 16 : index
            %get3A_304 = tpu.vector_load %arg6[%get3A_302, %get3A_303] {strides = array<i32>} : memref<160x128xf32, #tpu.memory_space<vmem>>, vector<1x16xf32>,
            %get3A_305 = vector.shape_cast %get3A_304 : vector<1x16xf32> to vector<16xf32>
            %add3A_306 = arith.constant 6 : i32
            %add3A_307 = arith.addi %mul3A_98, %add3A_306 : i32
            %add3A_308 = arith.constant 1 : i32
            %add3A_309 = arith.addi %add3A_307, %add3A_308 : i32
            %get3A_310 = arith.index_cast %add3A_309 : i32 to index
            %get3A_311 = arith.constant 16 : index
            %get3A_312 = tpu.vector_load %arg6[%get3A_310, %get3A_311] {strides = array<i32>} : memref<160x128xf32, #tpu.memory_space<vmem>>, vector<1x16xf32>,
            %get3A_313 = vector.shape_cast %get3A_312 : vector<1x16xf32> to vector<16xf32>
            %add3A_314 = arith.addf %get3A_305, %get3A_313 : vector<16xf32>
            %add3A_315 = arith.constant 6 : i32
            %add3A_316 = arith.addi %mul3A_98, %add3A_315 : i32
            %get3A_317 = arith.index_cast %add3A_316 : i32 to index
            %get3A_318 = arith.constant 32 : index
            %get3A_319 = tpu.vector_load %arg6[%get3A_317, %get3A_318] {strides = array<i32>} : memref<160x128xf32, #tpu.memory_space<vmem>>, vector<1x16xf32>,
            %get3A_320 = vector.shape_cast %get3A_319 : vector<1x16xf32> to vector<16xf32>
            %add3A_321 = arith.constant 6 : i32
            %add3A_322 = arith.addi %mul3A_98, %add3A_321 : i32
            %add3A_323 = arith.constant 1 : i32
            %add3A_324 = arith.addi %add3A_322, %add3A_323 : i32
            %get3A_325 = arith.index_cast %add3A_324 : i32 to index
            %get3A_326 = arith.constant 32 : index
            %get3A_327 = tpu.vector_load %arg6[%get3A_325, %get3A_326] {strides = array<i32>} : memref<160x128xf32, #tpu.memory_space<vmem>>, vector<1x16xf32>,
            %get3A_328 = vector.shape_cast %get3A_327 : vector<1x16xf32> to vector<16xf32>
            %add3A_329 = arith.addf %get3A_320, %get3A_328 : vector<16xf32>
            %add3A_330 = arith.constant 6 : i32
            %add3A_331 = arith.addi %mul3A_98, %add3A_330 : i32
            %get3A_332 = arith.index_cast %add3A_331 : i32 to index
            %get3A_333 = arith.constant 48 : index
            %get3A_334 = tpu.vector_load %arg6[%get3A_332, %get3A_333] {strides = array<i32>} : memref<160x128xf32, #tpu.memory_space<vmem>>, vector<1x16xf32>,
            %get3A_335 = vector.shape_cast %get3A_334 : vector<1x16xf32> to vector<16xf32>
            %add3A_336 = arith.constant 6 : i32
            %add3A_337 = arith.addi %mul3A_98, %add3A_336 : i32
            %add3A_338 = arith.constant 1 : i32
            %add3A_339 = arith.addi %add3A_337, %add3A_338 : i32
            %get3A_340 = arith.index_cast %add3A_339 : i32 to index
            %get3A_341 = arith.constant 48 : index
            %get3A_342 = tpu.vector_load %arg6[%get3A_340, %get3A_341] {strides = array<i32>} : memref<160x128xf32, #tpu.memory_space<vmem>>, vector<1x16xf32>,
            %get3A_343 = vector.shape_cast %get3A_342 : vector<1x16xf32> to vector<16xf32>
            %add3A_344 = arith.addf %get3A_335, %get3A_343 : vector<16xf32>
            %add3A_345 = arith.constant 8 : i32
            %add3A_346 = arith.addi %mul3A_98, %add3A_345 : i32
            %get3A_347 = arith.index_cast %add3A_346 : i32 to index
            %get3A_348 = arith.constant 0 : index
            %get3A_349 = tpu.vector_load %arg6[%get3A_347, %get3A_348] {strides = array<i32>} : memref<160x128xf32, #tpu.memory_space<vmem>>, vector<1x16xf32>,
            %get3A_350 = vector.shape_cast %get3A_349 : vector<1x16xf32> to vector<16xf32>
            %add3A_351 = arith.constant 8 : i32
            %add3A_352 = arith.addi %mul3A_98, %add3A_351 : i32
            %add3A_353 = arith.constant 1 : i32
            %add3A_354 = arith.addi %add3A_352, %add3A_353 : i32
            %get3A_355 = arith.index_cast %add3A_354 : i32 to index
            %get3A_356 = arith.constant 0 : index
            %get3A_357 = tpu.vector_load %arg6[%get3A_355, %get3A_356] {strides = array<i32>} : memref<160x128xf32, #tpu.memory_space<vmem>>, vector<1x16xf32>,
            %get3A_358 = vector.shape_cast %get3A_357 : vector<1x16xf32> to vector<16xf32>
            %add3A_359 = arith.addf %get3A_350, %get3A_358 : vector<16xf32>
            %add3A_360 = arith.constant 8 : i32
            %add3A_361 = arith.addi %mul3A_98, %add3A_360 : i32
            %get3A_362 = arith.index_cast %add3A_361 : i32 to index
            %get3A_363 = arith.constant 16 : index
            %get3A_364 = tpu.vector_load %arg6[%get3A_362, %get3A_363] {strides = array<i32>} : memref<160x128xf32, #tpu.memory_space<vmem>>, vector<1x16xf32>,
            %get3A_365 = vector.shape_cast %get3A_364 : vector<1x16xf32> to vector<16xf32>
            %add3A_366 = arith.constant 8 : i32
            %add3A_367 = arith.addi %mul3A_98, %add3A_366 : i32
            %add3A_368 = arith.constant 1 : i32
            %add3A_369 = arith.addi %add3A_367, %add3A_368 : i32
            %get3A_370 = arith.index_cast %add3A_369 : i32 to index
            %get3A_371 = arith.constant 16 : index
            %get3A_372 = tpu.vector_load %arg6[%get3A_370, %get3A_371] {strides = array<i32>} : memref<160x128xf32, #tpu.memory_space<vmem>>, vector<1x16xf32>,
            %get3A_373 = vector.shape_cast %get3A_372 : vector<1x16xf32> to vector<16xf32>
            %add3A_374 = arith.addf %get3A_365, %get3A_373 : vector<16xf32>
            %add3A_375 = arith.constant 8 : i32
            %add3A_376 = arith.addi %mul3A_98, %add3A_375 : i32
            %get3A_377 = arith.index_cast %add3A_376 : i32 to index
            %get3A_378 = arith.constant 32 : index
            %get3A_379 = tpu.vector_load %arg6[%get3A_377, %get3A_378] {strides = array<i32>} : memref<160x128xf32, #tpu.memory_space<vmem>>, vector<1x16xf32>,
            %get3A_380 = vector.shape_cast %get3A_379 : vector<1x16xf32> to vector<16xf32>
            %add3A_381 = arith.constant 8 : i32
            %add3A_382 = arith.addi %mul3A_98, %add3A_381 : i32
            %add3A_383 = arith.constant 1 : i32
            %add3A_384 = arith.addi %add3A_382, %add3A_383 : i32
            %get3A_385 = arith.index_cast %add3A_384 : i32 to index
            %get3A_386 = arith.constant 32 : index
            %get3A_387 = tpu.vector_load %arg6[%get3A_385, %get3A_386] {strides = array<i32>} : memref<160x128xf32, #tpu.memory_space<vmem>>, vector<1x16xf32>,
            %get3A_388 = vector.shape_cast %get3A_387 : vector<1x16xf32> to vector<16xf32>
            %add3A_389 = arith.addf %get3A_380, %get3A_388 : vector<16xf32>
            %add3A_390 = arith.constant 8 : i32
            %add3A_391 = arith.addi %mul3A_98, %add3A_390 : i32
            %get3A_392 = arith.index_cast %add3A_391 : i32 to index
            %get3A_393 = arith.constant 48 : index
            %get3A_394 = tpu.vector_load %arg6[%get3A_392, %get3A_393] {strides = array<i32>} : memref<160x128xf32, #tpu.memory_space<vmem>>, vector<1x16xf32>,
            %get3A_395 = vector.shape_cast %get3A_394 : vector<1x16xf32> to vector<16xf32>
            %add3A_396 = arith.constant 8 : i32
            %add3A_397 = arith.addi %mul3A_98, %add3A_396 : i32
            %add3A_398 = arith.constant 1 : i32
            %add3A_399 = arith.addi %add3A_397, %add3A_398 : i32
            %get3A_400 = arith.index_cast %add3A_399 : i32 to index
            %get3A_401 = arith.constant 48 : index
            %get3A_402 = tpu.vector_load %arg6[%get3A_400, %get3A_401] {strides = array<i32>} : memref<160x128xf32, #tpu.memory_space<vmem>>, vector<1x16xf32>,
            %get3A_403 = vector.shape_cast %get3A_402 : vector<1x16xf32> to vector<16xf32>
            %add3A_404 = arith.addf %get3A_395, %get3A_403 : vector<16xf32>
            %add3A_405 = arith.constant 10 : i32
            %add3A_406 = arith.addi %mul3A_98, %add3A_405 : i32
            %get3A_407 = arith.index_cast %add3A_406 : i32 to index
            %get3A_408 = arith.constant 0 : index
            %get3A_409 = tpu.vector_load %arg6[%get3A_407, %get3A_408] {strides = array<i32>} : memref<160x128xf32, #tpu.memory_space<vmem>>, vector<1x16xf32>,
            %get3A_410 = vector.shape_cast %get3A_409 : vector<1x16xf32> to vector<16xf32>
            %add3A_411 = arith.constant 10 : i32
            %add3A_412 = arith.addi %mul3A_98, %add3A_411 : i32
            %add3A_413 = arith.constant 1 : i32
            %add3A_414 = arith.addi %add3A_412, %add3A_413 : i32
            %get3A_415 = arith.index_cast %add3A_414 : i32 to index
            %get3A_416 = arith.constant 0 : index
            %get3A_417 = tpu.vector_load %arg6[%get3A_415, %get3A_416] {strides = array<i32>} : memref<160x128xf32, #tpu.memory_space<vmem>>, vector<1x16xf32>,
            %get3A_418 = vector.shape_cast %get3A_417 : vector<1x16xf32> to vector<16xf32>
            %add3A_419 = arith.addf %get3A_410, %get3A_418 : vector<16xf32>
            %add3A_420 = arith.constant 10 : i32
            %add3A_421 = arith.addi %mul3A_98, %add3A_420 : i32
            %get3A_422 = arith.index_cast %add3A_421 : i32 to index
            %get3A_423 = arith.constant 16 : index
            %get3A_424 = tpu.vector_load %arg6[%get3A_422, %get3A_423] {strides = array<i32>} : memref<160x128xf32, #tpu.memory_space<vmem>>, vector<1x16xf32>,
            %get3A_425 = vector.shape_cast %get3A_424 : vector<1x16xf32> to vector<16xf32>
            %add3A_426 = arith.constant 10 : i32
            %add3A_427 = arith.addi %mul3A_98, %add3A_426 : i32
            %add3A_428 = arith.constant 1 : i32
            %add3A_429 = arith.addi %add3A_427, %add3A_428 : i32
            %get3A_430 = arith.index_cast %add3A_429 : i32 to index
            %get3A_431 = arith.constant 16 : index
            %get3A_432 = tpu.vector_load %arg6[%get3A_430, %get3A_431] {strides = array<i32>} : memref<160x128xf32, #tpu.memory_space<vmem>>, vector<1x16xf32>,
            %get3A_433 = vector.shape_cast %get3A_432 : vector<1x16xf32> to vector<16xf32>
            %add3A_434 = arith.addf %get3A_425, %get3A_433 : vector<16xf32>
            %add3A_435 = arith.constant 10 : i32
            %add3A_436 = arith.addi %mul3A_98, %add3A_435 : i32
            %get3A_437 = arith.index_cast %add3A_436 : i32 to index
            %get3A_438 = arith.constant 32 : index
            %get3A_439 = tpu.vector_load %arg6[%get3A_437, %get3A_438] {strides = array<i32>} : memref<160x128xf32, #tpu.memory_space<vmem>>, vector<1x16xf32>,
            %get3A_440 = vector.shape_cast %get3A_439 : vector<1x16xf32> to vector<16xf32>
            %add3A_441 = arith.constant 10 : i32
            %add3A_442 = arith.addi %mul3A_98, %add3A_441 : i32
            %add3A_443 = arith.constant 1 : i32
            %add3A_444 = arith.addi %add3A_442, %add3A_443 : i32
            %get3A_445 = arith.index_cast %add3A_444 : i32 to index
            %get3A_446 = arith.constant 32 : index
            %get3A_447 = tpu.vector_load %arg6[%get3A_445, %get3A_446] {strides = array<i32>} : memref<160x128xf32, #tpu.memory_space<vmem>>, vector<1x16xf32>,
            %get3A_448 = vector.shape_cast %get3A_447 : vector<1x16xf32> to vector<16xf32>
            %add3A_449 = arith.addf %get3A_440, %get3A_448 : vector<16xf32>
            %add3A_450 = arith.constant 10 : i32
            %add3A_451 = arith.addi %mul3A_98, %add3A_450 : i32
            %get3A_452 = arith.index_cast %add3A_451 : i32 to index
            %get3A_453 = arith.constant 48 : index
            %get3A_454 = tpu.vector_load %arg6[%get3A_452, %get3A_453] {strides = array<i32>} : memref<160x128xf32, #tpu.memory_space<vmem>>, vector<1x16xf32>,
            %get3A_455 = vector.shape_cast %get3A_454 : vector<1x16xf32> to vector<16xf32>
            %add3A_456 = arith.constant 10 : i32
            %add3A_457 = arith.addi %mul3A_98, %add3A_456 : i32
            %add3A_458 = arith.constant 1 : i32
            %add3A_459 = arith.addi %add3A_457, %add3A_458 : i32
            %get3A_460 = arith.index_cast %add3A_459 : i32 to index
            %get3A_461 = arith.constant 48 : index
            %get3A_462 = tpu.vector_load %arg6[%get3A_460, %get3A_461] {strides = array<i32>} : memref<160x128xf32, #tpu.memory_space<vmem>>, vector<1x16xf32>,
            %get3A_463 = vector.shape_cast %get3A_462 : vector<1x16xf32> to vector<16xf32>
            %add3A_464 = arith.addf %get3A_455, %get3A_463 : vector<16xf32>
            %add3A_465 = arith.constant 12 : i32
            %add3A_466 = arith.addi %mul3A_98, %add3A_465 : i32
            %get3A_467 = arith.index_cast %add3A_466 : i32 to index
            %get3A_468 = arith.constant 0 : index
            %get3A_469 = tpu.vector_load %arg6[%get3A_467, %get3A_468] {strides = array<i32>} : memref<160x128xf32, #tpu.memory_space<vmem>>, vector<1x16xf32>,
            %get3A_470 = vector.shape_cast %get3A_469 : vector<1x16xf32> to vector<16xf32>
            %add3A_471 = arith.constant 12 : i32
            %add3A_472 = arith.addi %mul3A_98, %add3A_471 : i32
            %add3A_473 = arith.constant 1 : i32
            %add3A_474 = arith.addi %add3A_472, %add3A_473 : i32
            %get3A_475 = arith.index_cast %add3A_474 : i32 to index
            %get3A_476 = arith.constant 0 : index
            %get3A_477 = tpu.vector_load %arg6[%get3A_475, %get3A_476] {strides = array<i32>} : memref<160x128xf32, #tpu.memory_space<vmem>>, vector<1x16xf32>,
            %get3A_478 = vector.shape_cast %get3A_477 : vector<1x16xf32> to vector<16xf32>
            %add3A_479 = arith.addf %get3A_470, %get3A_478 : vector<16xf32>
            %add3A_480 = arith.constant 12 : i32
            %add3A_481 = arith.addi %mul3A_98, %add3A_480 : i32
            %get3A_482 = arith.index_cast %add3A_481 : i32 to index
            %get3A_483 = arith.constant 16 : index
            %get3A_484 = tpu.vector_load %arg6[%get3A_482, %get3A_483] {strides = array<i32>} : memref<160x128xf32, #tpu.memory_space<vmem>>, vector<1x16xf32>,
            %get3A_485 = vector.shape_cast %get3A_484 : vector<1x16xf32> to vector<16xf32>
            %add3A_486 = arith.constant 12 : i32
            %add3A_487 = arith.addi %mul3A_98, %add3A_486 : i32
            %add3A_488 = arith.constant 1 : i32
            %add3A_489 = arith.addi %add3A_487, %add3A_488 : i32
            %get3A_490 = arith.index_cast %add3A_489 : i32 to index
            %get3A_491 = arith.constant 16 : index
            %get3A_492 = tpu.vector_load %arg6[%get3A_490, %get3A_491] {strides = array<i32>} : memref<160x128xf32, #tpu.memory_space<vmem>>, vector<1x16xf32>,
            %get3A_493 = vector.shape_cast %get3A_492 : vector<1x16xf32> to vector<16xf32>
            %add3A_494 = arith.addf %get3A_485, %get3A_493 : vector<16xf32>
            %add3A_495 = arith.constant 12 : i32
            %add3A_496 = arith.addi %mul3A_98, %add3A_495 : i32
            %get3A_497 = arith.index_cast %add3A_496 : i32 to index
            %get3A_498 = arith.constant 32 : index
            %get3A_499 = tpu.vector_load %arg6[%get3A_497, %get3A_498] {strides = array<i32>} : memref<160x128xf32, #tpu.memory_space<vmem>>, vector<1x16xf32>,
            %get3A_500 = vector.shape_cast %get3A_499 : vector<1x16xf32> to vector<16xf32>
            %add3A_501 = arith.constant 12 : i32
            %add3A_502 = arith.addi %mul3A_98, %add3A_501 : i32
            %add3A_503 = arith.constant 1 : i32
            %add3A_504 = arith.addi %add3A_502, %add3A_503 : i32
            %get3A_505 = arith.index_cast %add3A_504 : i32 to index
            %get3A_506 = arith.constant 32 : index
            %get3A_507 = tpu.vector_load %arg6[%get3A_505, %get3A_506] {strides = array<i32>} : memref<160x128xf32, #tpu.memory_space<vmem>>, vector<1x16xf32>,
            %get3A_508 = vector.shape_cast %get3A_507 : vector<1x16xf32> to vector<16xf32>
            %add3A_509 = arith.addf %get3A_500, %get3A_508 : vector<16xf32>
            %add3A_510 = arith.constant 12 : i32
            %add3A_511 = arith.addi %mul3A_98, %add3A_510 : i32
            %get3A_512 = arith.index_cast %add3A_511 : i32 to index
            %get3A_513 = arith.constant 48 : index
            %get3A_514 = tpu.vector_load %arg6[%get3A_512, %get3A_513] {strides = array<i32>} : memref<160x128xf32, #tpu.memory_space<vmem>>, vector<1x16xf32>,
            %get3A_515 = vector.shape_cast %get3A_514 : vector<1x16xf32> to vector<16xf32>
            %add3A_516 = arith.constant 12 : i32
            %add3A_517 = arith.addi %mul3A_98, %add3A_516 : i32
            %add3A_518 = arith.constant 1 : i32
            %add3A_519 = arith.addi %add3A_517, %add3A_518 : i32
            %get3A_520 = arith.index_cast %add3A_519 : i32 to index
            %get3A_521 = arith.constant 48 : index
            %get3A_522 = tpu.vector_load %arg6[%get3A_520, %get3A_521] {strides = array<i32>} : memref<160x128xf32, #tpu.memory_space<vmem>>, vector<1x16xf32>,
            %get3A_523 = vector.shape_cast %get3A_522 : vector<1x16xf32> to vector<16xf32>
            %add3A_524 = arith.addf %get3A_515, %get3A_523 : vector<16xf32>
            %add3A_525 = arith.constant 14 : i32
            %add3A_526 = arith.addi %mul3A_98, %add3A_525 : i32
            %get3A_527 = arith.index_cast %add3A_526 : i32 to index
            %get3A_528 = arith.constant 0 : index
            %get3A_529 = tpu.vector_load %arg6[%get3A_527, %get3A_528] {strides = array<i32>} : memref<160x128xf32, #tpu.memory_space<vmem>>, vector<1x16xf32>,
            %get3A_530 = vector.shape_cast %get3A_529 : vector<1x16xf32> to vector<16xf32>
            %add3A_531 = arith.constant 14 : i32
            %add3A_532 = arith.addi %mul3A_98, %add3A_531 : i32
            %add3A_533 = arith.constant 1 : i32
            %add3A_534 = arith.addi %add3A_532, %add3A_533 : i32
            %get3A_535 = arith.index_cast %add3A_534 : i32 to index
            %get3A_536 = arith.constant 0 : index
            %get3A_537 = tpu.vector_load %arg6[%get3A_535, %get3A_536] {strides = array<i32>} : memref<160x128xf32, #tpu.memory_space<vmem>>, vector<1x16xf32>,
            %get3A_538 = vector.shape_cast %get3A_537 : vector<1x16xf32> to vector<16xf32>
            %add3A_539 = arith.addf %get3A_530, %get3A_538 : vector<16xf32>
            %add3A_540 = arith.constant 14 : i32
            %add3A_541 = arith.addi %mul3A_98, %add3A_540 : i32
            %get3A_542 = arith.index_cast %add3A_541 : i32 to index
            %get3A_543 = arith.constant 16 : index
            %get3A_544 = tpu.vector_load %arg6[%get3A_542, %get3A_543] {strides = array<i32>} : memref<160x128xf32, #tpu.memory_space<vmem>>, vector<1x16xf32>,
            %get3A_545 = vector.shape_cast %get3A_544 : vector<1x16xf32> to vector<16xf32>
            %add3A_546 = arith.constant 14 : i32
            %add3A_547 = arith.addi %mul3A_98, %add3A_546 : i32
            %add3A_548 = arith.constant 1 : i32
            %add3A_549 = arith.addi %add3A_547, %add3A_548 : i32
            %get3A_550 = arith.index_cast %add3A_549 : i32 to index
            %get3A_551 = arith.constant 16 : index
            %get3A_552 = tpu.vector_load %arg6[%get3A_550, %get3A_551] {strides = array<i32>} : memref<160x128xf32, #tpu.memory_space<vmem>>, vector<1x16xf32>,
            %get3A_553 = vector.shape_cast %get3A_552 : vector<1x16xf32> to vector<16xf32>
            %add3A_554 = arith.addf %get3A_545, %get3A_553 : vector<16xf32>
            %add3A_555 = arith.constant 14 : i32
            %add3A_556 = arith.addi %mul3A_98, %add3A_555 : i32
            %get3A_557 = arith.index_cast %add3A_556 : i32 to index
            %get3A_558 = arith.constant 32 : index
            %get3A_559 = tpu.vector_load %arg6[%get3A_557, %get3A_558] {strides = array<i32>} : memref<160x128xf32, #tpu.memory_space<vmem>>, vector<1x16xf32>,
            %get3A_560 = vector.shape_cast %get3A_559 : vector<1x16xf32> to vector<16xf32>
            %add3A_561 = arith.constant 14 : i32
            %add3A_562 = arith.addi %mul3A_98, %add3A_561 : i32
            %add3A_563 = arith.constant 1 : i32
            %add3A_564 = arith.addi %add3A_562, %add3A_563 : i32
            %get3A_565 = arith.index_cast %add3A_564 : i32 to index
            %get3A_566 = arith.constant 32 : index
            %get3A_567 = tpu.vector_load %arg6[%get3A_565, %get3A_566] {strides = array<i32>} : memref<160x128xf32, #tpu.memory_space<vmem>>, vector<1x16xf32>,
            %get3A_568 = vector.shape_cast %get3A_567 : vector<1x16xf32> to vector<16xf32>
            %add3A_569 = arith.addf %get3A_560, %get3A_568 : vector<16xf32>
            %add3A_570 = arith.constant 14 : i32
            %add3A_571 = arith.addi %mul3A_98, %add3A_570 : i32
            %get3A_572 = arith.index_cast %add3A_571 : i32 to index
            %get3A_573 = arith.constant 48 : index
            %get3A_574 = tpu.vector_load %arg6[%get3A_572, %get3A_573] {strides = array<i32>} : memref<160x128xf32, #tpu.memory_space<vmem>>, vector<1x16xf32>,
            %get3A_575 = vector.shape_cast %get3A_574 : vector<1x16xf32> to vector<16xf32>
            %add3A_576 = arith.constant 14 : i32
            %add3A_577 = arith.addi %mul3A_98, %add3A_576 : i32
            %add3A_578 = arith.constant 1 : i32
            %add3A_579 = arith.addi %add3A_577, %add3A_578 : i32
            %get3A_580 = arith.index_cast %add3A_579 : i32 to index
            %get3A_581 = arith.constant 48 : index
            %get3A_582 = tpu.vector_load %arg6[%get3A_580, %get3A_581] {strides = array<i32>} : memref<160x128xf32, #tpu.memory_space<vmem>>, vector<1x16xf32>,
            %get3A_583 = vector.shape_cast %get3A_582 : vector<1x16xf32> to vector<16xf32>
            %add3A_584 = arith.addf %get3A_575, %get3A_583 : vector<16xf32>
            %add3A_585 = arith.addf %add3A_119, %add3A_179 : vector<16xf32>
            %add3A_586 = arith.addf %add3A_239, %add3A_299 : vector<16xf32>
            %add3A_587 = arith.addf %add3A_359, %add3A_419 : vector<16xf32>
            %add3A_588 = arith.addf %add3A_479, %add3A_539 : vector<16xf32>
            %add3A_589 = arith.addf %add3A_134, %add3A_194 : vector<16xf32>
            %add3A_590 = arith.addf %add3A_254, %add3A_314 : vector<16xf32>
            %add3A_591 = arith.addf %add3A_374, %add3A_434 : vector<16xf32>
            %add3A_592 = arith.addf %add3A_494, %add3A_554 : vector<16xf32>
            %add3A_593 = arith.addf %add3A_149, %add3A_209 : vector<16xf32>
            %add3A_594 = arith.addf %add3A_269, %add3A_329 : vector<16xf32>
            %add3A_595 = arith.addf %add3A_389, %add3A_449 : vector<16xf32>
            %add3A_596 = arith.addf %add3A_509, %add3A_569 : vector<16xf32>
            %add3A_597 = arith.addf %add3A_164, %add3A_224 : vector<16xf32>
            %add3A_598 = arith.addf %add3A_284, %add3A_344 : vector<16xf32>
            %add3A_599 = arith.addf %add3A_404, %add3A_464 : vector<16xf32>
            %add3A_600 = arith.addf %add3A_524, %add3A_584 : vector<16xf32>
            %add3A_601 = arith.addf %add3A_585, %add3A_586 : vector<16xf32>
            %add3A_602 = arith.addf %add3A_587, %add3A_588 : vector<16xf32>
            %add3A_603 = arith.addf %add3A_589, %add3A_590 : vector<16xf32>
            %add3A_604 = arith.addf %add3A_591, %add3A_592 : vector<16xf32>
            %add3A_605 = arith.addf %add3A_593, %add3A_594 : vector<16xf32>
            %add3A_606 = arith.addf %add3A_595, %add3A_596 : vector<16xf32>
            %add3A_607 = arith.addf %add3A_597, %add3A_598 : vector<16xf32>
            %add3A_608 = arith.addf %add3A_599, %add3A_600 : vector<16xf32>
            %add3A_609 = arith.addf %add3A_601, %add3A_602 : vector<16xf32>
            %add3A_610 = arith.addf %add3A_603, %add3A_604 : vector<16xf32>
            %add3A_611 = arith.addf %add3A_605, %add3A_606 : vector<16xf32>
            %add3A_612 = arith.addf %add3A_607, %add3A_608 : vector<16xf32>
            %swap3A = arith.index_cast %squeeze3A : i32 to index
            %swap3A_613 = arith.constant 0 : index
            %swap3A_614 = tpu.vector_load %arg9[%swap3A, %swap3A_613] {strides = array<i32>} : memref<256x128xf32, #tpu.memory_space<vmem>>, vector<1x16xf32>,
            %swap3A_615 = vector.shape_cast %swap3A_614 : vector<1x16xf32> to vector<16xf32>
            %swap3A_616 = vector.shape_cast %add3A_609 : vector<16xf32> to vector<1x16xf32>
            tpu.vector_store %arg9[%swap3A, %swap3A_613], %swap3A_616 {add = true, strides = array<i32>} : memref<256x128xf32, #tpu.memory_space<vmem>>, vector<1x16xf32>,
            %swap3A_617 = arith.index_cast %squeeze3A : i32 to index
            %swap3A_618 = arith.constant 16 : index
            %swap3A_619 = tpu.vector_load %arg9[%swap3A_617, %swap3A_618] {strides = array<i32>} : memref<256x128xf32, #tpu.memory_space<vmem>>, vector<1x16xf32>,
            %swap3A_620 = vector.shape_cast %swap3A_619 : vector<1x16xf32> to vector<16xf32>
            %swap3A_621 = vector.shape_cast %add3A_610 : vector<16xf32> to vector<1x16xf32>
            tpu.vector_store %arg9[%swap3A_617, %swap3A_618], %swap3A_621 {add = true, strides = array<i32>} : memref<256x128xf32, #tpu.memory_space<vmem>>, vector<1x16xf32>,
            %swap3A_622 = arith.index_cast %squeeze3A : i32 to index
            %swap3A_623 = arith.constant 32 : index
            %swap3A_624 = tpu.vector_load %arg9[%swap3A_622, %swap3A_623] {strides = array<i32>} : memref<256x128xf32, #tpu.memory_space<vmem>>, vector<1x16xf32>,
            %swap3A_625 = vector.shape_cast %swap3A_624 : vector<1x16xf32> to vector<16xf32>
            %swap3A_626 = vector.shape_cast %add3A_611 : vector<16xf32> to vector<1x16xf32>
            tpu.vector_store %arg9[%swap3A_622, %swap3A_623], %swap3A_626 {add = true, strides = array<i32>} : memref<256x128xf32, #tpu.memory_space<vmem>>, vector<1x16xf32>,
            %swap3A_627 = arith.index_cast %squeeze3A : i32 to index
            %swap3A_628 = arith.constant 48 : index
            %swap3A_629 = tpu.vector_load %arg9[%swap3A_627, %swap3A_628] {strides = array<i32>} : memref<256x128xf32, #tpu.memory_space<vmem>>, vector<1x16xf32>,
            %swap3A_630 = vector.shape_cast %swap3A_629 : vector<1x16xf32> to vector<16xf32>
            %swap3A_631 = vector.shape_cast %add3A_612 : vector<16xf32> to vector<1x16xf32>
            tpu.vector_store %arg9[%swap3A_627, %swap3A_628], %swap3A_631 {add = true, strides = array<i32>} : memref<256x128xf32, #tpu.memory_space<vmem>>, vector<1x16xf32>,
            %add3A_632 = arith.constant 0 : i32
            %add3A_633 = arith.addi %mul3A_98, %add3A_632 : i32
            %get3A_634 = arith.index_cast %add3A_633 : i32 to index
            %get3A_635 = arith.constant 64 : index
            %get3A_636 = tpu.vector_load %arg6[%get3A_634, %get3A_635] {strides = array<i32>} : memref<160x128xf32, #tpu.memory_space<vmem>>, vector<1x16xf32>,
            %get3A_637 = vector.shape_cast %get3A_636 : vector<1x16xf32> to vector<16xf32>
            %add3A_638 = arith.constant 0 : i32
            %add3A_639 = arith.addi %mul3A_98, %add3A_638 : i32
            %add3A_640 = arith.constant 1 : i32
            %add3A_641 = arith.addi %add3A_639, %add3A_640 : i32
            %get3A_642 = arith.index_cast %add3A_641 : i32 to index
            %get3A_643 = arith.constant 64 : index
            %get3A_644 = tpu.vector_load %arg6[%get3A_642, %get3A_643] {strides = array<i32>} : memref<160x128xf32, #tpu.memory_space<vmem>>, vector<1x16xf32>,
            %get3A_645 = vector.shape_cast %get3A_644 : vector<1x16xf32> to vector<16xf32>
            %add3A_646 = arith.addf %get3A_637, %get3A_645 : vector<16xf32>
            %add3A_647 = arith.constant 0 : i32
            %add3A_648 = arith.addi %mul3A_98, %add3A_647 : i32
            %get3A_649 = arith.index_cast %add3A_648 : i32 to index
            %get3A_650 = arith.constant 80 : index
            %get3A_651 = tpu.vector_load %arg6[%get3A_649, %get3A_650] {strides = array<i32>} : memref<160x128xf32, #tpu.memory_space<vmem>>, vector<1x16xf32>,
            %get3A_652 = vector.shape_cast %get3A_651 : vector<1x16xf32> to vector<16xf32>
            %add3A_653 = arith.constant 0 : i32
            %add3A_654 = arith.addi %mul3A_98, %add3A_653 : i32
            %add3A_655 = arith.constant 1 : i32
            %add3A_656 = arith.addi %add3A_654, %add3A_655 : i32
            %get3A_657 = arith.index_cast %add3A_656 : i32 to index
            %get3A_658 = arith.constant 80 : index
            %get3A_659 = tpu.vector_load %arg6[%get3A_657, %get3A_658] {strides = array<i32>} : memref<160x128xf32, #tpu.memory_space<vmem>>, vector<1x16xf32>,
            %get3A_660 = vector.shape_cast %get3A_659 : vector<1x16xf32> to vector<16xf32>
            %add3A_661 = arith.addf %get3A_652, %get3A_660 : vector<16xf32>
            %add3A_662 = arith.constant 0 : i32
            %add3A_663 = arith.addi %mul3A_98, %add3A_662 : i32
            %get3A_664 = arith.index_cast %add3A_663 : i32 to index
            %get3A_665 = arith.constant 96 : index
            %get3A_666 = tpu.vector_load %arg6[%get3A_664, %get3A_665] {strides = array<i32>} : memref<160x128xf32, #tpu.memory_space<vmem>>, vector<1x16xf32>,
            %get3A_667 = vector.shape_cast %get3A_666 : vector<1x16xf32> to vector<16xf32>
            %add3A_668 = arith.constant 0 : i32
            %add3A_669 = arith.addi %mul3A_98, %add3A_668 : i32
            %add3A_670 = arith.constant 1 : i32
            %add3A_671 = arith.addi %add3A_669, %add3A_670 : i32
            %get3A_672 = arith.index_cast %add3A_671 : i32 to index
            %get3A_673 = arith.constant 96 : index
            %get3A_674 = tpu.vector_load %arg6[%get3A_672, %get3A_673] {strides = array<i32>} : memref<160x128xf32, #tpu.memory_space<vmem>>, vector<1x16xf32>,
            %get3A_675 = vector.shape_cast %get3A_674 : vector<1x16xf32> to vector<16xf32>
            %add3A_676 = arith.addf %get3A_667, %get3A_675 : vector<16xf32>
            %add3A_677 = arith.constant 0 : i32
            %add3A_678 = arith.addi %mul3A_98, %add3A_677 : i32
            %get3A_679 = arith.index_cast %add3A_678 : i32 to index
            %get3A_680 = arith.constant 112 : index
            %get3A_681 = tpu.vector_load %arg6[%get3A_679, %get3A_680] {strides = array<i32>} : memref<160x128xf32, #tpu.memory_space<vmem>>, vector<1x16xf32>,
            %get3A_682 = vector.shape_cast %get3A_681 : vector<1x16xf32> to vector<16xf32>
            %add3A_683 = arith.constant 0 : i32
            %add3A_684 = arith.addi %mul3A_98, %add3A_683 : i32
            %add3A_685 = arith.constant 1 : i32
            %add3A_686 = arith.addi %add3A_684, %add3A_685 : i32
            %get3A_687 = arith.index_cast %add3A_686 : i32 to index
            %get3A_688 = arith.constant 112 : index
            %get3A_689 = tpu.vector_load %arg6[%get3A_687, %get3A_688] {strides = array<i32>} : memref<160x128xf32, #tpu.memory_space<vmem>>, vector<1x16xf32>,
            %get3A_690 = vector.shape_cast %get3A_689 : vector<1x16xf32> to vector<16xf32>
            %add3A_691 = arith.addf %get3A_682, %get3A_690 : vector<16xf32>
            %add3A_692 = arith.constant 2 : i32
            %add3A_693 = arith.addi %mul3A_98, %add3A_692 : i32
            %get3A_694 = arith.index_cast %add3A_693 : i32 to index
            %get3A_695 = arith.constant 64 : index
            %get3A_696 = tpu.vector_load %arg6[%get3A_694, %get3A_695] {strides = array<i32>} : memref<160x128xf32, #tpu.memory_space<vmem>>, vector<1x16xf32>,
            %get3A_697 = vector.shape_cast %get3A_696 : vector<1x16xf32> to vector<16xf32>
            %add3A_698 = arith.constant 2 : i32
            %add3A_699 = arith.addi %mul3A_98, %add3A_698 : i32
            %add3A_700 = arith.constant 1 : i32
            %add3A_701 = arith.addi %add3A_699, %add3A_700 : i32
            %get3A_702 = arith.index_cast %add3A_701 : i32 to index
            %get3A_703 = arith.constant 64 : index
            %get3A_704 = tpu.vector_load %arg6[%get3A_702, %get3A_703] {strides = array<i32>} : memref<160x128xf32, #tpu.memory_space<vmem>>, vector<1x16xf32>,
            %get3A_705 = vector.shape_cast %get3A_704 : vector<1x16xf32> to vector<16xf32>
            %add3A_706 = arith.addf %get3A_697, %get3A_705 : vector<16xf32>
            %add3A_707 = arith.constant 2 : i32
            %add3A_708 = arith.addi %mul3A_98, %add3A_707 : i32
            %get3A_709 = arith.index_cast %add3A_708 : i32 to index
            %get3A_710 = arith.constant 80 : index
            %get3A_711 = tpu.vector_load %arg6[%get3A_709, %get3A_710] {strides = array<i32>} : memref<160x128xf32, #tpu.memory_space<vmem>>, vector<1x16xf32>,
            %get3A_712 = vector.shape_cast %get3A_711 : vector<1x16xf32> to vector<16xf32>
            %add3A_713 = arith.constant 2 : i32
            %add3A_714 = arith.addi %mul3A_98, %add3A_713 : i32
            %add3A_715 = arith.constant 1 : i32
            %add3A_716 = arith.addi %add3A_714, %add3A_715 : i32
            %get3A_717 = arith.index_cast %add3A_716 : i32 to index
            %get3A_718 = arith.constant 80 : index
            %get3A_719 = tpu.vector_load %arg6[%get3A_717, %get3A_718] {strides = array<i32>} : memref<160x128xf32, #tpu.memory_space<vmem>>, vector<1x16xf32>,
            %get3A_720 = vector.shape_cast %get3A_719 : vector<1x16xf32> to vector<16xf32>
            %add3A_721 = arith.addf %get3A_712, %get3A_720 : vector<16xf32>
            %add3A_722 = arith.constant 2 : i32
            %add3A_723 = arith.addi %mul3A_98, %add3A_722 : i32
            %get3A_724 = arith.index_cast %add3A_723 : i32 to index
            %get3A_725 = arith.constant 96 : index
            %get3A_726 = tpu.vector_load %arg6[%get3A_724, %get3A_725] {strides = array<i32>} : memref<160x128xf32, #tpu.memory_space<vmem>>, vector<1x16xf32>,
            %get3A_727 = vector.shape_cast %get3A_726 : vector<1x16xf32> to vector<16xf32>
            %add3A_728 = arith.constant 2 : i32
            %add3A_729 = arith.addi %mul3A_98, %add3A_728 : i32
            %add3A_730 = arith.constant 1 : i32
            %add3A_731 = arith.addi %add3A_729, %add3A_730 : i32
            %get3A_732 = arith.index_cast %add3A_731 : i32 to index
            %get3A_733 = arith.constant 96 : index
            %get3A_734 = tpu.vector_load %arg6[%get3A_732, %get3A_733] {strides = array<i32>} : memref<160x128xf32, #tpu.memory_space<vmem>>, vector<1x16xf32>,
            %get3A_735 = vector.shape_cast %get3A_734 : vector<1x16xf32> to vector<16xf32>
            %add3A_736 = arith.addf %get3A_727, %get3A_735 : vector<16xf32>
            %add3A_737 = arith.constant 2 : i32
            %add3A_738 = arith.addi %mul3A_98, %add3A_737 : i32
            %get3A_739 = arith.index_cast %add3A_738 : i32 to index
            %get3A_740 = arith.constant 112 : index
            %get3A_741 = tpu.vector_load %arg6[%get3A_739, %get3A_740] {strides = array<i32>} : memref<160x128xf32, #tpu.memory_space<vmem>>, vector<1x16xf32>,
            %get3A_742 = vector.shape_cast %get3A_741 : vector<1x16xf32> to vector<16xf32>
            %add3A_743 = arith.constant 2 : i32
            %add3A_744 = arith.addi %mul3A_98, %add3A_743 : i32
            %add3A_745 = arith.constant 1 : i32
            %add3A_746 = arith.addi %add3A_744, %add3A_745 : i32
            %get3A_747 = arith.index_cast %add3A_746 : i32 to index
            %get3A_748 = arith.constant 112 : index
            %get3A_749 = tpu.vector_load %arg6[%get3A_747, %get3A_748] {strides = array<i32>} : memref<160x128xf32, #tpu.memory_space<vmem>>, vector<1x16xf32>,
            %get3A_750 = vector.shape_cast %get3A_749 : vector<1x16xf32> to vector<16xf32>
            %add3A_751 = arith.addf %get3A_742, %get3A_750 : vector<16xf32>
            %add3A_752 = arith.constant 4 : i32
            %add3A_753 = arith.addi %mul3A_98, %add3A_752 : i32
            %get3A_754 = arith.index_cast %add3A_753 : i32 to index
            %get3A_755 = arith.constant 64 : index
            %get3A_756 = tpu.vector_load %arg6[%get3A_754, %get3A_755] {strides = array<i32>} : memref<160x128xf32, #tpu.memory_space<vmem>>, vector<1x16xf32>,
            %get3A_757 = vector.shape_cast %get3A_756 : vector<1x16xf32> to vector<16xf32>
            %add3A_758 = arith.constant 4 : i32
            %add3A_759 = arith.addi %mul3A_98, %add3A_758 : i32
            %add3A_760 = arith.constant 1 : i32
            %add3A_761 = arith.addi %add3A_759, %add3A_760 : i32
            %get3A_762 = arith.index_cast %add3A_761 : i32 to index
            %get3A_763 = arith.constant 64 : index
            %get3A_764 = tpu.vector_load %arg6[%get3A_762, %get3A_763] {strides = array<i32>} : memref<160x128xf32, #tpu.memory_space<vmem>>, vector<1x16xf32>,
            %get3A_765 = vector.shape_cast %get3A_764 : vector<1x16xf32> to vector<16xf32>
            %add3A_766 = arith.addf %get3A_757, %get3A_765 : vector<16xf32>
            %add3A_767 = arith.constant 4 : i32
            %add3A_768 = arith.addi %mul3A_98, %add3A_767 : i32
            %get3A_769 = arith.index_cast %add3A_768 : i32 to index
            %get3A_770 = arith.constant 80 : index
            %get3A_771 = tpu.vector_load %arg6[%get3A_769, %get3A_770] {strides = array<i32>} : memref<160x128xf32, #tpu.memory_space<vmem>>, vector<1x16xf32>,
            %get3A_772 = vector.shape_cast %get3A_771 : vector<1x16xf32> to vector<16xf32>
            %add3A_773 = arith.constant 4 : i32
            %add3A_774 = arith.addi %mul3A_98, %add3A_773 : i32
            %add3A_775 = arith.constant 1 : i32
            %add3A_776 = arith.addi %add3A_774, %add3A_775 : i32
            %get3A_777 = arith.index_cast %add3A_776 : i32 to index
            %get3A_778 = arith.constant 80 : index
            %get3A_779 = tpu.vector_load %arg6[%get3A_777, %get3A_778] {strides = array<i32>} : memref<160x128xf32, #tpu.memory_space<vmem>>, vector<1x16xf32>,
            %get3A_780 = vector.shape_cast %get3A_779 : vector<1x16xf32> to vector<16xf32>
            %add3A_781 = arith.addf %get3A_772, %get3A_780 : vector<16xf32>
            %add3A_782 = arith.constant 4 : i32
            %add3A_783 = arith.addi %mul3A_98, %add3A_782 : i32
            %get3A_784 = arith.index_cast %add3A_783 : i32 to index
            %get3A_785 = arith.constant 96 : index
            %get3A_786 = tpu.vector_load %arg6[%get3A_784, %get3A_785] {strides = array<i32>} : memref<160x128xf32, #tpu.memory_space<vmem>>, vector<1x16xf32>,
            %get3A_787 = vector.shape_cast %get3A_786 : vector<1x16xf32> to vector<16xf32>
            %add3A_788 = arith.constant 4 : i32
            %add3A_789 = arith.addi %mul3A_98, %add3A_788 : i32
            %add3A_790 = arith.constant 1 : i32
            %add3A_791 = arith.addi %add3A_789, %add3A_790 : i32
            %get3A_792 = arith.index_cast %add3A_791 : i32 to index
            %get3A_793 = arith.constant 96 : index
            %get3A_794 = tpu.vector_load %arg6[%get3A_792, %get3A_793] {strides = array<i32>} : memref<160x128xf32, #tpu.memory_space<vmem>>, vector<1x16xf32>,
            %get3A_795 = vector.shape_cast %get3A_794 : vector<1x16xf32> to vector<16xf32>
            %add3A_796 = arith.addf %get3A_787, %get3A_795 : vector<16xf32>
            %add3A_797 = arith.constant 4 : i32
            %add3A_798 = arith.addi %mul3A_98, %add3A_797 : i32
            %get3A_799 = arith.index_cast %add3A_798 : i32 to index
            %get3A_800 = arith.constant 112 : index
            %get3A_801 = tpu.vector_load %arg6[%get3A_799, %get3A_800] {strides = array<i32>} : memref<160x128xf32, #tpu.memory_space<vmem>>, vector<1x16xf32>,
            %get3A_802 = vector.shape_cast %get3A_801 : vector<1x16xf32> to vector<16xf32>
            %add3A_803 = arith.constant 4 : i32
            %add3A_804 = arith.addi %mul3A_98, %add3A_803 : i32
            %add3A_805 = arith.constant 1 : i32
            %add3A_806 = arith.addi %add3A_804, %add3A_805 : i32
            %get3A_807 = arith.index_cast %add3A_806 : i32 to index
            %get3A_808 = arith.constant 112 : index
            %get3A_809 = tpu.vector_load %arg6[%get3A_807, %get3A_808] {strides = array<i32>} : memref<160x128xf32, #tpu.memory_space<vmem>>, vector<1x16xf32>,
            %get3A_810 = vector.shape_cast %get3A_809 : vector<1x16xf32> to vector<16xf32>
            %add3A_811 = arith.addf %get3A_802, %get3A_810 : vector<16xf32>
            %add3A_812 = arith.constant 6 : i32
            %add3A_813 = arith.addi %mul3A_98, %add3A_812 : i32
            %get3A_814 = arith.index_cast %add3A_813 : i32 to index
            %get3A_815 = arith.constant 64 : index
            %get3A_816 = tpu.vector_load %arg6[%get3A_814, %get3A_815] {strides = array<i32>} : memref<160x128xf32, #tpu.memory_space<vmem>>, vector<1x16xf32>,
            %get3A_817 = vector.shape_cast %get3A_816 : vector<1x16xf32> to vector<16xf32>
            %add3A_818 = arith.constant 6 : i32
            %add3A_819 = arith.addi %mul3A_98, %add3A_818 : i32
            %add3A_820 = arith.constant 1 : i32
            %add3A_821 = arith.addi %add3A_819, %add3A_820 : i32
            %get3A_822 = arith.index_cast %add3A_821 : i32 to index
            %get3A_823 = arith.constant 64 : index
            %get3A_824 = tpu.vector_load %arg6[%get3A_822, %get3A_823] {strides = array<i32>} : memref<160x128xf32, #tpu.memory_space<vmem>>, vector<1x16xf32>,
            %get3A_825 = vector.shape_cast %get3A_824 : vector<1x16xf32> to vector<16xf32>
            %add3A_826 = arith.addf %get3A_817, %get3A_825 : vector<16xf32>
            %add3A_827 = arith.constant 6 : i32
            %add3A_828 = arith.addi %mul3A_98, %add3A_827 : i32
            %get3A_829 = arith.index_cast %add3A_828 : i32 to index
            %get3A_830 = arith.constant 80 : index
            %get3A_831 = tpu.vector_load %arg6[%get3A_829, %get3A_830] {strides = array<i32>} : memref<160x128xf32, #tpu.memory_space<vmem>>, vector<1x16xf32>,
            %get3A_832 = vector.shape_cast %get3A_831 : vector<1x16xf32> to vector<16xf32>
            %add3A_833 = arith.constant 6 : i32
            %add3A_834 = arith.addi %mul3A_98, %add3A_833 : i32
            %add3A_835 = arith.constant 1 : i32
            %add3A_836 = arith.addi %add3A_834, %add3A_835 : i32
            %get3A_837 = arith.index_cast %add3A_836 : i32 to index
            %get3A_838 = arith.constant 80 : index
            %get3A_839 = tpu.vector_load %arg6[%get3A_837, %get3A_838] {strides = array<i32>} : memref<160x128xf32, #tpu.memory_space<vmem>>, vector<1x16xf32>,
            %get3A_840 = vector.shape_cast %get3A_839 : vector<1x16xf32> to vector<16xf32>
            %add3A_841 = arith.addf %get3A_832, %get3A_840 : vector<16xf32>
            %add3A_842 = arith.constant 6 : i32
            %add3A_843 = arith.addi %mul3A_98, %add3A_842 : i32
            %get3A_844 = arith.index_cast %add3A_843 : i32 to index
            %get3A_845 = arith.constant 96 : index
            %get3A_846 = tpu.vector_load %arg6[%get3A_844, %get3A_845] {strides = array<i32>} : memref<160x128xf32, #tpu.memory_space<vmem>>, vector<1x16xf32>,
            %get3A_847 = vector.shape_cast %get3A_846 : vector<1x16xf32> to vector<16xf32>
            %add3A_848 = arith.constant 6 : i32
            %add3A_849 = arith.addi %mul3A_98, %add3A_848 : i32
            %add3A_850 = arith.constant 1 : i32
            %add3A_851 = arith.addi %add3A_849, %add3A_850 : i32
            %get3A_852 = arith.index_cast %add3A_851 : i32 to index
            %get3A_853 = arith.constant 96 : index
            %get3A_854 = tpu.vector_load %arg6[%get3A_852, %get3A_853] {strides = array<i32>} : memref<160x128xf32, #tpu.memory_space<vmem>>, vector<1x16xf32>,
            %get3A_855 = vector.shape_cast %get3A_854 : vector<1x16xf32> to vector<16xf32>
            %add3A_856 = arith.addf %get3A_847, %get3A_855 : vector<16xf32>
            %add3A_857 = arith.constant 6 : i32
            %add3A_858 = arith.addi %mul3A_98, %add3A_857 : i32
            %get3A_859 = arith.index_cast %add3A_858 : i32 to index
            %get3A_860 = arith.constant 112 : index
            %get3A_861 = tpu.vector_load %arg6[%get3A_859, %get3A_860] {strides = array<i32>} : memref<160x128xf32, #tpu.memory_space<vmem>>, vector<1x16xf32>,
            %get3A_862 = vector.shape_cast %get3A_861 : vector<1x16xf32> to vector<16xf32>
            %add3A_863 = arith.constant 6 : i32
            %add3A_864 = arith.addi %mul3A_98, %add3A_863 : i32
            %add3A_865 = arith.constant 1 : i32
            %add3A_866 = arith.addi %add3A_864, %add3A_865 : i32
            %get3A_867 = arith.index_cast %add3A_866 : i32 to index
            %get3A_868 = arith.constant 112 : index
            %get3A_869 = tpu.vector_load %arg6[%get3A_867, %get3A_868] {strides = array<i32>} : memref<160x128xf32, #tpu.memory_space<vmem>>, vector<1x16xf32>,
            %get3A_870 = vector.shape_cast %get3A_869 : vector<1x16xf32> to vector<16xf32>
            %add3A_871 = arith.addf %get3A_862, %get3A_870 : vector<16xf32>
            %add3A_872 = arith.constant 8 : i32
            %add3A_873 = arith.addi %mul3A_98, %add3A_872 : i32
            %get3A_874 = arith.index_cast %add3A_873 : i32 to index
            %get3A_875 = arith.constant 64 : index
            %get3A_876 = tpu.vector_load %arg6[%get3A_874, %get3A_875] {strides = array<i32>} : memref<160x128xf32, #tpu.memory_space<vmem>>, vector<1x16xf32>,
            %get3A_877 = vector.shape_cast %get3A_876 : vector<1x16xf32> to vector<16xf32>
            %add3A_878 = arith.constant 8 : i32
            %add3A_879 = arith.addi %mul3A_98, %add3A_878 : i32
            %add3A_880 = arith.constant 1 : i32
            %add3A_881 = arith.addi %add3A_879, %add3A_880 : i32
            %get3A_882 = arith.index_cast %add3A_881 : i32 to index
            %get3A_883 = arith.constant 64 : index
            %get3A_884 = tpu.vector_load %arg6[%get3A_882, %get3A_883] {strides = array<i32>} : memref<160x128xf32, #tpu.memory_space<vmem>>, vector<1x16xf32>,
            %get3A_885 = vector.shape_cast %get3A_884 : vector<1x16xf32> to vector<16xf32>
            %add3A_886 = arith.addf %get3A_877, %get3A_885 : vector<16xf32>
            %add3A_887 = arith.constant 8 : i32
            %add3A_888 = arith.addi %mul3A_98, %add3A_887 : i32
            %get3A_889 = arith.index_cast %add3A_888 : i32 to index
            %get3A_890 = arith.constant 80 : index
            %get3A_891 = tpu.vector_load %arg6[%get3A_889, %get3A_890] {strides = array<i32>} : memref<160x128xf32, #tpu.memory_space<vmem>>, vector<1x16xf32>,
            %get3A_892 = vector.shape_cast %get3A_891 : vector<1x16xf32> to vector<16xf32>
            %add3A_893 = arith.constant 8 : i32
            %add3A_894 = arith.addi %mul3A_98, %add3A_893 : i32
            %add3A_895 = arith.constant 1 : i32
            %add3A_896 = arith.addi %add3A_894, %add3A_895 : i32
            %get3A_897 = arith.index_cast %add3A_896 : i32 to index
            %get3A_898 = arith.constant 80 : index
            %get3A_899 = tpu.vector_load %arg6[%get3A_897, %get3A_898] {strides = array<i32>} : memref<160x128xf32, #tpu.memory_space<vmem>>, vector<1x16xf32>,
            %get3A_900 = vector.shape_cast %get3A_899 : vector<1x16xf32> to vector<16xf32>
            %add3A_901 = arith.addf %get3A_892, %get3A_900 : vector<16xf32>
            %add3A_902 = arith.constant 8 : i32
            %add3A_903 = arith.addi %mul3A_98, %add3A_902 : i32
            %get3A_904 = arith.index_cast %add3A_903 : i32 to index
            %get3A_905 = arith.constant 96 : index
            %get3A_906 = tpu.vector_load %arg6[%get3A_904, %get3A_905] {strides = array<i32>} : memref<160x128xf32, #tpu.memory_space<vmem>>, vector<1x16xf32>,
            %get3A_907 = vector.shape_cast %get3A_906 : vector<1x16xf32> to vector<16xf32>
            %add3A_908 = arith.constant 8 : i32
            %add3A_909 = arith.addi %mul3A_98, %add3A_908 : i32
            %add3A_910 = arith.constant 1 : i32
            %add3A_911 = arith.addi %add3A_909, %add3A_910 : i32
            %get3A_912 = arith.index_cast %add3A_911 : i32 to index
            %get3A_913 = arith.constant 96 : index
            %get3A_914 = tpu.vector_load %arg6[%get3A_912, %get3A_913] {strides = array<i32>} : memref<160x128xf32, #tpu.memory_space<vmem>>, vector<1x16xf32>,
            %get3A_915 = vector.shape_cast %get3A_914 : vector<1x16xf32> to vector<16xf32>
            %add3A_916 = arith.addf %get3A_907, %get3A_915 : vector<16xf32>
            %add3A_917 = arith.constant 8 : i32
            %add3A_918 = arith.addi %mul3A_98, %add3A_917 : i32
            %get3A_919 = arith.index_cast %add3A_918 : i32 to index
            %get3A_920 = arith.constant 112 : index
            %get3A_921 = tpu.vector_load %arg6[%get3A_919, %get3A_920] {strides = array<i32>} : memref<160x128xf32, #tpu.memory_space<vmem>>, vector<1x16xf32>,
            %get3A_922 = vector.shape_cast %get3A_921 : vector<1x16xf32> to vector<16xf32>
            %add3A_923 = arith.constant 8 : i32
            %add3A_924 = arith.addi %mul3A_98, %add3A_923 : i32
            %add3A_925 = arith.constant 1 : i32
            %add3A_926 = arith.addi %add3A_924, %add3A_925 : i32
            %get3A_927 = arith.index_cast %add3A_926 : i32 to index
            %get3A_928 = arith.constant 112 : index
            %get3A_929 = tpu.vector_load %arg6[%get3A_927, %get3A_928] {strides = array<i32>} : memref<160x128xf32, #tpu.memory_space<vmem>>, vector<1x16xf32>,
            %get3A_930 = vector.shape_cast %get3A_929 : vector<1x16xf32> to vector<16xf32>
            %add3A_931 = arith.addf %get3A_922, %get3A_930 : vector<16xf32>
            %add3A_932 = arith.constant 10 : i32
            %add3A_933 = arith.addi %mul3A_98, %add3A_932 : i32
            %get3A_934 = arith.index_cast %add3A_933 : i32 to index
            %get3A_935 = arith.constant 64 : index
            %get3A_936 = tpu.vector_load %arg6[%get3A_934, %get3A_935] {strides = array<i32>} : memref<160x128xf32, #tpu.memory_space<vmem>>, vector<1x16xf32>,
            %get3A_937 = vector.shape_cast %get3A_936 : vector<1x16xf32> to vector<16xf32>
            %add3A_938 = arith.constant 10 : i32
            %add3A_939 = arith.addi %mul3A_98, %add3A_938 : i32
            %add3A_940 = arith.constant 1 : i32
            %add3A_941 = arith.addi %add3A_939, %add3A_940 : i32
            %get3A_942 = arith.index_cast %add3A_941 : i32 to index
            %get3A_943 = arith.constant 64 : index
            %get3A_944 = tpu.vector_load %arg6[%get3A_942, %get3A_943] {strides = array<i32>} : memref<160x128xf32, #tpu.memory_space<vmem>>, vector<1x16xf32>,
            %get3A_945 = vector.shape_cast %get3A_944 : vector<1x16xf32> to vector<16xf32>
            %add3A_946 = arith.addf %get3A_937, %get3A_945 : vector<16xf32>
            %add3A_947 = arith.constant 10 : i32
            %add3A_948 = arith.addi %mul3A_98, %add3A_947 : i32
            %get3A_949 = arith.index_cast %add3A_948 : i32 to index
            %get3A_950 = arith.constant 80 : index
            %get3A_951 = tpu.vector_load %arg6[%get3A_949, %get3A_950] {strides = array<i32>} : memref<160x128xf32, #tpu.memory_space<vmem>>, vector<1x16xf32>,
            %get3A_952 = vector.shape_cast %get3A_951 : vector<1x16xf32> to vector<16xf32>
            %add3A_953 = arith.constant 10 : i32
            %add3A_954 = arith.addi %mul3A_98, %add3A_953 : i32
            %add3A_955 = arith.constant 1 : i32
            %add3A_956 = arith.addi %add3A_954, %add3A_955 : i32
            %get3A_957 = arith.index_cast %add3A_956 : i32 to index
            %get3A_958 = arith.constant 80 : index
            %get3A_959 = tpu.vector_load %arg6[%get3A_957, %get3A_958] {strides = array<i32>} : memref<160x128xf32, #tpu.memory_space<vmem>>, vector<1x16xf32>,
            %get3A_960 = vector.shape_cast %get3A_959 : vector<1x16xf32> to vector<16xf32>
            %add3A_961 = arith.addf %get3A_952, %get3A_960 : vector<16xf32>
            %add3A_962 = arith.constant 10 : i32
            %add3A_963 = arith.addi %mul3A_98, %add3A_962 : i32
            %get3A_964 = arith.index_cast %add3A_963 : i32 to index
            %get3A_965 = arith.constant 96 : index
            %get3A_966 = tpu.vector_load %arg6[%get3A_964, %get3A_965] {strides = array<i32>} : memref<160x128xf32, #tpu.memory_space<vmem>>, vector<1x16xf32>,
            %get3A_967 = vector.shape_cast %get3A_966 : vector<1x16xf32> to vector<16xf32>
            %add3A_968 = arith.constant 10 : i32
            %add3A_969 = arith.addi %mul3A_98, %add3A_968 : i32
            %add3A_970 = arith.constant 1 : i32
            %add3A_971 = arith.addi %add3A_969, %add3A_970 : i32
            %get3A_972 = arith.index_cast %add3A_971 : i32 to index
            %get3A_973 = arith.constant 96 : index
            %get3A_974 = tpu.vector_load %arg6[%get3A_972, %get3A_973] {strides = array<i32>} : memref<160x128xf32, #tpu.memory_space<vmem>>, vector<1x16xf32>,
            %get3A_975 = vector.shape_cast %get3A_974 : vector<1x16xf32> to vector<16xf32>
            %add3A_976 = arith.addf %get3A_967, %get3A_975 : vector<16xf32>
            %add3A_977 = arith.constant 10 : i32
            %add3A_978 = arith.addi %mul3A_98, %add3A_977 : i32
            %get3A_979 = arith.index_cast %add3A_978 : i32 to index
            %get3A_980 = arith.constant 112 : index
            %get3A_981 = tpu.vector_load %arg6[%get3A_979, %get3A_980] {strides = array<i32>} : memref<160x128xf32, #tpu.memory_space<vmem>>, vector<1x16xf32>,
            %get3A_982 = vector.shape_cast %get3A_981 : vector<1x16xf32> to vector<16xf32>
            %add3A_983 = arith.constant 10 : i32
            %add3A_984 = arith.addi %mul3A_98, %add3A_983 : i32
            %add3A_985 = arith.constant 1 : i32
            %add3A_986 = arith.addi %add3A_984, %add3A_985 : i32
            %get3A_987 = arith.index_cast %add3A_986 : i32 to index
            %get3A_988 = arith.constant 112 : index
            %get3A_989 = tpu.vector_load %arg6[%get3A_987, %get3A_988] {strides = array<i32>} : memref<160x128xf32, #tpu.memory_space<vmem>>, vector<1x16xf32>,
            %get3A_990 = vector.shape_cast %get3A_989 : vector<1x16xf32> to vector<16xf32>
            %add3A_991 = arith.addf %get3A_982, %get3A_990 : vector<16xf32>
            %add3A_992 = arith.constant 12 : i32
            %add3A_993 = arith.addi %mul3A_98, %add3A_992 : i32
            %get3A_994 = arith.index_cast %add3A_993 : i32 to index
            %get3A_995 = arith.constant 64 : index
            %get3A_996 = tpu.vector_load %arg6[%get3A_994, %get3A_995] {strides = array<i32>} : memref<160x128xf32, #tpu.memory_space<vmem>>, vector<1x16xf32>,
            %get3A_997 = vector.shape_cast %get3A_996 : vector<1x16xf32> to vector<16xf32>
            %add3A_998 = arith.constant 12 : i32
            %add3A_999 = arith.addi %mul3A_98, %add3A_998 : i32
            %add3A_1000 = arith.constant 1 : i32
            %add3A_1001 = arith.addi %add3A_999, %add3A_1000 : i32
            %get3A_1002 = arith.index_cast %add3A_1001 : i32 to index
            %get3A_1003 = arith.constant 64 : index
            %get3A_1004 = tpu.vector_load %arg6[%get3A_1002, %get3A_1003] {strides = array<i32>} : memref<160x128xf32, #tpu.memory_space<vmem>>, vector<1x16xf32>,
            %get3A_1005 = vector.shape_cast %get3A_1004 : vector<1x16xf32> to vector<16xf32>
            %add3A_1006 = arith.addf %get3A_997, %get3A_1005 : vector<16xf32>
            %add3A_1007 = arith.constant 12 : i32
            %add3A_1008 = arith.addi %mul3A_98, %add3A_1007 : i32
            %get3A_1009 = arith.index_cast %add3A_1008 : i32 to index
            %get3A_1010 = arith.constant 80 : index
            %get3A_1011 = tpu.vector_load %arg6[%get3A_1009, %get3A_1010] {strides = array<i32>} : memref<160x128xf32, #tpu.memory_space<vmem>>, vector<1x16xf32>,
            %get3A_1012 = vector.shape_cast %get3A_1011 : vector<1x16xf32> to vector<16xf32>
            %add3A_1013 = arith.constant 12 : i32
            %add3A_1014 = arith.addi %mul3A_98, %add3A_1013 : i32
            %add3A_1015 = arith.constant 1 : i32
            %add3A_1016 = arith.addi %add3A_1014, %add3A_1015 : i32
            %get3A_1017 = arith.index_cast %add3A_1016 : i32 to index
            %get3A_1018 = arith.constant 80 : index
            %get3A_1019 = tpu.vector_load %arg6[%get3A_1017, %get3A_1018] {strides = array<i32>} : memref<160x128xf32, #tpu.memory_space<vmem>>, vector<1x16xf32>,
            %get3A_1020 = vector.shape_cast %get3A_1019 : vector<1x16xf32> to vector<16xf32>
            %add3A_1021 = arith.addf %get3A_1012, %get3A_1020 : vector<16xf32>
            %add3A_1022 = arith.constant 12 : i32
            %add3A_1023 = arith.addi %mul3A_98, %add3A_1022 : i32
            %get3A_1024 = arith.index_cast %add3A_1023 : i32 to index
            %get3A_1025 = arith.constant 96 : index
            %get3A_1026 = tpu.vector_load %arg6[%get3A_1024, %get3A_1025] {strides = array<i32>} : memref<160x128xf32, #tpu.memory_space<vmem>>, vector<1x16xf32>,
            %get3A_1027 = vector.shape_cast %get3A_1026 : vector<1x16xf32> to vector<16xf32>
            %add3A_1028 = arith.constant 12 : i32
            %add3A_1029 = arith.addi %mul3A_98, %add3A_1028 : i32
            %add3A_1030 = arith.constant 1 : i32
            %add3A_1031 = arith.addi %add3A_1029, %add3A_1030 : i32
            %get3A_1032 = arith.index_cast %add3A_1031 : i32 to index
            %get3A_1033 = arith.constant 96 : index
            %get3A_1034 = tpu.vector_load %arg6[%get3A_1032, %get3A_1033] {strides = array<i32>} : memref<160x128xf32, #tpu.memory_space<vmem>>, vector<1x16xf32>,
            %get3A_1035 = vector.shape_cast %get3A_1034 : vector<1x16xf32> to vector<16xf32>
            %add3A_1036 = arith.addf %get3A_1027, %get3A_1035 : vector<16xf32>
            %add3A_1037 = arith.constant 12 : i32
            %add3A_1038 = arith.addi %mul3A_98, %add3A_1037 : i32
            %get3A_1039 = arith.index_cast %add3A_1038 : i32 to index
            %get3A_1040 = arith.constant 112 : index
            %get3A_1041 = tpu.vector_load %arg6[%get3A_1039, %get3A_1040] {strides = array<i32>} : memref<160x128xf32, #tpu.memory_space<vmem>>, vector<1x16xf32>,
            %get3A_1042 = vector.shape_cast %get3A_1041 : vector<1x16xf32> to vector<16xf32>
            %add3A_1043 = arith.constant 12 : i32
            %add3A_1044 = arith.addi %mul3A_98, %add3A_1043 : i32
            %add3A_1045 = arith.constant 1 : i32
            %add3A_1046 = arith.addi %add3A_1044, %add3A_1045 : i32
            %get3A_1047 = arith.index_cast %add3A_1046 : i32 to index
            %get3A_1048 = arith.constant 112 : index
            %get3A_1049 = tpu.vector_load %arg6[%get3A_1047, %get3A_1048] {strides = array<i32>} : memref<160x128xf32, #tpu.memory_space<vmem>>, vector<1x16xf32>,
            %get3A_1050 = vector.shape_cast %get3A_1049 : vector<1x16xf32> to vector<16xf32>
            %add3A_1051 = arith.addf %get3A_1042, %get3A_1050 : vector<16xf32>
            %add3A_1052 = arith.constant 14 : i32
            %add3A_1053 = arith.addi %mul3A_98, %add3A_1052 : i32
            %get3A_1054 = arith.index_cast %add3A_1053 : i32 to index
            %get3A_1055 = arith.constant 64 : index
            %get3A_1056 = tpu.vector_load %arg6[%get3A_1054, %get3A_1055] {strides = array<i32>} : memref<160x128xf32, #tpu.memory_space<vmem>>, vector<1x16xf32>,
            %get3A_1057 = vector.shape_cast %get3A_1056 : vector<1x16xf32> to vector<16xf32>
            %add3A_1058 = arith.constant 14 : i32
            %add3A_1059 = arith.addi %mul3A_98, %add3A_1058 : i32
            %add3A_1060 = arith.constant 1 : i32
            %add3A_1061 = arith.addi %add3A_1059, %add3A_1060 : i32
            %get3A_1062 = arith.index_cast %add3A_1061 : i32 to index
            %get3A_1063 = arith.constant 64 : index
            %get3A_1064 = tpu.vector_load %arg6[%get3A_1062, %get3A_1063] {strides = array<i32>} : memref<160x128xf32, #tpu.memory_space<vmem>>, vector<1x16xf32>,
            %get3A_1065 = vector.shape_cast %get3A_1064 : vector<1x16xf32> to vector<16xf32>
            %add3A_1066 = arith.addf %get3A_1057, %get3A_1065 : vector<16xf32>
            %add3A_1067 = arith.constant 14 : i32
            %add3A_1068 = arith.addi %mul3A_98, %add3A_1067 : i32
            %get3A_1069 = arith.index_cast %add3A_1068 : i32 to index
            %get3A_1070 = arith.constant 80 : index
            %get3A_1071 = tpu.vector_load %arg6[%get3A_1069, %get3A_1070] {strides = array<i32>} : memref<160x128xf32, #tpu.memory_space<vmem>>, vector<1x16xf32>,
            %get3A_1072 = vector.shape_cast %get3A_1071 : vector<1x16xf32> to vector<16xf32>
            %add3A_1073 = arith.constant 14 : i32
            %add3A_1074 = arith.addi %mul3A_98, %add3A_1073 : i32
            %add3A_1075 = arith.constant 1 : i32
            %add3A_1076 = arith.addi %add3A_1074, %add3A_1075 : i32
            %get3A_1077 = arith.index_cast %add3A_1076 : i32 to index
            %get3A_1078 = arith.constant 80 : index
            %get3A_1079 = tpu.vector_load %arg6[%get3A_1077, %get3A_1078] {strides = array<i32>} : memref<160x128xf32, #tpu.memory_space<vmem>>, vector<1x16xf32>,
            %get3A_1080 = vector.shape_cast %get3A_1079 : vector<1x16xf32> to vector<16xf32>
            %add3A_1081 = arith.addf %get3A_1072, %get3A_1080 : vector<16xf32>
            %add3A_1082 = arith.constant 14 : i32
            %add3A_1083 = arith.addi %mul3A_98, %add3A_1082 : i32
            %get3A_1084 = arith.index_cast %add3A_1083 : i32 to index
            %get3A_1085 = arith.constant 96 : index
            %get3A_1086 = tpu.vector_load %arg6[%get3A_1084, %get3A_1085] {strides = array<i32>} : memref<160x128xf32, #tpu.memory_space<vmem>>, vector<1x16xf32>,
            %get3A_1087 = vector.shape_cast %get3A_1086 : vector<1x16xf32> to vector<16xf32>
            %add3A_1088 = arith.constant 14 : i32
            %add3A_1089 = arith.addi %mul3A_98, %add3A_1088 : i32
            %add3A_1090 = arith.constant 1 : i32
            %add3A_1091 = arith.addi %add3A_1089, %add3A_1090 : i32
            %get3A_1092 = arith.index_cast %add3A_1091 : i32 to index
            %get3A_1093 = arith.constant 96 : index
            %get3A_1094 = tpu.vector_load %arg6[%get3A_1092, %get3A_1093] {strides = array<i32>} : memref<160x128xf32, #tpu.memory_space<vmem>>, vector<1x16xf32>,
            %get3A_1095 = vector.shape_cast %get3A_1094 : vector<1x16xf32> to vector<16xf32>
            %add3A_1096 = arith.addf %get3A_1087, %get3A_1095 : vector<16xf32>
            %add3A_1097 = arith.constant 14 : i32
            %add3A_1098 = arith.addi %mul3A_98, %add3A_1097 : i32
            %get3A_1099 = arith.index_cast %add3A_1098 : i32 to index
            %get3A_1100 = arith.constant 112 : index
            %get3A_1101 = tpu.vector_load %arg6[%get3A_1099, %get3A_1100] {strides = array<i32>} : memref<160x128xf32, #tpu.memory_space<vmem>>, vector<1x16xf32>,
            %get3A_1102 = vector.shape_cast %get3A_1101 : vector<1x16xf32> to vector<16xf32>
            %add3A_1103 = arith.constant 14 : i32
            %add3A_1104 = arith.addi %mul3A_98, %add3A_1103 : i32
            %add3A_1105 = arith.constant 1 : i32
            %add3A_1106 = arith.addi %add3A_1104, %add3A_1105 : i32
            %get3A_1107 = arith.index_cast %add3A_1106 : i32 to index
            %get3A_1108 = arith.constant 112 : index
            %get3A_1109 = tpu.vector_load %arg6[%get3A_1107, %get3A_1108] {strides = array<i32>} : memref<160x128xf32, #tpu.memory_space<vmem>>, vector<1x16xf32>,
            %get3A_1110 = vector.shape_cast %get3A_1109 : vector<1x16xf32> to vector<16xf32>
            %add3A_1111 = arith.addf %get3A_1102, %get3A_1110 : vector<16xf32>
            %add3A_1112 = arith.addf %add3A_646, %add3A_706 : vector<16xf32>
            %add3A_1113 = arith.addf %add3A_766, %add3A_826 : vector<16xf32>
            %add3A_1114 = arith.addf %add3A_886, %add3A_946 : vector<16xf32>
            %add3A_1115 = arith.addf %add3A_1006, %add3A_1066 : vector<16xf32>
            %add3A_1116 = arith.addf %add3A_661, %add3A_721 : vector<16xf32>
            %add3A_1117 = arith.addf %add3A_781, %add3A_841 : vector<16xf32>
            %add3A_1118 = arith.addf %add3A_901, %add3A_961 : vector<16xf32>
            %add3A_1119 = arith.addf %add3A_1021, %add3A_1081 : vector<16xf32>
            %add3A_1120 = arith.addf %add3A_676, %add3A_736 : vector<16xf32>
            %add3A_1121 = arith.addf %add3A_796, %add3A_856 : vector<16xf32>
            %add3A_1122 = arith.addf %add3A_916, %add3A_976 : vector<16xf32>
            %add3A_1123 = arith.addf %add3A_1036, %add3A_1096 : vector<16xf32>
            %add3A_1124 = arith.addf %add3A_691, %add3A_751 : vector<16xf32>
            %add3A_1125 = arith.addf %add3A_811, %add3A_871 : vector<16xf32>
            %add3A_1126 = arith.addf %add3A_931, %add3A_991 : vector<16xf32>
            %add3A_1127 = arith.addf %add3A_1051, %add3A_1111 : vector<16xf32>
            %add3A_1128 = arith.addf %add3A_1112, %add3A_1113 : vector<16xf32>
            %add3A_1129 = arith.addf %add3A_1114, %add3A_1115 : vector<16xf32>
            %add3A_1130 = arith.addf %add3A_1116, %add3A_1117 : vector<16xf32>
            %add3A_1131 = arith.addf %add3A_1118, %add3A_1119 : vector<16xf32>
            %add3A_1132 = arith.addf %add3A_1120, %add3A_1121 : vector<16xf32>
            %add3A_1133 = arith.addf %add3A_1122, %add3A_1123 : vector<16xf32>
            %add3A_1134 = arith.addf %add3A_1124, %add3A_1125 : vector<16xf32>
            %add3A_1135 = arith.addf %add3A_1126, %add3A_1127 : vector<16xf32>
            %add3A_1136 = arith.addf %add3A_1128, %add3A_1129 : vector<16xf32>
            %add3A_1137 = arith.addf %add3A_1130, %add3A_1131 : vector<16xf32>
            %add3A_1138 = arith.addf %add3A_1132, %add3A_1133 : vector<16xf32>
            %add3A_1139 = arith.addf %add3A_1134, %add3A_1135 : vector<16xf32>
            %swap3A_1140 = arith.index_cast %squeeze3A : i32 to index
            %swap3A_1141 = arith.constant 64 : index
            %swap3A_1142 = tpu.vector_load %arg9[%swap3A_1140, %swap3A_1141] {strides = array<i32>} : memref<256x128xf32, #tpu.memory_space<vmem>>, vector<1x16xf32>,
            %swap3A_1143 = vector.shape_cast %swap3A_1142 : vector<1x16xf32> to vector<16xf32>
            %swap3A_1144 = vector.shape_cast %add3A_1136 : vector<16xf32> to vector<1x16xf32>
            tpu.vector_store %arg9[%swap3A_1140, %swap3A_1141], %swap3A_1144 {add = true, strides = array<i32>} : memref<256x128xf32, #tpu.memory_space<vmem>>, vector<1x16xf32>,
            %swap3A_1145 = arith.index_cast %squeeze3A : i32 to index
            %swap3A_1146 = arith.constant 80 : index
            %swap3A_1147 = tpu.vector_load %arg9[%swap3A_1145, %swap3A_1146] {strides = array<i32>} : memref<256x128xf32, #tpu.memory_space<vmem>>, vector<1x16xf32>,
            %swap3A_1148 = vector.shape_cast %swap3A_1147 : vector<1x16xf32> to vector<16xf32>
            %swap3A_1149 = vector.shape_cast %add3A_1137 : vector<16xf32> to vector<1x16xf32>
            tpu.vector_store %arg9[%swap3A_1145, %swap3A_1146], %swap3A_1149 {add = true, strides = array<i32>} : memref<256x128xf32, #tpu.memory_space<vmem>>, vector<1x16xf32>,
            %swap3A_1150 = arith.index_cast %squeeze3A : i32 to index
            %swap3A_1151 = arith.constant 96 : index
            %swap3A_1152 = tpu.vector_load %arg9[%swap3A_1150, %swap3A_1151] {strides = array<i32>} : memref<256x128xf32, #tpu.memory_space<vmem>>, vector<1x16xf32>,
            %swap3A_1153 = vector.shape_cast %swap3A_1152 : vector<1x16xf32> to vector<16xf32>
            %swap3A_1154 = vector.shape_cast %add3A_1138 : vector<16xf32> to vector<1x16xf32>
            tpu.vector_store %arg9[%swap3A_1150, %swap3A_1151], %swap3A_1154 {add = true, strides = array<i32>} : memref<256x128xf32, #tpu.memory_space<vmem>>, vector<1x16xf32>,
            %swap3A_1155 = arith.index_cast %squeeze3A : i32 to index
            %swap3A_1156 = arith.constant 112 : index
            %swap3A_1157 = tpu.vector_load %arg9[%swap3A_1155, %swap3A_1156] {strides = array<i32>} : memref<256x128xf32, #tpu.memory_space<vmem>>, vector<1x16xf32>,
            %swap3A_1158 = vector.shape_cast %swap3A_1157 : vector<1x16xf32> to vector<16xf32>
            %swap3A_1159 = vector.shape_cast %add3A_1139 : vector<16xf32> to vector<1x16xf32>
            tpu.vector_store %arg9[%swap3A_1155, %swap3A_1156], %swap3A_1159 {add = true, strides = array<i32>} : memref<256x128xf32, #tpu.memory_space<vmem>>, vector<1x16xf32>,
          } else {
            %slice3A_105 = vector.extract_strided_slice %get3A_96 {offsets = [0], sizes = [1], strides = [1]} : vector<16xi32> to vector<1xi32>
            %squeeze3A_106 = vector.extract %slice3A_105[0] : i32 from vector<1xi32>
            %add3A_107 = arith.constant 0 : i32
            %add3A_108 = arith.addi %mul3A_98, %add3A_107 : i32
            %get3A_109 = arith.index_cast %add3A_108 : i32 to index
            %get3A_110 = arith.constant 0 : index
            %get3A_111 = tpu.vector_load %arg6[%get3A_109, %get3A_110] {strides = array<i32>} : memref<160x128xf32, #tpu.memory_space<vmem>>, vector<1x16xf32>,
            %get3A_112 = vector.shape_cast %get3A_111 : vector<1x16xf32> to vector<16xf32>
            %add3A_113 = arith.constant 0 : i32
            %add3A_114 = arith.addi %mul3A_98, %add3A_113 : i32
            %get3A_115 = arith.index_cast %add3A_114 : i32 to index
            %get3A_116 = arith.constant 16 : index
            %get3A_117 = tpu.vector_load %arg6[%get3A_115, %get3A_116] {strides = array<i32>} : memref<160x128xf32, #tpu.memory_space<vmem>>, vector<1x16xf32>,
            %get3A_118 = vector.shape_cast %get3A_117 : vector<1x16xf32> to vector<16xf32>
            %add3A_119 = arith.constant 0 : i32
            %add3A_120 = arith.addi %mul3A_98, %add3A_119 : i32
            %get3A_121 = arith.index_cast %add3A_120 : i32 to index
            %get3A_122 = arith.constant 32 : index
            %get3A_123 = tpu.vector_load %arg6[%get3A_121, %get3A_122] {strides = array<i32>} : memref<160x128xf32, #tpu.memory_space<vmem>>, vector<1x16xf32>,
            %get3A_124 = vector.shape_cast %get3A_123 : vector<1x16xf32> to vector<16xf32>
            %add3A_125 = arith.constant 0 : i32
            %add3A_126 = arith.addi %mul3A_98, %add3A_125 : i32
            %get3A_127 = arith.index_cast %add3A_126 : i32 to index
            %get3A_128 = arith.constant 48 : index
            %get3A_129 = tpu.vector_load %arg6[%get3A_127, %get3A_128] {strides = array<i32>} : memref<160x128xf32, #tpu.memory_space<vmem>>, vector<1x16xf32>,
            %get3A_130 = vector.shape_cast %get3A_129 : vector<1x16xf32> to vector<16xf32>
            %add3A_131 = arith.constant 0 : i32
            %add3A_132 = arith.addi %mul3A_98, %add3A_131 : i32
            %get3A_133 = arith.index_cast %add3A_132 : i32 to index
            %get3A_134 = arith.constant 64 : index
            %get3A_135 = tpu.vector_load %arg6[%get3A_133, %get3A_134] {strides = array<i32>} : memref<160x128xf32, #tpu.memory_space<vmem>>, vector<1x16xf32>,
            %get3A_136 = vector.shape_cast %get3A_135 : vector<1x16xf32> to vector<16xf32>
            %add3A_137 = arith.constant 0 : i32
            %add3A_138 = arith.addi %mul3A_98, %add3A_137 : i32
            %get3A_139 = arith.index_cast %add3A_138 : i32 to index
            %get3A_140 = arith.constant 80 : index
            %get3A_141 = tpu.vector_load %arg6[%get3A_139, %get3A_140] {strides = array<i32>} : memref<160x128xf32, #tpu.memory_space<vmem>>, vector<1x16xf32>,
            %get3A_142 = vector.shape_cast %get3A_141 : vector<1x16xf32> to vector<16xf32>
            %add3A_143 = arith.constant 0 : i32
            %add3A_144 = arith.addi %mul3A_98, %add3A_143 : i32
            %get3A_145 = arith.index_cast %add3A_144 : i32 to index
            %get3A_146 = arith.constant 96 : index
            %get3A_147 = tpu.vector_load %arg6[%get3A_145, %get3A_146] {strides = array<i32>} : memref<160x128xf32, #tpu.memory_space<vmem>>, vector<1x16xf32>,
            %get3A_148 = vector.shape_cast %get3A_147 : vector<1x16xf32> to vector<16xf32>
            %add3A_149 = arith.constant 0 : i32
            %add3A_150 = arith.addi %mul3A_98, %add3A_149 : i32
            %get3A_151 = arith.index_cast %add3A_150 : i32 to index
            %get3A_152 = arith.constant 112 : index
            %get3A_153 = tpu.vector_load %arg6[%get3A_151, %get3A_152] {strides = array<i32>} : memref<160x128xf32, #tpu.memory_space<vmem>>, vector<1x16xf32>,
            %get3A_154 = vector.shape_cast %get3A_153 : vector<1x16xf32> to vector<16xf32>
            %swap3A = arith.index_cast %squeeze3A_106 : i32 to index
            %swap3A_155 = arith.constant 0 : index
            %swap3A_156 = tpu.vector_load %arg9[%swap3A, %swap3A_155] {strides = array<i32>} : memref<256x128xf32, #tpu.memory_space<vmem>>, vector<1x16xf32>,
            %swap3A_157 = vector.shape_cast %swap3A_156 : vector<1x16xf32> to vector<16xf32>
            %swap3A_158 = vector.shape_cast %get3A_112 : vector<16xf32> to vector<1x16xf32>
            tpu.vector_store %arg9[%swap3A, %swap3A_155], %swap3A_158 {add = true, strides = array<i32>} : memref<256x128xf32, #tpu.memory_space<vmem>>, vector<1x16xf32>,
            %swap3A_159 = arith.index_cast %squeeze3A_106 : i32 to index
            %swap3A_160 = arith.constant 16 : index
            %swap3A_161 = tpu.vector_load %arg9[%swap3A_159, %swap3A_160] {strides = array<i32>} : memref<256x128xf32, #tpu.memory_space<vmem>>, vector<1x16xf32>,
            %swap3A_162 = vector.shape_cast %swap3A_161 : vector<1x16xf32> to vector<16xf32>
            %swap3A_163 = vector.shape_cast %get3A_118 : vector<16xf32> to vector<1x16xf32>
            tpu.vector_store %arg9[%swap3A_159, %swap3A_160], %swap3A_163 {add = true, strides = array<i32>} : memref<256x128xf32, #tpu.memory_space<vmem>>, vector<1x16xf32>,
            %swap3A_164 = arith.index_cast %squeeze3A_106 : i32 to index
            %swap3A_165 = arith.constant 32 : index
            %swap3A_166 = tpu.vector_load %arg9[%swap3A_164, %swap3A_165] {strides = array<i32>} : memref<256x128xf32, #tpu.memory_space<vmem>>, vector<1x16xf32>,
            %swap3A_167 = vector.shape_cast %swap3A_166 : vector<1x16xf32> to vector<16xf32>
            %swap3A_168 = vector.shape_cast %get3A_124 : vector<16xf32> to vector<1x16xf32>
            tpu.vector_store %arg9[%swap3A_164, %swap3A_165], %swap3A_168 {add = true, strides = array<i32>} : memref<256x128xf32, #tpu.memory_space<vmem>>, vector<1x16xf32>,
            %swap3A_169 = arith.index_cast %squeeze3A_106 : i32 to index
            %swap3A_170 = arith.constant 48 : index
            %swap3A_171 = tpu.vector_load %arg9[%swap3A_169, %swap3A_170] {strides = array<i32>} : memref<256x128xf32, #tpu.memory_space<vmem>>, vector<1x16xf32>,
            %swap3A_172 = vector.shape_cast %swap3A_171 : vector<1x16xf32> to vector<16xf32>
            %swap3A_173 = vector.shape_cast %get3A_130 : vector<16xf32> to vector<1x16xf32>
            tpu.vector_store %arg9[%swap3A_169, %swap3A_170], %swap3A_173 {add = true, strides = array<i32>} : memref<256x128xf32, #tpu.memory_space<vmem>>, vector<1x16xf32>,
            %swap3A_174 = arith.index_cast %squeeze3A_106 : i32 to index
            %swap3A_175 = arith.constant 64 : index
            %swap3A_176 = tpu.vector_load %arg9[%swap3A_174, %swap3A_175] {strides = array<i32>} : memref<256x128xf32, #tpu.memory_space<vmem>>, vector<1x16xf32>,
            %swap3A_177 = vector.shape_cast %swap3A_176 : vector<1x16xf32> to vector<16xf32>
            %swap3A_178 = vector.shape_cast %get3A_136 : vector<16xf32> to vector<1x16xf32>
            tpu.vector_store %arg9[%swap3A_174, %swap3A_175], %swap3A_178 {add = true, strides = array<i32>} : memref<256x128xf32, #tpu.memory_space<vmem>>, vector<1x16xf32>,
            %swap3A_179 = arith.index_cast %squeeze3A_106 : i32 to index
            %swap3A_180 = arith.constant 80 : index
            %swap3A_181 = tpu.vector_load %arg9[%swap3A_179, %swap3A_180] {strides = array<i32>} : memref<256x128xf32, #tpu.memory_space<vmem>>, vector<1x16xf32>,
            %swap3A_182 = vector.shape_cast %swap3A_181 : vector<1x16xf32> to vector<16xf32>
            %swap3A_183 = vector.shape_cast %get3A_142 : vector<16xf32> to vector<1x16xf32>
            tpu.vector_store %arg9[%swap3A_179, %swap3A_180], %swap3A_183 {add = true, strides = array<i32>} : memref<256x128xf32, #tpu.memory_space<vmem>>, vector<1x16xf32>,
            %swap3A_184 = arith.index_cast %squeeze3A_106 : i32 to index
            %swap3A_185 = arith.constant 96 : index
            %swap3A_186 = tpu.vector_load %arg9[%swap3A_184, %swap3A_185] {strides = array<i32>} : memref<256x128xf32, #tpu.memory_space<vmem>>, vector<1x16xf32>,
            %swap3A_187 = vector.shape_cast %swap3A_186 : vector<1x16xf32> to vector<16xf32>
            %swap3A_188 = vector.shape_cast %get3A_148 : vector<16xf32> to vector<1x16xf32>
            tpu.vector_store %arg9[%swap3A_184, %swap3A_185], %swap3A_188 {add = true, strides = array<i32>} : memref<256x128xf32, #tpu.memory_space<vmem>>, vector<1x16xf32>,
            %swap3A_189 = arith.index_cast %squeeze3A_106 : i32 to index
            %swap3A_190 = arith.constant 112 : index
            %swap3A_191 = tpu.vector_load %arg9[%swap3A_189, %swap3A_190] {strides = array<i32>} : memref<256x128xf32, #tpu.memory_space<vmem>>, vector<1x16xf32>,
            %swap3A_192 = vector.shape_cast %swap3A_191 : vector<1x16xf32> to vector<16xf32>
            %swap3A_193 = vector.shape_cast %get3A_154 : vector<16xf32> to vector<1x16xf32>
            tpu.vector_store %arg9[%swap3A_189, %swap3A_190], %swap3A_193 {add = true, strides = array<i32>} : memref<256x128xf32, #tpu.memory_space<vmem>>, vector<1x16xf32>,
            %slice3A_194 = vector.extract_strided_slice %get3A_96 {offsets = [1], sizes = [1], strides = [1]} : vector<16xi32> to vector<1xi32>
            %squeeze3A_195 = vector.extract %slice3A_194[0] : i32 from vector<1xi32>
            %add3A_196 = arith.constant 1 : i32
            %add3A_197 = arith.addi %mul3A_98, %add3A_196 : i32
            %get3A_198 = arith.index_cast %add3A_197 : i32 to index
            %get3A_199 = arith.constant 0 : index
            %get3A_200 = tpu.vector_load %arg6[%get3A_198, %get3A_199] {strides = array<i32>} : memref<160x128xf32, #tpu.memory_space<vmem>>, vector<1x16xf32>,
            %get3A_201 = vector.shape_cast %get3A_200 : vector<1x16xf32> to vector<16xf32>
            %add3A_202 = arith.constant 1 : i32
            %add3A_203 = arith.addi %mul3A_98, %add3A_202 : i32
            %get3A_204 = arith.index_cast %add3A_203 : i32 to index
            %get3A_205 = arith.constant 16 : index
            %get3A_206 = tpu.vector_load %arg6[%get3A_204, %get3A_205] {strides = array<i32>} : memref<160x128xf32, #tpu.memory_space<vmem>>, vector<1x16xf32>,
            %get3A_207 = vector.shape_cast %get3A_206 : vector<1x16xf32> to vector<16xf32>
            %add3A_208 = arith.constant 1 : i32
            %add3A_209 = arith.addi %mul3A_98, %add3A_208 : i32
            %get3A_210 = arith.index_cast %add3A_209 : i32 to index
            %get3A_211 = arith.constant 32 : index
            %get3A_212 = tpu.vector_load %arg6[%get3A_210, %get3A_211] {strides = array<i32>} : memref<160x128xf32, #tpu.memory_space<vmem>>, vector<1x16xf32>,
            %get3A_213 = vector.shape_cast %get3A_212 : vector<1x16xf32> to vector<16xf32>
            %add3A_214 = arith.constant 1 : i32
            %add3A_215 = arith.addi %mul3A_98, %add3A_214 : i32
            %get3A_216 = arith.index_cast %add3A_215 : i32 to index
            %get3A_217 = arith.constant 48 : index
            %get3A_218 = tpu.vector_load %arg6[%get3A_216, %get3A_217] {strides = array<i32>} : memref<160x128xf32, #tpu.memory_space<vmem>>, vector<1x16xf32>,
            %get3A_219 = vector.shape_cast %get3A_218 : vector<1x16xf32> to vector<16xf32>
            %add3A_220 = arith.constant 1 : i32
            %add3A_221 = arith.addi %mul3A_98, %add3A_220 : i32
            %get3A_222 = arith.index_cast %add3A_221 : i32 to index
            %get3A_223 = arith.constant 64 : index
            %get3A_224 = tpu.vector_load %arg6[%get3A_222, %get3A_223] {strides = array<i32>} : memref<160x128xf32, #tpu.memory_space<vmem>>, vector<1x16xf32>,
            %get3A_225 = vector.shape_cast %get3A_224 : vector<1x16xf32> to vector<16xf32>
            %add3A_226 = arith.constant 1 : i32
            %add3A_227 = arith.addi %mul3A_98, %add3A_226 : i32
            %get3A_228 = arith.index_cast %add3A_227 : i32 to index
            %get3A_229 = arith.constant 80 : index
            %get3A_230 = tpu.vector_load %arg6[%get3A_228, %get3A_229] {strides = array<i32>} : memref<160x128xf32, #tpu.memory_space<vmem>>, vector<1x16xf32>,
            %get3A_231 = vector.shape_cast %get3A_230 : vector<1x16xf32> to vector<16xf32>
            %add3A_232 = arith.constant 1 : i32
            %add3A_233 = arith.addi %mul3A_98, %add3A_232 : i32
            %get3A_234 = arith.index_cast %add3A_233 : i32 to index
            %get3A_235 = arith.constant 96 : index
            %get3A_236 = tpu.vector_load %arg6[%get3A_234, %get3A_235] {strides = array<i32>} : memref<160x128xf32, #tpu.memory_space<vmem>>, vector<1x16xf32>,
            %get3A_237 = vector.shape_cast %get3A_236 : vector<1x16xf32> to vector<16xf32>
            %add3A_238 = arith.constant 1 : i32
            %add3A_239 = arith.addi %mul3A_98, %add3A_238 : i32
            %get3A_240 = arith.index_cast %add3A_239 : i32 to index
            %get3A_241 = arith.constant 112 : index
            %get3A_242 = tpu.vector_load %arg6[%get3A_240, %get3A_241] {strides = array<i32>} : memref<160x128xf32, #tpu.memory_space<vmem>>, vector<1x16xf32>,
            %get3A_243 = vector.shape_cast %get3A_242 : vector<1x16xf32> to vector<16xf32>
            %swap3A_244 = arith.index_cast %squeeze3A_195 : i32 to index
            %swap3A_245 = arith.constant 0 : index
            %swap3A_246 = tpu.vector_load %arg9[%swap3A_244, %swap3A_245] {strides = array<i32>} : memref<256x128xf32, #tpu.memory_space<vmem>>, vector<1x16xf32>,
            %swap3A_247 = vector.shape_cast %swap3A_246 : vector<1x16xf32> to vector<16xf32>
            %swap3A_248 = vector.shape_cast %get3A_201 : vector<16xf32> to vector<1x16xf32>
            tpu.vector_store %arg9[%swap3A_244, %swap3A_245], %swap3A_248 {add = true, strides = array<i32>} : memref<256x128xf32, #tpu.memory_space<vmem>>, vector<1x16xf32>,
            %swap3A_249 = arith.index_cast %squeeze3A_195 : i32 to index
            %swap3A_250 = arith.constant 16 : index
            %swap3A_251 = tpu.vector_load %arg9[%swap3A_249, %swap3A_250] {strides = array<i32>} : memref<256x128xf32, #tpu.memory_space<vmem>>, vector<1x16xf32>,
            %swap3A_252 = vector.shape_cast %swap3A_251 : vector<1x16xf32> to vector<16xf32>
            %swap3A_253 = vector.shape_cast %get3A_207 : vector<16xf32> to vector<1x16xf32>
            tpu.vector_store %arg9[%swap3A_249, %swap3A_250], %swap3A_253 {add = true, strides = array<i32>} : memref<256x128xf32, #tpu.memory_space<vmem>>, vector<1x16xf32>,
            %swap3A_254 = arith.index_cast %squeeze3A_195 : i32 to index
            %swap3A_255 = arith.constant 32 : index
            %swap3A_256 = tpu.vector_load %arg9[%swap3A_254, %swap3A_255] {strides = array<i32>} : memref<256x128xf32, #tpu.memory_space<vmem>>, vector<1x16xf32>,
            %swap3A_257 = vector.shape_cast %swap3A_256 : vector<1x16xf32> to vector<16xf32>
            %swap3A_258 = vector.shape_cast %get3A_213 : vector<16xf32> to vector<1x16xf32>
            tpu.vector_store %arg9[%swap3A_254, %swap3A_255], %swap3A_258 {add = true, strides = array<i32>} : memref<256x128xf32, #tpu.memory_space<vmem>>, vector<1x16xf32>,
            %swap3A_259 = arith.index_cast %squeeze3A_195 : i32 to index
            %swap3A_260 = arith.constant 48 : index
            %swap3A_261 = tpu.vector_load %arg9[%swap3A_259, %swap3A_260] {strides = array<i32>} : memref<256x128xf32, #tpu.memory_space<vmem>>, vector<1x16xf32>,
            %swap3A_262 = vector.shape_cast %swap3A_261 : vector<1x16xf32> to vector<16xf32>
            %swap3A_263 = vector.shape_cast %get3A_219 : vector<16xf32> to vector<1x16xf32>
            tpu.vector_store %arg9[%swap3A_259, %swap3A_260], %swap3A_263 {add = true, strides = array<i32>} : memref<256x128xf32, #tpu.memory_space<vmem>>, vector<1x16xf32>,
            %swap3A_264 = arith.index_cast %squeeze3A_195 : i32 to index
            %swap3A_265 = arith.constant 64 : index
            %swap3A_266 = tpu.vector_load %arg9[%swap3A_264, %swap3A_265] {strides = array<i32>} : memref<256x128xf32, #tpu.memory_space<vmem>>, vector<1x16xf32>,
            %swap3A_267 = vector.shape_cast %swap3A_266 : vector<1x16xf32> to vector<16xf32>
            %swap3A_268 = vector.shape_cast %get3A_225 : vector<16xf32> to vector<1x16xf32>
            tpu.vector_store %arg9[%swap3A_264, %swap3A_265], %swap3A_268 {add = true, strides = array<i32>} : memref<256x128xf32, #tpu.memory_space<vmem>>, vector<1x16xf32>,
            %swap3A_269 = arith.index_cast %squeeze3A_195 : i32 to index
            %swap3A_270 = arith.constant 80 : index
            %swap3A_271 = tpu.vector_load %arg9[%swap3A_269, %swap3A_270] {strides = array<i32>} : memref<256x128xf32, #tpu.memory_space<vmem>>, vector<1x16xf32>,
            %swap3A_272 = vector.shape_cast %swap3A_271 : vector<1x16xf32> to vector<16xf32>
            %swap3A_273 = vector.shape_cast %get3A_231 : vector<16xf32> to vector<1x16xf32>
            tpu.vector_store %arg9[%swap3A_269, %swap3A_270], %swap3A_273 {add = true, strides = array<i32>} : memref<256x128xf32, #tpu.memory_space<vmem>>, vector<1x16xf32>,
            %swap3A_274 = arith.index_cast %squeeze3A_195 : i32 to index
            %swap3A_275 = arith.constant 96 : index
            %swap3A_276 = tpu.vector_load %arg9[%swap3A_274, %swap3A_275] {strides = array<i32>} : memref<256x128xf32, #tpu.memory_space<vmem>>, vector<1x16xf32>,
            %swap3A_277 = vector.shape_cast %swap3A_276 : vector<1x16xf32> to vector<16xf32>
            %swap3A_278 = vector.shape_cast %get3A_237 : vector<16xf32> to vector<1x16xf32>
            tpu.vector_store %arg9[%swap3A_274, %swap3A_275], %swap3A_278 {add = true, strides = array<i32>} : memref<256x128xf32, #tpu.memory_space<vmem>>, vector<1x16xf32>,
            %swap3A_279 = arith.index_cast %squeeze3A_195 : i32 to index
            %swap3A_280 = arith.constant 112 : index
            %swap3A_281 = tpu.vector_load %arg9[%swap3A_279, %swap3A_280] {strides = array<i32>} : memref<256x128xf32, #tpu.memory_space<vmem>>, vector<1x16xf32>,
            %swap3A_282 = vector.shape_cast %swap3A_281 : vector<1x16xf32> to vector<16xf32>
            %swap3A_283 = vector.shape_cast %get3A_243 : vector<16xf32> to vector<1x16xf32>
            tpu.vector_store %arg9[%swap3A_279, %swap3A_280], %swap3A_283 {add = true, strides = array<i32>} : memref<256x128xf32, #tpu.memory_space<vmem>>, vector<1x16xf32>,
            %slice3A_284 = vector.extract_strided_slice %get3A_96 {offsets = [2], sizes = [1], strides = [1]} : vector<16xi32> to vector<1xi32>
            %squeeze3A_285 = vector.extract %slice3A_284[0] : i32 from vector<1xi32>
            %add3A_286 = arith.constant 2 : i32
            %add3A_287 = arith.addi %mul3A_98, %add3A_286 : i32
            %get3A_288 = arith.index_cast %add3A_287 : i32 to index
            %get3A_289 = arith.constant 0 : index
            %get3A_290 = tpu.vector_load %arg6[%get3A_288, %get3A_289] {strides = array<i32>} : memref<160x128xf32, #tpu.memory_space<vmem>>, vector<1x16xf32>,
            %get3A_291 = vector.shape_cast %get3A_290 : vector<1x16xf32> to vector<16xf32>
            %add3A_292 = arith.constant 2 : i32
            %add3A_293 = arith.addi %mul3A_98, %add3A_292 : i32
            %get3A_294 = arith.index_cast %add3A_293 : i32 to index
            %get3A_295 = arith.constant 16 : index
            %get3A_296 = tpu.vector_load %arg6[%get3A_294, %get3A_295] {strides = array<i32>} : memref<160x128xf32, #tpu.memory_space<vmem>>, vector<1x16xf32>,
            %get3A_297 = vector.shape_cast %get3A_296 : vector<1x16xf32> to vector<16xf32>
            %add3A_298 = arith.constant 2 : i32
            %add3A_299 = arith.addi %mul3A_98, %add3A_298 : i32
            %get3A_300 = arith.index_cast %add3A_299 : i32 to index
            %get3A_301 = arith.constant 32 : index
            %get3A_302 = tpu.vector_load %arg6[%get3A_300, %get3A_301] {strides = array<i32>} : memref<160x128xf32, #tpu.memory_space<vmem>>, vector<1x16xf32>,
            %get3A_303 = vector.shape_cast %get3A_302 : vector<1x16xf32> to vector<16xf32>
            %add3A_304 = arith.constant 2 : i32
            %add3A_305 = arith.addi %mul3A_98, %add3A_304 : i32
            %get3A_306 = arith.index_cast %add3A_305 : i32 to index
            %get3A_307 = arith.constant 48 : index
            %get3A_308 = tpu.vector_load %arg6[%get3A_306, %get3A_307] {strides = array<i32>} : memref<160x128xf32, #tpu.memory_space<vmem>>, vector<1x16xf32>,
            %get3A_309 = vector.shape_cast %get3A_308 : vector<1x16xf32> to vector<16xf32>
            %add3A_310 = arith.constant 2 : i32
            %add3A_311 = arith.addi %mul3A_98, %add3A_310 : i32
            %get3A_312 = arith.index_cast %add3A_311 : i32 to index
            %get3A_313 = arith.constant 64 : index
            %get3A_314 = tpu.vector_load %arg6[%get3A_312, %get3A_313] {strides = array<i32>} : memref<160x128xf32, #tpu.memory_space<vmem>>, vector<1x16xf32>,
            %get3A_315 = vector.shape_cast %get3A_314 : vector<1x16xf32> to vector<16xf32>
            %add3A_316 = arith.constant 2 : i32
            %add3A_317 = arith.addi %mul3A_98, %add3A_316 : i32
            %get3A_318 = arith.index_cast %add3A_317 : i32 to index
            %get3A_319 = arith.constant 80 : index
            %get3A_320 = tpu.vector_load %arg6[%get3A_318, %get3A_319] {strides = array<i32>} : memref<160x128xf32, #tpu.memory_space<vmem>>, vector<1x16xf32>,
            %get3A_321 = vector.shape_cast %get3A_320 : vector<1x16xf32> to vector<16xf32>
            %add3A_322 = arith.constant 2 : i32
            %add3A_323 = arith.addi %mul3A_98, %add3A_322 : i32
            %get3A_324 = arith.index_cast %add3A_323 : i32 to index
            %get3A_325 = arith.constant 96 : index
            %get3A_326 = tpu.vector_load %arg6[%get3A_324, %get3A_325] {strides = array<i32>} : memref<160x128xf32, #tpu.memory_space<vmem>>, vector<1x16xf32>,
            %get3A_327 = vector.shape_cast %get3A_326 : vector<1x16xf32> to vector<16xf32>
            %add3A_328 = arith.constant 2 : i32
            %add3A_329 = arith.addi %mul3A_98, %add3A_328 : i32
            %get3A_330 = arith.index_cast %add3A_329 : i32 to index
            %get3A_331 = arith.constant 112 : index
            %get3A_332 = tpu.vector_load %arg6[%get3A_330, %get3A_331] {strides = array<i32>} : memref<160x128xf32, #tpu.memory_space<vmem>>, vector<1x16xf32>,
            %get3A_333 = vector.shape_cast %get3A_332 : vector<1x16xf32> to vector<16xf32>
            %swap3A_334 = arith.index_cast %squeeze3A_285 : i32 to index
            %swap3A_335 = arith.constant 0 : index
            %swap3A_336 = tpu.vector_load %arg9[%swap3A_334, %swap3A_335] {strides = array<i32>} : memref<256x128xf32, #tpu.memory_space<vmem>>, vector<1x16xf32>,
            %swap3A_337 = vector.shape_cast %swap3A_336 : vector<1x16xf32> to vector<16xf32>
            %swap3A_338 = vector.shape_cast %get3A_291 : vector<16xf32> to vector<1x16xf32>
            tpu.vector_store %arg9[%swap3A_334, %swap3A_335], %swap3A_338 {add = true, strides = array<i32>} : memref<256x128xf32, #tpu.memory_space<vmem>>, vector<1x16xf32>,
            %swap3A_339 = arith.index_cast %squeeze3A_285 : i32 to index
            %swap3A_340 = arith.constant 16 : index
            %swap3A_341 = tpu.vector_load %arg9[%swap3A_339, %swap3A_340] {strides = array<i32>} : memref<256x128xf32, #tpu.memory_space<vmem>>, vector<1x16xf32>,
            %swap3A_342 = vector.shape_cast %swap3A_341 : vector<1x16xf32> to vector<16xf32>
            %swap3A_343 = vector.shape_cast %get3A_297 : vector<16xf32> to vector<1x16xf32>
            tpu.vector_store %arg9[%swap3A_339, %swap3A_340], %swap3A_343 {add = true, strides = array<i32>} : memref<256x128xf32, #tpu.memory_space<vmem>>, vector<1x16xf32>,
            %swap3A_344 = arith.index_cast %squeeze3A_285 : i32 to index
            %swap3A_345 = arith.constant 32 : index
            %swap3A_346 = tpu.vector_load %arg9[%swap3A_344, %swap3A_345] {strides = array<i32>} : memref<256x128xf32, #tpu.memory_space<vmem>>, vector<1x16xf32>,
            %swap3A_347 = vector.shape_cast %swap3A_346 : vector<1x16xf32> to vector<16xf32>
            %swap3A_348 = vector.shape_cast %get3A_303 : vector<16xf32> to vector<1x16xf32>
            tpu.vector_store %arg9[%swap3A_344, %swap3A_345], %swap3A_348 {add = true, strides = array<i32>} : memref<256x128xf32, #tpu.memory_space<vmem>>, vector<1x16xf32>,
            %swap3A_349 = arith.index_cast %squeeze3A_285 : i32 to index
            %swap3A_350 = arith.constant 48 : index
            %swap3A_351 = tpu.vector_load %arg9[%swap3A_349, %swap3A_350] {strides = array<i32>} : memref<256x128xf32, #tpu.memory_space<vmem>>, vector<1x16xf32>,
            %swap3A_352 = vector.shape_cast %swap3A_351 : vector<1x16xf32> to vector<16xf32>
            %swap3A_353 = vector.shape_cast %get3A_309 : vector<16xf32> to vector<1x16xf32>
            tpu.vector_store %arg9[%swap3A_349, %swap3A_350], %swap3A_353 {add = true, strides = array<i32>} : memref<256x128xf32, #tpu.memory_space<vmem>>, vector<1x16xf32>,
            %swap3A_354 = arith.index_cast %squeeze3A_285 : i32 to index
            %swap3A_355 = arith.constant 64 : index
            %swap3A_356 = tpu.vector_load %arg9[%swap3A_354, %swap3A_355] {strides = array<i32>} : memref<256x128xf32, #tpu.memory_space<vmem>>, vector<1x16xf32>,
            %swap3A_357 = vector.shape_cast %swap3A_356 : vector<1x16xf32> to vector<16xf32>
            %swap3A_358 = vector.shape_cast %get3A_315 : vector<16xf32> to vector<1x16xf32>
            tpu.vector_store %arg9[%swap3A_354, %swap3A_355], %swap3A_358 {add = true, strides = array<i32>} : memref<256x128xf32, #tpu.memory_space<vmem>>, vector<1x16xf32>,
            %swap3A_359 = arith.index_cast %squeeze3A_285 : i32 to index
            %swap3A_360 = arith.constant 80 : index
            %swap3A_361 = tpu.vector_load %arg9[%swap3A_359, %swap3A_360] {strides = array<i32>} : memref<256x128xf32, #tpu.memory_space<vmem>>, vector<1x16xf32>,
            %swap3A_362 = vector.shape_cast %swap3A_361 : vector<1x16xf32> to vector<16xf32>
            %swap3A_363 = vector.shape_cast %get3A_321 : vector<16xf32> to vector<1x16xf32>
            tpu.vector_store %arg9[%swap3A_359, %swap3A_360], %swap3A_363 {add = true, strides = array<i32>} : memref<256x128xf32, #tpu.memory_space<vmem>>, vector<1x16xf32>,
            %swap3A_364 = arith.index_cast %squeeze3A_285 : i32 to index
            %swap3A_365 = arith.constant 96 : index
            %swap3A_366 = tpu.vector_load %arg9[%swap3A_364, %swap3A_365] {strides = array<i32>} : memref<256x128xf32, #tpu.memory_space<vmem>>, vector<1x16xf32>,
            %swap3A_367 = vector.shape_cast %swap3A_366 : vector<1x16xf32> to vector<16xf32>
            %swap3A_368 = vector.shape_cast %get3A_327 : vector<16xf32> to vector<1x16xf32>
            tpu.vector_store %arg9[%swap3A_364, %swap3A_365], %swap3A_368 {add = true, strides = array<i32>} : memref<256x128xf32, #tpu.memory_space<vmem>>, vector<1x16xf32>,
            %swap3A_369 = arith.index_cast %squeeze3A_285 : i32 to index
            %swap3A_370 = arith.constant 112 : index
            %swap3A_371 = tpu.vector_load %arg9[%swap3A_369, %swap3A_370] {strides = array<i32>} : memref<256x128xf32, #tpu.memory_space<vmem>>, vector<1x16xf32>,
            %swap3A_372 = vector.shape_cast %swap3A_371 : vector<1x16xf32> to vector<16xf32>
            %swap3A_373 = vector.shape_cast %get3A_333 : vector<16xf32> to vector<1x16xf32>
            tpu.vector_store %arg9[%swap3A_369, %swap3A_370], %swap3A_373 {add = true, strides = array<i32>} : memref<256x128xf32, #tpu.memory_space<vmem>>, vector<1x16xf32>,
            %slice3A_374 = vector.extract_strided_slice %get3A_96 {offsets = [3], sizes = [1], strides = [1]} : vector<16xi32> to vector<1xi32>
            %squeeze3A_375 = vector.extract %slice3A_374[0] : i32 from vector<1xi32>
            %add3A_376 = arith.constant 3 : i32
            %add3A_377 = arith.addi %mul3A_98, %add3A_376 : i32
            %get3A_378 = arith.index_cast %add3A_377 : i32 to index
            %get3A_379 = arith.constant 0 : index
            %get3A_380 = tpu.vector_load %arg6[%get3A_378, %get3A_379] {strides = array<i32>} : memref<160x128xf32, #tpu.memory_space<vmem>>, vector<1x16xf32>,
            %get3A_381 = vector.shape_cast %get3A_380 : vector<1x16xf32> to vector<16xf32>
            %add3A_382 = arith.constant 3 : i32
            %add3A_383 = arith.addi %mul3A_98, %add3A_382 : i32
            %get3A_384 = arith.index_cast %add3A_383 : i32 to index
            %get3A_385 = arith.constant 16 : index
            %get3A_386 = tpu.vector_load %arg6[%get3A_384, %get3A_385] {strides = array<i32>} : memref<160x128xf32, #tpu.memory_space<vmem>>, vector<1x16xf32>,
            %get3A_387 = vector.shape_cast %get3A_386 : vector<1x16xf32> to vector<16xf32>
            %add3A_388 = arith.constant 3 : i32
            %add3A_389 = arith.addi %mul3A_98, %add3A_388 : i32
            %get3A_390 = arith.index_cast %add3A_389 : i32 to index
            %get3A_391 = arith.constant 32 : index
            %get3A_392 = tpu.vector_load %arg6[%get3A_390, %get3A_391] {strides = array<i32>} : memref<160x128xf32, #tpu.memory_space<vmem>>, vector<1x16xf32>,
            %get3A_393 = vector.shape_cast %get3A_392 : vector<1x16xf32> to vector<16xf32>
            %add3A_394 = arith.constant 3 : i32
            %add3A_395 = arith.addi %mul3A_98, %add3A_394 : i32
            %get3A_396 = arith.index_cast %add3A_395 : i32 to index
            %get3A_397 = arith.constant 48 : index
            %get3A_398 = tpu.vector_load %arg6[%get3A_396, %get3A_397] {strides = array<i32>} : memref<160x128xf32, #tpu.memory_space<vmem>>, vector<1x16xf32>,
            %get3A_399 = vector.shape_cast %get3A_398 : vector<1x16xf32> to vector<16xf32>
            %add3A_400 = arith.constant 3 : i32
            %add3A_401 = arith.addi %mul3A_98, %add3A_400 : i32
            %get3A_402 = arith.index_cast %add3A_401 : i32 to index
            %get3A_403 = arith.constant 64 : index
            %get3A_404 = tpu.vector_load %arg6[%get3A_402, %get3A_403] {strides = array<i32>} : memref<160x128xf32, #tpu.memory_space<vmem>>, vector<1x16xf32>,
            %get3A_405 = vector.shape_cast %get3A_404 : vector<1x16xf32> to vector<16xf32>
            %add3A_406 = arith.constant 3 : i32
            %add3A_407 = arith.addi %mul3A_98, %add3A_406 : i32
            %get3A_408 = arith.index_cast %add3A_407 : i32 to index
            %get3A_409 = arith.constant 80 : index
            %get3A_410 = tpu.vector_load %arg6[%get3A_408, %get3A_409] {strides = array<i32>} : memref<160x128xf32, #tpu.memory_space<vmem>>, vector<1x16xf32>,
            %get3A_411 = vector.shape_cast %get3A_410 : vector<1x16xf32> to vector<16xf32>
            %add3A_412 = arith.constant 3 : i32
            %add3A_413 = arith.addi %mul3A_98, %add3A_412 : i32
            %get3A_414 = arith.index_cast %add3A_413 : i32 to index
            %get3A_415 = arith.constant 96 : index
            %get3A_416 = tpu.vector_load %arg6[%get3A_414, %get3A_415] {strides = array<i32>} : memref<160x128xf32, #tpu.memory_space<vmem>>, vector<1x16xf32>,
            %get3A_417 = vector.shape_cast %get3A_416 : vector<1x16xf32> to vector<16xf32>
            %add3A_418 = arith.constant 3 : i32
            %add3A_419 = arith.addi %mul3A_98, %add3A_418 : i32
            %get3A_420 = arith.index_cast %add3A_419 : i32 to index
            %get3A_421 = arith.constant 112 : index
            %get3A_422 = tpu.vector_load %arg6[%get3A_420, %get3A_421] {strides = array<i32>} : memref<160x128xf32, #tpu.memory_space<vmem>>, vector<1x16xf32>,
            %get3A_423 = vector.shape_cast %get3A_422 : vector<1x16xf32> to vector<16xf32>
            %swap3A_424 = arith.index_cast %squeeze3A_375 : i32 to index
            %swap3A_425 = arith.constant 0 : index
            %swap3A_426 = tpu.vector_load %arg9[%swap3A_424, %swap3A_425] {strides = array<i32>} : memref<256x128xf32, #tpu.memory_space<vmem>>, vector<1x16xf32>,
            %swap3A_427 = vector.shape_cast %swap3A_426 : vector<1x16xf32> to vector<16xf32>
            %swap3A_428 = vector.shape_cast %get3A_381 : vector<16xf32> to vector<1x16xf32>
            tpu.vector_store %arg9[%swap3A_424, %swap3A_425], %swap3A_428 {add = true, strides = array<i32>} : memref<256x128xf32, #tpu.memory_space<vmem>>, vector<1x16xf32>,
            %swap3A_429 = arith.index_cast %squeeze3A_375 : i32 to index
            %swap3A_430 = arith.constant 16 : index
            %swap3A_431 = tpu.vector_load %arg9[%swap3A_429, %swap3A_430] {strides = array<i32>} : memref<256x128xf32, #tpu.memory_space<vmem>>, vector<1x16xf32>,
            %swap3A_432 = vector.shape_cast %swap3A_431 : vector<1x16xf32> to vector<16xf32>
            %swap3A_433 = vector.shape_cast %get3A_387 : vector<16xf32> to vector<1x16xf32>
            tpu.vector_store %arg9[%swap3A_429, %swap3A_430], %swap3A_433 {add = true, strides = array<i32>} : memref<256x128xf32, #tpu.memory_space<vmem>>, vector<1x16xf32>,
            %swap3A_434 = arith.index_cast %squeeze3A_375 : i32 to index
            %swap3A_435 = arith.constant 32 : index
            %swap3A_436 = tpu.vector_load %arg9[%swap3A_434, %swap3A_435] {strides = array<i32>} : memref<256x128xf32, #tpu.memory_space<vmem>>, vector<1x16xf32>,
            %swap3A_437 = vector.shape_cast %swap3A_436 : vector<1x16xf32> to vector<16xf32>
            %swap3A_438 = vector.shape_cast %get3A_393 : vector<16xf32> to vector<1x16xf32>
            tpu.vector_store %arg9[%swap3A_434, %swap3A_435], %swap3A_438 {add = true, strides = array<i32>} : memref<256x128xf32, #tpu.memory_space<vmem>>, vector<1x16xf32>,
            %swap3A_439 = arith.index_cast %squeeze3A_375 : i32 to index
            %swap3A_440 = arith.constant 48 : index
            %swap3A_441 = tpu.vector_load %arg9[%swap3A_439, %swap3A_440] {strides = array<i32>} : memref<256x128xf32, #tpu.memory_space<vmem>>, vector<1x16xf32>,
            %swap3A_442 = vector.shape_cast %swap3A_441 : vector<1x16xf32> to vector<16xf32>
            %swap3A_443 = vector.shape_cast %get3A_399 : vector<16xf32> to vector<1x16xf32>
            tpu.vector_store %arg9[%swap3A_439, %swap3A_440], %swap3A_443 {add = true, strides = array<i32>} : memref<256x128xf32, #tpu.memory_space<vmem>>, vector<1x16xf32>,
            %swap3A_444 = arith.index_cast %squeeze3A_375 : i32 to index
            %swap3A_445 = arith.constant 64 : index
            %swap3A_446 = tpu.vector_load %arg9[%swap3A_444, %swap3A_445] {strides = array<i32>} : memref<256x128xf32, #tpu.memory_space<vmem>>, vector<1x16xf32>,
            %swap3A_447 = vector.shape_cast %swap3A_446 : vector<1x16xf32> to vector<16xf32>
            %swap3A_448 = vector.shape_cast %get3A_405 : vector<16xf32> to vector<1x16xf32>
            tpu.vector_store %arg9[%swap3A_444, %swap3A_445], %swap3A_448 {add = true, strides = array<i32>} : memref<256x128xf32, #tpu.memory_space<vmem>>, vector<1x16xf32>,
            %swap3A_449 = arith.index_cast %squeeze3A_375 : i32 to index
            %swap3A_450 = arith.constant 80 : index
            %swap3A_451 = tpu.vector_load %arg9[%swap3A_449, %swap3A_450] {strides = array<i32>} : memref<256x128xf32, #tpu.memory_space<vmem>>, vector<1x16xf32>,
            %swap3A_452 = vector.shape_cast %swap3A_451 : vector<1x16xf32> to vector<16xf32>
            %swap3A_453 = vector.shape_cast %get3A_411 : vector<16xf32> to vector<1x16xf32>
            tpu.vector_store %arg9[%swap3A_449, %swap3A_450], %swap3A_453 {add = true, strides = array<i32>} : memref<256x128xf32, #tpu.memory_space<vmem>>, vector<1x16xf32>,
            %swap3A_454 = arith.index_cast %squeeze3A_375 : i32 to index
            %swap3A_455 = arith.constant 96 : index
            %swap3A_456 = tpu.vector_load %arg9[%swap3A_454, %swap3A_455] {strides = array<i32>} : memref<256x128xf32, #tpu.memory_space<vmem>>, vector<1x16xf32>,
            %swap3A_457 = vector.shape_cast %swap3A_456 : vector<1x16xf32> to vector<16xf32>
            %swap3A_458 = vector.shape_cast %get3A_417 : vector<16xf32> to vector<1x16xf32>
            tpu.vector_store %arg9[%swap3A_454, %swap3A_455], %swap3A_458 {add = true, strides = array<i32>} : memref<256x128xf32, #tpu.memory_space<vmem>>, vector<1x16xf32>,
            %swap3A_459 = arith.index_cast %squeeze3A_375 : i32 to index
            %swap3A_460 = arith.constant 112 : index
            %swap3A_461 = tpu.vector_load %arg9[%swap3A_459, %swap3A_460] {strides = array<i32>} : memref<256x128xf32, #tpu.memory_space<vmem>>, vector<1x16xf32>,
            %swap3A_462 = vector.shape_cast %swap3A_461 : vector<1x16xf32> to vector<16xf32>
            %swap3A_463 = vector.shape_cast %get3A_423 : vector<16xf32> to vector<1x16xf32>
            tpu.vector_store %arg9[%swap3A_459, %swap3A_460], %swap3A_463 {add = true, strides = array<i32>} : memref<256x128xf32, #tpu.memory_space<vmem>>, vector<1x16xf32>,
            %slice3A_464 = vector.extract_strided_slice %get3A_96 {offsets = [4], sizes = [1], strides = [1]} : vector<16xi32> to vector<1xi32>
            %squeeze3A_465 = vector.extract %slice3A_464[0] : i32 from vector<1xi32>
            %add3A_466 = arith.constant 4 : i32
            %add3A_467 = arith.addi %mul3A_98, %add3A_466 : i32
            %get3A_468 = arith.index_cast %add3A_467 : i32 to index
            %get3A_469 = arith.constant 0 : index
            %get3A_470 = tpu.vector_load %arg6[%get3A_468, %get3A_469] {strides = array<i32>} : memref<160x128xf32, #tpu.memory_space<vmem>>, vector<1x16xf32>,
            %get3A_471 = vector.shape_cast %get3A_470 : vector<1x16xf32> to vector<16xf32>
            %add3A_472 = arith.constant 4 : i32
            %add3A_473 = arith.addi %mul3A_98, %add3A_472 : i32
            %get3A_474 = arith.index_cast %add3A_473 : i32 to index
            %get3A_475 = arith.constant 16 : index
            %get3A_476 = tpu.vector_load %arg6[%get3A_474, %get3A_475] {strides = array<i32>} : memref<160x128xf32, #tpu.memory_space<vmem>>, vector<1x16xf32>,
            %get3A_477 = vector.shape_cast %get3A_476 : vector<1x16xf32> to vector<16xf32>
            %add3A_478 = arith.constant 4 : i32
            %add3A_479 = arith.addi %mul3A_98, %add3A_478 : i32
            %get3A_480 = arith.index_cast %add3A_479 : i32 to index
            %get3A_481 = arith.constant 32 : index
            %get3A_482 = tpu.vector_load %arg6[%get3A_480, %get3A_481] {strides = array<i32>} : memref<160x128xf32, #tpu.memory_space<vmem>>, vector<1x16xf32>,
            %get3A_483 = vector.shape_cast %get3A_482 : vector<1x16xf32> to vector<16xf32>
            %add3A_484 = arith.constant 4 : i32
            %add3A_485 = arith.addi %mul3A_98, %add3A_484 : i32
            %get3A_486 = arith.index_cast %add3A_485 : i32 to index
            %get3A_487 = arith.constant 48 : index
            %get3A_488 = tpu.vector_load %arg6[%get3A_486, %get3A_487] {strides = array<i32>} : memref<160x128xf32, #tpu.memory_space<vmem>>, vector<1x16xf32>,
            %get3A_489 = vector.shape_cast %get3A_488 : vector<1x16xf32> to vector<16xf32>
            %add3A_490 = arith.constant 4 : i32
            %add3A_491 = arith.addi %mul3A_98, %add3A_490 : i32
            %get3A_492 = arith.index_cast %add3A_491 : i32 to index
            %get3A_493 = arith.constant 64 : index
            %get3A_494 = tpu.vector_load %arg6[%get3A_492, %get3A_493] {strides = array<i32>} : memref<160x128xf32, #tpu.memory_space<vmem>>, vector<1x16xf32>,
            %get3A_495 = vector.shape_cast %get3A_494 : vector<1x16xf32> to vector<16xf32>
            %add3A_496 = arith.constant 4 : i32
            %add3A_497 = arith.addi %mul3A_98, %add3A_496 : i32
            %get3A_498 = arith.index_cast %add3A_497 : i32 to index
            %get3A_499 = arith.constant 80 : index
            %get3A_500 = tpu.vector_load %arg6[%get3A_498, %get3A_499] {strides = array<i32>} : memref<160x128xf32, #tpu.memory_space<vmem>>, vector<1x16xf32>,
            %get3A_501 = vector.shape_cast %get3A_500 : vector<1x16xf32> to vector<16xf32>
            %add3A_502 = arith.constant 4 : i32
            %add3A_503 = arith.addi %mul3A_98, %add3A_502 : i32
            %get3A_504 = arith.index_cast %add3A_503 : i32 to index
            %get3A_505 = arith.constant 96 : index
            %get3A_506 = tpu.vector_load %arg6[%get3A_504, %get3A_505] {strides = array<i32>} : memref<160x128xf32, #tpu.memory_space<vmem>>, vector<1x16xf32>,
            %get3A_507 = vector.shape_cast %get3A_506 : vector<1x16xf32> to vector<16xf32>
            %add3A_508 = arith.constant 4 : i32
            %add3A_509 = arith.addi %mul3A_98, %add3A_508 : i32
            %get3A_510 = arith.index_cast %add3A_509 : i32 to index
            %get3A_511 = arith.constant 112 : index
            %get3A_512 = tpu.vector_load %arg6[%get3A_510, %get3A_511] {strides = array<i32>} : memref<160x128xf32, #tpu.memory_space<vmem>>, vector<1x16xf32>,
            %get3A_513 = vector.shape_cast %get3A_512 : vector<1x16xf32> to vector<16xf32>
            %swap3A_514 = arith.index_cast %squeeze3A_465 : i32 to index
            %swap3A_515 = arith.constant 0 : index
            %swap3A_516 = tpu.vector_load %arg9[%swap3A_514, %swap3A_515] {strides = array<i32>} : memref<256x128xf32, #tpu.memory_space<vmem>>, vector<1x16xf32>,
            %swap3A_517 = vector.shape_cast %swap3A_516 : vector<1x16xf32> to vector<16xf32>
            %swap3A_518 = vector.shape_cast %get3A_471 : vector<16xf32> to vector<1x16xf32>
            tpu.vector_store %arg9[%swap3A_514, %swap3A_515], %swap3A_518 {add = true, strides = array<i32>} : memref<256x128xf32, #tpu.memory_space<vmem>>, vector<1x16xf32>,
            %swap3A_519 = arith.index_cast %squeeze3A_465 : i32 to index
            %swap3A_520 = arith.constant 16 : index
            %swap3A_521 = tpu.vector_load %arg9[%swap3A_519, %swap3A_520] {strides = array<i32>} : memref<256x128xf32, #tpu.memory_space<vmem>>, vector<1x16xf32>,
            %swap3A_522 = vector.shape_cast %swap3A_521 : vector<1x16xf32> to vector<16xf32>
            %swap3A_523 = vector.shape_cast %get3A_477 : vector<16xf32> to vector<1x16xf32>
            tpu.vector_store %arg9[%swap3A_519, %swap3A_520], %swap3A_523 {add = true, strides = array<i32>} : memref<256x128xf32, #tpu.memory_space<vmem>>, vector<1x16xf32>,
            %swap3A_524 = arith.index_cast %squeeze3A_465 : i32 to index
            %swap3A_525 = arith.constant 32 : index
            %swap3A_526 = tpu.vector_load %arg9[%swap3A_524, %swap3A_525] {strides = array<i32>} : memref<256x128xf32, #tpu.memory_space<vmem>>, vector<1x16xf32>,
            %swap3A_527 = vector.shape_cast %swap3A_526 : vector<1x16xf32> to vector<16xf32>
            %swap3A_528 = vector.shape_cast %get3A_483 : vector<16xf32> to vector<1x16xf32>
            tpu.vector_store %arg9[%swap3A_524, %swap3A_525], %swap3A_528 {add = true, strides = array<i32>} : memref<256x128xf32, #tpu.memory_space<vmem>>, vector<1x16xf32>,
            %swap3A_529 = arith.index_cast %squeeze3A_465 : i32 to index
            %swap3A_530 = arith.constant 48 : index
            %swap3A_531 = tpu.vector_load %arg9[%swap3A_529, %swap3A_530] {strides = array<i32>} : memref<256x128xf32, #tpu.memory_space<vmem>>, vector<1x16xf32>,
            %swap3A_532 = vector.shape_cast %swap3A_531 : vector<1x16xf32> to vector<16xf32>
            %swap3A_533 = vector.shape_cast %get3A_489 : vector<16xf32> to vector<1x16xf32>
            tpu.vector_store %arg9[%swap3A_529, %swap3A_530], %swap3A_533 {add = true, strides = array<i32>} : memref<256x128xf32, #tpu.memory_space<vmem>>, vector<1x16xf32>,
            %swap3A_534 = arith.index_cast %squeeze3A_465 : i32 to index
            %swap3A_535 = arith.constant 64 : index
            %swap3A_536 = tpu.vector_load %arg9[%swap3A_534, %swap3A_535] {strides = array<i32>} : memref<256x128xf32, #tpu.memory_space<vmem>>, vector<1x16xf32>,
            %swap3A_537 = vector.shape_cast %swap3A_536 : vector<1x16xf32> to vector<16xf32>
            %swap3A_538 = vector.shape_cast %get3A_495 : vector<16xf32> to vector<1x16xf32>
            tpu.vector_store %arg9[%swap3A_534, %swap3A_535], %swap3A_538 {add = true, strides = array<i32>} : memref<256x128xf32, #tpu.memory_space<vmem>>, vector<1x16xf32>,
            %swap3A_539 = arith.index_cast %squeeze3A_465 : i32 to index
            %swap3A_540 = arith.constant 80 : index
            %swap3A_541 = tpu.vector_load %arg9[%swap3A_539, %swap3A_540] {strides = array<i32>} : memref<256x128xf32, #tpu.memory_space<vmem>>, vector<1x16xf32>,
            %swap3A_542 = vector.shape_cast %swap3A_541 : vector<1x16xf32> to vector<16xf32>
            %swap3A_543 = vector.shape_cast %get3A_501 : vector<16xf32> to vector<1x16xf32>
            tpu.vector_store %arg9[%swap3A_539, %swap3A_540], %swap3A_543 {add = true, strides = array<i32>} : memref<256x128xf32, #tpu.memory_space<vmem>>, vector<1x16xf32>,
            %swap3A_544 = arith.index_cast %squeeze3A_465 : i32 to index
            %swap3A_545 = arith.constant 96 : index
            %swap3A_546 = tpu.vector_load %arg9[%swap3A_544, %swap3A_545] {strides = array<i32>} : memref<256x128xf32, #tpu.memory_space<vmem>>, vector<1x16xf32>,
            %swap3A_547 = vector.shape_cast %swap3A_546 : vector<1x16xf32> to vector<16xf32>
            %swap3A_548 = vector.shape_cast %get3A_507 : vector<16xf32> to vector<1x16xf32>
            tpu.vector_store %arg9[%swap3A_544, %swap3A_545], %swap3A_548 {add = true, strides = array<i32>} : memref<256x128xf32, #tpu.memory_space<vmem>>, vector<1x16xf32>,
            %swap3A_549 = arith.index_cast %squeeze3A_465 : i32 to index
            %swap3A_550 = arith.constant 112 : index
            %swap3A_551 = tpu.vector_load %arg9[%swap3A_549, %swap3A_550] {strides = array<i32>} : memref<256x128xf32, #tpu.memory_space<vmem>>, vector<1x16xf32>,
            %swap3A_552 = vector.shape_cast %swap3A_551 : vector<1x16xf32> to vector<16xf32>
            %swap3A_553 = vector.shape_cast %get3A_513 : vector<16xf32> to vector<1x16xf32>
            tpu.vector_store %arg9[%swap3A_549, %swap3A_550], %swap3A_553 {add = true, strides = array<i32>} : memref<256x128xf32, #tpu.memory_space<vmem>>, vector<1x16xf32>,
            %slice3A_554 = vector.extract_strided_slice %get3A_96 {offsets = [5], sizes = [1], strides = [1]} : vector<16xi32> to vector<1xi32>
            %squeeze3A_555 = vector.extract %slice3A_554[0] : i32 from vector<1xi32>
            %add3A_556 = arith.constant 5 : i32
            %add3A_557 = arith.addi %mul3A_98, %add3A_556 : i32
            %get3A_558 = arith.index_cast %add3A_557 : i32 to index
            %get3A_559 = arith.constant 0 : index
            %get3A_560 = tpu.vector_load %arg6[%get3A_558, %get3A_559] {strides = array<i32>} : memref<160x128xf32, #tpu.memory_space<vmem>>, vector<1x16xf32>,
            %get3A_561 = vector.shape_cast %get3A_560 : vector<1x16xf32> to vector<16xf32>
            %add3A_562 = arith.constant 5 : i32
            %add3A_563 = arith.addi %mul3A_98, %add3A_562 : i32
            %get3A_564 = arith.index_cast %add3A_563 : i32 to index
            %get3A_565 = arith.constant 16 : index
            %get3A_566 = tpu.vector_load %arg6[%get3A_564, %get3A_565] {strides = array<i32>} : memref<160x128xf32, #tpu.memory_space<vmem>>, vector<1x16xf32>,
            %get3A_567 = vector.shape_cast %get3A_566 : vector<1x16xf32> to vector<16xf32>
            %add3A_568 = arith.constant 5 : i32
            %add3A_569 = arith.addi %mul3A_98, %add3A_568 : i32
            %get3A_570 = arith.index_cast %add3A_569 : i32 to index
            %get3A_571 = arith.constant 32 : index
            %get3A_572 = tpu.vector_load %arg6[%get3A_570, %get3A_571] {strides = array<i32>} : memref<160x128xf32, #tpu.memory_space<vmem>>, vector<1x16xf32>,
            %get3A_573 = vector.shape_cast %get3A_572 : vector<1x16xf32> to vector<16xf32>
            %add3A_574 = arith.constant 5 : i32
            %add3A_575 = arith.addi %mul3A_98, %add3A_574 : i32
            %get3A_576 = arith.index_cast %add3A_575 : i32 to index
            %get3A_577 = arith.constant 48 : index
            %get3A_578 = tpu.vector_load %arg6[%get3A_576, %get3A_577] {strides = array<i32>} : memref<160x128xf32, #tpu.memory_space<vmem>>, vector<1x16xf32>,
            %get3A_579 = vector.shape_cast %get3A_578 : vector<1x16xf32> to vector<16xf32>
            %add3A_580 = arith.constant 5 : i32
            %add3A_581 = arith.addi %mul3A_98, %add3A_580 : i32
            %get3A_582 = arith.index_cast %add3A_581 : i32 to index
            %get3A_583 = arith.constant 64 : index
            %get3A_584 = tpu.vector_load %arg6[%get3A_582, %get3A_583] {strides = array<i32>} : memref<160x128xf32, #tpu.memory_space<vmem>>, vector<1x16xf32>,
            %get3A_585 = vector.shape_cast %get3A_584 : vector<1x16xf32> to vector<16xf32>
            %add3A_586 = arith.constant 5 : i32
            %add3A_587 = arith.addi %mul3A_98, %add3A_586 : i32
            %get3A_588 = arith.index_cast %add3A_587 : i32 to index
            %get3A_589 = arith.constant 80 : index
            %get3A_590 = tpu.vector_load %arg6[%get3A_588, %get3A_589] {strides = array<i32>} : memref<160x128xf32, #tpu.memory_space<vmem>>, vector<1x16xf32>,
            %get3A_591 = vector.shape_cast %get3A_590 : vector<1x16xf32> to vector<16xf32>
            %add3A_592 = arith.constant 5 : i32
            %add3A_593 = arith.addi %mul3A_98, %add3A_592 : i32
            %get3A_594 = arith.index_cast %add3A_593 : i32 to index
            %get3A_595 = arith.constant 96 : index
            %get3A_596 = tpu.vector_load %arg6[%get3A_594, %get3A_595] {strides = array<i32>} : memref<160x128xf32, #tpu.memory_space<vmem>>, vector<1x16xf32>,
            %get3A_597 = vector.shape_cast %get3A_596 : vector<1x16xf32> to vector<16xf32>
            %add3A_598 = arith.constant 5 : i32
            %add3A_599 = arith.addi %mul3A_98, %add3A_598 : i32
            %get3A_600 = arith.index_cast %add3A_599 : i32 to index
            %get3A_601 = arith.constant 112 : index
            %get3A_602 = tpu.vector_load %arg6[%get3A_600, %get3A_601] {strides = array<i32>} : memref<160x128xf32, #tpu.memory_space<vmem>>, vector<1x16xf32>,
            %get3A_603 = vector.shape_cast %get3A_602 : vector<1x16xf32> to vector<16xf32>
            %swap3A_604 = arith.index_cast %squeeze3A_555 : i32 to index
            %swap3A_605 = arith.constant 0 : index
            %swap3A_606 = tpu.vector_load %arg9[%swap3A_604, %swap3A_605] {strides = array<i32>} : memref<256x128xf32, #tpu.memory_space<vmem>>, vector<1x16xf32>,
            %swap3A_607 = vector.shape_cast %swap3A_606 : vector<1x16xf32> to vector<16xf32>
            %swap3A_608 = vector.shape_cast %get3A_561 : vector<16xf32> to vector<1x16xf32>
            tpu.vector_store %arg9[%swap3A_604, %swap3A_605], %swap3A_608 {add = true, strides = array<i32>} : memref<256x128xf32, #tpu.memory_space<vmem>>, vector<1x16xf32>,
            %swap3A_609 = arith.index_cast %squeeze3A_555 : i32 to index
            %swap3A_610 = arith.constant 16 : index
            %swap3A_611 = tpu.vector_load %arg9[%swap3A_609, %swap3A_610] {strides = array<i32>} : memref<256x128xf32, #tpu.memory_space<vmem>>, vector<1x16xf32>,
            %swap3A_612 = vector.shape_cast %swap3A_611 : vector<1x16xf32> to vector<16xf32>
            %swap3A_613 = vector.shape_cast %get3A_567 : vector<16xf32> to vector<1x16xf32>
            tpu.vector_store %arg9[%swap3A_609, %swap3A_610], %swap3A_613 {add = true, strides = array<i32>} : memref<256x128xf32, #tpu.memory_space<vmem>>, vector<1x16xf32>,
            %swap3A_614 = arith.index_cast %squeeze3A_555 : i32 to index
            %swap3A_615 = arith.constant 32 : index
            %swap3A_616 = tpu.vector_load %arg9[%swap3A_614, %swap3A_615] {strides = array<i32>} : memref<256x128xf32, #tpu.memory_space<vmem>>, vector<1x16xf32>,
            %swap3A_617 = vector.shape_cast %swap3A_616 : vector<1x16xf32> to vector<16xf32>
            %swap3A_618 = vector.shape_cast %get3A_573 : vector<16xf32> to vector<1x16xf32>
            tpu.vector_store %arg9[%swap3A_614, %swap3A_615], %swap3A_618 {add = true, strides = array<i32>} : memref<256x128xf32, #tpu.memory_space<vmem>>, vector<1x16xf32>,
            %swap3A_619 = arith.index_cast %squeeze3A_555 : i32 to index
            %swap3A_620 = arith.constant 48 : index
            %swap3A_621 = tpu.vector_load %arg9[%swap3A_619, %swap3A_620] {strides = array<i32>} : memref<256x128xf32, #tpu.memory_space<vmem>>, vector<1x16xf32>,
            %swap3A_622 = vector.shape_cast %swap3A_621 : vector<1x16xf32> to vector<16xf32>
            %swap3A_623 = vector.shape_cast %get3A_579 : vector<16xf32> to vector<1x16xf32>
            tpu.vector_store %arg9[%swap3A_619, %swap3A_620], %swap3A_623 {add = true, strides = array<i32>} : memref<256x128xf32, #tpu.memory_space<vmem>>, vector<1x16xf32>,
            %swap3A_624 = arith.index_cast %squeeze3A_555 : i32 to index
            %swap3A_625 = arith.constant 64 : index
            %swap3A_626 = tpu.vector_load %arg9[%swap3A_624, %swap3A_625] {strides = array<i32>} : memref<256x128xf32, #tpu.memory_space<vmem>>, vector<1x16xf32>,
            %swap3A_627 = vector.shape_cast %swap3A_626 : vector<1x16xf32> to vector<16xf32>
            %swap3A_628 = vector.shape_cast %get3A_585 : vector<16xf32> to vector<1x16xf32>
            tpu.vector_store %arg9[%swap3A_624, %swap3A_625], %swap3A_628 {add = true, strides = array<i32>} : memref<256x128xf32, #tpu.memory_space<vmem>>, vector<1x16xf32>,
            %swap3A_629 = arith.index_cast %squeeze3A_555 : i32 to index
            %swap3A_630 = arith.constant 80 : index
            %swap3A_631 = tpu.vector_load %arg9[%swap3A_629, %swap3A_630] {strides = array<i32>} : memref<256x128xf32, #tpu.memory_space<vmem>>, vector<1x16xf32>,
            %swap3A_632 = vector.shape_cast %swap3A_631 : vector<1x16xf32> to vector<16xf32>
            %swap3A_633 = vector.shape_cast %get3A_591 : vector<16xf32> to vector<1x16xf32>
            tpu.vector_store %arg9[%swap3A_629, %swap3A_630], %swap3A_633 {add = true, strides = array<i32>} : memref<256x128xf32, #tpu.memory_space<vmem>>, vector<1x16xf32>,
            %swap3A_634 = arith.index_cast %squeeze3A_555 : i32 to index
            %swap3A_635 = arith.constant 96 : index
            %swap3A_636 = tpu.vector_load %arg9[%swap3A_634, %swap3A_635] {strides = array<i32>} : memref<256x128xf32, #tpu.memory_space<vmem>>, vector<1x16xf32>,
            %swap3A_637 = vector.shape_cast %swap3A_636 : vector<1x16xf32> to vector<16xf32>
            %swap3A_638 = vector.shape_cast %get3A_597 : vector<16xf32> to vector<1x16xf32>
            tpu.vector_store %arg9[%swap3A_634, %swap3A_635], %swap3A_638 {add = true, strides = array<i32>} : memref<256x128xf32, #tpu.memory_space<vmem>>, vector<1x16xf32>,
            %swap3A_639 = arith.index_cast %squeeze3A_555 : i32 to index
            %swap3A_640 = arith.constant 112 : index
            %swap3A_641 = tpu.vector_load %arg9[%swap3A_639, %swap3A_640] {strides = array<i32>} : memref<256x128xf32, #tpu.memory_space<vmem>>, vector<1x16xf32>,
            %swap3A_642 = vector.shape_cast %swap3A_641 : vector<1x16xf32> to vector<16xf32>
            %swap3A_643 = vector.shape_cast %get3A_603 : vector<16xf32> to vector<1x16xf32>
            tpu.vector_store %arg9[%swap3A_639, %swap3A_640], %swap3A_643 {add = true, strides = array<i32>} : memref<256x128xf32, #tpu.memory_space<vmem>>, vector<1x16xf32>,
            %slice3A_644 = vector.extract_strided_slice %get3A_96 {offsets = [6], sizes = [1], strides = [1]} : vector<16xi32> to vector<1xi32>
            %squeeze3A_645 = vector.extract %slice3A_644[0] : i32 from vector<1xi32>
            %add3A_646 = arith.constant 6 : i32
            %add3A_647 = arith.addi %mul3A_98, %add3A_646 : i32
            %get3A_648 = arith.index_cast %add3A_647 : i32 to index
            %get3A_649 = arith.constant 0 : index
            %get3A_650 = tpu.vector_load %arg6[%get3A_648, %get3A_649] {strides = array<i32>} : memref<160x128xf32, #tpu.memory_space<vmem>>, vector<1x16xf32>,
            %get3A_651 = vector.shape_cast %get3A_650 : vector<1x16xf32> to vector<16xf32>
            %add3A_652 = arith.constant 6 : i32
            %add3A_653 = arith.addi %mul3A_98, %add3A_652 : i32
            %get3A_654 = arith.index_cast %add3A_653 : i32 to index
            %get3A_655 = arith.constant 16 : index
            %get3A_656 = tpu.vector_load %arg6[%get3A_654, %get3A_655] {strides = array<i32>} : memref<160x128xf32, #tpu.memory_space<vmem>>, vector<1x16xf32>,
            %get3A_657 = vector.shape_cast %get3A_656 : vector<1x16xf32> to vector<16xf32>
            %add3A_658 = arith.constant 6 : i32
            %add3A_659 = arith.addi %mul3A_98, %add3A_658 : i32
            %get3A_660 = arith.index_cast %add3A_659 : i32 to index
            %get3A_661 = arith.constant 32 : index
            %get3A_662 = tpu.vector_load %arg6[%get3A_660, %get3A_661] {strides = array<i32>} : memref<160x128xf32, #tpu.memory_space<vmem>>, vector<1x16xf32>,
            %get3A_663 = vector.shape_cast %get3A_662 : vector<1x16xf32> to vector<16xf32>
            %add3A_664 = arith.constant 6 : i32
            %add3A_665 = arith.addi %mul3A_98, %add3A_664 : i32
            %get3A_666 = arith.index_cast %add3A_665 : i32 to index
            %get3A_667 = arith.constant 48 : index
            %get3A_668 = tpu.vector_load %arg6[%get3A_666, %get3A_667] {strides = array<i32>} : memref<160x128xf32, #tpu.memory_space<vmem>>, vector<1x16xf32>,
            %get3A_669 = vector.shape_cast %get3A_668 : vector<1x16xf32> to vector<16xf32>
            %add3A_670 = arith.constant 6 : i32
            %add3A_671 = arith.addi %mul3A_98, %add3A_670 : i32
            %get3A_672 = arith.index_cast %add3A_671 : i32 to index
            %get3A_673 = arith.constant 64 : index
            %get3A_674 = tpu.vector_load %arg6[%get3A_672, %get3A_673] {strides = array<i32>} : memref<160x128xf32, #tpu.memory_space<vmem>>, vector<1x16xf32>,
            %get3A_675 = vector.shape_cast %get3A_674 : vector<1x16xf32> to vector<16xf32>
            %add3A_676 = arith.constant 6 : i32
            %add3A_677 = arith.addi %mul3A_98, %add3A_676 : i32
            %get3A_678 = arith.index_cast %add3A_677 : i32 to index
            %get3A_679 = arith.constant 80 : index
            %get3A_680 = tpu.vector_load %arg6[%get3A_678, %get3A_679] {strides = array<i32>} : memref<160x128xf32, #tpu.memory_space<vmem>>, vector<1x16xf32>,
            %get3A_681 = vector.shape_cast %get3A_680 : vector<1x16xf32> to vector<16xf32>
            %add3A_682 = arith.constant 6 : i32
            %add3A_683 = arith.addi %mul3A_98, %add3A_682 : i32
            %get3A_684 = arith.index_cast %add3A_683 : i32 to index
            %get3A_685 = arith.constant 96 : index
            %get3A_686 = tpu.vector_load %arg6[%get3A_684, %get3A_685] {strides = array<i32>} : memref<160x128xf32, #tpu.memory_space<vmem>>, vector<1x16xf32>,
            %get3A_687 = vector.shape_cast %get3A_686 : vector<1x16xf32> to vector<16xf32>
            %add3A_688 = arith.constant 6 : i32
            %add3A_689 = arith.addi %mul3A_98, %add3A_688 : i32
            %get3A_690 = arith.index_cast %add3A_689 : i32 to index
            %get3A_691 = arith.constant 112 : index
            %get3A_692 = tpu.vector_load %arg6[%get3A_690, %get3A_691] {strides = array<i32>} : memref<160x128xf32, #tpu.memory_space<vmem>>, vector<1x16xf32>,
            %get3A_693 = vector.shape_cast %get3A_692 : vector<1x16xf32> to vector<16xf32>
            %swap3A_694 = arith.index_cast %squeeze3A_645 : i32 to index
            %swap3A_695 = arith.constant 0 : index
            %swap3A_696 = tpu.vector_load %arg9[%swap3A_694, %swap3A_695] {strides = array<i32>} : memref<256x128xf32, #tpu.memory_space<vmem>>, vector<1x16xf32>,
            %swap3A_697 = vector.shape_cast %swap3A_696 : vector<1x16xf32> to vector<16xf32>
            %swap3A_698 = vector.shape_cast %get3A_651 : vector<16xf32> to vector<1x16xf32>
            tpu.vector_store %arg9[%swap3A_694, %swap3A_695], %swap3A_698 {add = true, strides = array<i32>} : memref<256x128xf32, #tpu.memory_space<vmem>>, vector<1x16xf32>,
            %swap3A_699 = arith.index_cast %squeeze3A_645 : i32 to index
            %swap3A_700 = arith.constant 16 : index
            %swap3A_701 = tpu.vector_load %arg9[%swap3A_699, %swap3A_700] {strides = array<i32>} : memref<256x128xf32, #tpu.memory_space<vmem>>, vector<1x16xf32>,
            %swap3A_702 = vector.shape_cast %swap3A_701 : vector<1x16xf32> to vector<16xf32>
            %swap3A_703 = vector.shape_cast %get3A_657 : vector<16xf32> to vector<1x16xf32>
            tpu.vector_store %arg9[%swap3A_699, %swap3A_700], %swap3A_703 {add = true, strides = array<i32>} : memref<256x128xf32, #tpu.memory_space<vmem>>, vector<1x16xf32>,
            %swap3A_704 = arith.index_cast %squeeze3A_645 : i32 to index
            %swap3A_705 = arith.constant 32 : index
            %swap3A_706 = tpu.vector_load %arg9[%swap3A_704, %swap3A_705] {strides = array<i32>} : memref<256x128xf32, #tpu.memory_space<vmem>>, vector<1x16xf32>,
            %swap3A_707 = vector.shape_cast %swap3A_706 : vector<1x16xf32> to vector<16xf32>
            %swap3A_708 = vector.shape_cast %get3A_663 : vector<16xf32> to vector<1x16xf32>
            tpu.vector_store %arg9[%swap3A_704, %swap3A_705], %swap3A_708 {add = true, strides = array<i32>} : memref<256x128xf32, #tpu.memory_space<vmem>>, vector<1x16xf32>,
            %swap3A_709 = arith.index_cast %squeeze3A_645 : i32 to index
            %swap3A_710 = arith.constant 48 : index
            %swap3A_711 = tpu.vector_load %arg9[%swap3A_709, %swap3A_710] {strides = array<i32>} : memref<256x128xf32, #tpu.memory_space<vmem>>, vector<1x16xf32>,
            %swap3A_712 = vector.shape_cast %swap3A_711 : vector<1x16xf32> to vector<16xf32>
            %swap3A_713 = vector.shape_cast %get3A_669 : vector<16xf32> to vector<1x16xf32>
            tpu.vector_store %arg9[%swap3A_709, %swap3A_710], %swap3A_713 {add = true, strides = array<i32>} : memref<256x128xf32, #tpu.memory_space<vmem>>, vector<1x16xf32>,
            %swap3A_714 = arith.index_cast %squeeze3A_645 : i32 to index
            %swap3A_715 = arith.constant 64 : index
            %swap3A_716 = tpu.vector_load %arg9[%swap3A_714, %swap3A_715] {strides = array<i32>} : memref<256x128xf32, #tpu.memory_space<vmem>>, vector<1x16xf32>,
            %swap3A_717 = vector.shape_cast %swap3A_716 : vector<1x16xf32> to vector<16xf32>
            %swap3A_718 = vector.shape_cast %get3A_675 : vector<16xf32> to vector<1x16xf32>
            tpu.vector_store %arg9[%swap3A_714, %swap3A_715], %swap3A_718 {add = true, strides = array<i32>} : memref<256x128xf32, #tpu.memory_space<vmem>>, vector<1x16xf32>,
            %swap3A_719 = arith.index_cast %squeeze3A_645 : i32 to index
            %swap3A_720 = arith.constant 80 : index
            %swap3A_721 = tpu.vector_load %arg9[%swap3A_719, %swap3A_720] {strides = array<i32>} : memref<256x128xf32, #tpu.memory_space<vmem>>, vector<1x16xf32>,
            %swap3A_722 = vector.shape_cast %swap3A_721 : vector<1x16xf32> to vector<16xf32>
            %swap3A_723 = vector.shape_cast %get3A_681 : vector<16xf32> to vector<1x16xf32>
            tpu.vector_store %arg9[%swap3A_719, %swap3A_720], %swap3A_723 {add = true, strides = array<i32>} : memref<256x128xf32, #tpu.memory_space<vmem>>, vector<1x16xf32>,
            %swap3A_724 = arith.index_cast %squeeze3A_645 : i32 to index
            %swap3A_725 = arith.constant 96 : index
            %swap3A_726 = tpu.vector_load %arg9[%swap3A_724, %swap3A_725] {strides = array<i32>} : memref<256x128xf32, #tpu.memory_space<vmem>>, vector<1x16xf32>,
            %swap3A_727 = vector.shape_cast %swap3A_726 : vector<1x16xf32> to vector<16xf32>
            %swap3A_728 = vector.shape_cast %get3A_687 : vector<16xf32> to vector<1x16xf32>
            tpu.vector_store %arg9[%swap3A_724, %swap3A_725], %swap3A_728 {add = true, strides = array<i32>} : memref<256x128xf32, #tpu.memory_space<vmem>>, vector<1x16xf32>,
            %swap3A_729 = arith.index_cast %squeeze3A_645 : i32 to index
            %swap3A_730 = arith.constant 112 : index
            %swap3A_731 = tpu.vector_load %arg9[%swap3A_729, %swap3A_730] {strides = array<i32>} : memref<256x128xf32, #tpu.memory_space<vmem>>, vector<1x16xf32>,
            %swap3A_732 = vector.shape_cast %swap3A_731 : vector<1x16xf32> to vector<16xf32>
            %swap3A_733 = vector.shape_cast %get3A_693 : vector<16xf32> to vector<1x16xf32>
            tpu.vector_store %arg9[%swap3A_729, %swap3A_730], %swap3A_733 {add = true, strides = array<i32>} : memref<256x128xf32, #tpu.memory_space<vmem>>, vector<1x16xf32>,
            %slice3A_734 = vector.extract_strided_slice %get3A_96 {offsets = [7], sizes = [1], strides = [1]} : vector<16xi32> to vector<1xi32>
            %squeeze3A_735 = vector.extract %slice3A_734[0] : i32 from vector<1xi32>
            %add3A_736 = arith.constant 7 : i32
            %add3A_737 = arith.addi %mul3A_98, %add3A_736 : i32
            %get3A_738 = arith.index_cast %add3A_737 : i32 to index
            %get3A_739 = arith.constant 0 : index
            %get3A_740 = tpu.vector_load %arg6[%get3A_738, %get3A_739] {strides = array<i32>} : memref<160x128xf32, #tpu.memory_space<vmem>>, vector<1x16xf32>,
            %get3A_741 = vector.shape_cast %get3A_740 : vector<1x16xf32> to vector<16xf32>
            %add3A_742 = arith.constant 7 : i32
            %add3A_743 = arith.addi %mul3A_98, %add3A_742 : i32
            %get3A_744 = arith.index_cast %add3A_743 : i32 to index
            %get3A_745 = arith.constant 16 : index
            %get3A_746 = tpu.vector_load %arg6[%get3A_744, %get3A_745] {strides = array<i32>} : memref<160x128xf32, #tpu.memory_space<vmem>>, vector<1x16xf32>,
            %get3A_747 = vector.shape_cast %get3A_746 : vector<1x16xf32> to vector<16xf32>
            %add3A_748 = arith.constant 7 : i32
            %add3A_749 = arith.addi %mul3A_98, %add3A_748 : i32
            %get3A_750 = arith.index_cast %add3A_749 : i32 to index
            %get3A_751 = arith.constant 32 : index
            %get3A_752 = tpu.vector_load %arg6[%get3A_750, %get3A_751] {strides = array<i32>} : memref<160x128xf32, #tpu.memory_space<vmem>>, vector<1x16xf32>,
            %get3A_753 = vector.shape_cast %get3A_752 : vector<1x16xf32> to vector<16xf32>
            %add3A_754 = arith.constant 7 : i32
            %add3A_755 = arith.addi %mul3A_98, %add3A_754 : i32
            %get3A_756 = arith.index_cast %add3A_755 : i32 to index
            %get3A_757 = arith.constant 48 : index
            %get3A_758 = tpu.vector_load %arg6[%get3A_756, %get3A_757] {strides = array<i32>} : memref<160x128xf32, #tpu.memory_space<vmem>>, vector<1x16xf32>,
            %get3A_759 = vector.shape_cast %get3A_758 : vector<1x16xf32> to vector<16xf32>
            %add3A_760 = arith.constant 7 : i32
            %add3A_761 = arith.addi %mul3A_98, %add3A_760 : i32
            %get3A_762 = arith.index_cast %add3A_761 : i32 to index
            %get3A_763 = arith.constant 64 : index
            %get3A_764 = tpu.vector_load %arg6[%get3A_762, %get3A_763] {strides = array<i32>} : memref<160x128xf32, #tpu.memory_space<vmem>>, vector<1x16xf32>,
            %get3A_765 = vector.shape_cast %get3A_764 : vector<1x16xf32> to vector<16xf32>
            %add3A_766 = arith.constant 7 : i32
            %add3A_767 = arith.addi %mul3A_98, %add3A_766 : i32
            %get3A_768 = arith.index_cast %add3A_767 : i32 to index
            %get3A_769 = arith.constant 80 : index
            %get3A_770 = tpu.vector_load %arg6[%get3A_768, %get3A_769] {strides = array<i32>} : memref<160x128xf32, #tpu.memory_space<vmem>>, vector<1x16xf32>,
            %get3A_771 = vector.shape_cast %get3A_770 : vector<1x16xf32> to vector<16xf32>
            %add3A_772 = arith.constant 7 : i32
            %add3A_773 = arith.addi %mul3A_98, %add3A_772 : i32
            %get3A_774 = arith.index_cast %add3A_773 : i32 to index
            %get3A_775 = arith.constant 96 : index
            %get3A_776 = tpu.vector_load %arg6[%get3A_774, %get3A_775] {strides = array<i32>} : memref<160x128xf32, #tpu.memory_space<vmem>>, vector<1x16xf32>,
            %get3A_777 = vector.shape_cast %get3A_776 : vector<1x16xf32> to vector<16xf32>
            %add3A_778 = arith.constant 7 : i32
            %add3A_779 = arith.addi %mul3A_98, %add3A_778 : i32
            %get3A_780 = arith.index_cast %add3A_779 : i32 to index
            %get3A_781 = arith.constant 112 : index
            %get3A_782 = tpu.vector_load %arg6[%get3A_780, %get3A_781] {strides = array<i32>} : memref<160x128xf32, #tpu.memory_space<vmem>>, vector<1x16xf32>,
            %get3A_783 = vector.shape_cast %get3A_782 : vector<1x16xf32> to vector<16xf32>
            %swap3A_784 = arith.index_cast %squeeze3A_735 : i32 to index
            %swap3A_785 = arith.constant 0 : index
            %swap3A_786 = tpu.vector_load %arg9[%swap3A_784, %swap3A_785] {strides = array<i32>} : memref<256x128xf32, #tpu.memory_space<vmem>>, vector<1x16xf32>,
            %swap3A_787 = vector.shape_cast %swap3A_786 : vector<1x16xf32> to vector<16xf32>
            %swap3A_788 = vector.shape_cast %get3A_741 : vector<16xf32> to vector<1x16xf32>
            tpu.vector_store %arg9[%swap3A_784, %swap3A_785], %swap3A_788 {add = true, strides = array<i32>} : memref<256x128xf32, #tpu.memory_space<vmem>>, vector<1x16xf32>,
            %swap3A_789 = arith.index_cast %squeeze3A_735 : i32 to index
            %swap3A_790 = arith.constant 16 : index
            %swap3A_791 = tpu.vector_load %arg9[%swap3A_789, %swap3A_790] {strides = array<i32>} : memref<256x128xf32, #tpu.memory_space<vmem>>, vector<1x16xf32>,
            %swap3A_792 = vector.shape_cast %swap3A_791 : vector<1x16xf32> to vector<16xf32>
            %swap3A_793 = vector.shape_cast %get3A_747 : vector<16xf32> to vector<1x16xf32>
            tpu.vector_store %arg9[%swap3A_789, %swap3A_790], %swap3A_793 {add = true, strides = array<i32>} : memref<256x128xf32, #tpu.memory_space<vmem>>, vector<1x16xf32>,
            %swap3A_794 = arith.index_cast %squeeze3A_735 : i32 to index
            %swap3A_795 = arith.constant 32 : index
            %swap3A_796 = tpu.vector_load %arg9[%swap3A_794, %swap3A_795] {strides = array<i32>} : memref<256x128xf32, #tpu.memory_space<vmem>>, vector<1x16xf32>,
            %swap3A_797 = vector.shape_cast %swap3A_796 : vector<1x16xf32> to vector<16xf32>
            %swap3A_798 = vector.shape_cast %get3A_753 : vector<16xf32> to vector<1x16xf32>
            tpu.vector_store %arg9[%swap3A_794, %swap3A_795], %swap3A_798 {add = true, strides = array<i32>} : memref<256x128xf32, #tpu.memory_space<vmem>>, vector<1x16xf32>,
            %swap3A_799 = arith.index_cast %squeeze3A_735 : i32 to index
            %swap3A_800 = arith.constant 48 : index
            %swap3A_801 = tpu.vector_load %arg9[%swap3A_799, %swap3A_800] {strides = array<i32>} : memref<256x128xf32, #tpu.memory_space<vmem>>, vector<1x16xf32>,
            %swap3A_802 = vector.shape_cast %swap3A_801 : vector<1x16xf32> to vector<16xf32>
            %swap3A_803 = vector.shape_cast %get3A_759 : vector<16xf32> to vector<1x16xf32>
            tpu.vector_store %arg9[%swap3A_799, %swap3A_800], %swap3A_803 {add = true, strides = array<i32>} : memref<256x128xf32, #tpu.memory_space<vmem>>, vector<1x16xf32>,
            %swap3A_804 = arith.index_cast %squeeze3A_735 : i32 to index
            %swap3A_805 = arith.constant 64 : index
            %swap3A_806 = tpu.vector_load %arg9[%swap3A_804, %swap3A_805] {strides = array<i32>} : memref<256x128xf32, #tpu.memory_space<vmem>>, vector<1x16xf32>,
            %swap3A_807 = vector.shape_cast %swap3A_806 : vector<1x16xf32> to vector<16xf32>
            %swap3A_808 = vector.shape_cast %get3A_765 : vector<16xf32> to vector<1x16xf32>
            tpu.vector_store %arg9[%swap3A_804, %swap3A_805], %swap3A_808 {add = true, strides = array<i32>} : memref<256x128xf32, #tpu.memory_space<vmem>>, vector<1x16xf32>,
            %swap3A_809 = arith.index_cast %squeeze3A_735 : i32 to index
            %swap3A_810 = arith.constant 80 : index
            %swap3A_811 = tpu.vector_load %arg9[%swap3A_809, %swap3A_810] {strides = array<i32>} : memref<256x128xf32, #tpu.memory_space<vmem>>, vector<1x16xf32>,
            %swap3A_812 = vector.shape_cast %swap3A_811 : vector<1x16xf32> to vector<16xf32>
            %swap3A_813 = vector.shape_cast %get3A_771 : vector<16xf32> to vector<1x16xf32>
            tpu.vector_store %arg9[%swap3A_809, %swap3A_810], %swap3A_813 {add = true, strides = array<i32>} : memref<256x128xf32, #tpu.memory_space<vmem>>, vector<1x16xf32>,
            %swap3A_814 = arith.index_cast %squeeze3A_735 : i32 to index
            %swap3A_815 = arith.constant 96 : index
            %swap3A_816 = tpu.vector_load %arg9[%swap3A_814, %swap3A_815] {strides = array<i32>} : memref<256x128xf32, #tpu.memory_space<vmem>>, vector<1x16xf32>,
            %swap3A_817 = vector.shape_cast %swap3A_816 : vector<1x16xf32> to vector<16xf32>
            %swap3A_818 = vector.shape_cast %get3A_777 : vector<16xf32> to vector<1x16xf32>
            tpu.vector_store %arg9[%swap3A_814, %swap3A_815], %swap3A_818 {add = true, strides = array<i32>} : memref<256x128xf32, #tpu.memory_space<vmem>>, vector<1x16xf32>,
            %swap3A_819 = arith.index_cast %squeeze3A_735 : i32 to index
            %swap3A_820 = arith.constant 112 : index
            %swap3A_821 = tpu.vector_load %arg9[%swap3A_819, %swap3A_820] {strides = array<i32>} : memref<256x128xf32, #tpu.memory_space<vmem>>, vector<1x16xf32>,
            %swap3A_822 = vector.shape_cast %swap3A_821 : vector<1x16xf32> to vector<16xf32>
            %swap3A_823 = vector.shape_cast %get3A_783 : vector<16xf32> to vector<1x16xf32>
            tpu.vector_store %arg9[%swap3A_819, %swap3A_820], %swap3A_823 {add = true, strides = array<i32>} : memref<256x128xf32, #tpu.memory_space<vmem>>, vector<1x16xf32>,
            %slice3A_824 = vector.extract_strided_slice %get3A_96 {offsets = [8], sizes = [1], strides = [1]} : vector<16xi32> to vector<1xi32>
            %squeeze3A_825 = vector.extract %slice3A_824[0] : i32 from vector<1xi32>
            %add3A_826 = arith.constant 8 : i32
            %add3A_827 = arith.addi %mul3A_98, %add3A_826 : i32
            %get3A_828 = arith.index_cast %add3A_827 : i32 to index
            %get3A_829 = arith.constant 0 : index
            %get3A_830 = tpu.vector_load %arg6[%get3A_828, %get3A_829] {strides = array<i32>} : memref<160x128xf32, #tpu.memory_space<vmem>>, vector<1x16xf32>,
            %get3A_831 = vector.shape_cast %get3A_830 : vector<1x16xf32> to vector<16xf32>
            %add3A_832 = arith.constant 8 : i32
            %add3A_833 = arith.addi %mul3A_98, %add3A_832 : i32
            %get3A_834 = arith.index_cast %add3A_833 : i32 to index
            %get3A_835 = arith.constant 16 : index
            %get3A_836 = tpu.vector_load %arg6[%get3A_834, %get3A_835] {strides = array<i32>} : memref<160x128xf32, #tpu.memory_space<vmem>>, vector<1x16xf32>,
            %get3A_837 = vector.shape_cast %get3A_836 : vector<1x16xf32> to vector<16xf32>
            %add3A_838 = arith.constant 8 : i32
            %add3A_839 = arith.addi %mul3A_98, %add3A_838 : i32
            %get3A_840 = arith.index_cast %add3A_839 : i32 to index
            %get3A_841 = arith.constant 32 : index
            %get3A_842 = tpu.vector_load %arg6[%get3A_840, %get3A_841] {strides = array<i32>} : memref<160x128xf32, #tpu.memory_space<vmem>>, vector<1x16xf32>,
            %get3A_843 = vector.shape_cast %get3A_842 : vector<1x16xf32> to vector<16xf32>
            %add3A_844 = arith.constant 8 : i32
            %add3A_845 = arith.addi %mul3A_98, %add3A_844 : i32
            %get3A_846 = arith.index_cast %add3A_845 : i32 to index
            %get3A_847 = arith.constant 48 : index
            %get3A_848 = tpu.vector_load %arg6[%get3A_846, %get3A_847] {strides = array<i32>} : memref<160x128xf32, #tpu.memory_space<vmem>>, vector<1x16xf32>,
            %get3A_849 = vector.shape_cast %get3A_848 : vector<1x16xf32> to vector<16xf32>
            %add3A_850 = arith.constant 8 : i32
            %add3A_851 = arith.addi %mul3A_98, %add3A_850 : i32
            %get3A_852 = arith.index_cast %add3A_851 : i32 to index
            %get3A_853 = arith.constant 64 : index
            %get3A_854 = tpu.vector_load %arg6[%get3A_852, %get3A_853] {strides = array<i32>} : memref<160x128xf32, #tpu.memory_space<vmem>>, vector<1x16xf32>,
            %get3A_855 = vector.shape_cast %get3A_854 : vector<1x16xf32> to vector<16xf32>
            %add3A_856 = arith.constant 8 : i32
            %add3A_857 = arith.addi %mul3A_98, %add3A_856 : i32
            %get3A_858 = arith.index_cast %add3A_857 : i32 to index
            %get3A_859 = arith.constant 80 : index
            %get3A_860 = tpu.vector_load %arg6[%get3A_858, %get3A_859] {strides = array<i32>} : memref<160x128xf32, #tpu.memory_space<vmem>>, vector<1x16xf32>,
            %get3A_861 = vector.shape_cast %get3A_860 : vector<1x16xf32> to vector<16xf32>
            %add3A_862 = arith.constant 8 : i32
            %add3A_863 = arith.addi %mul3A_98, %add3A_862 : i32
            %get3A_864 = arith.index_cast %add3A_863 : i32 to index
            %get3A_865 = arith.constant 96 : index
            %get3A_866 = tpu.vector_load %arg6[%get3A_864, %get3A_865] {strides = array<i32>} : memref<160x128xf32, #tpu.memory_space<vmem>>, vector<1x16xf32>,
            %get3A_867 = vector.shape_cast %get3A_866 : vector<1x16xf32> to vector<16xf32>
            %add3A_868 = arith.constant 8 : i32
            %add3A_869 = arith.addi %mul3A_98, %add3A_868 : i32
            %get3A_870 = arith.index_cast %add3A_869 : i32 to index
            %get3A_871 = arith.constant 112 : index
            %get3A_872 = tpu.vector_load %arg6[%get3A_870, %get3A_871] {strides = array<i32>} : memref<160x128xf32, #tpu.memory_space<vmem>>, vector<1x16xf32>,
            %get3A_873 = vector.shape_cast %get3A_872 : vector<1x16xf32> to vector<16xf32>
            %swap3A_874 = arith.index_cast %squeeze3A_825 : i32 to index
            %swap3A_875 = arith.constant 0 : index
            %swap3A_876 = tpu.vector_load %arg9[%swap3A_874, %swap3A_875] {strides = array<i32>} : memref<256x128xf32, #tpu.memory_space<vmem>>, vector<1x16xf32>,
            %swap3A_877 = vector.shape_cast %swap3A_876 : vector<1x16xf32> to vector<16xf32>
            %swap3A_878 = vector.shape_cast %get3A_831 : vector<16xf32> to vector<1x16xf32>
            tpu.vector_store %arg9[%swap3A_874, %swap3A_875], %swap3A_878 {add = true, strides = array<i32>} : memref<256x128xf32, #tpu.memory_space<vmem>>, vector<1x16xf32>,
            %swap3A_879 = arith.index_cast %squeeze3A_825 : i32 to index
            %swap3A_880 = arith.constant 16 : index
            %swap3A_881 = tpu.vector_load %arg9[%swap3A_879, %swap3A_880] {strides = array<i32>} : memref<256x128xf32, #tpu.memory_space<vmem>>, vector<1x16xf32>,
            %swap3A_882 = vector.shape_cast %swap3A_881 : vector<1x16xf32> to vector<16xf32>
            %swap3A_883 = vector.shape_cast %get3A_837 : vector<16xf32> to vector<1x16xf32>
            tpu.vector_store %arg9[%swap3A_879, %swap3A_880], %swap3A_883 {add = true, strides = array<i32>} : memref<256x128xf32, #tpu.memory_space<vmem>>, vector<1x16xf32>,
            %swap3A_884 = arith.index_cast %squeeze3A_825 : i32 to index
            %swap3A_885 = arith.constant 32 : index
            %swap3A_886 = tpu.vector_load %arg9[%swap3A_884, %swap3A_885] {strides = array<i32>} : memref<256x128xf32, #tpu.memory_space<vmem>>, vector<1x16xf32>,
            %swap3A_887 = vector.shape_cast %swap3A_886 : vector<1x16xf32> to vector<16xf32>
            %swap3A_888 = vector.shape_cast %get3A_843 : vector<16xf32> to vector<1x16xf32>
            tpu.vector_store %arg9[%swap3A_884, %swap3A_885], %swap3A_888 {add = true, strides = array<i32>} : memref<256x128xf32, #tpu.memory_space<vmem>>, vector<1x16xf32>,
            %swap3A_889 = arith.index_cast %squeeze3A_825 : i32 to index
            %swap3A_890 = arith.constant 48 : index
            %swap3A_891 = tpu.vector_load %arg9[%swap3A_889, %swap3A_890] {strides = array<i32>} : memref<256x128xf32, #tpu.memory_space<vmem>>, vector<1x16xf32>,
            %swap3A_892 = vector.shape_cast %swap3A_891 : vector<1x16xf32> to vector<16xf32>
            %swap3A_893 = vector.shape_cast %get3A_849 : vector<16xf32> to vector<1x16xf32>
            tpu.vector_store %arg9[%swap3A_889, %swap3A_890], %swap3A_893 {add = true, strides = array<i32>} : memref<256x128xf32, #tpu.memory_space<vmem>>, vector<1x16xf32>,
            %swap3A_894 = arith.index_cast %squeeze3A_825 : i32 to index
            %swap3A_895 = arith.constant 64 : index
            %swap3A_896 = tpu.vector_load %arg9[%swap3A_894, %swap3A_895] {strides = array<i32>} : memref<256x128xf32, #tpu.memory_space<vmem>>, vector<1x16xf32>,
            %swap3A_897 = vector.shape_cast %swap3A_896 : vector<1x16xf32> to vector<16xf32>
            %swap3A_898 = vector.shape_cast %get3A_855 : vector<16xf32> to vector<1x16xf32>
            tpu.vector_store %arg9[%swap3A_894, %swap3A_895], %swap3A_898 {add = true, strides = array<i32>} : memref<256x128xf32, #tpu.memory_space<vmem>>, vector<1x16xf32>,
            %swap3A_899 = arith.index_cast %squeeze3A_825 : i32 to index
            %swap3A_900 = arith.constant 80 : index
            %swap3A_901 = tpu.vector_load %arg9[%swap3A_899, %swap3A_900] {strides = array<i32>} : memref<256x128xf32, #tpu.memory_space<vmem>>, vector<1x16xf32>,
            %swap3A_902 = vector.shape_cast %swap3A_901 : vector<1x16xf32> to vector<16xf32>
            %swap3A_903 = vector.shape_cast %get3A_861 : vector<16xf32> to vector<1x16xf32>
            tpu.vector_store %arg9[%swap3A_899, %swap3A_900], %swap3A_903 {add = true, strides = array<i32>} : memref<256x128xf32, #tpu.memory_space<vmem>>, vector<1x16xf32>,
            %swap3A_904 = arith.index_cast %squeeze3A_825 : i32 to index
            %swap3A_905 = arith.constant 96 : index
            %swap3A_906 = tpu.vector_load %arg9[%swap3A_904, %swap3A_905] {strides = array<i32>} : memref<256x128xf32, #tpu.memory_space<vmem>>, vector<1x16xf32>,
            %swap3A_907 = vector.shape_cast %swap3A_906 : vector<1x16xf32> to vector<16xf32>
            %swap3A_908 = vector.shape_cast %get3A_867 : vector<16xf32> to vector<1x16xf32>
            tpu.vector_store %arg9[%swap3A_904, %swap3A_905], %swap3A_908 {add = true, strides = array<i32>} : memref<256x128xf32, #tpu.memory_space<vmem>>, vector<1x16xf32>,
            %swap3A_909 = arith.index_cast %squeeze3A_825 : i32 to index
            %swap3A_910 = arith.constant 112 : index
            %swap3A_911 = tpu.vector_load %arg9[%swap3A_909, %swap3A_910] {strides = array<i32>} : memref<256x128xf32, #tpu.memory_space<vmem>>, vector<1x16xf32>,
            %swap3A_912 = vector.shape_cast %swap3A_911 : vector<1x16xf32> to vector<16xf32>
            %swap3A_913 = vector.shape_cast %get3A_873 : vector<16xf32> to vector<1x16xf32>
            tpu.vector_store %arg9[%swap3A_909, %swap3A_910], %swap3A_913 {add = true, strides = array<i32>} : memref<256x128xf32, #tpu.memory_space<vmem>>, vector<1x16xf32>,
            %slice3A_914 = vector.extract_strided_slice %get3A_96 {offsets = [9], sizes = [1], strides = [1]} : vector<16xi32> to vector<1xi32>
            %squeeze3A_915 = vector.extract %slice3A_914[0] : i32 from vector<1xi32>
            %add3A_916 = arith.constant 9 : i32
            %add3A_917 = arith.addi %mul3A_98, %add3A_916 : i32
            %get3A_918 = arith.index_cast %add3A_917 : i32 to index
            %get3A_919 = arith.constant 0 : index
            %get3A_920 = tpu.vector_load %arg6[%get3A_918, %get3A_919] {strides = array<i32>} : memref<160x128xf32, #tpu.memory_space<vmem>>, vector<1x16xf32>,
            %get3A_921 = vector.shape_cast %get3A_920 : vector<1x16xf32> to vector<16xf32>
            %add3A_922 = arith.constant 9 : i32
            %add3A_923 = arith.addi %mul3A_98, %add3A_922 : i32
            %get3A_924 = arith.index_cast %add3A_923 : i32 to index
            %get3A_925 = arith.constant 16 : index
            %get3A_926 = tpu.vector_load %arg6[%get3A_924, %get3A_925] {strides = array<i32>} : memref<160x128xf32, #tpu.memory_space<vmem>>, vector<1x16xf32>,
            %get3A_927 = vector.shape_cast %get3A_926 : vector<1x16xf32> to vector<16xf32>
            %add3A_928 = arith.constant 9 : i32
            %add3A_929 = arith.addi %mul3A_98, %add3A_928 : i32
            %get3A_930 = arith.index_cast %add3A_929 : i32 to index
            %get3A_931 = arith.constant 32 : index
            %get3A_932 = tpu.vector_load %arg6[%get3A_930, %get3A_931] {strides = array<i32>} : memref<160x128xf32, #tpu.memory_space<vmem>>, vector<1x16xf32>,
            %get3A_933 = vector.shape_cast %get3A_932 : vector<1x16xf32> to vector<16xf32>
            %add3A_934 = arith.constant 9 : i32
            %add3A_935 = arith.addi %mul3A_98, %add3A_934 : i32
            %get3A_936 = arith.index_cast %add3A_935 : i32 to index
            %get3A_937 = arith.constant 48 : index
            %get3A_938 = tpu.vector_load %arg6[%get3A_936, %get3A_937] {strides = array<i32>} : memref<160x128xf32, #tpu.memory_space<vmem>>, vector<1x16xf32>,
            %get3A_939 = vector.shape_cast %get3A_938 : vector<1x16xf32> to vector<16xf32>
            %add3A_940 = arith.constant 9 : i32
            %add3A_941 = arith.addi %mul3A_98, %add3A_940 : i32
            %get3A_942 = arith.index_cast %add3A_941 : i32 to index
            %get3A_943 = arith.constant 64 : index
            %get3A_944 = tpu.vector_load %arg6[%get3A_942, %get3A_943] {strides = array<i32>} : memref<160x128xf32, #tpu.memory_space<vmem>>, vector<1x16xf32>,
            %get3A_945 = vector.shape_cast %get3A_944 : vector<1x16xf32> to vector<16xf32>
            %add3A_946 = arith.constant 9 : i32
            %add3A_947 = arith.addi %mul3A_98, %add3A_946 : i32
            %get3A_948 = arith.index_cast %add3A_947 : i32 to index
            %get3A_949 = arith.constant 80 : index
            %get3A_950 = tpu.vector_load %arg6[%get3A_948, %get3A_949] {strides = array<i32>} : memref<160x128xf32, #tpu.memory_space<vmem>>, vector<1x16xf32>,
            %get3A_951 = vector.shape_cast %get3A_950 : vector<1x16xf32> to vector<16xf32>
            %add3A_952 = arith.constant 9 : i32
            %add3A_953 = arith.addi %mul3A_98, %add3A_952 : i32
            %get3A_954 = arith.index_cast %add3A_953 : i32 to index
            %get3A_955 = arith.constant 96 : index
            %get3A_956 = tpu.vector_load %arg6[%get3A_954, %get3A_955] {strides = array<i32>} : memref<160x128xf32, #tpu.memory_space<vmem>>, vector<1x16xf32>,
            %get3A_957 = vector.shape_cast %get3A_956 : vector<1x16xf32> to vector<16xf32>
            %add3A_958 = arith.constant 9 : i32
            %add3A_959 = arith.addi %mul3A_98, %add3A_958 : i32
            %get3A_960 = arith.index_cast %add3A_959 : i32 to index
            %get3A_961 = arith.constant 112 : index
            %get3A_962 = tpu.vector_load %arg6[%get3A_960, %get3A_961] {strides = array<i32>} : memref<160x128xf32, #tpu.memory_space<vmem>>, vector<1x16xf32>,
            %get3A_963 = vector.shape_cast %get3A_962 : vector<1x16xf32> to vector<16xf32>
            %swap3A_964 = arith.index_cast %squeeze3A_915 : i32 to index
            %swap3A_965 = arith.constant 0 : index
            %swap3A_966 = tpu.vector_load %arg9[%swap3A_964, %swap3A_965] {strides = array<i32>} : memref<256x128xf32, #tpu.memory_space<vmem>>, vector<1x16xf32>,
            %swap3A_967 = vector.shape_cast %swap3A_966 : vector<1x16xf32> to vector<16xf32>
            %swap3A_968 = vector.shape_cast %get3A_921 : vector<16xf32> to vector<1x16xf32>
            tpu.vector_store %arg9[%swap3A_964, %swap3A_965], %swap3A_968 {add = true, strides = array<i32>} : memref<256x128xf32, #tpu.memory_space<vmem>>, vector<1x16xf32>,
            %swap3A_969 = arith.index_cast %squeeze3A_915 : i32 to index
            %swap3A_970 = arith.constant 16 : index
            %swap3A_971 = tpu.vector_load %arg9[%swap3A_969, %swap3A_970] {strides = array<i32>} : memref<256x128xf32, #tpu.memory_space<vmem>>, vector<1x16xf32>,
            %swap3A_972 = vector.shape_cast %swap3A_971 : vector<1x16xf32> to vector<16xf32>
            %swap3A_973 = vector.shape_cast %get3A_927 : vector<16xf32> to vector<1x16xf32>
            tpu.vector_store %arg9[%swap3A_969, %swap3A_970], %swap3A_973 {add = true, strides = array<i32>} : memref<256x128xf32, #tpu.memory_space<vmem>>, vector<1x16xf32>,
            %swap3A_974 = arith.index_cast %squeeze3A_915 : i32 to index
            %swap3A_975 = arith.constant 32 : index
            %swap3A_976 = tpu.vector_load %arg9[%swap3A_974, %swap3A_975] {strides = array<i32>} : memref<256x128xf32, #tpu.memory_space<vmem>>, vector<1x16xf32>,
            %swap3A_977 = vector.shape_cast %swap3A_976 : vector<1x16xf32> to vector<16xf32>
            %swap3A_978 = vector.shape_cast %get3A_933 : vector<16xf32> to vector<1x16xf32>
            tpu.vector_store %arg9[%swap3A_974, %swap3A_975], %swap3A_978 {add = true, strides = array<i32>} : memref<256x128xf32, #tpu.memory_space<vmem>>, vector<1x16xf32>,
            %swap3A_979 = arith.index_cast %squeeze3A_915 : i32 to index
            %swap3A_980 = arith.constant 48 : index
            %swap3A_981 = tpu.vector_load %arg9[%swap3A_979, %swap3A_980] {strides = array<i32>} : memref<256x128xf32, #tpu.memory_space<vmem>>, vector<1x16xf32>,
            %swap3A_982 = vector.shape_cast %swap3A_981 : vector<1x16xf32> to vector<16xf32>
            %swap3A_983 = vector.shape_cast %get3A_939 : vector<16xf32> to vector<1x16xf32>
            tpu.vector_store %arg9[%swap3A_979, %swap3A_980], %swap3A_983 {add = true, strides = array<i32>} : memref<256x128xf32, #tpu.memory_space<vmem>>, vector<1x16xf32>,
            %swap3A_984 = arith.index_cast %squeeze3A_915 : i32 to index
            %swap3A_985 = arith.constant 64 : index
            %swap3A_986 = tpu.vector_load %arg9[%swap3A_984, %swap3A_985] {strides = array<i32>} : memref<256x128xf32, #tpu.memory_space<vmem>>, vector<1x16xf32>,
            %swap3A_987 = vector.shape_cast %swap3A_986 : vector<1x16xf32> to vector<16xf32>
            %swap3A_988 = vector.shape_cast %get3A_945 : vector<16xf32> to vector<1x16xf32>
            tpu.vector_store %arg9[%swap3A_984, %swap3A_985], %swap3A_988 {add = true, strides = array<i32>} : memref<256x128xf32, #tpu.memory_space<vmem>>, vector<1x16xf32>,
            %swap3A_989 = arith.index_cast %squeeze3A_915 : i32 to index
            %swap3A_990 = arith.constant 80 : index
            %swap3A_991 = tpu.vector_load %arg9[%swap3A_989, %swap3A_990] {strides = array<i32>} : memref<256x128xf32, #tpu.memory_space<vmem>>, vector<1x16xf32>,
            %swap3A_992 = vector.shape_cast %swap3A_991 : vector<1x16xf32> to vector<16xf32>
            %swap3A_993 = vector.shape_cast %get3A_951 : vector<16xf32> to vector<1x16xf32>
            tpu.vector_store %arg9[%swap3A_989, %swap3A_990], %swap3A_993 {add = true, strides = array<i32>} : memref<256x128xf32, #tpu.memory_space<vmem>>, vector<1x16xf32>,
            %swap3A_994 = arith.index_cast %squeeze3A_915 : i32 to index
            %swap3A_995 = arith.constant 96 : index
            %swap3A_996 = tpu.vector_load %arg9[%swap3A_994, %swap3A_995] {strides = array<i32>} : memref<256x128xf32, #tpu.memory_space<vmem>>, vector<1x16xf32>,
            %swap3A_997 = vector.shape_cast %swap3A_996 : vector<1x16xf32> to vector<16xf32>
            %swap3A_998 = vector.shape_cast %get3A_957 : vector<16xf32> to vector<1x16xf32>
            tpu.vector_store %arg9[%swap3A_994, %swap3A_995], %swap3A_998 {add = true, strides = array<i32>} : memref<256x128xf32, #tpu.memory_space<vmem>>, vector<1x16xf32>,
            %swap3A_999 = arith.index_cast %squeeze3A_915 : i32 to index
            %swap3A_1000 = arith.constant 112 : index
            %swap3A_1001 = tpu.vector_load %arg9[%swap3A_999, %swap3A_1000] {strides = array<i32>} : memref<256x128xf32, #tpu.memory_space<vmem>>, vector<1x16xf32>,
            %swap3A_1002 = vector.shape_cast %swap3A_1001 : vector<1x16xf32> to vector<16xf32>
            %swap3A_1003 = vector.shape_cast %get3A_963 : vector<16xf32> to vector<1x16xf32>
            tpu.vector_store %arg9[%swap3A_999, %swap3A_1000], %swap3A_1003 {add = true, strides = array<i32>} : memref<256x128xf32, #tpu.memory_space<vmem>>, vector<1x16xf32>,
            %slice3A_1004 = vector.extract_strided_slice %get3A_96 {offsets = [10], sizes = [1], strides = [1]} : vector<16xi32> to vector<1xi32>
            %squeeze3A_1005 = vector.extract %slice3A_1004[0] : i32 from vector<1xi32>
            %add3A_1006 = arith.constant 10 : i32
            %add3A_1007 = arith.addi %mul3A_98, %add3A_1006 : i32
            %get3A_1008 = arith.index_cast %add3A_1007 : i32 to index
            %get3A_1009 = arith.constant 0 : index
            %get3A_1010 = tpu.vector_load %arg6[%get3A_1008, %get3A_1009] {strides = array<i32>} : memref<160x128xf32, #tpu.memory_space<vmem>>, vector<1x16xf32>,
            %get3A_1011 = vector.shape_cast %get3A_1010 : vector<1x16xf32> to vector<16xf32>
            %add3A_1012 = arith.constant 10 : i32
            %add3A_1013 = arith.addi %mul3A_98, %add3A_1012 : i32
            %get3A_1014 = arith.index_cast %add3A_1013 : i32 to index
            %get3A_1015 = arith.constant 16 : index
            %get3A_1016 = tpu.vector_load %arg6[%get3A_1014, %get3A_1015] {strides = array<i32>} : memref<160x128xf32, #tpu.memory_space<vmem>>, vector<1x16xf32>,
            %get3A_1017 = vector.shape_cast %get3A_1016 : vector<1x16xf32> to vector<16xf32>
            %add3A_1018 = arith.constant 10 : i32
            %add3A_1019 = arith.addi %mul3A_98, %add3A_1018 : i32
            %get3A_1020 = arith.index_cast %add3A_1019 : i32 to index
            %get3A_1021 = arith.constant 32 : index
            %get3A_1022 = tpu.vector_load %arg6[%get3A_1020, %get3A_1021] {strides = array<i32>} : memref<160x128xf32, #tpu.memory_space<vmem>>, vector<1x16xf32>,
            %get3A_1023 = vector.shape_cast %get3A_1022 : vector<1x16xf32> to vector<16xf32>
            %add3A_1024 = arith.constant 10 : i32
            %add3A_1025 = arith.addi %mul3A_98, %add3A_1024 : i32
            %get3A_1026 = arith.index_cast %add3A_1025 : i32 to index
            %get3A_1027 = arith.constant 48 : index
            %get3A_1028 = tpu.vector_load %arg6[%get3A_1026, %get3A_1027] {strides = array<i32>} : memref<160x128xf32, #tpu.memory_space<vmem>>, vector<1x16xf32>,
            %get3A_1029 = vector.shape_cast %get3A_1028 : vector<1x16xf32> to vector<16xf32>
            %add3A_1030 = arith.constant 10 : i32
            %add3A_1031 = arith.addi %mul3A_98, %add3A_1030 : i32
            %get3A_1032 = arith.index_cast %add3A_1031 : i32 to index
            %get3A_1033 = arith.constant 64 : index
            %get3A_1034 = tpu.vector_load %arg6[%get3A_1032, %get3A_1033] {strides = array<i32>} : memref<160x128xf32, #tpu.memory_space<vmem>>, vector<1x16xf32>,
            %get3A_1035 = vector.shape_cast %get3A_1034 : vector<1x16xf32> to vector<16xf32>
            %add3A_1036 = arith.constant 10 : i32
            %add3A_1037 = arith.addi %mul3A_98, %add3A_1036 : i32
            %get3A_1038 = arith.index_cast %add3A_1037 : i32 to index
            %get3A_1039 = arith.constant 80 : index
            %get3A_1040 = tpu.vector_load %arg6[%get3A_1038, %get3A_1039] {strides = array<i32>} : memref<160x128xf32, #tpu.memory_space<vmem>>, vector<1x16xf32>,
            %get3A_1041 = vector.shape_cast %get3A_1040 : vector<1x16xf32> to vector<16xf32>
            %add3A_1042 = arith.constant 10 : i32
            %add3A_1043 = arith.addi %mul3A_98, %add3A_1042 : i32
            %get3A_1044 = arith.index_cast %add3A_1043 : i32 to index
            %get3A_1045 = arith.constant 96 : index
            %get3A_1046 = tpu.vector_load %arg6[%get3A_1044, %get3A_1045] {strides = array<i32>} : memref<160x128xf32, #tpu.memory_space<vmem>>, vector<1x16xf32>,
            %get3A_1047 = vector.shape_cast %get3A_1046 : vector<1x16xf32> to vector<16xf32>
            %add3A_1048 = arith.constant 10 : i32
            %add3A_1049 = arith.addi %mul3A_98, %add3A_1048 : i32
            %get3A_1050 = arith.index_cast %add3A_1049 : i32 to index
            %get3A_1051 = arith.constant 112 : index
            %get3A_1052 = tpu.vector_load %arg6[%get3A_1050, %get3A_1051] {strides = array<i32>} : memref<160x128xf32, #tpu.memory_space<vmem>>, vector<1x16xf32>,
            %get3A_1053 = vector.shape_cast %get3A_1052 : vector<1x16xf32> to vector<16xf32>
            %swap3A_1054 = arith.index_cast %squeeze3A_1005 : i32 to index
            %swap3A_1055 = arith.constant 0 : index
            %swap3A_1056 = tpu.vector_load %arg9[%swap3A_1054, %swap3A_1055] {strides = array<i32>} : memref<256x128xf32, #tpu.memory_space<vmem>>, vector<1x16xf32>,
            %swap3A_1057 = vector.shape_cast %swap3A_1056 : vector<1x16xf32> to vector<16xf32>
            %swap3A_1058 = vector.shape_cast %get3A_1011 : vector<16xf32> to vector<1x16xf32>
            tpu.vector_store %arg9[%swap3A_1054, %swap3A_1055], %swap3A_1058 {add = true, strides = array<i32>} : memref<256x128xf32, #tpu.memory_space<vmem>>, vector<1x16xf32>,
            %swap3A_1059 = arith.index_cast %squeeze3A_1005 : i32 to index
            %swap3A_1060 = arith.constant 16 : index
            %swap3A_1061 = tpu.vector_load %arg9[%swap3A_1059, %swap3A_1060] {strides = array<i32>} : memref<256x128xf32, #tpu.memory_space<vmem>>, vector<1x16xf32>,
            %swap3A_1062 = vector.shape_cast %swap3A_1061 : vector<1x16xf32> to vector<16xf32>
            %swap3A_1063 = vector.shape_cast %get3A_1017 : vector<16xf32> to vector<1x16xf32>
            tpu.vector_store %arg9[%swap3A_1059, %swap3A_1060], %swap3A_1063 {add = true, strides = array<i32>} : memref<256x128xf32, #tpu.memory_space<vmem>>, vector<1x16xf32>,
            %swap3A_1064 = arith.index_cast %squeeze3A_1005 : i32 to index
            %swap3A_1065 = arith.constant 32 : index
            %swap3A_1066 = tpu.vector_load %arg9[%swap3A_1064, %swap3A_1065] {strides = array<i32>} : memref<256x128xf32, #tpu.memory_space<vmem>>, vector<1x16xf32>,
            %swap3A_1067 = vector.shape_cast %swap3A_1066 : vector<1x16xf32> to vector<16xf32>
            %swap3A_1068 = vector.shape_cast %get3A_1023 : vector<16xf32> to vector<1x16xf32>
            tpu.vector_store %arg9[%swap3A_1064, %swap3A_1065], %swap3A_1068 {add = true, strides = array<i32>} : memref<256x128xf32, #tpu.memory_space<vmem>>, vector<1x16xf32>,
            %swap3A_1069 = arith.index_cast %squeeze3A_1005 : i32 to index
            %swap3A_1070 = arith.constant 48 : index
            %swap3A_1071 = tpu.vector_load %arg9[%swap3A_1069, %swap3A_1070] {strides = array<i32>} : memref<256x128xf32, #tpu.memory_space<vmem>>, vector<1x16xf32>,
            %swap3A_1072 = vector.shape_cast %swap3A_1071 : vector<1x16xf32> to vector<16xf32>
            %swap3A_1073 = vector.shape_cast %get3A_1029 : vector<16xf32> to vector<1x16xf32>
            tpu.vector_store %arg9[%swap3A_1069, %swap3A_1070], %swap3A_1073 {add = true, strides = array<i32>} : memref<256x128xf32, #tpu.memory_space<vmem>>, vector<1x16xf32>,
            %swap3A_1074 = arith.index_cast %squeeze3A_1005 : i32 to index
            %swap3A_1075 = arith.constant 64 : index
            %swap3A_1076 = tpu.vector_load %arg9[%swap3A_1074, %swap3A_1075] {strides = array<i32>} : memref<256x128xf32, #tpu.memory_space<vmem>>, vector<1x16xf32>,
            %swap3A_1077 = vector.shape_cast %swap3A_1076 : vector<1x16xf32> to vector<16xf32>
            %swap3A_1078 = vector.shape_cast %get3A_1035 : vector<16xf32> to vector<1x16xf32>
            tpu.vector_store %arg9[%swap3A_1074, %swap3A_1075], %swap3A_1078 {add = true, strides = array<i32>} : memref<256x128xf32, #tpu.memory_space<vmem>>, vector<1x16xf32>,
            %swap3A_1079 = arith.index_cast %squeeze3A_1005 : i32 to index
            %swap3A_1080 = arith.constant 80 : index
            %swap3A_1081 = tpu.vector_load %arg9[%swap3A_1079, %swap3A_1080] {strides = array<i32>} : memref<256x128xf32, #tpu.memory_space<vmem>>, vector<1x16xf32>,
            %swap3A_1082 = vector.shape_cast %swap3A_1081 : vector<1x16xf32> to vector<16xf32>
            %swap3A_1083 = vector.shape_cast %get3A_1041 : vector<16xf32> to vector<1x16xf32>
            tpu.vector_store %arg9[%swap3A_1079, %swap3A_1080], %swap3A_1083 {add = true, strides = array<i32>} : memref<256x128xf32, #tpu.memory_space<vmem>>, vector<1x16xf32>,
            %swap3A_1084 = arith.index_cast %squeeze3A_1005 : i32 to index
            %swap3A_1085 = arith.constant 96 : index
            %swap3A_1086 = tpu.vector_load %arg9[%swap3A_1084, %swap3A_1085] {strides = array<i32>} : memref<256x128xf32, #tpu.memory_space<vmem>>, vector<1x16xf32>,
            %swap3A_1087 = vector.shape_cast %swap3A_1086 : vector<1x16xf32> to vector<16xf32>
            %swap3A_1088 = vector.shape_cast %get3A_1047 : vector<16xf32> to vector<1x16xf32>
            tpu.vector_store %arg9[%swap3A_1084, %swap3A_1085], %swap3A_1088 {add = true, strides = array<i32>} : memref<256x128xf32, #tpu.memory_space<vmem>>, vector<1x16xf32>,
            %swap3A_1089 = arith.index_cast %squeeze3A_1005 : i32 to index
            %swap3A_1090 = arith.constant 112 : index
            %swap3A_1091 = tpu.vector_load %arg9[%swap3A_1089, %swap3A_1090] {strides = array<i32>} : memref<256x128xf32, #tpu.memory_space<vmem>>, vector<1x16xf32>,
            %swap3A_1092 = vector.shape_cast %swap3A_1091 : vector<1x16xf32> to vector<16xf32>
            %swap3A_1093 = vector.shape_cast %get3A_1053 : vector<16xf32> to vector<1x16xf32>
            tpu.vector_store %arg9[%swap3A_1089, %swap3A_1090], %swap3A_1093 {add = true, strides = array<i32>} : memref<256x128xf32, #tpu.memory_space<vmem>>, vector<1x16xf32>,
            %slice3A_1094 = vector.extract_strided_slice %get3A_96 {offsets = [11], sizes = [1], strides = [1]} : vector<16xi32> to vector<1xi32>
            %squeeze3A_1095 = vector.extract %slice3A_1094[0] : i32 from vector<1xi32>
            %add3A_1096 = arith.constant 11 : i32
            %add3A_1097 = arith.addi %mul3A_98, %add3A_1096 : i32
            %get3A_1098 = arith.index_cast %add3A_1097 : i32 to index
            %get3A_1099 = arith.constant 0 : index
            %get3A_1100 = tpu.vector_load %arg6[%get3A_1098, %get3A_1099] {strides = array<i32>} : memref<160x128xf32, #tpu.memory_space<vmem>>, vector<1x16xf32>,
            %get3A_1101 = vector.shape_cast %get3A_1100 : vector<1x16xf32> to vector<16xf32>
            %add3A_1102 = arith.constant 11 : i32
            %add3A_1103 = arith.addi %mul3A_98, %add3A_1102 : i32
            %get3A_1104 = arith.index_cast %add3A_1103 : i32 to index
            %get3A_1105 = arith.constant 16 : index
            %get3A_1106 = tpu.vector_load %arg6[%get3A_1104, %get3A_1105] {strides = array<i32>} : memref<160x128xf32, #tpu.memory_space<vmem>>, vector<1x16xf32>,
            %get3A_1107 = vector.shape_cast %get3A_1106 : vector<1x16xf32> to vector<16xf32>
            %add3A_1108 = arith.constant 11 : i32
            %add3A_1109 = arith.addi %mul3A_98, %add3A_1108 : i32
            %get3A_1110 = arith.index_cast %add3A_1109 : i32 to index
            %get3A_1111 = arith.constant 32 : index
            %get3A_1112 = tpu.vector_load %arg6[%get3A_1110, %get3A_1111] {strides = array<i32>} : memref<160x128xf32, #tpu.memory_space<vmem>>, vector<1x16xf32>,
            %get3A_1113 = vector.shape_cast %get3A_1112 : vector<1x16xf32> to vector<16xf32>
            %add3A_1114 = arith.constant 11 : i32
            %add3A_1115 = arith.addi %mul3A_98, %add3A_1114 : i32
            %get3A_1116 = arith.index_cast %add3A_1115 : i32 to index
            %get3A_1117 = arith.constant 48 : index
            %get3A_1118 = tpu.vector_load %arg6[%get3A_1116, %get3A_1117] {strides = array<i32>} : memref<160x128xf32, #tpu.memory_space<vmem>>, vector<1x16xf32>,
            %get3A_1119 = vector.shape_cast %get3A_1118 : vector<1x16xf32> to vector<16xf32>
            %add3A_1120 = arith.constant 11 : i32
            %add3A_1121 = arith.addi %mul3A_98, %add3A_1120 : i32
            %get3A_1122 = arith.index_cast %add3A_1121 : i32 to index
            %get3A_1123 = arith.constant 64 : index
            %get3A_1124 = tpu.vector_load %arg6[%get3A_1122, %get3A_1123] {strides = array<i32>} : memref<160x128xf32, #tpu.memory_space<vmem>>, vector<1x16xf32>,
            %get3A_1125 = vector.shape_cast %get3A_1124 : vector<1x16xf32> to vector<16xf32>
            %add3A_1126 = arith.constant 11 : i32
            %add3A_1127 = arith.addi %mul3A_98, %add3A_1126 : i32
            %get3A_1128 = arith.index_cast %add3A_1127 : i32 to index
            %get3A_1129 = arith.constant 80 : index
            %get3A_1130 = tpu.vector_load %arg6[%get3A_1128, %get3A_1129] {strides = array<i32>} : memref<160x128xf32, #tpu.memory_space<vmem>>, vector<1x16xf32>,
            %get3A_1131 = vector.shape_cast %get3A_1130 : vector<1x16xf32> to vector<16xf32>
            %add3A_1132 = arith.constant 11 : i32
            %add3A_1133 = arith.addi %mul3A_98, %add3A_1132 : i32
            %get3A_1134 = arith.index_cast %add3A_1133 : i32 to index
            %get3A_1135 = arith.constant 96 : index
            %get3A_1136 = tpu.vector_load %arg6[%get3A_1134, %get3A_1135] {strides = array<i32>} : memref<160x128xf32, #tpu.memory_space<vmem>>, vector<1x16xf32>,
            %get3A_1137 = vector.shape_cast %get3A_1136 : vector<1x16xf32> to vector<16xf32>
            %add3A_1138 = arith.constant 11 : i32
            %add3A_1139 = arith.addi %mul3A_98, %add3A_1138 : i32
            %get3A_1140 = arith.index_cast %add3A_1139 : i32 to index
            %get3A_1141 = arith.constant 112 : index
            %get3A_1142 = tpu.vector_load %arg6[%get3A_1140, %get3A_1141] {strides = array<i32>} : memref<160x128xf32, #tpu.memory_space<vmem>>, vector<1x16xf32>,
            %get3A_1143 = vector.shape_cast %get3A_1142 : vector<1x16xf32> to vector<16xf32>
            %swap3A_1144 = arith.index_cast %squeeze3A_1095 : i32 to index
            %swap3A_1145 = arith.constant 0 : index
            %swap3A_1146 = tpu.vector_load %arg9[%swap3A_1144, %swap3A_1145] {strides = array<i32>} : memref<256x128xf32, #tpu.memory_space<vmem>>, vector<1x16xf32>,
            %swap3A_1147 = vector.shape_cast %swap3A_1146 : vector<1x16xf32> to vector<16xf32>
            %swap3A_1148 = vector.shape_cast %get3A_1101 : vector<16xf32> to vector<1x16xf32>
            tpu.vector_store %arg9[%swap3A_1144, %swap3A_1145], %swap3A_1148 {add = true, strides = array<i32>} : memref<256x128xf32, #tpu.memory_space<vmem>>, vector<1x16xf32>,
            %swap3A_1149 = arith.index_cast %squeeze3A_1095 : i32 to index
            %swap3A_1150 = arith.constant 16 : index
            %swap3A_1151 = tpu.vector_load %arg9[%swap3A_1149, %swap3A_1150] {strides = array<i32>} : memref<256x128xf32, #tpu.memory_space<vmem>>, vector<1x16xf32>,
            %swap3A_1152 = vector.shape_cast %swap3A_1151 : vector<1x16xf32> to vector<16xf32>
            %swap3A_1153 = vector.shape_cast %get3A_1107 : vector<16xf32> to vector<1x16xf32>
            tpu.vector_store %arg9[%swap3A_1149, %swap3A_1150], %swap3A_1153 {add = true, strides = array<i32>} : memref<256x128xf32, #tpu.memory_space<vmem>>, vector<1x16xf32>,
            %swap3A_1154 = arith.index_cast %squeeze3A_1095 : i32 to index
            %swap3A_1155 = arith.constant 32 : index
            %swap3A_1156 = tpu.vector_load %arg9[%swap3A_1154, %swap3A_1155] {strides = array<i32>} : memref<256x128xf32, #tpu.memory_space<vmem>>, vector<1x16xf32>,
            %swap3A_1157 = vector.shape_cast %swap3A_1156 : vector<1x16xf32> to vector<16xf32>
            %swap3A_1158 = vector.shape_cast %get3A_1113 : vector<16xf32> to vector<1x16xf32>
            tpu.vector_store %arg9[%swap3A_1154, %swap3A_1155], %swap3A_1158 {add = true, strides = array<i32>} : memref<256x128xf32, #tpu.memory_space<vmem>>, vector<1x16xf32>,
            %swap3A_1159 = arith.index_cast %squeeze3A_1095 : i32 to index
            %swap3A_1160 = arith.constant 48 : index
            %swap3A_1161 = tpu.vector_load %arg9[%swap3A_1159, %swap3A_1160] {strides = array<i32>} : memref<256x128xf32, #tpu.memory_space<vmem>>, vector<1x16xf32>,
            %swap3A_1162 = vector.shape_cast %swap3A_1161 : vector<1x16xf32> to vector<16xf32>
            %swap3A_1163 = vector.shape_cast %get3A_1119 : vector<16xf32> to vector<1x16xf32>
            tpu.vector_store %arg9[%swap3A_1159, %swap3A_1160], %swap3A_1163 {add = true, strides = array<i32>} : memref<256x128xf32, #tpu.memory_space<vmem>>, vector<1x16xf32>,
            %swap3A_1164 = arith.index_cast %squeeze3A_1095 : i32 to index
            %swap3A_1165 = arith.constant 64 : index
            %swap3A_1166 = tpu.vector_load %arg9[%swap3A_1164, %swap3A_1165] {strides = array<i32>} : memref<256x128xf32, #tpu.memory_space<vmem>>, vector<1x16xf32>,
            %swap3A_1167 = vector.shape_cast %swap3A_1166 : vector<1x16xf32> to vector<16xf32>
            %swap3A_1168 = vector.shape_cast %get3A_1125 : vector<16xf32> to vector<1x16xf32>
            tpu.vector_store %arg9[%swap3A_1164, %swap3A_1165], %swap3A_1168 {add = true, strides = array<i32>} : memref<256x128xf32, #tpu.memory_space<vmem>>, vector<1x16xf32>,
            %swap3A_1169 = arith.index_cast %squeeze3A_1095 : i32 to index
            %swap3A_1170 = arith.constant 80 : index
            %swap3A_1171 = tpu.vector_load %arg9[%swap3A_1169, %swap3A_1170] {strides = array<i32>} : memref<256x128xf32, #tpu.memory_space<vmem>>, vector<1x16xf32>,
            %swap3A_1172 = vector.shape_cast %swap3A_1171 : vector<1x16xf32> to vector<16xf32>
            %swap3A_1173 = vector.shape_cast %get3A_1131 : vector<16xf32> to vector<1x16xf32>
            tpu.vector_store %arg9[%swap3A_1169, %swap3A_1170], %swap3A_1173 {add = true, strides = array<i32>} : memref<256x128xf32, #tpu.memory_space<vmem>>, vector<1x16xf32>,
            %swap3A_1174 = arith.index_cast %squeeze3A_1095 : i32 to index
            %swap3A_1175 = arith.constant 96 : index
            %swap3A_1176 = tpu.vector_load %arg9[%swap3A_1174, %swap3A_1175] {strides = array<i32>} : memref<256x128xf32, #tpu.memory_space<vmem>>, vector<1x16xf32>,
            %swap3A_1177 = vector.shape_cast %swap3A_1176 : vector<1x16xf32> to vector<16xf32>
            %swap3A_1178 = vector.shape_cast %get3A_1137 : vector<16xf32> to vector<1x16xf32>
            tpu.vector_store %arg9[%swap3A_1174, %swap3A_1175], %swap3A_1178 {add = true, strides = array<i32>} : memref<256x128xf32, #tpu.memory_space<vmem>>, vector<1x16xf32>,
            %swap3A_1179 = arith.index_cast %squeeze3A_1095 : i32 to index
            %swap3A_1180 = arith.constant 112 : index
            %swap3A_1181 = tpu.vector_load %arg9[%swap3A_1179, %swap3A_1180] {strides = array<i32>} : memref<256x128xf32, #tpu.memory_space<vmem>>, vector<1x16xf32>,
            %swap3A_1182 = vector.shape_cast %swap3A_1181 : vector<1x16xf32> to vector<16xf32>
            %swap3A_1183 = vector.shape_cast %get3A_1143 : vector<16xf32> to vector<1x16xf32>
            tpu.vector_store %arg9[%swap3A_1179, %swap3A_1180], %swap3A_1183 {add = true, strides = array<i32>} : memref<256x128xf32, #tpu.memory_space<vmem>>, vector<1x16xf32>,
            %slice3A_1184 = vector.extract_strided_slice %get3A_96 {offsets = [12], sizes = [1], strides = [1]} : vector<16xi32> to vector<1xi32>
            %squeeze3A_1185 = vector.extract %slice3A_1184[0] : i32 from vector<1xi32>
            %add3A_1186 = arith.constant 12 : i32
            %add3A_1187 = arith.addi %mul3A_98, %add3A_1186 : i32
            %get3A_1188 = arith.index_cast %add3A_1187 : i32 to index
            %get3A_1189 = arith.constant 0 : index
            %get3A_1190 = tpu.vector_load %arg6[%get3A_1188, %get3A_1189] {strides = array<i32>} : memref<160x128xf32, #tpu.memory_space<vmem>>, vector<1x16xf32>,
            %get3A_1191 = vector.shape_cast %get3A_1190 : vector<1x16xf32> to vector<16xf32>
            %add3A_1192 = arith.constant 12 : i32
            %add3A_1193 = arith.addi %mul3A_98, %add3A_1192 : i32
            %get3A_1194 = arith.index_cast %add3A_1193 : i32 to index
            %get3A_1195 = arith.constant 16 : index
            %get3A_1196 = tpu.vector_load %arg6[%get3A_1194, %get3A_1195] {strides = array<i32>} : memref<160x128xf32, #tpu.memory_space<vmem>>, vector<1x16xf32>,
            %get3A_1197 = vector.shape_cast %get3A_1196 : vector<1x16xf32> to vector<16xf32>
            %add3A_1198 = arith.constant 12 : i32
            %add3A_1199 = arith.addi %mul3A_98, %add3A_1198 : i32
            %get3A_1200 = arith.index_cast %add3A_1199 : i32 to index
            %get3A_1201 = arith.constant 32 : index
            %get3A_1202 = tpu.vector_load %arg6[%get3A_1200, %get3A_1201] {strides = array<i32>} : memref<160x128xf32, #tpu.memory_space<vmem>>, vector<1x16xf32>,
            %get3A_1203 = vector.shape_cast %get3A_1202 : vector<1x16xf32> to vector<16xf32>
            %add3A_1204 = arith.constant 12 : i32
            %add3A_1205 = arith.addi %mul3A_98, %add3A_1204 : i32
            %get3A_1206 = arith.index_cast %add3A_1205 : i32 to index
            %get3A_1207 = arith.constant 48 : index
            %get3A_1208 = tpu.vector_load %arg6[%get3A_1206, %get3A_1207] {strides = array<i32>} : memref<160x128xf32, #tpu.memory_space<vmem>>, vector<1x16xf32>,
            %get3A_1209 = vector.shape_cast %get3A_1208 : vector<1x16xf32> to vector<16xf32>
            %add3A_1210 = arith.constant 12 : i32
            %add3A_1211 = arith.addi %mul3A_98, %add3A_1210 : i32
            %get3A_1212 = arith.index_cast %add3A_1211 : i32 to index
            %get3A_1213 = arith.constant 64 : index
            %get3A_1214 = tpu.vector_load %arg6[%get3A_1212, %get3A_1213] {strides = array<i32>} : memref<160x128xf32, #tpu.memory_space<vmem>>, vector<1x16xf32>,
            %get3A_1215 = vector.shape_cast %get3A_1214 : vector<1x16xf32> to vector<16xf32>
            %add3A_1216 = arith.constant 12 : i32
            %add3A_1217 = arith.addi %mul3A_98, %add3A_1216 : i32
            %get3A_1218 = arith.index_cast %add3A_1217 : i32 to index
            %get3A_1219 = arith.constant 80 : index
            %get3A_1220 = tpu.vector_load %arg6[%get3A_1218, %get3A_1219] {strides = array<i32>} : memref<160x128xf32, #tpu.memory_space<vmem>>, vector<1x16xf32>,
            %get3A_1221 = vector.shape_cast %get3A_1220 : vector<1x16xf32> to vector<16xf32>
            %add3A_1222 = arith.constant 12 : i32
            %add3A_1223 = arith.addi %mul3A_98, %add3A_1222 : i32
            %get3A_1224 = arith.index_cast %add3A_1223 : i32 to index
            %get3A_1225 = arith.constant 96 : index
            %get3A_1226 = tpu.vector_load %arg6[%get3A_1224, %get3A_1225] {strides = array<i32>} : memref<160x128xf32, #tpu.memory_space<vmem>>, vector<1x16xf32>,
            %get3A_1227 = vector.shape_cast %get3A_1226 : vector<1x16xf32> to vector<16xf32>
            %add3A_1228 = arith.constant 12 : i32
            %add3A_1229 = arith.addi %mul3A_98, %add3A_1228 : i32
            %get3A_1230 = arith.index_cast %add3A_1229 : i32 to index
            %get3A_1231 = arith.constant 112 : index
            %get3A_1232 = tpu.vector_load %arg6[%get3A_1230, %get3A_1231] {strides = array<i32>} : memref<160x128xf32, #tpu.memory_space<vmem>>, vector<1x16xf32>,
            %get3A_1233 = vector.shape_cast %get3A_1232 : vector<1x16xf32> to vector<16xf32>
            %swap3A_1234 = arith.index_cast %squeeze3A_1185 : i32 to index
            %swap3A_1235 = arith.constant 0 : index
            %swap3A_1236 = tpu.vector_load %arg9[%swap3A_1234, %swap3A_1235] {strides = array<i32>} : memref<256x128xf32, #tpu.memory_space<vmem>>, vector<1x16xf32>,
            %swap3A_1237 = vector.shape_cast %swap3A_1236 : vector<1x16xf32> to vector<16xf32>
            %swap3A_1238 = vector.shape_cast %get3A_1191 : vector<16xf32> to vector<1x16xf32>
            tpu.vector_store %arg9[%swap3A_1234, %swap3A_1235], %swap3A_1238 {add = true, strides = array<i32>} : memref<256x128xf32, #tpu.memory_space<vmem>>, vector<1x16xf32>,
            %swap3A_1239 = arith.index_cast %squeeze3A_1185 : i32 to index
            %swap3A_1240 = arith.constant 16 : index
            %swap3A_1241 = tpu.vector_load %arg9[%swap3A_1239, %swap3A_1240] {strides = array<i32>} : memref<256x128xf32, #tpu.memory_space<vmem>>, vector<1x16xf32>,
            %swap3A_1242 = vector.shape_cast %swap3A_1241 : vector<1x16xf32> to vector<16xf32>
            %swap3A_1243 = vector.shape_cast %get3A_1197 : vector<16xf32> to vector<1x16xf32>
            tpu.vector_store %arg9[%swap3A_1239, %swap3A_1240], %swap3A_1243 {add = true, strides = array<i32>} : memref<256x128xf32, #tpu.memory_space<vmem>>, vector<1x16xf32>,
            %swap3A_1244 = arith.index_cast %squeeze3A_1185 : i32 to index
            %swap3A_1245 = arith.constant 32 : index
            %swap3A_1246 = tpu.vector_load %arg9[%swap3A_1244, %swap3A_1245] {strides = array<i32>} : memref<256x128xf32, #tpu.memory_space<vmem>>, vector<1x16xf32>,
            %swap3A_1247 = vector.shape_cast %swap3A_1246 : vector<1x16xf32> to vector<16xf32>
            %swap3A_1248 = vector.shape_cast %get3A_1203 : vector<16xf32> to vector<1x16xf32>
            tpu.vector_store %arg9[%swap3A_1244, %swap3A_1245], %swap3A_1248 {add = true, strides = array<i32>} : memref<256x128xf32, #tpu.memory_space<vmem>>, vector<1x16xf32>,
            %swap3A_1249 = arith.index_cast %squeeze3A_1185 : i32 to index
            %swap3A_1250 = arith.constant 48 : index
            %swap3A_1251 = tpu.vector_load %arg9[%swap3A_1249, %swap3A_1250] {strides = array<i32>} : memref<256x128xf32, #tpu.memory_space<vmem>>, vector<1x16xf32>,
            %swap3A_1252 = vector.shape_cast %swap3A_1251 : vector<1x16xf32> to vector<16xf32>
            %swap3A_1253 = vector.shape_cast %get3A_1209 : vector<16xf32> to vector<1x16xf32>
            tpu.vector_store %arg9[%swap3A_1249, %swap3A_1250], %swap3A_1253 {add = true, strides = array<i32>} : memref<256x128xf32, #tpu.memory_space<vmem>>, vector<1x16xf32>,
            %swap3A_1254 = arith.index_cast %squeeze3A_1185 : i32 to index
            %swap3A_1255 = arith.constant 64 : index
            %swap3A_1256 = tpu.vector_load %arg9[%swap3A_1254, %swap3A_1255] {strides = array<i32>} : memref<256x128xf32, #tpu.memory_space<vmem>>, vector<1x16xf32>,
            %swap3A_1257 = vector.shape_cast %swap3A_1256 : vector<1x16xf32> to vector<16xf32>
            %swap3A_1258 = vector.shape_cast %get3A_1215 : vector<16xf32> to vector<1x16xf32>
            tpu.vector_store %arg9[%swap3A_1254, %swap3A_1255], %swap3A_1258 {add = true, strides = array<i32>} : memref<256x128xf32, #tpu.memory_space<vmem>>, vector<1x16xf32>,
            %swap3A_1259 = arith.index_cast %squeeze3A_1185 : i32 to index
            %swap3A_1260 = arith.constant 80 : index
            %swap3A_1261 = tpu.vector_load %arg9[%swap3A_1259, %swap3A_1260] {strides = array<i32>} : memref<256x128xf32, #tpu.memory_space<vmem>>, vector<1x16xf32>,
            %swap3A_1262 = vector.shape_cast %swap3A_1261 : vector<1x16xf32> to vector<16xf32>
            %swap3A_1263 = vector.shape_cast %get3A_1221 : vector<16xf32> to vector<1x16xf32>
            tpu.vector_store %arg9[%swap3A_1259, %swap3A_1260], %swap3A_1263 {add = true, strides = array<i32>} : memref<256x128xf32, #tpu.memory_space<vmem>>, vector<1x16xf32>,
            %swap3A_1264 = arith.index_cast %squeeze3A_1185 : i32 to index
            %swap3A_1265 = arith.constant 96 : index
            %swap3A_1266 = tpu.vector_load %arg9[%swap3A_1264, %swap3A_1265] {strides = array<i32>} : memref<256x128xf32, #tpu.memory_space<vmem>>, vector<1x16xf32>,
            %swap3A_1267 = vector.shape_cast %swap3A_1266 : vector<1x16xf32> to vector<16xf32>
            %swap3A_1268 = vector.shape_cast %get3A_1227 : vector<16xf32> to vector<1x16xf32>
            tpu.vector_store %arg9[%swap3A_1264, %swap3A_1265], %swap3A_1268 {add = true, strides = array<i32>} : memref<256x128xf32, #tpu.memory_space<vmem>>, vector<1x16xf32>,
            %swap3A_1269 = arith.index_cast %squeeze3A_1185 : i32 to index
            %swap3A_1270 = arith.constant 112 : index
            %swap3A_1271 = tpu.vector_load %arg9[%swap3A_1269, %swap3A_1270] {strides = array<i32>} : memref<256x128xf32, #tpu.memory_space<vmem>>, vector<1x16xf32>,
            %swap3A_1272 = vector.shape_cast %swap3A_1271 : vector<1x16xf32> to vector<16xf32>
            %swap3A_1273 = vector.shape_cast %get3A_1233 : vector<16xf32> to vector<1x16xf32>
            tpu.vector_store %arg9[%swap3A_1269, %swap3A_1270], %swap3A_1273 {add = true, strides = array<i32>} : memref<256x128xf32, #tpu.memory_space<vmem>>, vector<1x16xf32>,
            %slice3A_1274 = vector.extract_strided_slice %get3A_96 {offsets = [13], sizes = [1], strides = [1]} : vector<16xi32> to vector<1xi32>
            %squeeze3A_1275 = vector.extract %slice3A_1274[0] : i32 from vector<1xi32>
            %add3A_1276 = arith.constant 13 : i32
            %add3A_1277 = arith.addi %mul3A_98, %add3A_1276 : i32
            %get3A_1278 = arith.index_cast %add3A_1277 : i32 to index
            %get3A_1279 = arith.constant 0 : index
            %get3A_1280 = tpu.vector_load %arg6[%get3A_1278, %get3A_1279] {strides = array<i32>} : memref<160x128xf32, #tpu.memory_space<vmem>>, vector<1x16xf32>,
            %get3A_1281 = vector.shape_cast %get3A_1280 : vector<1x16xf32> to vector<16xf32>
            %add3A_1282 = arith.constant 13 : i32
            %add3A_1283 = arith.addi %mul3A_98, %add3A_1282 : i32
            %get3A_1284 = arith.index_cast %add3A_1283 : i32 to index
            %get3A_1285 = arith.constant 16 : index
            %get3A_1286 = tpu.vector_load %arg6[%get3A_1284, %get3A_1285] {strides = array<i32>} : memref<160x128xf32, #tpu.memory_space<vmem>>, vector<1x16xf32>,
            %get3A_1287 = vector.shape_cast %get3A_1286 : vector<1x16xf32> to vector<16xf32>
            %add3A_1288 = arith.constant 13 : i32
            %add3A_1289 = arith.addi %mul3A_98, %add3A_1288 : i32
            %get3A_1290 = arith.index_cast %add3A_1289 : i32 to index
            %get3A_1291 = arith.constant 32 : index
            %get3A_1292 = tpu.vector_load %arg6[%get3A_1290, %get3A_1291] {strides = array<i32>} : memref<160x128xf32, #tpu.memory_space<vmem>>, vector<1x16xf32>,
            %get3A_1293 = vector.shape_cast %get3A_1292 : vector<1x16xf32> to vector<16xf32>
            %add3A_1294 = arith.constant 13 : i32
            %add3A_1295 = arith.addi %mul3A_98, %add3A_1294 : i32
            %get3A_1296 = arith.index_cast %add3A_1295 : i32 to index
            %get3A_1297 = arith.constant 48 : index
            %get3A_1298 = tpu.vector_load %arg6[%get3A_1296, %get3A_1297] {strides = array<i32>} : memref<160x128xf32, #tpu.memory_space<vmem>>, vector<1x16xf32>,
            %get3A_1299 = vector.shape_cast %get3A_1298 : vector<1x16xf32> to vector<16xf32>
            %add3A_1300 = arith.constant 13 : i32
            %add3A_1301 = arith.addi %mul3A_98, %add3A_1300 : i32
            %get3A_1302 = arith.index_cast %add3A_1301 : i32 to index
            %get3A_1303 = arith.constant 64 : index
            %get3A_1304 = tpu.vector_load %arg6[%get3A_1302, %get3A_1303] {strides = array<i32>} : memref<160x128xf32, #tpu.memory_space<vmem>>, vector<1x16xf32>,
            %get3A_1305 = vector.shape_cast %get3A_1304 : vector<1x16xf32> to vector<16xf32>
            %add3A_1306 = arith.constant 13 : i32
            %add3A_1307 = arith.addi %mul3A_98, %add3A_1306 : i32
            %get3A_1308 = arith.index_cast %add3A_1307 : i32 to index
            %get3A_1309 = arith.constant 80 : index
            %get3A_1310 = tpu.vector_load %arg6[%get3A_1308, %get3A_1309] {strides = array<i32>} : memref<160x128xf32, #tpu.memory_space<vmem>>, vector<1x16xf32>,
            %get3A_1311 = vector.shape_cast %get3A_1310 : vector<1x16xf32> to vector<16xf32>
            %add3A_1312 = arith.constant 13 : i32
            %add3A_1313 = arith.addi %mul3A_98, %add3A_1312 : i32
            %get3A_1314 = arith.index_cast %add3A_1313 : i32 to index
            %get3A_1315 = arith.constant 96 : index
            %get3A_1316 = tpu.vector_load %arg6[%get3A_1314, %get3A_1315] {strides = array<i32>} : memref<160x128xf32, #tpu.memory_space<vmem>>, vector<1x16xf32>,
            %get3A_1317 = vector.shape_cast %get3A_1316 : vector<1x16xf32> to vector<16xf32>
            %add3A_1318 = arith.constant 13 : i32
            %add3A_1319 = arith.addi %mul3A_98, %add3A_1318 : i32
            %get3A_1320 = arith.index_cast %add3A_1319 : i32 to index
            %get3A_1321 = arith.constant 112 : index
            %get3A_1322 = tpu.vector_load %arg6[%get3A_1320, %get3A_1321] {strides = array<i32>} : memref<160x128xf32, #tpu.memory_space<vmem>>, vector<1x16xf32>,
            %get3A_1323 = vector.shape_cast %get3A_1322 : vector<1x16xf32> to vector<16xf32>
            %swap3A_1324 = arith.index_cast %squeeze3A_1275 : i32 to index
            %swap3A_1325 = arith.constant 0 : index
            %swap3A_1326 = tpu.vector_load %arg9[%swap3A_1324, %swap3A_1325] {strides = array<i32>} : memref<256x128xf32, #tpu.memory_space<vmem>>, vector<1x16xf32>,
            %swap3A_1327 = vector.shape_cast %swap3A_1326 : vector<1x16xf32> to vector<16xf32>
            %swap3A_1328 = vector.shape_cast %get3A_1281 : vector<16xf32> to vector<1x16xf32>
            tpu.vector_store %arg9[%swap3A_1324, %swap3A_1325], %swap3A_1328 {add = true, strides = array<i32>} : memref<256x128xf32, #tpu.memory_space<vmem>>, vector<1x16xf32>,
            %swap3A_1329 = arith.index_cast %squeeze3A_1275 : i32 to index
            %swap3A_1330 = arith.constant 16 : index
            %swap3A_1331 = tpu.vector_load %arg9[%swap3A_1329, %swap3A_1330] {strides = array<i32>} : memref<256x128xf32, #tpu.memory_space<vmem>>, vector<1x16xf32>,
            %swap3A_1332 = vector.shape_cast %swap3A_1331 : vector<1x16xf32> to vector<16xf32>
            %swap3A_1333 = vector.shape_cast %get3A_1287 : vector<16xf32> to vector<1x16xf32>
            tpu.vector_store %arg9[%swap3A_1329, %swap3A_1330], %swap3A_1333 {add = true, strides = array<i32>} : memref<256x128xf32, #tpu.memory_space<vmem>>, vector<1x16xf32>,
            %swap3A_1334 = arith.index_cast %squeeze3A_1275 : i32 to index
            %swap3A_1335 = arith.constant 32 : index
            %swap3A_1336 = tpu.vector_load %arg9[%swap3A_1334, %swap3A_1335] {strides = array<i32>} : memref<256x128xf32, #tpu.memory_space<vmem>>, vector<1x16xf32>,
            %swap3A_1337 = vector.shape_cast %swap3A_1336 : vector<1x16xf32> to vector<16xf32>
            %swap3A_1338 = vector.shape_cast %get3A_1293 : vector<16xf32> to vector<1x16xf32>
            tpu.vector_store %arg9[%swap3A_1334, %swap3A_1335], %swap3A_1338 {add = true, strides = array<i32>} : memref<256x128xf32, #tpu.memory_space<vmem>>, vector<1x16xf32>,
            %swap3A_1339 = arith.index_cast %squeeze3A_1275 : i32 to index
            %swap3A_1340 = arith.constant 48 : index
            %swap3A_1341 = tpu.vector_load %arg9[%swap3A_1339, %swap3A_1340] {strides = array<i32>} : memref<256x128xf32, #tpu.memory_space<vmem>>, vector<1x16xf32>,
            %swap3A_1342 = vector.shape_cast %swap3A_1341 : vector<1x16xf32> to vector<16xf32>
            %swap3A_1343 = vector.shape_cast %get3A_1299 : vector<16xf32> to vector<1x16xf32>
            tpu.vector_store %arg9[%swap3A_1339, %swap3A_1340], %swap3A_1343 {add = true, strides = array<i32>} : memref<256x128xf32, #tpu.memory_space<vmem>>, vector<1x16xf32>,
            %swap3A_1344 = arith.index_cast %squeeze3A_1275 : i32 to index
            %swap3A_1345 = arith.constant 64 : index
            %swap3A_1346 = tpu.vector_load %arg9[%swap3A_1344, %swap3A_1345] {strides = array<i32>} : memref<256x128xf32, #tpu.memory_space<vmem>>, vector<1x16xf32>,
            %swap3A_1347 = vector.shape_cast %swap3A_1346 : vector<1x16xf32> to vector<16xf32>
            %swap3A_1348 = vector.shape_cast %get3A_1305 : vector<16xf32> to vector<1x16xf32>
            tpu.vector_store %arg9[%swap3A_1344, %swap3A_1345], %swap3A_1348 {add = true, strides = array<i32>} : memref<256x128xf32, #tpu.memory_space<vmem>>, vector<1x16xf32>,
            %swap3A_1349 = arith.index_cast %squeeze3A_1275 : i32 to index
            %swap3A_1350 = arith.constant 80 : index
            %swap3A_1351 = tpu.vector_load %arg9[%swap3A_1349, %swap3A_1350] {strides = array<i32>} : memref<256x128xf32, #tpu.memory_space<vmem>>, vector<1x16xf32>,
            %swap3A_1352 = vector.shape_cast %swap3A_1351 : vector<1x16xf32> to vector<16xf32>
            %swap3A_1353 = vector.shape_cast %get3A_1311 : vector<16xf32> to vector<1x16xf32>
            tpu.vector_store %arg9[%swap3A_1349, %swap3A_1350], %swap3A_1353 {add = true, strides = array<i32>} : memref<256x128xf32, #tpu.memory_space<vmem>>, vector<1x16xf32>,
            %swap3A_1354 = arith.index_cast %squeeze3A_1275 : i32 to index
            %swap3A_1355 = arith.constant 96 : index
            %swap3A_1356 = tpu.vector_load %arg9[%swap3A_1354, %swap3A_1355] {strides = array<i32>} : memref<256x128xf32, #tpu.memory_space<vmem>>, vector<1x16xf32>,
            %swap3A_1357 = vector.shape_cast %swap3A_1356 : vector<1x16xf32> to vector<16xf32>
            %swap3A_1358 = vector.shape_cast %get3A_1317 : vector<16xf32> to vector<1x16xf32>
            tpu.vector_store %arg9[%swap3A_1354, %swap3A_1355], %swap3A_1358 {add = true, strides = array<i32>} : memref<256x128xf32, #tpu.memory_space<vmem>>, vector<1x16xf32>,
            %swap3A_1359 = arith.index_cast %squeeze3A_1275 : i32 to index
            %swap3A_1360 = arith.constant 112 : index
            %swap3A_1361 = tpu.vector_load %arg9[%swap3A_1359, %swap3A_1360] {strides = array<i32>} : memref<256x128xf32, #tpu.memory_space<vmem>>, vector<1x16xf32>,
            %swap3A_1362 = vector.shape_cast %swap3A_1361 : vector<1x16xf32> to vector<16xf32>
            %swap3A_1363 = vector.shape_cast %get3A_1323 : vector<16xf32> to vector<1x16xf32>
            tpu.vector_store %arg9[%swap3A_1359, %swap3A_1360], %swap3A_1363 {add = true, strides = array<i32>} : memref<256x128xf32, #tpu.memory_space<vmem>>, vector<1x16xf32>,
            %slice3A_1364 = vector.extract_strided_slice %get3A_96 {offsets = [14], sizes = [1], strides = [1]} : vector<16xi32> to vector<1xi32>
            %squeeze3A_1365 = vector.extract %slice3A_1364[0] : i32 from vector<1xi32>
            %add3A_1366 = arith.constant 14 : i32
            %add3A_1367 = arith.addi %mul3A_98, %add3A_1366 : i32
            %get3A_1368 = arith.index_cast %add3A_1367 : i32 to index
            %get3A_1369 = arith.constant 0 : index
            %get3A_1370 = tpu.vector_load %arg6[%get3A_1368, %get3A_1369] {strides = array<i32>} : memref<160x128xf32, #tpu.memory_space<vmem>>, vector<1x16xf32>,
            %get3A_1371 = vector.shape_cast %get3A_1370 : vector<1x16xf32> to vector<16xf32>
            %add3A_1372 = arith.constant 14 : i32
            %add3A_1373 = arith.addi %mul3A_98, %add3A_1372 : i32
            %get3A_1374 = arith.index_cast %add3A_1373 : i32 to index
            %get3A_1375 = arith.constant 16 : index
            %get3A_1376 = tpu.vector_load %arg6[%get3A_1374, %get3A_1375] {strides = array<i32>} : memref<160x128xf32, #tpu.memory_space<vmem>>, vector<1x16xf32>,
            %get3A_1377 = vector.shape_cast %get3A_1376 : vector<1x16xf32> to vector<16xf32>
            %add3A_1378 = arith.constant 14 : i32
            %add3A_1379 = arith.addi %mul3A_98, %add3A_1378 : i32
            %get3A_1380 = arith.index_cast %add3A_1379 : i32 to index
            %get3A_1381 = arith.constant 32 : index
            %get3A_1382 = tpu.vector_load %arg6[%get3A_1380, %get3A_1381] {strides = array<i32>} : memref<160x128xf32, #tpu.memory_space<vmem>>, vector<1x16xf32>,
            %get3A_1383 = vector.shape_cast %get3A_1382 : vector<1x16xf32> to vector<16xf32>
            %add3A_1384 = arith.constant 14 : i32
            %add3A_1385 = arith.addi %mul3A_98, %add3A_1384 : i32
            %get3A_1386 = arith.index_cast %add3A_1385 : i32 to index
            %get3A_1387 = arith.constant 48 : index
            %get3A_1388 = tpu.vector_load %arg6[%get3A_1386, %get3A_1387] {strides = array<i32>} : memref<160x128xf32, #tpu.memory_space<vmem>>, vector<1x16xf32>,
            %get3A_1389 = vector.shape_cast %get3A_1388 : vector<1x16xf32> to vector<16xf32>
            %add3A_1390 = arith.constant 14 : i32
            %add3A_1391 = arith.addi %mul3A_98, %add3A_1390 : i32
            %get3A_1392 = arith.index_cast %add3A_1391 : i32 to index
            %get3A_1393 = arith.constant 64 : index
            %get3A_1394 = tpu.vector_load %arg6[%get3A_1392, %get3A_1393] {strides = array<i32>} : memref<160x128xf32, #tpu.memory_space<vmem>>, vector<1x16xf32>,
            %get3A_1395 = vector.shape_cast %get3A_1394 : vector<1x16xf32> to vector<16xf32>
            %add3A_1396 = arith.constant 14 : i32
            %add3A_1397 = arith.addi %mul3A_98, %add3A_1396 : i32
            %get3A_1398 = arith.index_cast %add3A_1397 : i32 to index
            %get3A_1399 = arith.constant 80 : index
            %get3A_1400 = tpu.vector_load %arg6[%get3A_1398, %get3A_1399] {strides = array<i32>} : memref<160x128xf32, #tpu.memory_space<vmem>>, vector<1x16xf32>,
            %get3A_1401 = vector.shape_cast %get3A_1400 : vector<1x16xf32> to vector<16xf32>
            %add3A_1402 = arith.constant 14 : i32
            %add3A_1403 = arith.addi %mul3A_98, %add3A_1402 : i32
            %get3A_1404 = arith.index_cast %add3A_1403 : i32 to index
            %get3A_1405 = arith.constant 96 : index
            %get3A_1406 = tpu.vector_load %arg6[%get3A_1404, %get3A_1405] {strides = array<i32>} : memref<160x128xf32, #tpu.memory_space<vmem>>, vector<1x16xf32>,
            %get3A_1407 = vector.shape_cast %get3A_1406 : vector<1x16xf32> to vector<16xf32>
            %add3A_1408 = arith.constant 14 : i32
            %add3A_1409 = arith.addi %mul3A_98, %add3A_1408 : i32
            %get3A_1410 = arith.index_cast %add3A_1409 : i32 to index
            %get3A_1411 = arith.constant 112 : index
            %get3A_1412 = tpu.vector_load %arg6[%get3A_1410, %get3A_1411] {strides = array<i32>} : memref<160x128xf32, #tpu.memory_space<vmem>>, vector<1x16xf32>,
            %get3A_1413 = vector.shape_cast %get3A_1412 : vector<1x16xf32> to vector<16xf32>
            %swap3A_1414 = arith.index_cast %squeeze3A_1365 : i32 to index
            %swap3A_1415 = arith.constant 0 : index
            %swap3A_1416 = tpu.vector_load %arg9[%swap3A_1414, %swap3A_1415] {strides = array<i32>} : memref<256x128xf32, #tpu.memory_space<vmem>>, vector<1x16xf32>,
            %swap3A_1417 = vector.shape_cast %swap3A_1416 : vector<1x16xf32> to vector<16xf32>
            %swap3A_1418 = vector.shape_cast %get3A_1371 : vector<16xf32> to vector<1x16xf32>
            tpu.vector_store %arg9[%swap3A_1414, %swap3A_1415], %swap3A_1418 {add = true, strides = array<i32>} : memref<256x128xf32, #tpu.memory_space<vmem>>, vector<1x16xf32>,
            %swap3A_1419 = arith.index_cast %squeeze3A_1365 : i32 to index
            %swap3A_1420 = arith.constant 16 : index
            %swap3A_1421 = tpu.vector_load %arg9[%swap3A_1419, %swap3A_1420] {strides = array<i32>} : memref<256x128xf32, #tpu.memory_space<vmem>>, vector<1x16xf32>,
            %swap3A_1422 = vector.shape_cast %swap3A_1421 : vector<1x16xf32> to vector<16xf32>
            %swap3A_1423 = vector.shape_cast %get3A_1377 : vector<16xf32> to vector<1x16xf32>
            tpu.vector_store %arg9[%swap3A_1419, %swap3A_1420], %swap3A_1423 {add = true, strides = array<i32>} : memref<256x128xf32, #tpu.memory_space<vmem>>, vector<1x16xf32>,
            %swap3A_1424 = arith.index_cast %squeeze3A_1365 : i32 to index
            %swap3A_1425 = arith.constant 32 : index
            %swap3A_1426 = tpu.vector_load %arg9[%swap3A_1424, %swap3A_1425] {strides = array<i32>} : memref<256x128xf32, #tpu.memory_space<vmem>>, vector<1x16xf32>,
            %swap3A_1427 = vector.shape_cast %swap3A_1426 : vector<1x16xf32> to vector<16xf32>
            %swap3A_1428 = vector.shape_cast %get3A_1383 : vector<16xf32> to vector<1x16xf32>
            tpu.vector_store %arg9[%swap3A_1424, %swap3A_1425], %swap3A_1428 {add = true, strides = array<i32>} : memref<256x128xf32, #tpu.memory_space<vmem>>, vector<1x16xf32>,
            %swap3A_1429 = arith.index_cast %squeeze3A_1365 : i32 to index
            %swap3A_1430 = arith.constant 48 : index
            %swap3A_1431 = tpu.vector_load %arg9[%swap3A_1429, %swap3A_1430] {strides = array<i32>} : memref<256x128xf32, #tpu.memory_space<vmem>>, vector<1x16xf32>,
            %swap3A_1432 = vector.shape_cast %swap3A_1431 : vector<1x16xf32> to vector<16xf32>
            %swap3A_1433 = vector.shape_cast %get3A_1389 : vector<16xf32> to vector<1x16xf32>
            tpu.vector_store %arg9[%swap3A_1429, %swap3A_1430], %swap3A_1433 {add = true, strides = array<i32>} : memref<256x128xf32, #tpu.memory_space<vmem>>, vector<1x16xf32>,
            %swap3A_1434 = arith.index_cast %squeeze3A_1365 : i32 to index
            %swap3A_1435 = arith.constant 64 : index
            %swap3A_1436 = tpu.vector_load %arg9[%swap3A_1434, %swap3A_1435] {strides = array<i32>} : memref<256x128xf32, #tpu.memory_space<vmem>>, vector<1x16xf32>,
            %swap3A_1437 = vector.shape_cast %swap3A_1436 : vector<1x16xf32> to vector<16xf32>
            %swap3A_1438 = vector.shape_cast %get3A_1395 : vector<16xf32> to vector<1x16xf32>
            tpu.vector_store %arg9[%swap3A_1434, %swap3A_1435], %swap3A_1438 {add = true, strides = array<i32>} : memref<256x128xf32, #tpu.memory_space<vmem>>, vector<1x16xf32>,
            %swap3A_1439 = arith.index_cast %squeeze3A_1365 : i32 to index
            %swap3A_1440 = arith.constant 80 : index
            %swap3A_1441 = tpu.vector_load %arg9[%swap3A_1439, %swap3A_1440] {strides = array<i32>} : memref<256x128xf32, #tpu.memory_space<vmem>>, vector<1x16xf32>,
            %swap3A_1442 = vector.shape_cast %swap3A_1441 : vector<1x16xf32> to vector<16xf32>
            %swap3A_1443 = vector.shape_cast %get3A_1401 : vector<16xf32> to vector<1x16xf32>
            tpu.vector_store %arg9[%swap3A_1439, %swap3A_1440], %swap3A_1443 {add = true, strides = array<i32>} : memref<256x128xf32, #tpu.memory_space<vmem>>, vector<1x16xf32>,
            %swap3A_1444 = arith.index_cast %squeeze3A_1365 : i32 to index
            %swap3A_1445 = arith.constant 96 : index
            %swap3A_1446 = tpu.vector_load %arg9[%swap3A_1444, %swap3A_1445] {strides = array<i32>} : memref<256x128xf32, #tpu.memory_space<vmem>>, vector<1x16xf32>,
            %swap3A_1447 = vector.shape_cast %swap3A_1446 : vector<1x16xf32> to vector<16xf32>
            %swap3A_1448 = vector.shape_cast %get3A_1407 : vector<16xf32> to vector<1x16xf32>
            tpu.vector_store %arg9[%swap3A_1444, %swap3A_1445], %swap3A_1448 {add = true, strides = array<i32>} : memref<256x128xf32, #tpu.memory_space<vmem>>, vector<1x16xf32>,
            %swap3A_1449 = arith.index_cast %squeeze3A_1365 : i32 to index
            %swap3A_1450 = arith.constant 112 : index
            %swap3A_1451 = tpu.vector_load %arg9[%swap3A_1449, %swap3A_1450] {strides = array<i32>} : memref<256x128xf32, #tpu.memory_space<vmem>>, vector<1x16xf32>,
            %swap3A_1452 = vector.shape_cast %swap3A_1451 : vector<1x16xf32> to vector<16xf32>
            %swap3A_1453 = vector.shape_cast %get3A_1413 : vector<16xf32> to vector<1x16xf32>
            tpu.vector_store %arg9[%swap3A_1449, %swap3A_1450], %swap3A_1453 {add = true, strides = array<i32>} : memref<256x128xf32, #tpu.memory_space<vmem>>, vector<1x16xf32>,
            %slice3A_1454 = vector.extract_strided_slice %get3A_96 {offsets = [15], sizes = [1], strides = [1]} : vector<16xi32> to vector<1xi32>
            %squeeze3A_1455 = vector.extract %slice3A_1454[0] : i32 from vector<1xi32>
            %add3A_1456 = arith.constant 15 : i32
            %add3A_1457 = arith.addi %mul3A_98, %add3A_1456 : i32
            %get3A_1458 = arith.index_cast %add3A_1457 : i32 to index
            %get3A_1459 = arith.constant 0 : index
            %get3A_1460 = tpu.vector_load %arg6[%get3A_1458, %get3A_1459] {strides = array<i32>} : memref<160x128xf32, #tpu.memory_space<vmem>>, vector<1x16xf32>,
            %get3A_1461 = vector.shape_cast %get3A_1460 : vector<1x16xf32> to vector<16xf32>
            %add3A_1462 = arith.constant 15 : i32
            %add3A_1463 = arith.addi %mul3A_98, %add3A_1462 : i32
            %get3A_1464 = arith.index_cast %add3A_1463 : i32 to index
            %get3A_1465 = arith.constant 16 : index
            %get3A_1466 = tpu.vector_load %arg6[%get3A_1464, %get3A_1465] {strides = array<i32>} : memref<160x128xf32, #tpu.memory_space<vmem>>, vector<1x16xf32>,
            %get3A_1467 = vector.shape_cast %get3A_1466 : vector<1x16xf32> to vector<16xf32>
            %add3A_1468 = arith.constant 15 : i32
            %add3A_1469 = arith.addi %mul3A_98, %add3A_1468 : i32
            %get3A_1470 = arith.index_cast %add3A_1469 : i32 to index
            %get3A_1471 = arith.constant 32 : index
            %get3A_1472 = tpu.vector_load %arg6[%get3A_1470, %get3A_1471] {strides = array<i32>} : memref<160x128xf32, #tpu.memory_space<vmem>>, vector<1x16xf32>,
            %get3A_1473 = vector.shape_cast %get3A_1472 : vector<1x16xf32> to vector<16xf32>
            %add3A_1474 = arith.constant 15 : i32
            %add3A_1475 = arith.addi %mul3A_98, %add3A_1474 : i32
            %get3A_1476 = arith.index_cast %add3A_1475 : i32 to index
            %get3A_1477 = arith.constant 48 : index
            %get3A_1478 = tpu.vector_load %arg6[%get3A_1476, %get3A_1477] {strides = array<i32>} : memref<160x128xf32, #tpu.memory_space<vmem>>, vector<1x16xf32>,
            %get3A_1479 = vector.shape_cast %get3A_1478 : vector<1x16xf32> to vector<16xf32>
            %add3A_1480 = arith.constant 15 : i32
            %add3A_1481 = arith.addi %mul3A_98, %add3A_1480 : i32
            %get3A_1482 = arith.index_cast %add3A_1481 : i32 to index
            %get3A_1483 = arith.constant 64 : index
            %get3A_1484 = tpu.vector_load %arg6[%get3A_1482, %get3A_1483] {strides = array<i32>} : memref<160x128xf32, #tpu.memory_space<vmem>>, vector<1x16xf32>,
            %get3A_1485 = vector.shape_cast %get3A_1484 : vector<1x16xf32> to vector<16xf32>
            %add3A_1486 = arith.constant 15 : i32
            %add3A_1487 = arith.addi %mul3A_98, %add3A_1486 : i32
            %get3A_1488 = arith.index_cast %add3A_1487 : i32 to index
            %get3A_1489 = arith.constant 80 : index
            %get3A_1490 = tpu.vector_load %arg6[%get3A_1488, %get3A_1489] {strides = array<i32>} : memref<160x128xf32, #tpu.memory_space<vmem>>, vector<1x16xf32>,
            %get3A_1491 = vector.shape_cast %get3A_1490 : vector<1x16xf32> to vector<16xf32>
            %add3A_1492 = arith.constant 15 : i32
            %add3A_1493 = arith.addi %mul3A_98, %add3A_1492 : i32
            %get3A_1494 = arith.index_cast %add3A_1493 : i32 to index
            %get3A_1495 = arith.constant 96 : index
            %get3A_1496 = tpu.vector_load %arg6[%get3A_1494, %get3A_1495] {strides = array<i32>} : memref<160x128xf32, #tpu.memory_space<vmem>>, vector<1x16xf32>,
            %get3A_1497 = vector.shape_cast %get3A_1496 : vector<1x16xf32> to vector<16xf32>
            %add3A_1498 = arith.constant 15 : i32
            %add3A_1499 = arith.addi %mul3A_98, %add3A_1498 : i32
            %get3A_1500 = arith.index_cast %add3A_1499 : i32 to index
            %get3A_1501 = arith.constant 112 : index
            %get3A_1502 = tpu.vector_load %arg6[%get3A_1500, %get3A_1501] {strides = array<i32>} : memref<160x128xf32, #tpu.memory_space<vmem>>, vector<1x16xf32>,
            %get3A_1503 = vector.shape_cast %get3A_1502 : vector<1x16xf32> to vector<16xf32>
            %swap3A_1504 = arith.index_cast %squeeze3A_1455 : i32 to index
            %swap3A_1505 = arith.constant 0 : index
            %swap3A_1506 = tpu.vector_load %arg9[%swap3A_1504, %swap3A_1505] {strides = array<i32>} : memref<256x128xf32, #tpu.memory_space<vmem>>, vector<1x16xf32>,
            %swap3A_1507 = vector.shape_cast %swap3A_1506 : vector<1x16xf32> to vector<16xf32>
            %swap3A_1508 = vector.shape_cast %get3A_1461 : vector<16xf32> to vector<1x16xf32>
            tpu.vector_store %arg9[%swap3A_1504, %swap3A_1505], %swap3A_1508 {add = true, strides = array<i32>} : memref<256x128xf32, #tpu.memory_space<vmem>>, vector<1x16xf32>,
            %swap3A_1509 = arith.index_cast %squeeze3A_1455 : i32 to index
            %swap3A_1510 = arith.constant 16 : index
            %swap3A_1511 = tpu.vector_load %arg9[%swap3A_1509, %swap3A_1510] {strides = array<i32>} : memref<256x128xf32, #tpu.memory_space<vmem>>, vector<1x16xf32>,
            %swap3A_1512 = vector.shape_cast %swap3A_1511 : vector<1x16xf32> to vector<16xf32>
            %swap3A_1513 = vector.shape_cast %get3A_1467 : vector<16xf32> to vector<1x16xf32>
            tpu.vector_store %arg9[%swap3A_1509, %swap3A_1510], %swap3A_1513 {add = true, strides = array<i32>} : memref<256x128xf32, #tpu.memory_space<vmem>>, vector<1x16xf32>,
            %swap3A_1514 = arith.index_cast %squeeze3A_1455 : i32 to index
            %swap3A_1515 = arith.constant 32 : index
            %swap3A_1516 = tpu.vector_load %arg9[%swap3A_1514, %swap3A_1515] {strides = array<i32>} : memref<256x128xf32, #tpu.memory_space<vmem>>, vector<1x16xf32>,
            %swap3A_1517 = vector.shape_cast %swap3A_1516 : vector<1x16xf32> to vector<16xf32>
            %swap3A_1518 = vector.shape_cast %get3A_1473 : vector<16xf32> to vector<1x16xf32>
            tpu.vector_store %arg9[%swap3A_1514, %swap3A_1515], %swap3A_1518 {add = true, strides = array<i32>} : memref<256x128xf32, #tpu.memory_space<vmem>>, vector<1x16xf32>,
            %swap3A_1519 = arith.index_cast %squeeze3A_1455 : i32 to index
            %swap3A_1520 = arith.constant 48 : index
            %swap3A_1521 = tpu.vector_load %arg9[%swap3A_1519, %swap3A_1520] {strides = array<i32>} : memref<256x128xf32, #tpu.memory_space<vmem>>, vector<1x16xf32>,
            %swap3A_1522 = vector.shape_cast %swap3A_1521 : vector<1x16xf32> to vector<16xf32>
            %swap3A_1523 = vector.shape_cast %get3A_1479 : vector<16xf32> to vector<1x16xf32>
            tpu.vector_store %arg9[%swap3A_1519, %swap3A_1520], %swap3A_1523 {add = true, strides = array<i32>} : memref<256x128xf32, #tpu.memory_space<vmem>>, vector<1x16xf32>,
            %swap3A_1524 = arith.index_cast %squeeze3A_1455 : i32 to index
            %swap3A_1525 = arith.constant 64 : index
            %swap3A_1526 = tpu.vector_load %arg9[%swap3A_1524, %swap3A_1525] {strides = array<i32>} : memref<256x128xf32, #tpu.memory_space<vmem>>, vector<1x16xf32>,
            %swap3A_1527 = vector.shape_cast %swap3A_1526 : vector<1x16xf32> to vector<16xf32>
            %swap3A_1528 = vector.shape_cast %get3A_1485 : vector<16xf32> to vector<1x16xf32>
            tpu.vector_store %arg9[%swap3A_1524, %swap3A_1525], %swap3A_1528 {add = true, strides = array<i32>} : memref<256x128xf32, #tpu.memory_space<vmem>>, vector<1x16xf32>,
            %swap3A_1529 = arith.index_cast %squeeze3A_1455 : i32 to index
            %swap3A_1530 = arith.constant 80 : index
            %swap3A_1531 = tpu.vector_load %arg9[%swap3A_1529, %swap3A_1530] {strides = array<i32>} : memref<256x128xf32, #tpu.memory_space<vmem>>, vector<1x16xf32>,
            %swap3A_1532 = vector.shape_cast %swap3A_1531 : vector<1x16xf32> to vector<16xf32>
            %swap3A_1533 = vector.shape_cast %get3A_1491 : vector<16xf32> to vector<1x16xf32>
            tpu.vector_store %arg9[%swap3A_1529, %swap3A_1530], %swap3A_1533 {add = true, strides = array<i32>} : memref<256x128xf32, #tpu.memory_space<vmem>>, vector<1x16xf32>,
            %swap3A_1534 = arith.index_cast %squeeze3A_1455 : i32 to index
            %swap3A_1535 = arith.constant 96 : index
            %swap3A_1536 = tpu.vector_load %arg9[%swap3A_1534, %swap3A_1535] {strides = array<i32>} : memref<256x128xf32, #tpu.memory_space<vmem>>, vector<1x16xf32>,
            %swap3A_1537 = vector.shape_cast %swap3A_1536 : vector<1x16xf32> to vector<16xf32>
            %swap3A_1538 = vector.shape_cast %get3A_1497 : vector<16xf32> to vector<1x16xf32>
            tpu.vector_store %arg9[%swap3A_1534, %swap3A_1535], %swap3A_1538 {add = true, strides = array<i32>} : memref<256x128xf32, #tpu.memory_space<vmem>>, vector<1x16xf32>,
            %swap3A_1539 = arith.index_cast %squeeze3A_1455 : i32 to index
            %swap3A_1540 = arith.constant 112 : index
            %swap3A_1541 = tpu.vector_load %arg9[%swap3A_1539, %swap3A_1540] {strides = array<i32>} : memref<256x128xf32, #tpu.memory_space<vmem>>, vector<1x16xf32>,
            %swap3A_1542 = vector.shape_cast %swap3A_1541 : vector<1x16xf32> to vector<16xf32>
            %swap3A_1543 = vector.shape_cast %get3A_1503 : vector<16xf32> to vector<1x16xf32>
            tpu.vector_store %arg9[%swap3A_1539, %swap3A_1540], %swap3A_1543 {add = true, strides = array<i32>} : memref<256x128xf32, #tpu.memory_space<vmem>>, vector<1x16xf32>,
          }
        }
        %scan3A_91 = arith.constant 10 : i32
      } else {
      }
    }
    %scan3A_28 = arith.constant 10 : i32
    "tpu.region"() ({
      %run_scoped3A = tpu.sem_alloc : memref<!tpu.dma_semaphore, #tpu.memory_space<semaphore_mem>>
      %dma_start3A = arith.constant 0 : i32
      %dma_start3A_32 = arith.constant 0 : i32
      %dma_start3A_33 = tpu.memref_slice %arg9[%dma_start3A, %dma_start3A_32] : memref<256x128xf32, #tpu.memory_space<vmem>> -> memref<128x128xf32, #tpu.memory_space<vmem>>
      %dma_start3A_34 = arith.constant 0 : i32
      %dma_start3A_35 = arith.constant 0 : i32
      %dma_start3A_36 = tpu.memref_slice %arg10[%dma_start3A_34, %dma_start3A_35] : memref<256x128xf32, #tpu.memory_space<vmem_shared>> -> memref<256x128xf32, #tpu.memory_space<vmem_shared>>
      tpu.enqueue_indirect_dma source(%dma_start3A_33 : memref<128x128xf32, #tpu.memory_space<vmem>>) target(%dma_start3A_36 : memref<256x128xf32, #tpu.memory_space<vmem_shared>>) offsets(%arg11 : memref<128xi32, #tpu.memory_space<vmem>>) semaphore(%run_scoped3A : memref<!tpu.dma_semaphore, #tpu.memory_space<semaphore_mem>>) {add = true}
      %dma_wait3A = arith.constant 0 : i32
      %dma_wait3A_37 = arith.constant 0 : i32
      %dma_wait3A_38 = tpu.memref_slice %arg9[%dma_wait3A, %dma_wait3A_37] : memref<256x128xf32, #tpu.memory_space<vmem>> -> memref<128x128xf32, #tpu.memory_space<vmem>>
      %dma_wait3A_39 = arith.constant 0 : i32
      %dma_wait3A_40 = arith.constant 0 : i32
      %dma_wait3A_41 = tpu.memref_slice %arg10[%dma_wait3A_39, %dma_wait3A_40] : memref<256x128xf32, #tpu.memory_space<vmem_shared>> -> memref<256x128xf32, #tpu.memory_space<vmem_shared>>
      tpu.wait_indirect_dma semaphore(%run_scoped3A : memref<!tpu.dma_semaphore, #tpu.memory_space<semaphore_mem>>) src(%dma_wait3A_38 : memref<128x128xf32, #tpu.memory_space<vmem>>) dst(%dma_wait3A_41 : memref<256x128xf32, #tpu.memory_space<vmem_shared>>)
      tpu.yield
    }) : () -> ()
    "tpu.region"() ({
      %run_scoped3A = tpu.sem_alloc : memref<!tpu.dma_semaphore, #tpu.memory_space<semaphore_mem>>
      %dma_start3A = arith.constant 128 : i32
      %dma_start3A_32 = arith.constant 0 : i32
      %dma_start3A_33 = tpu.memref_slice %arg9[%dma_start3A, %dma_start3A_32] : memref<256x128xf32, #tpu.memory_space<vmem>> -> memref<128x128xf32, #tpu.memory_space<vmem>>
      %dma_start3A_34 = arith.constant 0 : i32
      %dma_start3A_35 = arith.constant 0 : i32
      %dma_start3A_36 = tpu.memref_slice %arg10[%dma_start3A_34, %dma_start3A_35] : memref<256x128xf32, #tpu.memory_space<vmem_shared>> -> memref<256x128xf32, #tpu.memory_space<vmem_shared>>
      tpu.enqueue_indirect_dma source(%dma_start3A_33 : memref<128x128xf32, #tpu.memory_space<vmem>>) target(%dma_start3A_36 : memref<256x128xf32, #tpu.memory_space<vmem_shared>>) offsets(%arg12 : memref<128xi32, #tpu.memory_space<vmem>>) semaphore(%run_scoped3A : memref<!tpu.dma_semaphore, #tpu.memory_space<semaphore_mem>>) {add = true}
      %dma_wait3A = arith.constant 128 : i32
      %dma_wait3A_37 = arith.constant 0 : i32
      %dma_wait3A_38 = tpu.memref_slice %arg9[%dma_wait3A, %dma_wait3A_37] : memref<256x128xf32, #tpu.memory_space<vmem>> -> memref<128x128xf32, #tpu.memory_space<vmem>>
      %dma_wait3A_39 = arith.constant 0 : i32
      %dma_wait3A_40 = arith.constant 0 : i32
      %dma_wait3A_41 = tpu.memref_slice %arg10[%dma_wait3A_39, %dma_wait3A_40] : memref<256x128xf32, #tpu.memory_space<vmem_shared>> -> memref<256x128xf32, #tpu.memory_space<vmem_shared>>
      tpu.wait_indirect_dma semaphore(%run_scoped3A : memref<!tpu.dma_semaphore, #tpu.memory_space<semaphore_mem>>) src(%dma_wait3A_38 : memref<128x128xf32, #tpu.memory_space<vmem>>) dst(%dma_wait3A_41 : memref<256x128xf32, #tpu.memory_space<vmem_shared>>)
      tpu.yield
    }) : () -> ()
    %barrier3A_29 = arith.constant 0 : index
    tpu.barrier barrier_id(%barrier3A_29)
    %mul3A_30 = arith.constant 16 : i32
    %mul3A_31 = arith.muli %arg1, %mul3A_30 : i32
    "tpu.region"() ({
      %run_scoped3A = tpu.sem_alloc : memref<!tpu.dma_semaphore, #tpu.memory_space<semaphore_mem>>
      %dma_start3A = arith.constant 0 : i32
      %dma_start3A_32 = tpu.memref_slice %arg4[%arg0, %mul3A_31, %dma_start3A] : memref<2x256x128xf32, #tpu.memory_space<hbm>> -> memref<1x16x128xf32, #tpu.memory_space<hbm>>
      %dma_start3A_33 = tpu.memref_squeeze %dma_start3A_32 : memref<1x16x128xf32, #tpu.memory_space<hbm>> -> memref<16x128xf32, #tpu.memory_space<hbm>>
      %dma_start3A_34 = arith.constant 0 : i32
      %dma_start3A_35 = tpu.memref_slice %arg10[%mul3A_31, %dma_start3A_34] : memref<256x128xf32, #tpu.memory_space<vmem_shared>> -> memref<16x128xf32, #tpu.memory_space<vmem_shared>>
      tpu.enqueue_dma source(%dma_start3A_35 : memref<16x128xf32, #tpu.memory_space<vmem_shared>>) target(%dma_start3A_33 : memref<16x128xf32, #tpu.memory_space<hbm>>) target_semaphore(%run_scoped3A : memref<!tpu.dma_semaphore, #tpu.memory_space<semaphore_mem>>)
      %dma_wait3A = arith.constant 0 : i32
      %dma_wait3A_36 = tpu.memref_slice %arg4[%arg0, %mul3A_31, %dma_wait3A] : memref<2x256x128xf32, #tpu.memory_space<hbm>> -> memref<1x16x128xf32, #tpu.memory_space<hbm>>
      %dma_wait3A_37 = tpu.memref_squeeze %dma_wait3A_36 : memref<1x16x128xf32, #tpu.memory_space<hbm>> -> memref<16x128xf32, #tpu.memory_space<hbm>>
      %dma_wait3A_38 = arith.constant 0 : i32
      %dma_wait3A_39 = tpu.memref_slice %arg10[%mul3A_31, %dma_wait3A_38] : memref<256x128xf32, #tpu.memory_space<vmem_shared>> -> memref<16x128xf32, #tpu.memory_space<vmem_shared>>
      tpu.wait_dma2 semaphore(%run_scoped3A : memref<!tpu.dma_semaphore, #tpu.memory_space<semaphore_mem>>) src(%dma_wait3A_39 : memref<16x128xf32, #tpu.memory_space<vmem_shared>>) dst(%dma_wait3A_37 : memref<16x128xf32, #tpu.memory_space<hbm>>)
      tpu.yield
    }) : () -> ()
    return
  }
}

module attributes {stable_mosaic.version = 14 : i64} {
  func.func @_combine_body(%arg0: memref<2x256x128xf32, #tpu.memory_space<vmem>>, %arg1: memref<256x128xf32, #tpu.memory_space<vmem>>) attributes {dimension_semantics = [], scalar_prefetch = 0 : i64, scratch_operands = 0 : i64, tpu.core_type = #tpu.core_type<tc>} {
    %get3A = arith.constant 0 : index
    %get3A_0 = arith.constant 0 : index
    %get3A_1 = arith.constant 0 : index
    %get3A_2 = vector.load %arg0[%get3A, %get3A_0, %get3A_1] : memref<2x256x128xf32, #tpu.memory_space<vmem>>, vector<2x256x128xf32>
    %reduce_sum3A = arith.constant dense<0.000000e+00> : vector<256x128xf32>
    %reduce_sum3A_3 = vector.multi_reduction <add>, %get3A_2, %reduce_sum3A [0] : vector<2x256x128xf32> to vector<256x128xf32>
    %swap3A = arith.constant 0 : index
    %swap3A_4 = arith.constant 0 : index
    %swap3A_5 = vector.load %arg1[%swap3A, %swap3A_4] : memref<256x128xf32, #tpu.memory_space<vmem>>, vector<256x128xf32>
    tpu.vector_store %arg1[%swap3A, %swap3A_4], %reduce_sum3A_3 {strides = array<i32>} : memref<256x128xf32, #tpu.memory_space<vmem>>, vector<256x128xf32>,
    return
  }
}

</mosaic_0001>

<sc_bundles>
// kernel: kernel.4.cloned.1.call-start
scs
__scs_entry_jumppad:
0x0: {  	(pc) =	sbr.rel $0x88, $3  }
0x1: {  	(tag) =	ssettag $0x0;
	lr =	simm.s32 $0x1  }
0x2: {  	[smem:$0x3F9F] =	sst lr;
	_ =	strace $0xD0000000  }
0x3: {  	_ = 	snop  }
0x4: {  	_ = 	snop  }
0x5: {  	_ = 	snop  }
0x6: {  	_ = 	snop  }
0x7: {  	_ = 	snop  }
__scs_overlays_trampoline_lowered:
0x8: {  	[smem:$0x3FAE] =	sst s0  }
0x9: {  	[smem:$0x3FAF] =	sst s1  }
0xa: {  	[smem:$0x3FB0] =	sst s2  }
0xb: {  	[smem:$0x3FB1] =	sst s3  }
0xc: {  	[smem:$0x3FB2] =	sst s4  }
0xd: {  	[smem:$0x3FB3] =	sst s5  }
0xe: {  	[smem:$0x3FB4] =	sst s6  }
0xf: {  	[smem:$0x3FB5] =	sst s7  }
0x10: {  	[smem:$0x3FB6] =	sst s8  }
0x11: {  	[smem:$0x3FB7] =	sst s9;
	s0 =	simm.s32 @!p0 $0x0  }
0x12: {  	s1 =	sld [smem:$0x3F9D];
	s0 =	simm.s32 @p0 $0x1  }
0x13: {  	[smem:$0x3FB8] =	sst s0;
	s0 =	simm.s32 @!p1 $0x0  }
0x14: {  	s2 =	sld [smem:$0x3F9C];
	s0 =	simm.s32 @p1 $0x1  }
0x15: {  	[smem:$0x3FB9] =	sst s0;
	s0 =	simm.s32 @!p2 $0x0  }
0x16: {  	s3 =	sld [smem:$0x3FDB];
	s0 =	simm.s32 @p2 $0x1  }
0x17: {  	s4 =	simm.s32 $0x1BF5;
	[smem:$0x3FBB] =	sst s0  }
0x18: {  	s0 =	sld [smem:$0x3F9E];
	_ =	swait.ge [sflag:s4], $0x0  }
0x19: {  	s7 =	sld [smem:$0x3F9F]  }
0x1a: {  	s8 =	sadd.s32 $0xFFFFE003, lr  }
0x1b: {  	s9 =	sadd.s32 $0xFFFFFEF7, lr;
	s5 =	simm.s32 $0xFFFFFFFF;
	p2 =	slt.u32 s8, $0xFFFFF086  }
0x1c: {  	p1 =	slt.u32 s9, $0xF7A;
	s5 =	simm.s32 @!p2 $0x0  }
0x1d: {  	s5 =	simm.s32 @p1 $0x1;
	p0 =	seq.s32 s7, s2  }
0x1e: {  	s7 =	smul.u32 @!p0 $0xF7A, s2;
	p2 =	seq.s32 @!p0 s5, $0x0  }
0x1f: {  	s9 =	smul.u32 $0xF7A, s1;
	s8 =	simm.s32 @!p0 $0x1BF5;
	p2 =	por !p2, p0  }
0x20: {  	[sflag:s8] =	ssyncset.s32 @!p0 $0xFFFFF086;
	s6 =	sadd.s32 @!p0 s3, s7;
	s7 =	simm.s32 @!p0 $0x108  }
0x21: {  	s3 =	sadd.s32 s3, s9;
	s6 =	sadd.s32 @!p0 $0x88, s6;
	s7 =	simm.s32 @p2 $0x1082  }
0x22: {  	[simem:s7], [sflag:s8] =	dma.local @!p0 [hbm:s6], $0xF7A  }
0x23: {  	s9 =	sor.u32 $0xD0000000, s2;
	s6 =	simm.s32 $0x108;
	_ =	swait.ge @!p0 [sflag:s8], $0x0  }
0x24: {  	s3 =	sadd.s32 $0x88, s3;
	s6 =	simm.s32 @!p1 $0x1082;
	[sflag:s4] =	ssyncset.s32 $0xFFFFF086  }
0x25: {  	[simem:s6], [sflag:s4] =	dma.local [hbm:s3], $0xF7A  }
0x26: {  	[smem:$0x3F9F] =	sst s1;
	(tag) =	ssettag s2;
	_ =	strace s9  }
0x27: {  	s1 =	sld [smem:$0x3FAF]  }
0x28: {  	s2 =	sld [smem:$0x3FB0]  }
0x29: {  	s4 =	sld [smem:$0x3FB2]  }
0x2a: {  	p0 =	seq.s32 s5, $0x0;
	s5 =	sld [smem:$0x3FB3]  }
0x2b: {  	s6 =	sld [smem:$0x3FB4]  }
0x2c: {  	s7 =	sld [smem:$0x3FB5]  }
0x2d: {  	s3 =	simm.s32 $0x108;
	s8 =	sld [smem:$0x3FB6]  }
0x2e: {  	s3 =	simm.s32 @!p0 $0x1082;
	s9 =	sld [smem:$0x3FB7]  }
0x2f: {  	lr =	sadd.s32 s0, s3;
	s0 =	sld [smem:$0x3FAE]  }
0x30: {  	s3 =	sld [smem:$0x3FB1]  }
0x31: {  	[smem:$0x3FBA] =	sst s10  }
0x32: {  	s10 =	sld [smem:$0x3FB8];
	_ =	sdelay $0x3  }
0x33: {  	p0 =	seq.s32 s10, $0x1;
	s10 =	sld [smem:$0x3FBA];
	_ =	sdelay $0x3  }
0x34: {  	[smem:$0x3FBA] =	sst s10  }
0x35: {  	s10 =	sld [smem:$0x3FB9];
	_ =	sdelay $0x3  }
0x36: {  	p1 =	seq.s32 s10, $0x1;
	s10 =	sld [smem:$0x3FBA];
	_ =	sdelay $0x3  }
0x37: {  	[smem:$0x3FBA] =	sst s10  }
0x38: {  	s10 =	sld [smem:$0x3FBB]  }
0x39: {  	_ = 	snop;
	(pc) =	sbr.ind lr, $3  }
0x3a: {  	_ = 	snop  }
0x3b: {  	_ = 	snop  }
0x3c: {  	p2 =	seq.s32 s10, $0x1;
	s10 =	sld [smem:$0x3FBA]  }
0x3d: {  	_ =	shalt  }
0x3e: {  	_ =	shalt  }
0x3f: {  	_ =	shalt  }
0x40: {  	_ =	shalt  }
0x41: {  	_ =	shalt  }
0x42: {  	_ =	shalt  }
0x43: {  	_ =	shalt  }
0x44: {  	_ =	shalt  }
0x45: {  	_ =	shalt  }
0x46: {  	_ =	shalt  }
0x47: {  	_ =	shalt  }
0x48: {  	_ =	shalt  }
0x49: {  	_ =	shalt  }
0x4a: {  	_ =	shalt  }
0x4b: {  	_ =	shalt  }
0x4c: {  	_ =	shalt  }
0x4d: {  	_ =	shalt  }
0x4e: {  	_ =	shalt  }
0x4f: {  	_ =	shalt  }
0x50: {  	_ =	shalt  }
0x51: {  	_ =	shalt  }
0x52: {  	_ =	shalt  }
0x53: {  	_ =	shalt  }
0x54: {  	_ =	shalt  }
0x55: {  	_ =	shalt  }
0x56: {  	_ =	shalt  }
0x57: {  	_ =	shalt  }
0x58: {  	_ =	shalt  }
0x59: {  	_ =	shalt  }
0x5a: {  	_ =	shalt  }
0x5b: {  	_ =	shalt  }
0x5c: {  	_ =	shalt  }
0x5d: {  	_ =	shalt  }
0x5e: {  	_ =	shalt  }
0x5f: {  	_ =	shalt  }
0x60: {  	_ =	shalt  }
0x61: {  	_ =	shalt  }
0x62: {  	_ =	shalt  }
0x63: {  	_ =	shalt  }
0x64: {  	_ =	shalt  }
0x65: {  	_ =	shalt  }
0x66: {  	_ =	shalt  }
0x67: {  	_ =	shalt  }
0x68: {  	_ =	shalt  }
0x69: {  	_ =	shalt  }
0x6a: {  	_ =	shalt  }
0x6b: {  	_ =	shalt  }
0x6c: {  	_ =	shalt  }
0x6d: {  	_ =	shalt  }
0x6e: {  	_ =	shalt  }
0x6f: {  	_ =	shalt  }
0x70: {  	_ =	shalt  }
0x71: {  	_ =	shalt  }
0x72: {  	_ =	shalt  }
0x73: {  	_ =	shalt  }
0x74: {  	_ =	shalt  }
0x75: {  	_ =	shalt  }
0x76: {  	_ =	shalt  }
0x77: {  	_ =	shalt  }
0x78: {  	_ =	shalt  }
0x79: {  	_ =	shalt  }
0x7a: {  	_ =	shalt  }
0x7b: {  	_ =	shalt  }
0x7c: {  	_ =	shalt  }
0x7d: {  	_ =	shalt  }
0x7e: {  	_ =	shalt  }
0x7f: {  	_ =	shalt  }
0x80: {  	_ =	shalt  }
0x81: {  	_ =	shalt  }
0x82: {  	_ =	shalt  }
0x83: {  	_ =	shalt  }
0x84: {  	_ =	shalt  }
0x85: {  	_ =	shalt  }
0x86: {  	_ =	shalt  }
0x87: {  	_ =	shalt  }
.Lfunc_end0:
.L_simem_size_0:
called_computation_lowered:
.L_overlay_start_0:
0x88: {  	s2 =	sld [smem:$0x3FD9]  }
0x89: {  	s3 =	sld [smem:$0x3FFE];
	_ =	sdelay $0x1  }
0x8a: {  	s1 =	srdreg.scid  }
0x8b: {  	s0 =	sand.u32 $0x1, s1  }
0x8c: {  	s17 =	sshll.u32 s0, $0xA;
	s2 =	sadd.s32 s3, s2  }
0x8d: {  	s2 =	sadd.s32 s2, s17  }
0x8e: {  	[smem:$0x3FC6] =	sst s2  }
0x8f: {  	_ = 	snop  }
0x90: {  	s2 =	sld [smem:$0x3FC9]  }
0x91: {  	s18 =	sld [smem:$0x3FC8];
	(tm) =	ssettm $0x1  }
0x92: {  	s4 =	sld [smem:$0x3FFB];
	_ =	sdelay $0x3  }
0x93: {  	_ =	strace s4  }
0x94: {  	s4 =	sld [smem:$0x3FFC];
	_ =	sdelay $0x3  }
0x95: {  	_ =	strace s4  }
0x96: {  	s4 =	sld [smem:$0x3FFD];
	_ =	sdelay $0x3  }
0x97: {  	_ =	strace s4  }
0x98: {  	_ =	strace $0x8FFFFFFF  }
0x99: {  	s19 =	sld [smem:$0x3FDB];
	_ =	sdelay $0x1  }
0x9a: {  	s5 =	simm.s32 $_scs_section_size  }
0x9b: {  	s6 =	simm.s32 $_size__tile_overlayer_lowered;
	s7 =	simm.s32 $_tile_overlayer_lowered  }
0x9c: {  	s22 =	simm.s32 $0x1BFF;
	s21 =	sshll.u32 s7, $0x1;
	s4 =	sadd.s32 s5, s19  }
0x9d: {  	s8 =	simm.s32 $0x0;
	s20 =	sshll.u32 s6, $0x1;
	s6 =	sadd.s32 s21, s4  }
0x9e: {  	[timem:s8], [sflag:s22] =	dma.local [hbm:s6], s20  }
0x9f: {  	_ =	swait.ge [sflag:s22], s20  }
0xa0: {  	s5 =	ssub.s32 $0x0, s20;
	[sflag:s22] =	ssyncset.done $0x0  }
0xa1: {  	[sflag:s22] =	ssyncadd.s32 s5;
	_ =	sdelay $0x1  }
0xa2: {  	s23 =	simm.s32 $0x1B8B  }
0xa3: {  	_ =	swait.ge [sflag:s23], $0x1  }
0xa4: {  	[sflag:s23] =	ssyncset.done $0x0  }
0xa5: {  	s25 =	simm.s32 $0x1B8E;
	s24 =	sld [smem:$0x3FFE];
	[sflag:s23] =	ssyncadd.s32 $0xFFFFFFFF  }
0xa6: {  	s26 =	simm.s32 $execute0_lowered;
	[smem:$0x3FD2] =	sst s25  }
0xa7: {  	s6 =	sshll.u32 s26, $0x1;
	_ =	strace $0x80000046;
	[dreg:$0x1] =	wrdreg $0xFFFFFFFF  }
0xa8: {  	s28 =	simm.s32 $_size_execute0_lowered;
	s4 =	sadd.s32 s4, s6;
	[dreg:$0x0] =	wrdreg $0x0  }
0xa9: {  	s6 =	sshll.u32 s28, $0x1;
	[dreg:$0x2] =	wrdreg s4  }
0xaa: {  	[dreg:$0x3] =	wrdreg s6  }
0xab: {  	[dreg:$0x4] =	wrdreg $0xC0  }
0xac: {  	_ =	task [dreg:s8], $0x5FFFF  }
0xad: {  	[dreg:$0x1] =	wrdreg $0xFFFFFFFF  }
0xae: {  	[dreg:$0x0] =	wrdreg $0x60  }
0xaf: {  	[dreg:$0x2] =	wrdreg s2  }
0xb0: {  	[dreg:$0x3] =	wrdreg s18  }
0xb1: {  	[dreg:$0x4] =	wrdreg s24  }
0xb2: {  	[dreg:$0x5] =	wrdreg $0x122000  }
0xb3: {  	[dreg:$0x6] =	wrdreg $0x9  }
0xb4: {  	_ =	task.clear_ibuf [dreg:s8], $0x7FFFF;
	_ =	strace $0x90000046  }
0xb5: {  	s29 =	simm.s32 $0x9;
	_ =	strace $0x80000048  }
0xb6: {  	_ =	swait.ge [sflag:s29], $0x1  }
0xb7: {  	[sflag:s29] =	ssyncadd.s32 $0xFFFFFFFF  }
0xb8: {  	_ =	strace $0x90000048  }
0xb9: {  	_ =	sfence  }
0xba: {  	s30 =	sld [smem:$0x0];
	_ =	sdelay $0x2  }
0xbb: {  	s31 =	sshll.u32 s1, $0xD;
	s1 =	sshrl.u32 s1, $0x2  }
0xbc: {  	s3 =	sand.u32 $0x4000, s31;
	s1 =	sadd.s32 s1, s30  }
0xbd: {  	s0 =	sor.u32 s3, s0;
	s1 =	sshll.u32 s1, $0x11  }
0xbe: {  	s0 =	sor.u32 s1, s0  }
0xbf: {  	s0 =	sadd.s32 $0x8F2B, s0  }
0xc0: {  	[sflag:s0] =	ssyncadd.remote.s32 $0x1  }
0xc1: {  	_ =	sfence.sel $0xFFFF  }
0xc2: {  	[dreg:$0x0] =	wrdreg $0xFFFFFFFF;
	(pc) =	sbr.abs _section_cstart, $3  }
0xc3: {  	[dreg:$0x1] =	wrdreg $0xFFFFFFFF  }
0xc4: {  	_ =	task.clear_ibuf [dreg:s8], $0x2FFFF;
	_ =	strace $0x9FFFFFFF  }
0xc5: {  	(tm) =	ssettm $0x7FFFFFFF  }
tec
execute0_lowered:
.L_overlay_start_1:
0x0: {  	(tag) =	ssettag $0x1  }
0x1: {  	s0 =	rddreg [dreg:$0x0]  }
0x2: {  	s1 =	rddreg [dreg:$0x1]  }
0x3: {  	s6 =	rddreg [dreg:$0x2];
	s3 =	stileid.u32  }
0x4: {  	s2 =	srdreg.scid;
	s4 =	rddreg [dreg:$0x3]  }
0x5: {  	s5 =	simm.s32 $0x0;
	s14 =	simm.s32 $0x2;
	s15 =	simm.s32 $0x3  }
0x6: {  	s16 =	simm.s32 $0x4;
	s17 =	simm.s32 $0x80;
	s18 =	simm.s32 $0x12A00  }
0x7: {  	s19 =	simm.s32 $0xA200;
	s20 =	simm.s32 $0x5;
	s21 =	simm.s32 $0x12A80  }
0x8: {  	s22 =	simm.s32 $0xE200;
	s8 =	sand.u32 $0x1, s2;
	s2 =	rddreg [dreg:$0x4]  }
0x9: {  	s24 =	simm.s32 $0x0;
	s7 =	sshll.u32 s3, $0x1;
	[smem:$0x7FF] =	sst s5  }
0xa: {  	s10 =	sshll.u32 s3, $0x8;
	s31 =	sshll.u32 s3, $0xB;
	p0 =	sne.s32 s3, $0x0  }
0xb: {  	s11 =	sor.u32 s8, s7;
	s29 =	ssub.s32 $0x2, s8;
	_ =	strace $0x80000047  }
0xc: {  	s10 =	sadd.s32 s10, s6;
	s30 =	sshll.u32 s8, $0xC;
	s9 =	smul.u32 $0xA00, s11  }
.Ltmp0:
0xd: {  	s23 =	sadd.s32 s31, s4;
	s12 =	sshrl.u32 s29, $0x1;
	(pc) =	sbr.rel .LBB2_1-.Ltmp0, $4  }
0xe: {  	s13 =	smul.u32 $0x14, s11;
	s8 =	sor.u32 $0x40, s11;
	s11 =	sor.u32 $0x20, s11  }
0xf: {  	s23 =	sshrl.u32 s23, $0x3;
	s12 =	ssub.s32 s29, s12;
	s6 =	sadd.s32 s0, s9  }
0x10: {  	s7 =	sadd.s32 s1, s13;
	s9 =	sadd.s32 s30, s10;
	s10 =	smax.u32 s12, $0x1  }
0x11: {  	v0 =	vimm.f32 $0.0e+00;
	v1 =	vlaneseq.u32;
	s12 =	simm.s32 $0xA000;
	s13 =	simm.s32 $0x1;
	s9 =	sadd.s32 $0x600, s9  }
.LBB2_18:
0x12: {  	[spmem:s4] =	stream.indirect.scatter.add.f32 [tilespmem:s19], [sflag:$0x5], $0x80, s18, s17, $0xb8;
	[tilespmem:$0x12B00] =	vst v63  }
0x13: {  	_ =	swait.ge [sflag:s20], $0x4000  }
0x14: {  	[sflag:s20] =	ssyncset.done $0x0  }
0x15: {  	[sflag:s20] =	ssyncadd.s32 $0xFFFFC000  }
0x16: {  	[spmem:s4] =	stream.indirect.scatter.add.f32 [tilespmem:s22], [sflag:$0x5], $0x80, s21, s17, $0xb8;
	[tilespmem:$0x12B00] =	vst v63  }
0x17: {  	_ =	swait.ge [sflag:s20], $0x4000  }
0x18: {  	s24 =	sadd.s32 $0x1, s24;
	[sflag:s20] =	ssyncset.done $0x0  }
0x19: {  	s25 =	sshll.u32 s3, $0x6;
	p1 =	sne.s32 s24, s10;
	[sflag:s20] =	ssyncadd.s32 $0xFFFFC000  }
.Ltmp1:
0x1a: {  	s25 =	sor.u32 $0x1C05, s25;
	[bflag:$0x0] =	sbarrier.arrive $0xFFFF;
	(pc) =	sbr.rel @!p1 .LBB2_19-.Ltmp1, $4  }
0x1b: {  	[hbm:s9], [sflag:s25] =	dma.local [spmem:s23], $0x100  }
0x1c: {  	_ =	swait.ge [sflag:s20], $0x100  }
0x1d: {  	[sflag:s20] =	ssyncset.done $0x0  }
0x1e: {  	[sflag:s20] =	ssyncadd.s32 $0xFFFFFF00  }
.LBB2_1:
0x1f: {  	[tilespmem:s5], [sflag:$0x1] =	stream.linear.gather [hbm4b:s6+s5], $0x5000, $0x38;
	[tilespmem:$0x12B00] =	vst v63  }
0x20: {  	s25 =	simm.s32 $0x0;
	s26 =	simm.s32 $0x200  }
0x21: {  	[tilespmem:s12], [sflag:$0x2] =	stream.linear.gather [hbm4b:s7+s5], $0xA0, $0x38;
	[tilespmem:$0x12B00] =	vst v63  }
.LBB2_2:
0x22: {  	p1 =	sne.s32 s26, $0x1FE00;
	[tilespmem:s25+$0xA270] =	vst v0  }
0x23: {  	[tilespmem:s25+$0xA200] =	vst v0  }
0x24: {  	[tilespmem:s25+$0xA210] =	vst v0  }
.Ltmp2:
0x25: {  	[tilespmem:s25+$0xA220] =	vst v0;
	(pc) =	sbr.rel @p1 .LBB2_2-.Ltmp2, $4  }
0x26: {  	[tilespmem:s25+$0xA230] =	vst v0  }
0x27: {  	[tilespmem:s25+$0xA240] =	vst v0  }
0x28: {  	[tilespmem:s25+$0xA250] =	vst v0  }
0x29: {  	[tilespmem:s25+$0xA260] =	vst v0;
	s25 =	sshra.s32 s26, $0x2;
	s26 =	sadd.s32 $0x200, s26  }
0x2a: {  	[tilespmem:s25+$0xA270] =	vst v0  }
0x2b: {  	[tilespmem:s25+$0xA200] =	vst v0  }
0x2c: {  	[tilespmem:s25+$0xA210] =	vst v0  }
0x2d: {  	[tilespmem:s25+$0xA220] =	vst v0  }
0x2e: {  	[tilespmem:s25+$0xA230] =	vst v0  }
0x2f: {  	[tilespmem:s25+$0xA240] =	vst v0  }
0x30: {  	[tilespmem:s25+$0xA250] =	vst v0;
	s26 =	simm.s32 $0x0  }
0x31: {  	[tilespmem:s25+$0xA260] =	vst v0;
	s28 =	simm.s32 $0x12A00;
	s31 =	simm.s32 $0x80;
	v2 =	vor.u32 s26, v1  }
0x32: {  	s25 =	simm.s32 $0x12A80;
	[tilespmem:s28+$0x0] =	vst v2;
	v2 =	vor.u32 s31, v1  }
0x33: {  	s26 =	simm.s32 $0x10;
	s28 =	simm.s32 $0x12A10;
	[tilespmem:s25+$0x0] =	vst v2  }
.LBB2_4:
0x34: {  	v2 =	vor.u32 s26, v1;
	s29 =	sadd.s32 $0x80, s26;
	p1 =	sne.s32 s26, $0x70;
	s26 =	sadd.s32 $0x10, s26  }
.Ltmp3:
0x35: {  	s25 =	sadd.s32 $0x10, s25;
	[tilespmem:s28+$0x0] =	vst v2;
	v2 =	vor.u32 s29, v1;
	(pc) =	sbr.rel @p1 .LBB2_4-.Ltmp3, $2  }
0x36: {  	[tilespmem:s25+$0x0] =	vst v2;
	_ =	sdelay $0x2  }
0x37: {  	s28 =	sadd.s32 $0x10, s28  }
0x38: {  	s25 =	simm.s32 @!p0 $0xA200  }
0x39: {  	[spmem:s4] =	stream.linear.scatter @!p0 [tilespmem:s25], [sflag:$0x5], $0x8000, $0x38;
	[tilespmem:$0x12B00] =	vst v63  }
0x3a: {  	s25 =	simm.s32 @!p0 $0x5  }
.Ltmp4:
0x3b: {  	_ =	swait.ge @!p0 [sflag:s25], $0x8000;
	(pc) =	sbr.rel .LBB2_6-.Ltmp4, $4  }
0x3c: {  	[sflag:s25] =	ssyncset.done @!p0 $0x0  }
0x3d: {  	[sflag:s25] =	ssyncadd.s32 @!p0 $0xFFFF8000  }
0x3e: {  	[bflag:$0x0] =	sbarrier.arrive $0xFFFF  }
0x3f: {  	s25 =	simm.s32 $0x0  }
.LBB2_17:
0x40: {  	s25 =	sadd.s32 $0x1, s25  }
0x41: {  	p1 =	sne.s32 s25, $0xA  }
.Ltmp5:
0x42: {  	_ = 	snop;
	(pc) =	sbr.rel @!p1 .LBB2_18-.Ltmp5, $1  }
0x43: {  	_ =	sdelay $0x3  }
.LBB2_6:
0x44: {  	s26 =	sshll.u32 s25, $0x6  }
0x45: {  	s28 =	sor.u32 s11, s26  }
0x46: {  	p1 =	sgt.u32 s28, $0x270  }
0x47: {  	s29 =	smul.u32 @!p1 $0xA00, s28  }
0x48: {  	s30 =	simm.s32 @!p1 $0x0  }
0x49: {  	s31 =	simm.s32 @!p1 $0x5000;
	s28 =	smul.u32 @!p1 $0x14, s28;
	s29 =	sadd.s32 @!p1 s0, s29  }
0x4a: {  	[tilespmem:s31], [sflag:$0x3] =	stream.linear.gather @!p1 [hbm4b:s29+s30], $0x5000, $0x38;
	[tilespmem:$0x12B00] =	vst v63  }
0x4b: {  	s28 =	sadd.s32 @!p1 s1, s28;
	s29 =	simm.s32 @!p1 $0xA100  }
0x4c: {  	[tilespmem:s29], [sflag:$0x4] =	stream.linear.gather @!p1 [hbm4b:s28+s30], $0xA0, $0x38;
	[tilespmem:$0x12B00] =	vst v63  }
0x4d: {  	_ =	swait.ge [sflag:s13], $0x5000  }
.Ltmp6:
0x4e: {  	[sflag:s13] =	ssyncset.done $0x0;
	(pc) =	sbr.rel .LBB2_7-.Ltmp6, $4  }
0x4f: {  	[sflag:s13] =	ssyncadd.s32 $0xFFFFB000  }
0x50: {  	_ =	swait.ge [sflag:s14], $0xA0  }
0x51: {  	[sflag:s14] =	ssyncset.done $0x0  }
0x52: {  	s28 =	simm.s32 $0x0;
	[sflag:s14] =	ssyncadd.s32 $0xFFFFFF60  }
.LBB2_9:
0x53: {  	v4 =	vld [tilespmem:s29+$0x10]  }
0x54: {  	v5 =	vld [tilespmem:s29+$0x20]  }
0x55: {  	v6 =	vld [tilespmem:s29+$0x30]  }
0x56: {  	v7 =	vld [tilespmem:s29+$0x40]  }
0x57: {  	v8 =	vld [tilespmem:s29+$0x50]  }
0x58: {  	v9 =	vld [tilespmem:s29+$0x60];
	s31 =	sshll.u32 s31, $0x9;
	v2 =	vshll.u32 v2, $0x9  }
0x59: {  	v10 =	vld [tilespmem:s29+$0x70];
	s31 =	sshra.s32 s31, $0x2;
	v2 =	vshra.s32 v2, $0x2  }
0x5a: {  	[tilespmem:s31+$0xA200] =	vst.add.f32.msk $0xffff, v3;
	(v2sf) =	vpush v2, $0x1  }
0x5b: {  	[tilespmem:s31+$0xA210] =	vst.add.f32.msk $0xffff, v4  }
0x5c: {  	[tilespmem:s31+$0xA220] =	vst.add.f32.msk $0xffff, v5  }
0x5d: {  	[tilespmem:s31+$0xA230] =	vst.add.f32.msk $0xffff, v6  }
0x5e: {  	[tilespmem:s31+$0xA240] =	vst.add.f32.msk $0xffff, v7  }
0x5f: {  	[tilespmem:s31+$0xA250] =	vst.add.f32.msk $0xffff, v8  }
0x60: {  	[tilespmem:s31+$0xA260] =	vst.add.f32.msk $0xffff, v9  }
0x61: {  	[tilespmem:s31+$0xA270] =	vst.add.f32.msk $0xffff, v10  }
0x62: {  	v3 =	vld [tilespmem:s29+$0x80]  }
0x63: {  	v4 =	vld [tilespmem:s29+$0x90]  }
0x64: {  	v5 =	vld [tilespmem:s29+$0xA0]  }
0x65: {  	v6 =	vld [tilespmem:s29+$0xB0]  }
0x66: {  	v7 =	vld [tilespmem:s29+$0xC0]  }
0x67: {  	v8 =	vld [tilespmem:s29+$0xD0]  }
0x68: {  	v9 =	vld [tilespmem:s29+$0xE0]  }
0x69: {  	v10 =	vld [tilespmem:s29+$0xF0];
	s31 =	spop (v2sf)  }
0x6a: {  	(v2sf) =	vpush v2, $0x2;
	[tilespmem:s31+$0xA200] =	vst.add.f32.msk $0xffff, v3  }
0x6b: {  	[tilespmem:s31+$0xA210] =	vst.add.f32.msk $0xffff, v4  }
0x6c: {  	[tilespmem:s31+$0xA220] =	vst.add.f32.msk $0xffff, v5  }
0x6d: {  	[tilespmem:s31+$0xA230] =	vst.add.f32.msk $0xffff, v6  }
0x6e: {  	[tilespmem:s31+$0xA240] =	vst.add.f32.msk $0xffff, v7  }
0x6f: {  	[tilespmem:s31+$0xA250] =	vst.add.f32.msk $0xffff, v8  }
0x70: {  	[tilespmem:s31+$0xA260] =	vst.add.f32.msk $0xffff, v9  }
0x71: {  	[tilespmem:s31+$0xA270] =	vst.add.f32.msk $0xffff, v10  }
0x72: {  	v3 =	vld [tilespmem:s29+$0x100]  }
0x73: {  	v4 =	vld [tilespmem:s29+$0x110]  }
0x74: {  	v5 =	vld [tilespmem:s29+$0x120]  }
0x75: {  	v6 =	vld [tilespmem:s29+$0x130]  }
0x76: {  	v7 =	vld [tilespmem:s29+$0x140]  }
0x77: {  	v8 =	vld [tilespmem:s29+$0x150]  }
0x78: {  	v9 =	vld [tilespmem:s29+$0x160]  }
0x79: {  	v10 =	vld [tilespmem:s29+$0x170];
	s31 =	spop (v2sf)  }
0x7a: {  	(v2sf) =	vpush v2, $0x3;
	[tilespmem:s31+$0xA200] =	vst.add.f32.msk $0xffff, v3  }
0x7b: {  	[tilespmem:s31+$0xA210] =	vst.add.f32.msk $0xffff, v4  }
0x7c: {  	[tilespmem:s31+$0xA220] =	vst.add.f32.msk $0xffff, v5  }
0x7d: {  	[tilespmem:s31+$0xA230] =	vst.add.f32.msk $0xffff, v6  }
0x7e: {  	[tilespmem:s31+$0xA240] =	vst.add.f32.msk $0xffff, v7  }
0x7f: {  	[tilespmem:s31+$0xA250] =	vst.add.f32.msk $0xffff, v8  }
0x80: {  	[tilespmem:s31+$0xA260] =	vst.add.f32.msk $0xffff, v9  }
0x81: {  	[tilespmem:s31+$0xA270] =	vst.add.f32.msk $0xffff, v10  }
0x82: {  	v3 =	vld [tilespmem:s29+$0x180]  }
0x83: {  	v4 =	vld [tilespmem:s29+$0x190]  }
0x84: {  	v5 =	vld [tilespmem:s29+$0x1A0]  }
0x85: {  	v6 =	vld [tilespmem:s29+$0x1B0]  }
0x86: {  	v7 =	vld [tilespmem:s29+$0x1C0]  }
0x87: {  	v8 =	vld [tilespmem:s29+$0x1D0]  }
0x88: {  	v9 =	vld [tilespmem:s29+$0x1E0]  }
0x89: {  	v10 =	vld [tilespmem:s29+$0x1F0];
	s31 =	spop (v2sf)  }
0x8a: {  	(v2sf) =	vpush v2, $0x4;
	[tilespmem:s31+$0xA200] =	vst.add.f32.msk $0xffff, v3  }
0x8b: {  	[tilespmem:s31+$0xA210] =	vst.add.f32.msk $0xffff, v4  }
0x8c: {  	[tilespmem:s31+$0xA220] =	vst.add.f32.msk $0xffff, v5  }
0x8d: {  	[tilespmem:s31+$0xA230] =	vst.add.f32.msk $0xffff, v6  }
0x8e: {  	[tilespmem:s31+$0xA240] =	vst.add.f32.msk $0xffff, v7  }
0x8f: {  	[tilespmem:s31+$0xA250] =	vst.add.f32.msk $0xffff, v8  }
0x90: {  	[tilespmem:s31+$0xA260] =	vst.add.f32.msk $0xffff, v9  }
0x91: {  	[tilespmem:s31+$0xA270] =	vst.add.f32.msk $0xffff, v10  }
0x92: {  	v3 =	vld [tilespmem:s29+$0x200]  }
0x93: {  	v4 =	vld [tilespmem:s29+$0x210]  }
0x94: {  	v5 =	vld [tilespmem:s29+$0x220]  }
0x95: {  	v6 =	vld [tilespmem:s29+$0x230]  }
0x96: {  	v7 =	vld [tilespmem:s29+$0x240]  }
0x97: {  	v8 =	vld [tilespmem:s29+$0x250]  }
0x98: {  	v9 =	vld [tilespmem:s29+$0x260]  }
0x99: {  	v10 =	vld [tilespmem:s29+$0x270];
	s31 =	spop (v2sf)  }
0x9a: {  	(v2sf) =	vpush v2, $0x5;
	[tilespmem:s31+$0xA200] =	vst.add.f32.msk $0xffff, v3  }
0x9b: {  	[tilespmem:s31+$0xA210] =	vst.add.f32.msk $0xffff, v4  }
0x9c: {  	[tilespmem:s31+$0xA220] =	vst.add.f32.msk $0xffff, v5  }
0x9d: {  	[tilespmem:s31+$0xA230] =	vst.add.f32.msk $0xffff, v6  }
0x9e: {  	[tilespmem:s31+$0xA240] =	vst.add.f32.msk $0xffff, v7  }
0x9f: {  	[tilespmem:s31+$0xA250] =	vst.add.f32.msk $0xffff, v8  }
0xa0: {  	[tilespmem:s31+$0xA260] =	vst.add.f32.msk $0xffff, v9  }
0xa1: {  	[tilespmem:s31+$0xA270] =	vst.add.f32.msk $0xffff, v10  }
0xa2: {  	v3 =	vld [tilespmem:s29+$0x280]  }
0xa3: {  	v4 =	vld [tilespmem:s29+$0x290]  }
0xa4: {  	v5 =	vld [tilespmem:s29+$0x2A0]  }
0xa5: {  	v6 =	vld [tilespmem:s29+$0x2B0]  }
0xa6: {  	v7 =	vld [tilespmem:s29+$0x2C0]  }
0xa7: {  	v8 =	vld [tilespmem:s29+$0x2D0]  }
0xa8: {  	v9 =	vld [tilespmem:s29+$0x2E0]  }
0xa9: {  	v10 =	vld [tilespmem:s29+$0x2F0];
	s31 =	spop (v2sf)  }
0xaa: {  	(v2sf) =	vpush v2, $0x6;
	[tilespmem:s31+$0xA200] =	vst.add.f32.msk $0xffff, v3  }
0xab: {  	[tilespmem:s31+$0xA210] =	vst.add.f32.msk $0xffff, v4  }
0xac: {  	[tilespmem:s31+$0xA220] =	vst.add.f32.msk $0xffff, v5  }
0xad: {  	[tilespmem:s31+$0xA230] =	vst.add.f32.msk $0xffff, v6  }
0xae: {  	[tilespmem:s31+$0xA240] =	vst.add.f32.msk $0xffff, v7  }
0xaf: {  	[tilespmem:s31+$0xA250] =	vst.add.f32.msk $0xffff, v8  }
0xb0: {  	[tilespmem:s31+$0xA260] =	vst.add.f32.msk $0xffff, v9  }
0xb1: {  	[tilespmem:s31+$0xA270] =	vst.add.f32.msk $0xffff, v10  }
0xb2: {  	v3 =	vld [tilespmem:s29+$0x300]  }
0xb3: {  	v4 =	vld [tilespmem:s29+$0x310]  }
0xb4: {  	v5 =	vld [tilespmem:s29+$0x320]  }
0xb5: {  	v6 =	vld [tilespmem:s29+$0x330]  }
0xb6: {  	v7 =	vld [tilespmem:s29+$0x340]  }
0xb7: {  	v8 =	vld [tilespmem:s29+$0x350]  }
0xb8: {  	v9 =	vld [tilespmem:s29+$0x360]  }
0xb9: {  	v10 =	vld [tilespmem:s29+$0x370];
	s31 =	spop (v2sf)  }
0xba: {  	(v2sf) =	vpush v2, $0x7;
	[tilespmem:s31+$0xA200] =	vst.add.f32.msk $0xffff, v3  }
0xbb: {  	[tilespmem:s31+$0xA210] =	vst.add.f32.msk $0xffff, v4  }
0xbc: {  	[tilespmem:s31+$0xA220] =	vst.add.f32.msk $0xffff, v5  }
0xbd: {  	[tilespmem:s31+$0xA230] =	vst.add.f32.msk $0xffff, v6  }
0xbe: {  	[tilespmem:s31+$0xA240] =	vst.add.f32.msk $0xffff, v7  }
0xbf: {  	[tilespmem:s31+$0xA250] =	vst.add.f32.msk $0xffff, v8  }
0xc0: {  	[tilespmem:s31+$0xA260] =	vst.add.f32.msk $0xffff, v9  }
0xc1: {  	[tilespmem:s31+$0xA270] =	vst.add.f32.msk $0xffff, v10  }
0xc2: {  	v3 =	vld [tilespmem:s29+$0x380]  }
0xc3: {  	v4 =	vld [tilespmem:s29+$0x390]  }
0xc4: {  	v5 =	vld [tilespmem:s29+$0x3A0]  }
0xc5: {  	v6 =	vld [tilespmem:s29+$0x3B0]  }
0xc6: {  	v7 =	vld [tilespmem:s29+$0x3C0]  }
0xc7: {  	v8 =	vld [tilespmem:s29+$0x3D0]  }
0xc8: {  	v9 =	vld [tilespmem:s29+$0x3E0]  }
0xc9: {  	v10 =	vld [tilespmem:s29+$0x3F0];
	s31 =	spop (v2sf)  }
0xca: {  	(v2sf) =	vpush v2, $0x8;
	[tilespmem:s31+$0xA200] =	vst.add.f32.msk $0xffff, v3  }
0xcb: {  	[tilespmem:s31+$0xA210] =	vst.add.f32.msk $0xffff, v4  }
0xcc: {  	[tilespmem:s31+$0xA220] =	vst.add.f32.msk $0xffff, v5  }
0xcd: {  	[tilespmem:s31+$0xA230] =	vst.add.f32.msk $0xffff, v6  }
0xce: {  	[tilespmem:s31+$0xA240] =	vst.add.f32.msk $0xffff, v7  }
0xcf: {  	[tilespmem:s31+$0xA250] =	vst.add.f32.msk $0xffff, v8  }
0xd0: {  	[tilespmem:s31+$0xA260] =	vst.add.f32.msk $0xffff, v9  }
0xd1: {  	[tilespmem:s31+$0xA270] =	vst.add.f32.msk $0xffff, v10  }
0xd2: {  	v3 =	vld [tilespmem:s29+$0x400]  }
0xd3: {  	v4 =	vld [tilespmem:s29+$0x410]  }
0xd4: {  	v5 =	vld [tilespmem:s29+$0x420]  }
0xd5: {  	v6 =	vld [tilespmem:s29+$0x430]  }
0xd6: {  	v7 =	vld [tilespmem:s29+$0x440]  }
0xd7: {  	v8 =	vld [tilespmem:s29+$0x450]  }
0xd8: {  	v9 =	vld [tilespmem:s29+$0x460]  }
0xd9: {  	v10 =	vld [tilespmem:s29+$0x470];
	s31 =	spop (v2sf)  }
0xda: {  	(v2sf) =	vpush v2, $0x9;
	[tilespmem:s31+$0xA200] =	vst.add.f32.msk $0xffff, v3  }
0xdb: {  	[tilespmem:s31+$0xA210] =	vst.add.f32.msk $0xffff, v4  }
0xdc: {  	[tilespmem:s31+$0xA220] =	vst.add.f32.msk $0xffff, v5  }
0xdd: {  	[tilespmem:s31+$0xA230] =	vst.add.f32.msk $0xffff, v6  }
0xde: {  	[tilespmem:s31+$0xA240] =	vst.add.f32.msk $0xffff, v7  }
0xdf: {  	[tilespmem:s31+$0xA250] =	vst.add.f32.msk $0xffff, v8  }
0xe0: {  	[tilespmem:s31+$0xA260] =	vst.add.f32.msk $0xffff, v9  }
0xe1: {  	[tilespmem:s31+$0xA270] =	vst.add.f32.msk $0xffff, v10  }
0xe2: {  	v3 =	vld [tilespmem:s29+$0x480]  }
0xe3: {  	v4 =	vld [tilespmem:s29+$0x490]  }
0xe4: {  	v5 =	vld [tilespmem:s29+$0x4A0]  }
0xe5: {  	v6 =	vld [tilespmem:s29+$0x4B0]  }
0xe6: {  	v7 =	vld [tilespmem:s29+$0x4C0]  }
0xe7: {  	v8 =	vld [tilespmem:s29+$0x4D0]  }
0xe8: {  	v9 =	vld [tilespmem:s29+$0x4E0]  }
0xe9: {  	v10 =	vld [tilespmem:s29+$0x4F0];
	s31 =	spop (v2sf)  }
0xea: {  	(v2sf) =	vpush v2, $0xA;
	[tilespmem:s31+$0xA200] =	vst.add.f32.msk $0xffff, v3  }
0xeb: {  	[tilespmem:s31+$0xA210] =	vst.add.f32.msk $0xffff, v4  }
0xec: {  	[tilespmem:s31+$0xA220] =	vst.add.f32.msk $0xffff, v5  }
0xed: {  	[tilespmem:s31+$0xA230] =	vst.add.f32.msk $0xffff, v6  }
0xee: {  	[tilespmem:s31+$0xA240] =	vst.add.f32.msk $0xffff, v7  }
0xef: {  	[tilespmem:s31+$0xA250] =	vst.add.f32.msk $0xffff, v8  }
0xf0: {  	[tilespmem:s31+$0xA260] =	vst.add.f32.msk $0xffff, v9  }
0xf1: {  	[tilespmem:s31+$0xA270] =	vst.add.f32.msk $0xffff, v10  }
0xf2: {  	v3 =	vld [tilespmem:s29+$0x500]  }
0xf3: {  	v4 =	vld [tilespmem:s29+$0x510]  }
0xf4: {  	v5 =	vld [tilespmem:s29+$0x520]  }
0xf5: {  	v6 =	vld [tilespmem:s29+$0x530]  }
0xf6: {  	v7 =	vld [tilespmem:s29+$0x540]  }
0xf7: {  	v8 =	vld [tilespmem:s29+$0x550]  }
0xf8: {  	v9 =	vld [tilespmem:s29+$0x560]  }
0xf9: {  	v10 =	vld [tilespmem:s29+$0x570];
	s31 =	spop (v2sf)  }
0xfa: {  	(v2sf) =	vpush v2, $0xB;
	[tilespmem:s31+$0xA200] =	vst.add.f32.msk $0xffff, v3  }
0xfb: {  	[tilespmem:s31+$0xA210] =	vst.add.f32.msk $0xffff, v4  }
0xfc: {  	[tilespmem:s31+$0xA220] =	vst.add.f32.msk $0xffff, v5  }
0xfd: {  	[tilespmem:s31+$0xA230] =	vst.add.f32.msk $0xffff, v6  }
0xfe: {  	[tilespmem:s31+$0xA240] =	vst.add.f32.msk $0xffff, v7  }
0xff: {  	[tilespmem:s31+$0xA250] =	vst.add.f32.msk $0xffff, v8  }
0x100: {  	[tilespmem:s31+$0xA260] =	vst.add.f32.msk $0xffff, v9  }
0x101: {  	[tilespmem:s31+$0xA270] =	vst.add.f32.msk $0xffff, v10  }
0x102: {  	v3 =	vld [tilespmem:s29+$0x580]  }
0x103: {  	v4 =	vld [tilespmem:s29+$0x590]  }
0x104: {  	v5 =	vld [tilespmem:s29+$0x5A0]  }
0x105: {  	v6 =	vld [tilespmem:s29+$0x5B0]  }
0x106: {  	v7 =	vld [tilespmem:s29+$0x5C0]  }
0x107: {  	v8 =	vld [tilespmem:s29+$0x5D0]  }
0x108: {  	v9 =	vld [tilespmem:s29+$0x5E0]  }
0x109: {  	v10 =	vld [tilespmem:s29+$0x5F0];
	s31 =	spop (v2sf)  }
0x10a: {  	(v2sf) =	vpush v2, $0xC;
	[tilespmem:s31+$0xA200] =	vst.add.f32.msk $0xffff, v3  }
0x10b: {  	[tilespmem:s31+$0xA210] =	vst.add.f32.msk $0xffff, v4  }
0x10c: {  	[tilespmem:s31+$0xA220] =	vst.add.f32.msk $0xffff, v5  }
0x10d: {  	[tilespmem:s31+$0xA230] =	vst.add.f32.msk $0xffff, v6  }
0x10e: {  	[tilespmem:s31+$0xA240] =	vst.add.f32.msk $0xffff, v7  }
0x10f: {  	[tilespmem:s31+$0xA250] =	vst.add.f32.msk $0xffff, v8  }
0x110: {  	[tilespmem:s31+$0xA260] =	vst.add.f32.msk $0xffff, v9  }
0x111: {  	[tilespmem:s31+$0xA270] =	vst.add.f32.msk $0xffff, v10  }
0x112: {  	v3 =	vld [tilespmem:s29+$0x600]  }
0x113: {  	v4 =	vld [tilespmem:s29+$0x610]  }
0x114: {  	v5 =	vld [tilespmem:s29+$0x620]  }
0x115: {  	v6 =	vld [tilespmem:s29+$0x630]  }
0x116: {  	v7 =	vld [tilespmem:s29+$0x640]  }
0x117: {  	v8 =	vld [tilespmem:s29+$0x650]  }
0x118: {  	v9 =	vld [tilespmem:s29+$0x660]  }
0x119: {  	v10 =	vld [tilespmem:s29+$0x670];
	s31 =	spop (v2sf)  }
0x11a: {  	(v2sf) =	vpush v2, $0xD;
	[tilespmem:s31+$0xA200] =	vst.add.f32.msk $0xffff, v3  }
0x11b: {  	[tilespmem:s31+$0xA210] =	vst.add.f32.msk $0xffff, v4  }
0x11c: {  	[tilespmem:s31+$0xA220] =	vst.add.f32.msk $0xffff, v5  }
0x11d: {  	[tilespmem:s31+$0xA230] =	vst.add.f32.msk $0xffff, v6  }
0x11e: {  	[tilespmem:s31+$0xA240] =	vst.add.f32.msk $0xffff, v7  }
0x11f: {  	[tilespmem:s31+$0xA250] =	vst.add.f32.msk $0xffff, v8  }
0x120: {  	[tilespmem:s31+$0xA260] =	vst.add.f32.msk $0xffff, v9  }
0x121: {  	[tilespmem:s31+$0xA270] =	vst.add.f32.msk $0xffff, v10  }
0x122: {  	v3 =	vld [tilespmem:s29+$0x680]  }
0x123: {  	v4 =	vld [tilespmem:s29+$0x690]  }
0x124: {  	v5 =	vld [tilespmem:s29+$0x6A0]  }
0x125: {  	v6 =	vld [tilespmem:s29+$0x6B0]  }
0x126: {  	v7 =	vld [tilespmem:s29+$0x6C0]  }
0x127: {  	v8 =	vld [tilespmem:s29+$0x6D0]  }
0x128: {  	v9 =	vld [tilespmem:s29+$0x6E0]  }
0x129: {  	v10 =	vld [tilespmem:s29+$0x6F0];
	s31 =	spop (v2sf)  }
0x12a: {  	(v2sf) =	vpush v2, $0xE;
	[tilespmem:s31+$0xA200] =	vst.add.f32.msk $0xffff, v3  }
0x12b: {  	[tilespmem:s31+$0xA210] =	vst.add.f32.msk $0xffff, v4  }
0x12c: {  	[tilespmem:s31+$0xA220] =	vst.add.f32.msk $0xffff, v5  }
0x12d: {  	[tilespmem:s31+$0xA230] =	vst.add.f32.msk $0xffff, v6  }
0x12e: {  	[tilespmem:s31+$0xA240] =	vst.add.f32.msk $0xffff, v7  }
0x12f: {  	[tilespmem:s31+$0xA250] =	vst.add.f32.msk $0xffff, v8  }
0x130: {  	[tilespmem:s31+$0xA260] =	vst.add.f32.msk $0xffff, v9  }
0x131: {  	[tilespmem:s31+$0xA270] =	vst.add.f32.msk $0xffff, v10  }
0x132: {  	v2 =	vld [tilespmem:s29+$0x700]  }
0x133: {  	v3 =	vld [tilespmem:s29+$0x710]  }
0x134: {  	v4 =	vld [tilespmem:s29+$0x720]  }
0x135: {  	v5 =	vld [tilespmem:s29+$0x730]  }
0x136: {  	v6 =	vld [tilespmem:s29+$0x740]  }
0x137: {  	v7 =	vld [tilespmem:s29+$0x750]  }
0x138: {  	v8 =	vld [tilespmem:s29+$0x760]  }
0x139: {  	v9 =	vld [tilespmem:s29+$0x770];
	s31 =	spop (v2sf)  }
0x13a: {  	[tilespmem:s31+$0xA200] =	vst.add.f32.msk $0xffff, v2  }
0x13b: {  	[tilespmem:s31+$0xA210] =	vst.add.f32.msk $0xffff, v3  }
0x13c: {  	[tilespmem:s31+$0xA220] =	vst.add.f32.msk $0xffff, v4  }
0x13d: {  	[tilespmem:s31+$0xA230] =	vst.add.f32.msk $0xffff, v5  }
0x13e: {  	[tilespmem:s31+$0xA240] =	vst.add.f32.msk $0xffff, v6  }
0x13f: {  	[tilespmem:s31+$0xA250] =	vst.add.f32.msk $0xffff, v7  }
0x140: {  	[tilespmem:s31+$0xA260] =	vst.add.f32.msk $0xffff, v8  }
0x141: {  	[tilespmem:s31+$0xA270] =	vst.add.f32.msk $0xffff, v9  }
0x142: {  	v6 =	vld [tilespmem:s29+$0x780]  }
0x143: {  	v7 =	vld [tilespmem:s29+$0x790]  }
0x144: {  	v8 =	vld [tilespmem:s29+$0x7A0]  }
0x145: {  	v9 =	vld [tilespmem:s29+$0x7B0]  }
0x146: {  	v2 =	vld [tilespmem:s29+$0x7C0]  }
0x147: {  	v3 =	vld [tilespmem:s29+$0x7D0]  }
0x148: {  	s30 =	sshll.u32 s30, $0x9;
	v4 =	vld [tilespmem:s29+$0x7E0]  }
0x149: {  	s30 =	sshra.s32 s30, $0x2;
	v5 =	vld [tilespmem:s29+$0x7F0]  }
0x14a: {  	[tilespmem:s30+$0xA200] =	vst.add.f32.msk $0xffff, v6  }
0x14b: {  	[tilespmem:s30+$0xA210] =	vst.add.f32.msk $0xffff, v7  }
0x14c: {  	[tilespmem:s30+$0xA220] =	vst.add.f32.msk $0xffff, v8  }
0x14d: {  	s29 =	sadd.s32 $0xA200, s30;
	[tilespmem:s30+$0xA230] =	vst.add.f32.msk $0xffff, v9  }
.LBB2_10:
0x14e: {  	s28 =	sadd.s32 $0x1, s28  }
0x14f: {  	p2 =	sne.s32 s28, $0xA  }
.Ltmp7:
0x150: {  	_ = 	snop;
	(pc) =	sbr.rel @!p2 .LBB2_11-.Ltmp7, $4  }
0x151: {  	[tilespmem:s29+$0x40] =	vst.add.f32.msk $0xffff, v2  }
0x152: {  	[tilespmem:s29+$0x50] =	vst.add.f32.msk $0xffff, v3  }
0x153: {  	[tilespmem:s29+$0x60] =	vst.add.f32.msk $0xffff, v4  }
0x154: {  	[tilespmem:s29+$0x70] =	vst.add.f32.msk $0xffff, v5  }
.LBB2_7:
0x155: {  	s29 =	sshll.u32 s28, $0x4  }
0x156: {  	s29 =	sand.u32 $0x3FFFFFF0, s29  }
0x157: {  	v2 =	vld [tilespmem:s29+$0xA000];
	_ =	sdelay $0x4  }
0x158: {  	(v2sf) =	vpush v2, $0x0  }
0x159: {  	(v2sf) =	vpush v2, $0xF;
	_ =	sdelay $0xd  }
0x15a: {  	s31 =	spop (v2sf)  }
0x15b: {  	s30 =	spop (v2sf)  }
0x15c: {  	p2 =	sne.s32 s31, s30  }
.Ltmp8:
0x15d: {  	_ = 	snop;
	(pc) =	sbr.rel @p2 .LBB2_9-.Ltmp8, $4  }
0x15e: {  	_ = 	snop  }
0x15f: {  	s29 =	sshll.u32 s28, $0xB  }
0x160: {  	s29 =	sand.u32 $0x3FFFF800, s29  }
0x161: {  	v3 =	vld [tilespmem:s29+$0x0]  }
0x162: {  	v2 =	vld [tilespmem:s29+$0x80]  }
0x163: {  	v4 =	vld [tilespmem:s29+$0x10]  }
0x164: {  	v5 =	vld [tilespmem:s29+$0x90]  }
0x165: {  	v6 =	vld [tilespmem:s29+$0x20]  }
0x166: {  	v7 =	vld [tilespmem:s29+$0xA0]  }
0x167: {  	v8 =	vld [tilespmem:s29+$0x30]  }
0x168: {  	v9 =	vld [tilespmem:s29+$0xB0]  }
0x169: {  	v10 =	vld [tilespmem:s29+$0x100]  }
0x16a: {  	v11 =	vld [tilespmem:s29+$0x180]  }
0x16b: {  	v12 =	vld [tilespmem:s29+$0x110]  }
0x16c: {  	v13 =	vld [tilespmem:s29+$0x190]  }
0x16d: {  	v14 =	vld [tilespmem:s29+$0x120]  }
0x16e: {  	v15 =	vld [tilespmem:s29+$0x1A0]  }
0x16f: {  	v16 =	vld [tilespmem:s29+$0x130]  }
0x170: {  	v17 =	vld [tilespmem:s29+$0x1B0]  }
0x171: {  	v18 =	vld [tilespmem:s29+$0x200]  }
0x172: {  	v19 =	vld [tilespmem:s29+$0x280]  }
0x173: {  	v20 =	vld [tilespmem:s29+$0x210]  }
0x174: {  	v21 =	vld [tilespmem:s29+$0x290]  }
0x175: {  	v22 =	vld [tilespmem:s29+$0x220]  }
0x176: {  	v23 =	vld [tilespmem:s29+$0x2A0]  }
0x177: {  	v24 =	vld [tilespmem:s29+$0x230]  }
0x178: {  	v25 =	vld [tilespmem:s29+$0x2B0]  }
0x179: {  	v26 =	vld [tilespmem:s29+$0x300]  }
0x17a: {  	v27 =	vld [tilespmem:s29+$0x380]  }
0x17b: {  	v28 =	vld [tilespmem:s29+$0x310]  }
0x17c: {  	v29 =	vld [tilespmem:s29+$0x390]  }
0x17d: {  	v30 =	vld [tilespmem:s29+$0x320]  }
0x17e: {  	v31 =	vld [tilespmem:s29+$0x3A0]  }
0x17f: {  	v32 =	vld [tilespmem:s29+$0x330]  }
0x180: {  	v33 =	vld [tilespmem:s29+$0x3B0]  }
0x181: {  	v34 =	vld [tilespmem:s29+$0x400]  }
0x182: {  	v35 =	vld [tilespmem:s29+$0x480]  }
0x183: {  	v36 =	vld [tilespmem:s29+$0x410]  }
0x184: {  	v37 =	vld [tilespmem:s29+$0x490]  }
0x185: {  	v38 =	vld [tilespmem:s29+$0x420]  }
0x186: {  	v39 =	vld [tilespmem:s29+$0x4A0]  }
0x187: {  	v40 =	vld [tilespmem:s29+$0x430]  }
0x188: {  	v41 =	vld [tilespmem:s29+$0x4B0]  }
0x189: {  	v42 =	vld [tilespmem:s29+$0x500]  }
0x18a: {  	v43 =	vld [tilespmem:s29+$0x580]  }
0x18b: {  	v44 =	vld [tilespmem:s29+$0x510]  }
0x18c: {  	v45 =	vld [tilespmem:s29+$0x590]  }
0x18d: {  	v46 =	vld [tilespmem:s29+$0x520]  }
0x18e: {  	v47 =	vld [tilespmem:s29+$0x5A0];
	v2 =	vadd.f32 v2, v3;
	v3 =	vadd.f32 v5, v4  }
0x18f: {  	v48 =	vld [tilespmem:s29+$0x530];
	v5 =	vadd.f32 v7, v6;
	v6 =	vadd.f32 v9, v8  }
0x190: {  	v49 =	vld [tilespmem:s29+$0x5B0];
	v8 =	vadd.f32 v11, v10;
	v9 =	vadd.f32 v13, v12  }
0x191: {  	v50 =	vld [tilespmem:s29+$0x600];
	v11 =	vadd.f32 v15, v14;
	v12 =	vadd.f32 v17, v16  }
0x192: {  	v51 =	vld [tilespmem:s29+$0x680];
	v14 =	vadd.f32 v19, v18;
	v15 =	vadd.f32 v21, v20  }
0x193: {  	v52 =	vld [tilespmem:s29+$0x610];
	v17 =	vadd.f32 v23, v22;
	v18 =	vadd.f32 v25, v24  }
0x194: {  	v53 =	vld [tilespmem:s29+$0x690];
	v20 =	vadd.f32 v27, v26;
	v21 =	vadd.f32 v29, v28  }
0x195: {  	v59 =	vld [tilespmem:s29+$0x730];
	v23 =	vadd.f32 v31, v30;
	v24 =	vadd.f32 v33, v32  }
0x196: {  	v62 =	vld [tilespmem:s29+$0x7B0];
	v26 =	vadd.f32 v35, v34;
	v55 =	vadd.f32 v37, v36  }
0x197: {  	v54 =	vld [tilespmem:s29+$0x620];
	v57 =	vadd.f32 v39, v38;
	v58 =	vadd.f32 v41, v40  }
0x198: {  	v56 =	vld [tilespmem:s29+$0x7A0];
	v60 =	vadd.f32 v43, v42;
	v61 =	vadd.f32 v45, v44  }
0x199: {  	v4 =	vld [tilespmem:s29+$0x6A0];
	v63 =	vadd.f32 v47, v46;
	v40 =	vadd.f32 v49, v48  }
0x19a: {  	v7 =	vld [tilespmem:s29+$0x630];
	v41 =	vadd.f32 v51, v50;
	v42 =	vadd.f32 v53, v52  }
0x19b: {  	v10 =	vld [tilespmem:s29+$0x6B0];
	v46 =	vadd.f32 v62, v59;
	v2 =	vadd.f32 v8, v2  }
0x19c: {  	v13 =	vld [tilespmem:s29+$0x700];
	v47 =	vadd.f32 v20, v14;
	v48 =	vadd.f32 v60, v26  }
0x19d: {  	v16 =	vld [tilespmem:s29+$0x780];
	v3 =	vadd.f32 v9, v3;
	v49 =	vadd.f32 v21, v15  }
0x19e: {  	v19 =	vld [tilespmem:s29+$0x710];
	v50 =	vadd.f32 v61, v55;
	v5 =	vadd.f32 v11, v5  }
0x19f: {  	v22 =	vld [tilespmem:s29+$0x790];
	v51 =	vadd.f32 v23, v17;
	v52 =	vadd.f32 v63, v57  }
0x1a0: {  	v25 =	vld [tilespmem:s29+$0x720];
	v6 =	vadd.f32 v12, v6;
	v53 =	vadd.f32 v24, v18  }
0x1a1: {  	v2 =	vadd.f32 v47, v2;
	v3 =	vadd.f32 v49, v3  }
0x1a2: {  	v5 =	vadd.f32 v51, v5;
	v6 =	vadd.f32 v53, v6  }
0x1a3: {  	v4 =	vadd.f32 v4, v54;
	v43 =	vadd.f32 v16, v13  }
0x1a4: {  	v7 =	vadd.f32 v10, v7;
	v44 =	vadd.f32 v22, v19  }
0x1a5: {  	v45 =	vadd.f32 v56, v25;
	v10 =	vadd.f32 v43, v41  }
0x1a6: {  	v54 =	vadd.f32 v40, v58;
	v13 =	vadd.f32 v44, v42  }
0x1a7: {  	v4 =	vadd.f32 v45, v4;
	v55 =	vadd.f32 v10, v48  }
0x1a8: {  	v7 =	vadd.f32 v46, v7;
	v56 =	vadd.f32 v13, v50  }
0x1a9: {  	s30 =	sshll.u32 s31, $0x9;
	v4 =	vadd.f32 v4, v52;
	v2 =	vadd.f32 v55, v2  }
0x1aa: {  	s30 =	sshra.s32 s30, $0x2;
	v7 =	vadd.f32 v7, v54;
	v3 =	vadd.f32 v56, v3  }
0x1ab: {  	v4 =	vadd.f32 v4, v5;
	[tilespmem:s30+$0xA200] =	vst.add.f32.msk $0xffff, v2  }
0x1ac: {  	v2 =	vadd.f32 v7, v6;
	[tilespmem:s30+$0xA210] =	vst.add.f32.msk $0xffff, v3  }
0x1ad: {  	[tilespmem:s30+$0xA220] =	vst.add.f32.msk $0xffff, v4  }
0x1ae: {  	[tilespmem:s30+$0xA230] =	vst.add.f32.msk $0xffff, v2  }
0x1af: {  	v2 =	vld [tilespmem:s29+$0x40]  }
0x1b0: {  	v3 =	vld [tilespmem:s29+$0xC0]  }
0x1b1: {  	v4 =	vld [tilespmem:s29+$0x50]  }
0x1b2: {  	v5 =	vld [tilespmem:s29+$0xD0]  }
0x1b3: {  	v6 =	vld [tilespmem:s29+$0x60]  }
0x1b4: {  	v7 =	vld [tilespmem:s29+$0xE0]  }
0x1b5: {  	v8 =	vld [tilespmem:s29+$0x70]  }
0x1b6: {  	v9 =	vld [tilespmem:s29+$0xF0]  }
0x1b7: {  	v10 =	vld [tilespmem:s29+$0x140]  }
0x1b8: {  	v11 =	vld [tilespmem:s29+$0x1C0]  }
0x1b9: {  	v12 =	vld [tilespmem:s29+$0x150]  }
0x1ba: {  	v13 =	vld [tilespmem:s29+$0x1D0]  }
0x1bb: {  	v14 =	vld [tilespmem:s29+$0x160]  }
0x1bc: {  	v15 =	vld [tilespmem:s29+$0x1E0]  }
0x1bd: {  	v16 =	vld [tilespmem:s29+$0x170]  }
0x1be: {  	v17 =	vld [tilespmem:s29+$0x1F0]  }
0x1bf: {  	v18 =	vld [tilespmem:s29+$0x240]  }
0x1c0: {  	v19 =	vld [tilespmem:s29+$0x2C0]  }
0x1c1: {  	v20 =	vld [tilespmem:s29+$0x250]  }
0x1c2: {  	v21 =	vld [tilespmem:s29+$0x2D0]  }
0x1c3: {  	v22 =	vld [tilespmem:s29+$0x260]  }
0x1c4: {  	v23 =	vld [tilespmem:s29+$0x2E0]  }
0x1c5: {  	v24 =	vld [tilespmem:s29+$0x270]  }
0x1c6: {  	v25 =	vld [tilespmem:s29+$0x2F0]  }
0x1c7: {  	v26 =	vld [tilespmem:s29+$0x340]  }
0x1c8: {  	v27 =	vld [tilespmem:s29+$0x3C0]  }
0x1c9: {  	v28 =	vld [tilespmem:s29+$0x350]  }
0x1ca: {  	v57 =	vld [tilespmem:s29+$0x3D0]  }
0x1cb: {  	v30 =	vld [tilespmem:s29+$0x360]  }
0x1cc: {  	v58 =	vld [tilespmem:s29+$0x3E0]  }
0x1cd: {  	v32 =	vld [tilespmem:s29+$0x370]  }
0x1ce: {  	v59 =	vld [tilespmem:s29+$0x3F0]  }
0x1cf: {  	v34 =	vld [tilespmem:s29+$0x440]  }
0x1d0: {  	v60 =	vld [tilespmem:s29+$0x4C0]  }
0x1d1: {  	v61 =	vld [tilespmem:s29+$0x450]  }
0x1d2: {  	v62 =	vld [tilespmem:s29+$0x4D0]  }
0x1d3: {  	v38 =	vld [tilespmem:s29+$0x460]  }
0x1d4: {  	v63 =	vld [tilespmem:s29+$0x4E0]  }
0x1d5: {  	v40 =	vld [tilespmem:s29+$0x470]  }
0x1d6: {  	v41 =	vld [tilespmem:s29+$0x4F0]  }
0x1d7: {  	v42 =	vld [tilespmem:s29+$0x540]  }
0x1d8: {  	v43 =	vld [tilespmem:s29+$0x5C0]  }
0x1d9: {  	v44 =	vld [tilespmem:s29+$0x550]  }
0x1da: {  	v45 =	vld [tilespmem:s29+$0x5D0]  }
0x1db: {  	v46 =	vld [tilespmem:s29+$0x560]  }
0x1dc: {  	v47 =	vld [tilespmem:s29+$0x5E0]  }
0x1dd: {  	v48 =	vld [tilespmem:s29+$0x570]  }
0x1de: {  	v49 =	vld [tilespmem:s29+$0x5F0]  }
0x1df: {  	v50 =	vld [tilespmem:s29+$0x640]  }
0x1e0: {  	v51 =	vld [tilespmem:s29+$0x6C0];
	v2 =	vadd.f32 v3, v2;
	v3 =	vadd.f32 v5, v4  }
0x1e1: {  	v52 =	vld [tilespmem:s29+$0x650];
	v5 =	vadd.f32 v7, v6;
	v6 =	vadd.f32 v9, v8  }
0x1e2: {  	v53 =	vld [tilespmem:s29+$0x6D0];
	v8 =	vadd.f32 v11, v10;
	v9 =	vadd.f32 v13, v12  }
0x1e3: {  	v54 =	vld [tilespmem:s29+$0x660];
	v11 =	vadd.f32 v15, v14;
	v12 =	vadd.f32 v17, v16  }
0x1e4: {  	v4 =	vld [tilespmem:s29+$0x6E0];
	v14 =	vadd.f32 v19, v18;
	v15 =	vadd.f32 v21, v20  }
0x1e5: {  	v7 =	vld [tilespmem:s29+$0x670];
	v17 =	vadd.f32 v23, v22;
	v18 =	vadd.f32 v25, v24  }
0x1e6: {  	v10 =	vld [tilespmem:s29+$0x6F0];
	v55 =	vadd.f32 v27, v26;
	v56 =	vadd.f32 v57, v28  }
0x1e7: {  	v13 =	vld [tilespmem:s29+$0x740];
	v58 =	vadd.f32 v58, v30;
	v24 =	vadd.f32 v59, v32  }
0x1e8: {  	v16 =	vld [tilespmem:s29+$0x7C0];
	v60 =	vadd.f32 v60, v34;
	v61 =	vadd.f32 v62, v61  }
0x1e9: {  	v19 =	vld [tilespmem:s29+$0x750];
	v63 =	vadd.f32 v63, v38;
	v40 =	vadd.f32 v41, v40  }
0x1ea: {  	v57 =	vld [tilespmem:s29+$0x7D0];
	v43 =	vadd.f32 v43, v42;
	v44 =	vadd.f32 v45, v44  }
0x1eb: {  	v59 =	vld [tilespmem:s29+$0x760];
	v46 =	vadd.f32 v47, v46;
	v47 =	vadd.f32 v49, v48  }
0x1ec: {  	v62 =	vld [tilespmem:s29+$0x7E0];
	v48 =	vadd.f32 v51, v50;
	v49 =	vadd.f32 v53, v52  }
0x1ed: {  	v41 =	vld [tilespmem:s29+$0x770];
	v3 =	vadd.f32 v9, v3;
	v56 =	vadd.f32 v56, v15  }
0x1ee: {  	v45 =	vld [tilespmem:s29+$0x7F0];
	v5 =	vadd.f32 v11, v5;
	v58 =	vadd.f32 v58, v17  }
0x1ef: {  	v2 =	vadd.f32 v8, v2;
	v6 =	vadd.f32 v12, v6  }
0x1f0: {  	v3 =	vadd.f32 v56, v3;
	v5 =	vadd.f32 v58, v5  }
0x1f1: {  	v4 =	vadd.f32 v4, v54;
	v7 =	vadd.f32 v10, v7  }
0x1f2: {  	v50 =	vadd.f32 v16, v13;
	v51 =	vadd.f32 v57, v19  }
0x1f3: {  	v52 =	vadd.f32 v62, v59;
	v53 =	vadd.f32 v45, v41  }
0x1f4: {  	v54 =	vadd.f32 v55, v14;
	v55 =	vadd.f32 v43, v60  }
0x1f5: {  	v57 =	vadd.f32 v44, v61;
	v59 =	vadd.f32 v46, v63  }
0x1f6: {  	v60 =	vadd.f32 v24, v18;
	v61 =	vadd.f32 v47, v40  }
0x1f7: {  	v10 =	vadd.f32 v50, v48;
	v13 =	vadd.f32 v51, v49  }
0x1f8: {  	v4 =	vadd.f32 v52, v4;
	v7 =	vadd.f32 v53, v7  }
.Ltmp9:
0x1f9: {  	v2 =	vadd.f32 v54, v2;
	v6 =	vadd.f32 v60, v6;
	(pc) =	sbr.rel .LBB2_10-.Ltmp9, $4  }
0x1fa: {  	v62 =	vadd.f32 v10, v55;
	v63 =	vadd.f32 v13, v57  }
0x1fb: {  	v4 =	vadd.f32 v4, v59;
	v7 =	vadd.f32 v7, v61  }
0x1fc: {  	v2 =	vadd.f32 v62, v2;
	v3 =	vadd.f32 v63, v3  }
0x1fd: {  	s29 =	sadd.s32 $0xA200, s30;
	v4 =	vadd.f32 v4, v5;
	v5 =	vadd.f32 v7, v6  }
.LBB2_11:
0x1fe: {  	s26 =	sadd.s32 s8, s26  }
0x1ff: {  	p2 =	sgt.u32 s26, $0x270  }
0x200: {  	s28 =	smul.u32 @!p2 $0xA00, s26  }
.Ltmp10:
0x201: {  	_ = 	snop;
	(pc) =	sbr.rel @p1 .LBB2_17-.Ltmp10, $4  }
0x202: {  	s29 =	simm.s32 @!p2 $0x0;
	s26 =	smul.u32 @!p2 $0x14, s26;
	s28 =	sadd.s32 @!p2 s0, s28  }
0x203: {  	[tilespmem:s29], [sflag:$0x1] =	stream.linear.gather @!p2 [hbm4b:s28+s29], $0x5000, $0x38;
	[tilespmem:$0x12B00] =	vst v63  }
0x204: {  	s26 =	sadd.s32 @!p2 s1, s26;
	s28 =	simm.s32 @!p2 $0xA000  }
0x205: {  	[tilespmem:s28], [sflag:$0x2] =	stream.linear.gather @!p2 [hbm4b:s26+s29], $0xA0, $0x38;
	[tilespmem:$0x12B00] =	vst v63  }
0x206: {  	_ =	swait.ge [sflag:s15], $0x5000  }
.Ltmp11:
0x207: {  	[sflag:s15] =	ssyncset.done $0x0;
	(pc) =	sbr.rel .LBB2_13-.Ltmp11, $4  }
0x208: {  	[sflag:s15] =	ssyncadd.s32 $0xFFFFB000  }
0x209: {  	_ =	swait.ge [sflag:s16], $0xA0  }
0x20a: {  	[sflag:s16] =	ssyncset.done $0x0  }
0x20b: {  	s26 =	simm.s32 $0x0;
	[sflag:s16] =	ssyncadd.s32 $0xFFFFFF60  }
.LBB2_15:
0x20c: {  	v4 =	vld [tilespmem:s28+$0x5010]  }
0x20d: {  	v5 =	vld [tilespmem:s28+$0x5020]  }
0x20e: {  	v6 =	vld [tilespmem:s28+$0x5030]  }
0x20f: {  	v7 =	vld [tilespmem:s28+$0x5040]  }
0x210: {  	v8 =	vld [tilespmem:s28+$0x5050]  }
0x211: {  	v9 =	vld [tilespmem:s28+$0x5060];
	s30 =	sshll.u32 s30, $0x9;
	v2 =	vshll.u32 v2, $0x9  }
0x212: {  	v10 =	vld [tilespmem:s28+$0x5070];
	s30 =	sshra.s32 s30, $0x2;
	v2 =	vshra.s32 v2, $0x2  }
0x213: {  	[tilespmem:s30+$0xA200] =	vst.add.f32.msk $0xffff, v3;
	(v2sf) =	vpush v2, $0x1  }
0x214: {  	[tilespmem:s30+$0xA210] =	vst.add.f32.msk $0xffff, v4  }
0x215: {  	[tilespmem:s30+$0xA220] =	vst.add.f32.msk $0xffff, v5  }
0x216: {  	[tilespmem:s30+$0xA230] =	vst.add.f32.msk $0xffff, v6  }
0x217: {  	[tilespmem:s30+$0xA240] =	vst.add.f32.msk $0xffff, v7  }
0x218: {  	[tilespmem:s30+$0xA250] =	vst.add.f32.msk $0xffff, v8  }
0x219: {  	[tilespmem:s30+$0xA260] =	vst.add.f32.msk $0xffff, v9  }
0x21a: {  	[tilespmem:s30+$0xA270] =	vst.add.f32.msk $0xffff, v10  }
0x21b: {  	v3 =	vld [tilespmem:s28+$0x5080]  }
0x21c: {  	v4 =	vld [tilespmem:s28+$0x5090]  }
0x21d: {  	v5 =	vld [tilespmem:s28+$0x50A0]  }
0x21e: {  	v6 =	vld [tilespmem:s28+$0x50B0]  }
0x21f: {  	v7 =	vld [tilespmem:s28+$0x50C0]  }
0x220: {  	v8 =	vld [tilespmem:s28+$0x50D0]  }
0x221: {  	v9 =	vld [tilespmem:s28+$0x50E0]  }
0x222: {  	v10 =	vld [tilespmem:s28+$0x50F0];
	s31 =	spop (v2sf)  }
0x223: {  	(v2sf) =	vpush v2, $0x2;
	[tilespmem:s31+$0xA200] =	vst.add.f32.msk $0xffff, v3  }
0x224: {  	[tilespmem:s31+$0xA210] =	vst.add.f32.msk $0xffff, v4  }
0x225: {  	[tilespmem:s31+$0xA220] =	vst.add.f32.msk $0xffff, v5  }
0x226: {  	[tilespmem:s31+$0xA230] =	vst.add.f32.msk $0xffff, v6  }
0x227: {  	[tilespmem:s31+$0xA240] =	vst.add.f32.msk $0xffff, v7  }
0x228: {  	[tilespmem:s31+$0xA250] =	vst.add.f32.msk $0xffff, v8  }
0x229: {  	[tilespmem:s31+$0xA260] =	vst.add.f32.msk $0xffff, v9  }
0x22a: {  	[tilespmem:s31+$0xA270] =	vst.add.f32.msk $0xffff, v10  }
0x22b: {  	v3 =	vld [tilespmem:s28+$0x5100]  }
0x22c: {  	v4 =	vld [tilespmem:s28+$0x5110]  }
0x22d: {  	v5 =	vld [tilespmem:s28+$0x5120]  }
0x22e: {  	v6 =	vld [tilespmem:s28+$0x5130]  }
0x22f: {  	v7 =	vld [tilespmem:s28+$0x5140]  }
0x230: {  	v8 =	vld [tilespmem:s28+$0x5150]  }
0x231: {  	v9 =	vld [tilespmem:s28+$0x5160]  }
0x232: {  	v10 =	vld [tilespmem:s28+$0x5170];
	s31 =	spop (v2sf)  }
0x233: {  	(v2sf) =	vpush v2, $0x3;
	[tilespmem:s31+$0xA200] =	vst.add.f32.msk $0xffff, v3  }
0x234: {  	[tilespmem:s31+$0xA210] =	vst.add.f32.msk $0xffff, v4  }
0x235: {  	[tilespmem:s31+$0xA220] =	vst.add.f32.msk $0xffff, v5  }
0x236: {  	[tilespmem:s31+$0xA230] =	vst.add.f32.msk $0xffff, v6  }
0x237: {  	[tilespmem:s31+$0xA240] =	vst.add.f32.msk $0xffff, v7  }
0x238: {  	[tilespmem:s31+$0xA250] =	vst.add.f32.msk $0xffff, v8  }
0x239: {  	[tilespmem:s31+$0xA260] =	vst.add.f32.msk $0xffff, v9  }
0x23a: {  	[tilespmem:s31+$0xA270] =	vst.add.f32.msk $0xffff, v10  }
0x23b: {  	v3 =	vld [tilespmem:s28+$0x5180]  }
0x23c: {  	v4 =	vld [tilespmem:s28+$0x5190]  }
0x23d: {  	v5 =	vld [tilespmem:s28+$0x51A0]  }
0x23e: {  	v6 =	vld [tilespmem:s28+$0x51B0]  }
0x23f: {  	v7 =	vld [tilespmem:s28+$0x51C0]  }
0x240: {  	v8 =	vld [tilespmem:s28+$0x51D0]  }
0x241: {  	v9 =	vld [tilespmem:s28+$0x51E0]  }
0x242: {  	v10 =	vld [tilespmem:s28+$0x51F0];
	s31 =	spop (v2sf)  }
0x243: {  	(v2sf) =	vpush v2, $0x4;
	[tilespmem:s31+$0xA200] =	vst.add.f32.msk $0xffff, v3  }
0x244: {  	[tilespmem:s31+$0xA210] =	vst.add.f32.msk $0xffff, v4  }
0x245: {  	[tilespmem:s31+$0xA220] =	vst.add.f32.msk $0xffff, v5  }
0x246: {  	[tilespmem:s31+$0xA230] =	vst.add.f32.msk $0xffff, v6  }
0x247: {  	[tilespmem:s31+$0xA240] =	vst.add.f32.msk $0xffff, v7  }
0x248: {  	[tilespmem:s31+$0xA250] =	vst.add.f32.msk $0xffff, v8  }
0x249: {  	[tilespmem:s31+$0xA260] =	vst.add.f32.msk $0xffff, v9  }
0x24a: {  	[tilespmem:s31+$0xA270] =	vst.add.f32.msk $0xffff, v10  }
0x24b: {  	v3 =	vld [tilespmem:s28+$0x5200]  }
0x24c: {  	v4 =	vld [tilespmem:s28+$0x5210]  }
0x24d: {  	v5 =	vld [tilespmem:s28+$0x5220]  }
0x24e: {  	v6 =	vld [tilespmem:s28+$0x5230]  }
0x24f: {  	v7 =	vld [tilespmem:s28+$0x5240]  }
0x250: {  	v8 =	vld [tilespmem:s28+$0x5250]  }
0x251: {  	v9 =	vld [tilespmem:s28+$0x5260]  }
0x252: {  	v10 =	vld [tilespmem:s28+$0x5270];
	s31 =	spop (v2sf)  }
0x253: {  	(v2sf) =	vpush v2, $0x5;
	[tilespmem:s31+$0xA200] =	vst.add.f32.msk $0xffff, v3  }
0x254: {  	[tilespmem:s31+$0xA210] =	vst.add.f32.msk $0xffff, v4  }
0x255: {  	[tilespmem:s31+$0xA220] =	vst.add.f32.msk $0xffff, v5  }
0x256: {  	[tilespmem:s31+$0xA230] =	vst.add.f32.msk $0xffff, v6  }
0x257: {  	[tilespmem:s31+$0xA240] =	vst.add.f32.msk $0xffff, v7  }
0x258: {  	[tilespmem:s31+$0xA250] =	vst.add.f32.msk $0xffff, v8  }
0x259: {  	[tilespmem:s31+$0xA260] =	vst.add.f32.msk $0xffff, v9  }
0x25a: {  	[tilespmem:s31+$0xA270] =	vst.add.f32.msk $0xffff, v10  }
0x25b: {  	v3 =	vld [tilespmem:s28+$0x5280]  }
0x25c: {  	v4 =	vld [tilespmem:s28+$0x5290]  }
0x25d: {  	v5 =	vld [tilespmem:s28+$0x52A0]  }
0x25e: {  	v6 =	vld [tilespmem:s28+$0x52B0]  }
0x25f: {  	v7 =	vld [tilespmem:s28+$0x52C0]  }
0x260: {  	v8 =	vld [tilespmem:s28+$0x52D0]  }
0x261: {  	v9 =	vld [tilespmem:s28+$0x52E0]  }
0x262: {  	v10 =	vld [tilespmem:s28+$0x52F0];
	s31 =	spop (v2sf)  }
0x263: {  	(v2sf) =	vpush v2, $0x6;
	[tilespmem:s31+$0xA200] =	vst.add.f32.msk $0xffff, v3  }
0x264: {  	[tilespmem:s31+$0xA210] =	vst.add.f32.msk $0xffff, v4  }
0x265: {  	[tilespmem:s31+$0xA220] =	vst.add.f32.msk $0xffff, v5  }
0x266: {  	[tilespmem:s31+$0xA230] =	vst.add.f32.msk $0xffff, v6  }
0x267: {  	[tilespmem:s31+$0xA240] =	vst.add.f32.msk $0xffff, v7  }
0x268: {  	[tilespmem:s31+$0xA250] =	vst.add.f32.msk $0xffff, v8  }
0x269: {  	[tilespmem:s31+$0xA260] =	vst.add.f32.msk $0xffff, v9  }
0x26a: {  	[tilespmem:s31+$0xA270] =	vst.add.f32.msk $0xffff, v10  }
0x26b: {  	v3 =	vld [tilespmem:s28+$0x5300]  }
0x26c: {  	v4 =	vld [tilespmem:s28+$0x5310]  }
0x26d: {  	v5 =	vld [tilespmem:s28+$0x5320]  }
0x26e: {  	v6 =	vld [tilespmem:s28+$0x5330]  }
0x26f: {  	v7 =	vld [tilespmem:s28+$0x5340]  }
0x270: {  	v8 =	vld [tilespmem:s28+$0x5350]  }
0x271: {  	v9 =	vld [tilespmem:s28+$0x5360]  }
0x272: {  	v10 =	vld [tilespmem:s28+$0x5370];
	s31 =	spop (v2sf)  }
0x273: {  	(v2sf) =	vpush v2, $0x7;
	[tilespmem:s31+$0xA200] =	vst.add.f32.msk $0xffff, v3  }
0x274: {  	[tilespmem:s31+$0xA210] =	vst.add.f32.msk $0xffff, v4  }
0x275: {  	[tilespmem:s31+$0xA220] =	vst.add.f32.msk $0xffff, v5  }
0x276: {  	[tilespmem:s31+$0xA230] =	vst.add.f32.msk $0xffff, v6  }
0x277: {  	[tilespmem:s31+$0xA240] =	vst.add.f32.msk $0xffff, v7  }
0x278: {  	[tilespmem:s31+$0xA250] =	vst.add.f32.msk $0xffff, v8  }
0x279: {  	[tilespmem:s31+$0xA260] =	vst.add.f32.msk $0xffff, v9  }
0x27a: {  	[tilespmem:s31+$0xA270] =	vst.add.f32.msk $0xffff, v10  }
0x27b: {  	v3 =	vld [tilespmem:s28+$0x5380]  }
0x27c: {  	v4 =	vld [tilespmem:s28+$0x5390]  }
0x27d: {  	v5 =	vld [tilespmem:s28+$0x53A0]  }
0x27e: {  	v6 =	vld [tilespmem:s28+$0x53B0]  }
0x27f: {  	v7 =	vld [tilespmem:s28+$0x53C0]  }
0x280: {  	v8 =	vld [tilespmem:s28+$0x53D0]  }
0x281: {  	v9 =	vld [tilespmem:s28+$0x53E0]  }
0x282: {  	v10 =	vld [tilespmem:s28+$0x53F0];
	s31 =	spop (v2sf)  }
0x283: {  	(v2sf) =	vpush v2, $0x8;
	[tilespmem:s31+$0xA200] =	vst.add.f32.msk $0xffff, v3  }
0x284: {  	[tilespmem:s31+$0xA210] =	vst.add.f32.msk $0xffff, v4  }
0x285: {  	[tilespmem:s31+$0xA220] =	vst.add.f32.msk $0xffff, v5  }
0x286: {  	[tilespmem:s31+$0xA230] =	vst.add.f32.msk $0xffff, v6  }
0x287: {  	[tilespmem:s31+$0xA240] =	vst.add.f32.msk $0xffff, v7  }
0x288: {  	[tilespmem:s31+$0xA250] =	vst.add.f32.msk $0xffff, v8  }
0x289: {  	[tilespmem:s31+$0xA260] =	vst.add.f32.msk $0xffff, v9  }
0x28a: {  	[tilespmem:s31+$0xA270] =	vst.add.f32.msk $0xffff, v10  }
0x28b: {  	v3 =	vld [tilespmem:s28+$0x5400]  }
0x28c: {  	v4 =	vld [tilespmem:s28+$0x5410]  }
0x28d: {  	v5 =	vld [tilespmem:s28+$0x5420]  }
0x28e: {  	v6 =	vld [tilespmem:s28+$0x5430]  }
0x28f: {  	v7 =	vld [tilespmem:s28+$0x5440]  }
0x290: {  	v8 =	vld [tilespmem:s28+$0x5450]  }
0x291: {  	v9 =	vld [tilespmem:s28+$0x5460]  }
0x292: {  	v10 =	vld [tilespmem:s28+$0x5470];
	s31 =	spop (v2sf)  }
0x293: {  	(v2sf) =	vpush v2, $0x9;
	[tilespmem:s31+$0xA200] =	vst.add.f32.msk $0xffff, v3  }
0x294: {  	[tilespmem:s31+$0xA210] =	vst.add.f32.msk $0xffff, v4  }
0x295: {  	[tilespmem:s31+$0xA220] =	vst.add.f32.msk $0xffff, v5  }
0x296: {  	[tilespmem:s31+$0xA230] =	vst.add.f32.msk $0xffff, v6  }
0x297: {  	[tilespmem:s31+$0xA240] =	vst.add.f32.msk $0xffff, v7  }
0x298: {  	[tilespmem:s31+$0xA250] =	vst.add.f32.msk $0xffff, v8  }
0x299: {  	[tilespmem:s31+$0xA260] =	vst.add.f32.msk $0xffff, v9  }
0x29a: {  	[tilespmem:s31+$0xA270] =	vst.add.f32.msk $0xffff, v10  }
0x29b: {  	v3 =	vld [tilespmem:s28+$0x5480]  }
0x29c: {  	v4 =	vld [tilespmem:s28+$0x5490]  }
0x29d: {  	v5 =	vld [tilespmem:s28+$0x54A0]  }
0x29e: {  	v6 =	vld [tilespmem:s28+$0x54B0]  }
0x29f: {  	v7 =	vld [tilespmem:s28+$0x54C0]  }
0x2a0: {  	v8 =	vld [tilespmem:s28+$0x54D0]  }
0x2a1: {  	v9 =	vld [tilespmem:s28+$0x54E0]  }
0x2a2: {  	v10 =	vld [tilespmem:s28+$0x54F0];
	s31 =	spop (v2sf)  }
0x2a3: {  	(v2sf) =	vpush v2, $0xA;
	[tilespmem:s31+$0xA200] =	vst.add.f32.msk $0xffff, v3  }
0x2a4: {  	[tilespmem:s31+$0xA210] =	vst.add.f32.msk $0xffff, v4  }
0x2a5: {  	[tilespmem:s31+$0xA220] =	vst.add.f32.msk $0xffff, v5  }
0x2a6: {  	[tilespmem:s31+$0xA230] =	vst.add.f32.msk $0xffff, v6  }
0x2a7: {  	[tilespmem:s31+$0xA240] =	vst.add.f32.msk $0xffff, v7  }
0x2a8: {  	[tilespmem:s31+$0xA250] =	vst.add.f32.msk $0xffff, v8  }
0x2a9: {  	[tilespmem:s31+$0xA260] =	vst.add.f32.msk $0xffff, v9  }
0x2aa: {  	[tilespmem:s31+$0xA270] =	vst.add.f32.msk $0xffff, v10  }
0x2ab: {  	v3 =	vld [tilespmem:s28+$0x5500]  }
0x2ac: {  	v4 =	vld [tilespmem:s28+$0x5510]  }
0x2ad: {  	v5 =	vld [tilespmem:s28+$0x5520]  }
0x2ae: {  	v6 =	vld [tilespmem:s28+$0x5530]  }
0x2af: {  	v7 =	vld [tilespmem:s28+$0x5540]  }
0x2b0: {  	v8 =	vld [tilespmem:s28+$0x5550]  }
0x2b1: {  	v9 =	vld [tilespmem:s28+$0x5560]  }
0x2b2: {  	v10 =	vld [tilespmem:s28+$0x5570];
	s31 =	spop (v2sf)  }
0x2b3: {  	(v2sf) =	vpush v2, $0xB;
	[tilespmem:s31+$0xA200] =	vst.add.f32.msk $0xffff, v3  }
0x2b4: {  	[tilespmem:s31+$0xA210] =	vst.add.f32.msk $0xffff, v4  }
0x2b5: {  	[tilespmem:s31+$0xA220] =	vst.add.f32.msk $0xffff, v5  }
0x2b6: {  	[tilespmem:s31+$0xA230] =	vst.add.f32.msk $0xffff, v6  }
0x2b7: {  	[tilespmem:s31+$0xA240] =	vst.add.f32.msk $0xffff, v7  }
0x2b8: {  	[tilespmem:s31+$0xA250] =	vst.add.f32.msk $0xffff, v8  }
0x2b9: {  	[tilespmem:s31+$0xA260] =	vst.add.f32.msk $0xffff, v9  }
0x2ba: {  	[tilespmem:s31+$0xA270] =	vst.add.f32.msk $0xffff, v10  }
0x2bb: {  	v3 =	vld [tilespmem:s28+$0x5580]  }
0x2bc: {  	v4 =	vld [tilespmem:s28+$0x5590]  }
0x2bd: {  	v5 =	vld [tilespmem:s28+$0x55A0]  }
0x2be: {  	v6 =	vld [tilespmem:s28+$0x55B0]  }
0x2bf: {  	v7 =	vld [tilespmem:s28+$0x55C0]  }
0x2c0: {  	v8 =	vld [tilespmem:s28+$0x55D0]  }
0x2c1: {  	v9 =	vld [tilespmem:s28+$0x55E0]  }
0x2c2: {  	v10 =	vld [tilespmem:s28+$0x55F0];
	s31 =	spop (v2sf)  }
0x2c3: {  	(v2sf) =	vpush v2, $0xC;
	[tilespmem:s31+$0xA200] =	vst.add.f32.msk $0xffff, v3  }
0x2c4: {  	[tilespmem:s31+$0xA210] =	vst.add.f32.msk $0xffff, v4  }
0x2c5: {  	[tilespmem:s31+$0xA220] =	vst.add.f32.msk $0xffff, v5  }
0x2c6: {  	[tilespmem:s31+$0xA230] =	vst.add.f32.msk $0xffff, v6  }
0x2c7: {  	[tilespmem:s31+$0xA240] =	vst.add.f32.msk $0xffff, v7  }
0x2c8: {  	[tilespmem:s31+$0xA250] =	vst.add.f32.msk $0xffff, v8  }
0x2c9: {  	[tilespmem:s31+$0xA260] =	vst.add.f32.msk $0xffff, v9  }
0x2ca: {  	[tilespmem:s31+$0xA270] =	vst.add.f32.msk $0xffff, v10  }
0x2cb: {  	v3 =	vld [tilespmem:s28+$0x5600]  }
0x2cc: {  	v4 =	vld [tilespmem:s28+$0x5610]  }
0x2cd: {  	v5 =	vld [tilespmem:s28+$0x5620]  }
0x2ce: {  	v6 =	vld [tilespmem:s28+$0x5630]  }
0x2cf: {  	v7 =	vld [tilespmem:s28+$0x5640]  }
0x2d0: {  	v8 =	vld [tilespmem:s28+$0x5650]  }
0x2d1: {  	v9 =	vld [tilespmem:s28+$0x5660]  }
0x2d2: {  	v10 =	vld [tilespmem:s28+$0x5670];
	s31 =	spop (v2sf)  }
0x2d3: {  	(v2sf) =	vpush v2, $0xD;
	[tilespmem:s31+$0xA200] =	vst.add.f32.msk $0xffff, v3  }
0x2d4: {  	[tilespmem:s31+$0xA210] =	vst.add.f32.msk $0xffff, v4  }
0x2d5: {  	[tilespmem:s31+$0xA220] =	vst.add.f32.msk $0xffff, v5  }
0x2d6: {  	[tilespmem:s31+$0xA230] =	vst.add.f32.msk $0xffff, v6  }
0x2d7: {  	[tilespmem:s31+$0xA240] =	vst.add.f32.msk $0xffff, v7  }
0x2d8: {  	[tilespmem:s31+$0xA250] =	vst.add.f32.msk $0xffff, v8  }
0x2d9: {  	[tilespmem:s31+$0xA260] =	vst.add.f32.msk $0xffff, v9  }
0x2da: {  	[tilespmem:s31+$0xA270] =	vst.add.f32.msk $0xffff, v10  }
0x2db: {  	v3 =	vld [tilespmem:s28+$0x5680]  }
0x2dc: {  	v4 =	vld [tilespmem:s28+$0x5690]  }
0x2dd: {  	v5 =	vld [tilespmem:s28+$0x56A0]  }
0x2de: {  	v6 =	vld [tilespmem:s28+$0x56B0]  }
0x2df: {  	v7 =	vld [tilespmem:s28+$0x56C0]  }
0x2e0: {  	v8 =	vld [tilespmem:s28+$0x56D0]  }
0x2e1: {  	v9 =	vld [tilespmem:s28+$0x56E0]  }
0x2e2: {  	v10 =	vld [tilespmem:s28+$0x56F0];
	s31 =	spop (v2sf)  }
0x2e3: {  	(v2sf) =	vpush v2, $0xE;
	[tilespmem:s31+$0xA200] =	vst.add.f32.msk $0xffff, v3  }
0x2e4: {  	[tilespmem:s31+$0xA210] =	vst.add.f32.msk $0xffff, v4  }
0x2e5: {  	[tilespmem:s31+$0xA220] =	vst.add.f32.msk $0xffff, v5  }
0x2e6: {  	[tilespmem:s31+$0xA230] =	vst.add.f32.msk $0xffff, v6  }
0x2e7: {  	[tilespmem:s31+$0xA240] =	vst.add.f32.msk $0xffff, v7  }
0x2e8: {  	[tilespmem:s31+$0xA250] =	vst.add.f32.msk $0xffff, v8  }
0x2e9: {  	[tilespmem:s31+$0xA260] =	vst.add.f32.msk $0xffff, v9  }
0x2ea: {  	[tilespmem:s31+$0xA270] =	vst.add.f32.msk $0xffff, v10  }
0x2eb: {  	v2 =	vld [tilespmem:s28+$0x5700]  }
0x2ec: {  	v3 =	vld [tilespmem:s28+$0x5710]  }
0x2ed: {  	v4 =	vld [tilespmem:s28+$0x5720]  }
0x2ee: {  	v5 =	vld [tilespmem:s28+$0x5730]  }
0x2ef: {  	v6 =	vld [tilespmem:s28+$0x5740]  }
0x2f0: {  	v7 =	vld [tilespmem:s28+$0x5750]  }
0x2f1: {  	v8 =	vld [tilespmem:s28+$0x5760]  }
0x2f2: {  	v9 =	vld [tilespmem:s28+$0x5770];
	s31 =	spop (v2sf)  }
0x2f3: {  	[tilespmem:s31+$0xA200] =	vst.add.f32.msk $0xffff, v2  }
0x2f4: {  	[tilespmem:s31+$0xA210] =	vst.add.f32.msk $0xffff, v3  }
0x2f5: {  	[tilespmem:s31+$0xA220] =	vst.add.f32.msk $0xffff, v4  }
0x2f6: {  	[tilespmem:s31+$0xA230] =	vst.add.f32.msk $0xffff, v5  }
0x2f7: {  	[tilespmem:s31+$0xA240] =	vst.add.f32.msk $0xffff, v6  }
0x2f8: {  	[tilespmem:s31+$0xA250] =	vst.add.f32.msk $0xffff, v7  }
0x2f9: {  	[tilespmem:s31+$0xA260] =	vst.add.f32.msk $0xffff, v8  }
0x2fa: {  	[tilespmem:s31+$0xA270] =	vst.add.f32.msk $0xffff, v9  }
0x2fb: {  	v6 =	vld [tilespmem:s28+$0x5780]  }
0x2fc: {  	v7 =	vld [tilespmem:s28+$0x5790]  }
0x2fd: {  	v8 =	vld [tilespmem:s28+$0x57A0]  }
0x2fe: {  	v9 =	vld [tilespmem:s28+$0x57B0]  }
0x2ff: {  	v2 =	vld [tilespmem:s28+$0x57C0]  }
0x300: {  	v3 =	vld [tilespmem:s28+$0x57D0]  }
0x301: {  	s29 =	sshll.u32 s29, $0x9;
	v4 =	vld [tilespmem:s28+$0x57E0]  }
0x302: {  	s29 =	sshra.s32 s29, $0x2;
	v5 =	vld [tilespmem:s28+$0x57F0]  }
0x303: {  	[tilespmem:s29+$0xA200] =	vst.add.f32.msk $0xffff, v6  }
0x304: {  	[tilespmem:s29+$0xA210] =	vst.add.f32.msk $0xffff, v7  }
0x305: {  	[tilespmem:s29+$0xA220] =	vst.add.f32.msk $0xffff, v8  }
0x306: {  	s28 =	sadd.s32 $0xA200, s29;
	[tilespmem:s29+$0xA230] =	vst.add.f32.msk $0xffff, v9  }
.LBB2_16:
0x307: {  	s26 =	sadd.s32 $0x1, s26  }
0x308: {  	p1 =	sne.s32 s26, $0xA  }
.Ltmp12:
0x309: {  	_ = 	snop;
	(pc) =	sbr.rel @!p1 .LBB2_17-.Ltmp12, $4  }
0x30a: {  	[tilespmem:s28+$0x40] =	vst.add.f32.msk $0xffff, v2  }
0x30b: {  	[tilespmem:s28+$0x50] =	vst.add.f32.msk $0xffff, v3  }
0x30c: {  	[tilespmem:s28+$0x60] =	vst.add.f32.msk $0xffff, v4  }
0x30d: {  	[tilespmem:s28+$0x70] =	vst.add.f32.msk $0xffff, v5  }
.LBB2_13:
0x30e: {  	s28 =	sshll.u32 s26, $0x4  }
0x30f: {  	s28 =	sand.u32 $0x3FFFFFF0, s28  }
0x310: {  	v2 =	vld [tilespmem:s28+$0xA100];
	_ =	sdelay $0x4  }
0x311: {  	(v2sf) =	vpush v2, $0x0  }
0x312: {  	(v2sf) =	vpush v2, $0xF;
	_ =	sdelay $0xd  }
0x313: {  	s30 =	spop (v2sf)  }
0x314: {  	s29 =	spop (v2sf)  }
0x315: {  	p1 =	sne.s32 s30, s29  }
.Ltmp13:
0x316: {  	_ = 	snop;
	(pc) =	sbr.rel @p1 .LBB2_15-.Ltmp13, $4  }
0x317: {  	_ = 	snop  }
0x318: {  	s28 =	sshll.u32 s26, $0xB  }
0x319: {  	s28 =	sand.u32 $0x3FFFF800, s28  }
0x31a: {  	v3 =	vld [tilespmem:s28+$0x5000]  }
0x31b: {  	v2 =	vld [tilespmem:s28+$0x5080]  }
0x31c: {  	v4 =	vld [tilespmem:s28+$0x5010]  }
0x31d: {  	v5 =	vld [tilespmem:s28+$0x5090]  }
0x31e: {  	v6 =	vld [tilespmem:s28+$0x5020]  }
0x31f: {  	v7 =	vld [tilespmem:s28+$0x50A0]  }
0x320: {  	v8 =	vld [tilespmem:s28+$0x5030]  }
0x321: {  	v9 =	vld [tilespmem:s28+$0x50B0]  }
0x322: {  	v10 =	vld [tilespmem:s28+$0x5100]  }
0x323: {  	v11 =	vld [tilespmem:s28+$0x5180]  }
0x324: {  	v12 =	vld [tilespmem:s28+$0x5110]  }
0x325: {  	v13 =	vld [tilespmem:s28+$0x5190]  }
0x326: {  	v14 =	vld [tilespmem:s28+$0x5120]  }
0x327: {  	v15 =	vld [tilespmem:s28+$0x51A0]  }
0x328: {  	v16 =	vld [tilespmem:s28+$0x5130]  }
0x329: {  	v17 =	vld [tilespmem:s28+$0x51B0]  }
0x32a: {  	v18 =	vld [tilespmem:s28+$0x5200]  }
0x32b: {  	v19 =	vld [tilespmem:s28+$0x5280]  }
0x32c: {  	v20 =	vld [tilespmem:s28+$0x5210]  }
0x32d: {  	v21 =	vld [tilespmem:s28+$0x5290]  }
0x32e: {  	v22 =	vld [tilespmem:s28+$0x5220]  }
0x32f: {  	v23 =	vld [tilespmem:s28+$0x52A0]  }
0x330: {  	v24 =	vld [tilespmem:s28+$0x5230]  }
0x331: {  	v25 =	vld [tilespmem:s28+$0x52B0]  }
0x332: {  	v26 =	vld [tilespmem:s28+$0x5300]  }
0x333: {  	v27 =	vld [tilespmem:s28+$0x5380]  }
0x334: {  	v28 =	vld [tilespmem:s28+$0x5310]  }
0x335: {  	v29 =	vld [tilespmem:s28+$0x5390]  }
0x336: {  	v30 =	vld [tilespmem:s28+$0x5320]  }
0x337: {  	v31 =	vld [tilespmem:s28+$0x53A0]  }
0x338: {  	v32 =	vld [tilespmem:s28+$0x5330]  }
0x339: {  	v33 =	vld [tilespmem:s28+$0x53B0]  }
0x33a: {  	v34 =	vld [tilespmem:s28+$0x5400]  }
0x33b: {  	v35 =	vld [tilespmem:s28+$0x5480]  }
0x33c: {  	v36 =	vld [tilespmem:s28+$0x5410]  }
0x33d: {  	v37 =	vld [tilespmem:s28+$0x5490]  }
0x33e: {  	v38 =	vld [tilespmem:s28+$0x5420]  }
0x33f: {  	v39 =	vld [tilespmem:s28+$0x54A0]  }
0x340: {  	v40 =	vld [tilespmem:s28+$0x5430]  }
0x341: {  	v41 =	vld [tilespmem:s28+$0x54B0]  }
0x342: {  	v42 =	vld [tilespmem:s28+$0x5500]  }
0x343: {  	v43 =	vld [tilespmem:s28+$0x5580]  }
0x344: {  	v44 =	vld [tilespmem:s28+$0x5510]  }
0x345: {  	v45 =	vld [tilespmem:s28+$0x5590]  }
0x346: {  	v46 =	vld [tilespmem:s28+$0x5520]  }
0x347: {  	v47 =	vld [tilespmem:s28+$0x55A0];
	v2 =	vadd.f32 v2, v3;
	v3 =	vadd.f32 v5, v4  }
0x348: {  	v48 =	vld [tilespmem:s28+$0x5530];
	v5 =	vadd.f32 v7, v6;
	v6 =	vadd.f32 v9, v8  }
0x349: {  	v49 =	vld [tilespmem:s28+$0x55B0];
	v8 =	vadd.f32 v11, v10;
	v9 =	vadd.f32 v13, v12  }
0x34a: {  	v50 =	vld [tilespmem:s28+$0x5600];
	v11 =	vadd.f32 v15, v14;
	v12 =	vadd.f32 v17, v16  }
0x34b: {  	v51 =	vld [tilespmem:s28+$0x5680];
	v14 =	vadd.f32 v19, v18;
	v15 =	vadd.f32 v21, v20  }
0x34c: {  	v52 =	vld [tilespmem:s28+$0x5610];
	v17 =	vadd.f32 v23, v22;
	v18 =	vadd.f32 v25, v24  }
0x34d: {  	v53 =	vld [tilespmem:s28+$0x5690];
	v20 =	vadd.f32 v27, v26;
	v21 =	vadd.f32 v29, v28  }
0x34e: {  	v59 =	vld [tilespmem:s28+$0x5730];
	v23 =	vadd.f32 v31, v30;
	v24 =	vadd.f32 v33, v32  }
0x34f: {  	v62 =	vld [tilespmem:s28+$0x57B0];
	v26 =	vadd.f32 v35, v34;
	v55 =	vadd.f32 v37, v36  }
0x350: {  	v54 =	vld [tilespmem:s28+$0x5620];
	v57 =	vadd.f32 v39, v38;
	v58 =	vadd.f32 v41, v40  }
0x351: {  	v56 =	vld [tilespmem:s28+$0x57A0];
	v60 =	vadd.f32 v43, v42;
	v61 =	vadd.f32 v45, v44  }
0x352: {  	v4 =	vld [tilespmem:s28+$0x56A0];
	v63 =	vadd.f32 v47, v46;
	v40 =	vadd.f32 v49, v48  }
0x353: {  	v7 =	vld [tilespmem:s28+$0x5630];
	v41 =	vadd.f32 v51, v50;
	v42 =	vadd.f32 v53, v52  }
0x354: {  	v10 =	vld [tilespmem:s28+$0x56B0];
	v46 =	vadd.f32 v62, v59;
	v2 =	vadd.f32 v8, v2  }
0x355: {  	v13 =	vld [tilespmem:s28+$0x5700];
	v47 =	vadd.f32 v20, v14;
	v48 =	vadd.f32 v60, v26  }
0x356: {  	v16 =	vld [tilespmem:s28+$0x5780];
	v3 =	vadd.f32 v9, v3;
	v49 =	vadd.f32 v21, v15  }
0x357: {  	v19 =	vld [tilespmem:s28+$0x5710];
	v50 =	vadd.f32 v61, v55;
	v5 =	vadd.f32 v11, v5  }
0x358: {  	v22 =	vld [tilespmem:s28+$0x5790];
	v51 =	vadd.f32 v23, v17;
	v52 =	vadd.f32 v63, v57  }
0x359: {  	v25 =	vld [tilespmem:s28+$0x5720];
	v6 =	vadd.f32 v12, v6;
	v53 =	vadd.f32 v24, v18  }
0x35a: {  	v2 =	vadd.f32 v47, v2;
	v3 =	vadd.f32 v49, v3  }
0x35b: {  	v5 =	vadd.f32 v51, v5;
	v6 =	vadd.f32 v53, v6  }
0x35c: {  	v4 =	vadd.f32 v4, v54;
	v43 =	vadd.f32 v16, v13  }
0x35d: {  	v7 =	vadd.f32 v10, v7;
	v44 =	vadd.f32 v22, v19  }
0x35e: {  	v45 =	vadd.f32 v56, v25;
	v10 =	vadd.f32 v43, v41  }
0x35f: {  	v54 =	vadd.f32 v40, v58;
	v13 =	vadd.f32 v44, v42  }
0x360: {  	v4 =	vadd.f32 v45, v4;
	v55 =	vadd.f32 v10, v48  }
0x361: {  	v7 =	vadd.f32 v46, v7;
	v56 =	vadd.f32 v13, v50  }
0x362: {  	s29 =	sshll.u32 s30, $0x9;
	v4 =	vadd.f32 v4, v52;
	v2 =	vadd.f32 v55, v2  }
0x363: {  	s29 =	sshra.s32 s29, $0x2;
	v7 =	vadd.f32 v7, v54;
	v3 =	vadd.f32 v56, v3  }
0x364: {  	v4 =	vadd.f32 v4, v5;
	[tilespmem:s29+$0xA200] =	vst.add.f32.msk $0xffff, v2  }
0x365: {  	v2 =	vadd.f32 v7, v6;
	[tilespmem:s29+$0xA210] =	vst.add.f32.msk $0xffff, v3  }
0x366: {  	[tilespmem:s29+$0xA220] =	vst.add.f32.msk $0xffff, v4  }
0x367: {  	[tilespmem:s29+$0xA230] =	vst.add.f32.msk $0xffff, v2  }
0x368: {  	v2 =	vld [tilespmem:s28+$0x5040]  }
0x369: {  	v3 =	vld [tilespmem:s28+$0x50C0]  }
0x36a: {  	v4 =	vld [tilespmem:s28+$0x5050]  }
0x36b: {  	v5 =	vld [tilespmem:s28+$0x50D0]  }
0x36c: {  	v6 =	vld [tilespmem:s28+$0x5060]  }
0x36d: {  	v7 =	vld [tilespmem:s28+$0x50E0]  }
0x36e: {  	v8 =	vld [tilespmem:s28+$0x5070]  }
0x36f: {  	v9 =	vld [tilespmem:s28+$0x50F0]  }
0x370: {  	v10 =	vld [tilespmem:s28+$0x5140]  }
0x371: {  	v11 =	vld [tilespmem:s28+$0x51C0]  }
0x372: {  	v12 =	vld [tilespmem:s28+$0x5150]  }
0x373: {  	v13 =	vld [tilespmem:s28+$0x51D0]  }
0x374: {  	v14 =	vld [tilespmem:s28+$0x5160]  }
0x375: {  	v15 =	vld [tilespmem:s28+$0x51E0]  }
0x376: {  	v16 =	vld [tilespmem:s28+$0x5170]  }
0x377: {  	v17 =	vld [tilespmem:s28+$0x51F0]  }
0x378: {  	v18 =	vld [tilespmem:s28+$0x5240]  }
0x379: {  	v19 =	vld [tilespmem:s28+$0x52C0]  }
0x37a: {  	v20 =	vld [tilespmem:s28+$0x5250]  }
0x37b: {  	v21 =	vld [tilespmem:s28+$0x52D0]  }
0x37c: {  	v22 =	vld [tilespmem:s28+$0x5260]  }
0x37d: {  	v23 =	vld [tilespmem:s28+$0x52E0]  }
0x37e: {  	v24 =	vld [tilespmem:s28+$0x5270]  }
0x37f: {  	v25 =	vld [tilespmem:s28+$0x52F0]  }
0x380: {  	v26 =	vld [tilespmem:s28+$0x5340]  }
0x381: {  	v27 =	vld [tilespmem:s28+$0x53C0]  }
0x382: {  	v28 =	vld [tilespmem:s28+$0x5350]  }
0x383: {  	v57 =	vld [tilespmem:s28+$0x53D0]  }
0x384: {  	v30 =	vld [tilespmem:s28+$0x5360]  }
0x385: {  	v58 =	vld [tilespmem:s28+$0x53E0]  }
0x386: {  	v32 =	vld [tilespmem:s28+$0x5370]  }
0x387: {  	v59 =	vld [tilespmem:s28+$0x53F0]  }
0x388: {  	v34 =	vld [tilespmem:s28+$0x5440]  }
0x389: {  	v60 =	vld [tilespmem:s28+$0x54C0]  }
0x38a: {  	v61 =	vld [tilespmem:s28+$0x5450]  }
0x38b: {  	v62 =	vld [tilespmem:s28+$0x54D0]  }
0x38c: {  	v38 =	vld [tilespmem:s28+$0x5460]  }
0x38d: {  	v63 =	vld [tilespmem:s28+$0x54E0]  }
0x38e: {  	v40 =	vld [tilespmem:s28+$0x5470]  }
0x38f: {  	v41 =	vld [tilespmem:s28+$0x54F0]  }
0x390: {  	v42 =	vld [tilespmem:s28+$0x5540]  }
0x391: {  	v43 =	vld [tilespmem:s28+$0x55C0]  }
0x392: {  	v44 =	vld [tilespmem:s28+$0x5550]  }
0x393: {  	v45 =	vld [tilespmem:s28+$0x55D0]  }
0x394: {  	v46 =	vld [tilespmem:s28+$0x5560]  }
0x395: {  	v47 =	vld [tilespmem:s28+$0x55E0]  }
0x396: {  	v48 =	vld [tilespmem:s28+$0x5570]  }
0x397: {  	v49 =	vld [tilespmem:s28+$0x55F0]  }
0x398: {  	v50 =	vld [tilespmem:s28+$0x5640]  }
0x399: {  	v51 =	vld [tilespmem:s28+$0x56C0];
	v2 =	vadd.f32 v3, v2;
	v3 =	vadd.f32 v5, v4  }
0x39a: {  	v52 =	vld [tilespmem:s28+$0x5650];
	v5 =	vadd.f32 v7, v6;
	v6 =	vadd.f32 v9, v8  }
0x39b: {  	v53 =	vld [tilespmem:s28+$0x56D0];
	v8 =	vadd.f32 v11, v10;
	v9 =	vadd.f32 v13, v12  }
0x39c: {  	v54 =	vld [tilespmem:s28+$0x5660];
	v11 =	vadd.f32 v15, v14;
	v12 =	vadd.f32 v17, v16  }
0x39d: {  	v4 =	vld [tilespmem:s28+$0x56E0];
	v14 =	vadd.f32 v19, v18;
	v15 =	vadd.f32 v21, v20  }
0x39e: {  	v7 =	vld [tilespmem:s28+$0x5670];
	v17 =	vadd.f32 v23, v22;
	v18 =	vadd.f32 v25, v24  }
0x39f: {  	v10 =	vld [tilespmem:s28+$0x56F0];
	v55 =	vadd.f32 v27, v26;
	v56 =	vadd.f32 v57, v28  }
0x3a0: {  	v13 =	vld [tilespmem:s28+$0x5740];
	v58 =	vadd.f32 v58, v30;
	v24 =	vadd.f32 v59, v32  }
0x3a1: {  	v16 =	vld [tilespmem:s28+$0x57C0];
	v60 =	vadd.f32 v60, v34;
	v61 =	vadd.f32 v62, v61  }
0x3a2: {  	v19 =	vld [tilespmem:s28+$0x5750];
	v63 =	vadd.f32 v63, v38;
	v40 =	vadd.f32 v41, v40  }
0x3a3: {  	v57 =	vld [tilespmem:s28+$0x57D0];
	v43 =	vadd.f32 v43, v42;
	v44 =	vadd.f32 v45, v44  }
0x3a4: {  	v59 =	vld [tilespmem:s28+$0x5760];
	v46 =	vadd.f32 v47, v46;
	v47 =	vadd.f32 v49, v48  }
0x3a5: {  	v62 =	vld [tilespmem:s28+$0x57E0];
	v48 =	vadd.f32 v51, v50;
	v49 =	vadd.f32 v53, v52  }
0x3a6: {  	v41 =	vld [tilespmem:s28+$0x5770];
	v3 =	vadd.f32 v9, v3;
	v56 =	vadd.f32 v56, v15  }
0x3a7: {  	v45 =	vld [tilespmem:s28+$0x57F0];
	v5 =	vadd.f32 v11, v5;
	v58 =	vadd.f32 v58, v17  }
0x3a8: {  	v2 =	vadd.f32 v8, v2;
	v6 =	vadd.f32 v12, v6  }
0x3a9: {  	v3 =	vadd.f32 v56, v3;
	v5 =	vadd.f32 v58, v5  }
0x3aa: {  	v4 =	vadd.f32 v4, v54;
	v7 =	vadd.f32 v10, v7  }
0x3ab: {  	v50 =	vadd.f32 v16, v13;
	v51 =	vadd.f32 v57, v19  }
0x3ac: {  	v52 =	vadd.f32 v62, v59;
	v53 =	vadd.f32 v45, v41  }
0x3ad: {  	v54 =	vadd.f32 v55, v14;
	v55 =	vadd.f32 v43, v60  }
0x3ae: {  	v57 =	vadd.f32 v44, v61;
	v59 =	vadd.f32 v46, v63  }
0x3af: {  	v60 =	vadd.f32 v24, v18;
	v61 =	vadd.f32 v47, v40  }
0x3b0: {  	v10 =	vadd.f32 v50, v48;
	v13 =	vadd.f32 v51, v49  }
0x3b1: {  	v4 =	vadd.f32 v52, v4;
	v7 =	vadd.f32 v53, v7  }
.Ltmp14:
0x3b2: {  	v2 =	vadd.f32 v54, v2;
	v6 =	vadd.f32 v60, v6;
	(pc) =	sbr.rel .LBB2_16-.Ltmp14, $4  }
0x3b3: {  	v62 =	vadd.f32 v10, v55;
	v63 =	vadd.f32 v13, v57  }
0x3b4: {  	v4 =	vadd.f32 v4, v59;
	v7 =	vadd.f32 v7, v61  }
0x3b5: {  	v2 =	vadd.f32 v62, v2;
	v3 =	vadd.f32 v63, v3  }
0x3b6: {  	s28 =	sadd.s32 $0xA200, s29;
	v4 =	vadd.f32 v4, v5;
	v5 =	vadd.f32 v7, v6  }
.LBB2_19:
0x3b7: {  	_ =	sfence.sel $0x180000  }
0x3b8: {  	[bflag:$0x0] =	sbarrier.arrive $0xFFFF  }
0x3b9: {  	_ =	strace $0x90000047  }
0x3ba: {  	s0 =	sadd.s32 @!p0 $0x100000, s2;
	[bflag:$0x2] =	sbarrier.arrive $0xFFFF  }
0x3bb: {  	[sflag:s0] =	ssyncadd.tile.s32 @!p0 $0x1;
	_ =	shalt  }
.Lfunc_end2:
_tile_overlayer_lowered:
.L_overlay_start_2:
0x3bc: {  	(tag) =	ssettag $0x2  }
0x3bd: {  	s0 =	rddreg [dreg:$0x0];
	s2 =	stileid.u32  }
0x3be: {  	s1 =	rddreg [dreg:$0x1];
	p0 =	sne.s32 s2, $0x0  }
0x3bf: {  	s3 =	rddreg [dreg:$0x2];
	[bflag:$0x3] =	sbarrier.arrive $0xFFFF;
	s2 =	simm.s32 @!p0 $0x1C05  }
0x3c0: {  	[timem:s3], [sflag:s2] =	dma.local @!p0 [hbm:s0], s1  }
0x3c1: {  	s0 =	simm.s32 @!p0 $0x5  }
0x3c2: {  	_ =	swait.ge @!p0 [sflag:s0], s1  }
0x3c3: {  	s1 =	ssub.s32 @!p0 $0x0, s1;
	[sflag:s0] =	ssyncset.done @!p0 $0x0  }
0x3c4: {  	[sflag:s0] =	ssyncadd.s32 @!p0 s1  }
0x3c5: {  	[bflag:$0x3] =	sbarrier.arrive $0xFFFF  }
0x3c6: {  	_ =	shalt  }

</sc_bundles>
